<compile_context>
chip_gen: v7x
topology: tpu7x:2x2x1
jax: 0.10.2.dev20260603
libtpu: 0.0.44.dev20260713+nightly
codegen_flags: <defaults>
</compile_context>

<pallas_src>
import functools

import jax
import jax.numpy as jnp
from jax import lax
from jax.experimental import pallas as pl
from jax.experimental.pallas import tpu as pltpu
from jax.experimental.pallas import tpu_sc as plsc

_CHUNK = 128
_IB = 2
_NSC = 2
_NTILE = 16
_NWORK = _NSC * _NTILE


def _edge_body(src2d, dst2d, f0t, f1t, asn, adn, zt, out,
               sidx, didx, f0b, f1b, asb, adb, es, ex, ey,
               accs, accx, accy, gsem, ssem,
               *, cpw, nblk, rpt):
    c = lax.axis_index("c")
    s = lax.axis_index("s")
    wid = s * _NSC + c

    zsl = pl.ds(s * rpt, rpt)
    pltpu.sync_copy(zt, accs.at[zsl])
    pltpu.sync_copy(zt, accx.at[zsl])
    pltpu.sync_copy(zt, accy.at[zsl])
    plsc.subcore_barrier()

    base_chunk = wid * cpw

    def block(b, carry):
        row0 = base_chunk + b * _IB
        pltpu.sync_copy(src2d.at[pl.ds(row0, _IB)], sidx)
        pltpu.sync_copy(dst2d.at[pl.ds(row0, _IB)], didx)
        descs = []
        for j in range(_IB):
            descs.append(pltpu.async_copy(f0t.at[sidx.at[j]], f0b.at[j], gsem))
            descs.append(pltpu.async_copy(f1t.at[sidx.at[j]], f1b.at[j], gsem))
            descs.append(pltpu.async_copy(asn.at[sidx.at[j]], asb.at[j], gsem))
            descs.append(pltpu.async_copy(adn.at[didx.at[j]], adb.at[j], gsem))
        for d in descs:
            d.wait()
        for j in range(_IB):
            for g in range(_CHUNK // 16):
                sl = pl.ds(g * 16, 16)
                av = asb[j, sl] + adb[j, sl]
                av = jnp.where(av >= 0.0, av, av * 0.2)
                e = jnp.exp(av)
                es[j, sl] = e
                ex[j, sl] = e * f0b[j, sl]
                ey[j, sl] = e * f1b[j, sl]
        sdescs = []
        for j in range(_IB):
            sdescs.append(
                pltpu.async_copy(es.at[j], accs.at[didx.at[j]], ssem, add=True))
            sdescs.append(
                pltpu.async_copy(ex.at[j], accx.at[didx.at[j]], ssem, add=True))
            sdescs.append(
                pltpu.async_copy(ey.at[j], accy.at[didx.at[j]], ssem, add=True))
        for d in sdescs:
            d.wait()
        return carry

    lax.fori_loop(0, nblk, block, 0)

    plsc.subcore_barrier()
    np_total = rpt * _NTILE
    obase = c * (3 * np_total) + s * rpt
    pltpu.sync_copy(accs.at[zsl], out.at[pl.ds(obase, rpt)])
    pltpu.sync_copy(accx.at[zsl], out.at[pl.ds(obase + np_total, rpt)])
    pltpu.sync_copy(accy.at[zsl], out.at[pl.ds(obase + 2 * np_total, rpt)])


def _make_edge_call(NP, cpw, rpt):
    mesh = plsc.VectorSubcoreMesh(core_axis_name="c", subcore_axis_name="s")
    body = functools.partial(_edge_body, cpw=cpw, nblk=cpw // _IB, rpt=rpt)
    ibuf = lambda: pltpu.VMEM((_IB, _CHUNK), jnp.int32)
    fbuf = lambda: pltpu.VMEM((_IB, _CHUNK), jnp.float32)
    return pl.kernel(
        body,
        out_type=jax.ShapeDtypeStruct((_NSC * 3 * NP,), jnp.float32),
        mesh=mesh,
        scratch_types=[
            ibuf(), ibuf(),
            fbuf(), fbuf(), fbuf(), fbuf(), fbuf(), fbuf(), fbuf(),
            pltpu.VMEM_SHARED((NP,), jnp.float32),
            pltpu.VMEM_SHARED((NP,), jnp.float32),
            pltpu.VMEM_SHARED((NP,), jnp.float32),
            pltpu.SemaphoreType.DMA,
            pltpu.SemaphoreType.DMA,
        ],
    )


def _pre_body(x0r, x1r, W1r, a1sr, a1dr, asr, adr):
    vs0 = jnp.sum(W1r[0, :] * a1sr[...])
    vs1 = jnp.sum(W1r[1, :] * a1sr[...])
    vd0 = jnp.sum(W1r[0, :] * a1dr[...])
    vd1 = jnp.sum(W1r[1, :] * a1dr[...])
    asr[...] = x0r[...] * vs0 + x1r[...] * vs1
    adr[...] = x0r[...] * vd0 + x1r[...] * vd1


def _mid_body(sar, sbr, gxar, gxbr, gyar, gybr, W1r, b1r, w2ar, w2br,
              a2sr, a2dr, h0r, h1r, as2r, ad2r):
    inv = 1.0 / (sar[...] + sbr[...] + 1e-16)
    g0 = (gxar[...] + gxbr[...]) * inv
    g1 = (gyar[...] + gybr[...]) * inv
    u = g0[:, None] * W1r[0, :][None, :] + g1[:, None] * W1r[1, :][None, :]
    u = jnp.maximum(u + b1r[...][None, :], 0.0)
    h0 = jnp.sum(u * w2ar[...][None, :], axis=1)
    h1 = jnp.sum(u * w2br[...][None, :], axis=1)
    h0r[...] = h0
    h1r[...] = h1
    as2r[...] = h0 * a2sr[0] + h1 * a2sr[1]
    ad2r[...] = h0 * a2dr[0] + h1 * a2dr[1]


def _post_body(sar, sbr, oxar, oxbr, oyar, oybr, b2r, y0r, y1r):
    inv = 1.0 / (sar[...] + sbr[...] + 1e-16)
    o0 = (oxar[...] + oxbr[...]) * inv + b2r[0]
    o1 = (oyar[...] + oybr[...]) * inv + b2r[1]
    m = jnp.maximum(o0, o1)
    lse = m + jnp.log(jnp.exp(o0 - m) + jnp.exp(o1 - m))
    y0r[...] = o0 - lse
    y1r[...] = o1 - lse


def kernel(x, edge_index, W1, a1_src, a1_dst, b1, W2, a2_src, a2_dst, b2):
    N = x.shape[0]
    E = edge_index.shape[1]
    src = edge_index[0].astype(jnp.int32)
    dst = edge_index[1].astype(jnp.int32)

    chunks = -(-E // _CHUNK)
    cpw = -(-chunks // _NWORK)
    cpw = -(-cpw // _IB) * _IB
    Ep = cpw * _NWORK * _CHUNK
    pad = Ep - E
    srcp = jnp.concatenate([src, jnp.zeros((pad,), jnp.int32)])
    dstp = jnp.concatenate([dst, jnp.full((pad,), N, jnp.int32)])
    src2d = srcp.reshape(-1, _CHUNK)
    dst2d = dstp.reshape(-1, _CHUNK)

    rpt = -(-(N + 1) // _NTILE)
    rpt = -(-rpt // 128) * 128
    NP = rpt * _NTILE
    zt = jnp.zeros((rpt,), jnp.float32)

    edge_call = _make_edge_call(NP, cpw, rpt)

    x0 = x[:, 0]
    x1 = x[:, 1]
    as1, ad1 = pl.pallas_call(
        _pre_body,
        out_shape=[jax.ShapeDtypeStruct((N,), jnp.float32)] * 2,
    )(x0, x1, W1, a1_src, a1_dst)
    ad1p = jnp.concatenate([ad1, jnp.zeros((16,), jnp.float32)])

    acc1 = edge_call(src2d, dst2d, x0, x1, as1, ad1p, zt).reshape(_NSC, 3, NP)

    Bn = 8192
    nblocks = -(-N // Bn)
    nspec = pl.BlockSpec((Bn,), lambda i: (i,))
    vspec64 = pl.BlockSpec((64,), lambda i: (0,))
    sspec = pl.BlockSpec(memory_space=pltpu.SMEM)
    h0, h1, as2, ad2 = pl.pallas_call(
        _mid_body,
        grid=(nblocks,),
        in_specs=[nspec] * 6 + [pl.BlockSpec((2, 64), lambda i: (0, 0)),
                                vspec64, vspec64, vspec64, sspec, sspec],
        out_specs=[nspec] * 4,
        out_shape=[jax.ShapeDtypeStruct((N,), jnp.float32)] * 4,
    )(acc1[0, 0, :N], acc1[1, 0, :N], acc1[0, 1, :N], acc1[1, 1, :N],
      acc1[0, 2, :N], acc1[1, 2, :N], W1, b1, W2[:, 0], W2[:, 1],
      a2_src, a2_dst)

    ad2p = jnp.concatenate([ad2, jnp.zeros((16,), jnp.float32)])

    acc2 = edge_call(src2d, dst2d, h0, h1, as2, ad2p, zt).reshape(_NSC, 3, NP)

    y0, y1 = pl.pallas_call(
        _post_body,
        grid=(nblocks,),
        in_specs=[nspec] * 6 + [sspec],
        out_specs=[nspec] * 2,
        out_shape=[jax.ShapeDtypeStruct((N,), jnp.float32)] * 2,
    )(acc2[0, 0, :N], acc2[1, 0, :N], acc2[0, 1, :N], acc2[1, 1, :N],
      acc2[0, 2, :N], acc2[1, 2, :N], b2)

    return jnp.stack([y0, y1], axis=1)

# --- scband reference (transcript-rebuilt; emitter-appended) ---
"""Pipeline reference for scband-gatnet-56856777064814 (READ-ONLY COPY).

The authoritative reference and input builder live on the scoring server;
editing this copy changes nothing except your own understanding.
"""

import jax, jax.numpy as jnp
import numpy as np

N = 100000
E = 1600000


def setup_inputs(seed: int = 0) -> dict:
    key = jax.random.key(seed)
    ks = jax.random.split(key, 12)
    x = jax.random.normal(ks[0], (N, 2), dtype=jnp.float32)
    edge_index = jax.random.randint(ks[1], (2, E), 0, N, dtype=jnp.int64)
    W1 = jax.random.normal(ks[2], (2, 64), dtype=jnp.float32) * 0.1
    a1_src = jax.random.normal(ks[3], (64,), dtype=jnp.float32) * 0.1
    a1_dst = jax.random.normal(ks[4], (64,), dtype=jnp.float32) * 0.1
    b1 = jnp.zeros((64,), dtype=jnp.float32)
    W2 = jax.random.normal(ks[5], (64, 2), dtype=jnp.float32) * 0.1
    a2_src = jax.random.normal(ks[6], (2,), dtype=jnp.float32) * 0.1
    a2_dst = jax.random.normal(ks[7], (2,), dtype=jnp.float32) * 0.1
    b2 = jnp.zeros((2,), dtype=jnp.float32)
    return {"x": x, "edge_index": edge_index, "W1": W1, "a1_src": a1_src,
            "a1_dst": a1_dst, "b1": b1, "W2": W2, "a2_src": a2_src,
            "a2_dst": a2_dst, "b2": b2}


def _gat_conv(x, src, dst, W, a_src, a_dst, b, n):
    h = x @ W                                   # [N, out]
    alpha_s = h @ a_src                          # [N]
    alpha_d = h @ a_dst                          # [N]
    e = jax.nn.leaky_relu(alpha_s[src] + alpha_d[dst], negative_slope=0.2)  # [E]
    m = jax.ops.segment_max(e, dst, num_segments=n)
    e = jnp.exp(e - m[dst])
    s = jax.ops.segment_sum(e, dst, num_segments=n)
    alpha = e / (s[dst] + 1e-16)                 # softmax over incoming edges
    out = jax.ops.segment_sum(h[src] * alpha[:, None], dst, num_segments=n)
    return out + b


def reference(x, edge_index, W1, a1_src, a1_dst, b1, W2, a2_src, a2_dst, b2):
    n = x.shape[0]
    src = edge_index[0]
    dst = edge_index[1]
    h = jax.nn.relu(_gat_conv(x, src, dst, W1, a1_src, a1_dst, b1, n))
    # dropout p=0.6 is identity in eval mode
    out = _gat_conv(h, src, dst, W2, a2_src, a2_dst, b2, n)
    return jax.nn.log_softmax(out, axis=1)

if __name__ == "__main__":
    import jax
    _d = setup_inputs()
    print(jax.jit(kernel)(*tuple(_d.values())))

</pallas_src>

<mosaic_0001>
#map = affine_map<(d0, d1) -> (0, 0)>
#map1 = affine_map<(d0, d1) -> (0)>
module attributes {stable_mosaic.version = 14 : i64} {
  func.func @_edge_body(%arg0: i32, %arg1: i32, %arg2: memref<12544x128xi32, #tpu.memory_space<hbm>>, %arg3: memref<12544x128xi32, #tpu.memory_space<hbm>>, %arg4: memref<100000xf32, #tpu.memory_space<hbm>>, %arg5: memref<100000xf32, #tpu.memory_space<hbm>>, %arg6: memref<100000xf32, #tpu.memory_space<hbm>>, %arg7: memref<100016xf32, #tpu.memory_space<hbm>>, %arg8: memref<6272xf32, #tpu.memory_space<hbm>>, %arg9: memref<602112xf32, #tpu.memory_space<hbm>>, %arg10: memref<2x128xi32, #tpu.memory_space<vmem>>, %arg11: memref<2x128xi32, #tpu.memory_space<vmem>>, %arg12: memref<2x128xf32, #tpu.memory_space<vmem>>, %arg13: memref<2x128xf32, #tpu.memory_space<vmem>>, %arg14: memref<2x128xf32, #tpu.memory_space<vmem>>, %arg15: memref<2x128xf32, #tpu.memory_space<vmem>>, %arg16: memref<2x128xf32, #tpu.memory_space<vmem>>, %arg17: memref<2x128xf32, #tpu.memory_space<vmem>>, %arg18: memref<2x128xf32, #tpu.memory_space<vmem>>, %arg19: memref<100352xf32, #tpu.memory_space<vmem_shared>>, %arg20: memref<100352xf32, #tpu.memory_space<vmem_shared>>, %arg21: memref<100352xf32, #tpu.memory_space<vmem_shared>>, %arg22: memref<!tpu.dma_semaphore, #tpu.memory_space<semaphore_mem>>, %arg23: memref<!tpu.dma_semaphore, #tpu.memory_space<semaphore_mem>>) attributes {dimension_semantics = [#tpu.dimension_semantics<core_parallel>, #tpu.dimension_semantics<subcore_parallel>], iteration_bounds = array<i64: 2, 16>, scalar_prefetch = 0 : i64, scratch_operands = 14 : i64, tpu.core_type = #tpu.core_type<sc_vector_subcore>, window_params = [{transform_indices = #map}, {transform_indices = #map}, {transform_indices = #map1}, {transform_indices = #map1}, {transform_indices = #map1}, {transform_indices = #map1}, {transform_indices = #map1}, {transform_indices = #map1}]} {
    %mul3A = arith.constant 2 : i32
    %mul3A_0 = arith.muli %arg1, %mul3A : i32
    %add3A = arith.addi %mul3A_0, %arg0 : i32
    %mul3A_1 = arith.constant 6272 : i32
    %mul3A_2 = arith.muli %arg1, %mul3A_1 : i32
    "tpu.region"() ({
      %run_scoped3A = tpu.sem_alloc : memref<!tpu.dma_semaphore, #tpu.memory_space<semaphore_mem>>
      %dma_start3A = tpu.memref_slice %arg19[%mul3A_2] : memref<100352xf32, #tpu.memory_space<vmem_shared>> -> memref<6272xf32, #tpu.memory_space<vmem_shared>>
      tpu.enqueue_dma source(%arg8 : memref<6272xf32, #tpu.memory_space<hbm>>) target(%dma_start3A : memref<6272xf32, #tpu.memory_space<vmem_shared>>) target_semaphore(%run_scoped3A : memref<!tpu.dma_semaphore, #tpu.memory_space<semaphore_mem>>)
      %dma_wait3A = tpu.memref_slice %arg19[%mul3A_2] : memref<100352xf32, #tpu.memory_space<vmem_shared>> -> memref<6272xf32, #tpu.memory_space<vmem_shared>>
      tpu.wait_dma2 semaphore(%run_scoped3A : memref<!tpu.dma_semaphore, #tpu.memory_space<semaphore_mem>>) src(%arg8 : memref<6272xf32, #tpu.memory_space<hbm>>) dst(%dma_wait3A : memref<6272xf32, #tpu.memory_space<vmem_shared>>)
      tpu.yield
    }) : () -> ()
    "tpu.region"() ({
      %run_scoped3A = tpu.sem_alloc : memref<!tpu.dma_semaphore, #tpu.memory_space<semaphore_mem>>
      %dma_start3A = tpu.memref_slice %arg20[%mul3A_2] : memref<100352xf32, #tpu.memory_space<vmem_shared>> -> memref<6272xf32, #tpu.memory_space<vmem_shared>>
      tpu.enqueue_dma source(%arg8 : memref<6272xf32, #tpu.memory_space<hbm>>) target(%dma_start3A : memref<6272xf32, #tpu.memory_space<vmem_shared>>) target_semaphore(%run_scoped3A : memref<!tpu.dma_semaphore, #tpu.memory_space<semaphore_mem>>)
      %dma_wait3A = tpu.memref_slice %arg20[%mul3A_2] : memref<100352xf32, #tpu.memory_space<vmem_shared>> -> memref<6272xf32, #tpu.memory_space<vmem_shared>>
      tpu.wait_dma2 semaphore(%run_scoped3A : memref<!tpu.dma_semaphore, #tpu.memory_space<semaphore_mem>>) src(%arg8 : memref<6272xf32, #tpu.memory_space<hbm>>) dst(%dma_wait3A : memref<6272xf32, #tpu.memory_space<vmem_shared>>)
      tpu.yield
    }) : () -> ()
    "tpu.region"() ({
      %run_scoped3A = tpu.sem_alloc : memref<!tpu.dma_semaphore, #tpu.memory_space<semaphore_mem>>
      %dma_start3A = tpu.memref_slice %arg21[%mul3A_2] : memref<100352xf32, #tpu.memory_space<vmem_shared>> -> memref<6272xf32, #tpu.memory_space<vmem_shared>>
      tpu.enqueue_dma source(%arg8 : memref<6272xf32, #tpu.memory_space<hbm>>) target(%dma_start3A : memref<6272xf32, #tpu.memory_space<vmem_shared>>) target_semaphore(%run_scoped3A : memref<!tpu.dma_semaphore, #tpu.memory_space<semaphore_mem>>)
      %dma_wait3A = tpu.memref_slice %arg21[%mul3A_2] : memref<100352xf32, #tpu.memory_space<vmem_shared>> -> memref<6272xf32, #tpu.memory_space<vmem_shared>>
      tpu.wait_dma2 semaphore(%run_scoped3A : memref<!tpu.dma_semaphore, #tpu.memory_space<semaphore_mem>>) src(%arg8 : memref<6272xf32, #tpu.memory_space<hbm>>) dst(%dma_wait3A : memref<6272xf32, #tpu.memory_space<vmem_shared>>)
      tpu.yield
    }) : () -> ()
    %barrier3A = arith.constant 0 : index
    tpu.barrier barrier_id(%barrier3A)
    %mul3A_3 = arith.constant 392 : i32
    %mul3A_4 = arith.muli %add3A, %mul3A_3 : i32
    %scan3A = arith.constant 0 : i32
    %scan3A_5 = arith.constant 0 : i32
    %scan3A_6 = arith.constant 196 : i32
    %scan3A_7 = arith.addi %scan3A_5, %scan3A_6 : i32
    %scan3A_8 = arith.constant 1 : i32
    scf.for %scan3A_20 = %scan3A_5 to %scan3A_7 step %scan3A_8  : i32 {
      %mul3A_21 = arith.constant 2 : i32
      %mul3A_22 = arith.muli %scan3A_20, %mul3A_21 : i32
      %add3A_23 = arith.addi %mul3A_4, %mul3A_22 : i32
      "tpu.region"() ({
        %run_scoped3A = tpu.sem_alloc : memref<!tpu.dma_semaphore, #tpu.memory_space<semaphore_mem>>
        %dma_start3A_1081 = arith.constant 0 : i32
        %dma_start3A_1082 = tpu.memref_slice %arg2[%add3A_23, %dma_start3A_1081] : memref<12544x128xi32, #tpu.memory_space<hbm>> -> memref<2x128xi32, #tpu.memory_space<hbm>>
        %dma_start3A_1083 = arith.constant 0 : i32
        %dma_start3A_1084 = tpu.memref_slice %arg2[%add3A_23, %dma_start3A_1083] : memref<12544x128xi32, #tpu.memory_space<hbm>> -> memref<2x128xi32, #tpu.memory_space<hbm>>
        tpu.enqueue_dma source(%dma_start3A_1084 : memref<2x128xi32, #tpu.memory_space<hbm>>) target(%arg10 : memref<2x128xi32, #tpu.memory_space<vmem>>) target_semaphore(%run_scoped3A : memref<!tpu.dma_semaphore, #tpu.memory_space<semaphore_mem>>)
        %dma_wait3A_1085 = arith.constant 0 : i32
        %dma_wait3A_1086 = tpu.memref_slice %arg2[%add3A_23, %dma_wait3A_1085] : memref<12544x128xi32, #tpu.memory_space<hbm>> -> memref<2x128xi32, #tpu.memory_space<hbm>>
        %dma_wait3A_1087 = arith.constant 0 : i32
        %dma_wait3A_1088 = tpu.memref_slice %arg2[%add3A_23, %dma_wait3A_1087] : memref<12544x128xi32, #tpu.memory_space<hbm>> -> memref<2x128xi32, #tpu.memory_space<hbm>>
        tpu.wait_dma2 semaphore(%run_scoped3A : memref<!tpu.dma_semaphore, #tpu.memory_space<semaphore_mem>>) src(%dma_wait3A_1088 : memref<2x128xi32, #tpu.memory_space<hbm>>) dst(%arg10 : memref<2x128xi32, #tpu.memory_space<vmem>>)
        tpu.yield
      }) : () -> ()
      "tpu.region"() ({
        %run_scoped3A = tpu.sem_alloc : memref<!tpu.dma_semaphore, #tpu.memory_space<semaphore_mem>>
        %dma_start3A_1081 = arith.constant 0 : i32
        %dma_start3A_1082 = tpu.memref_slice %arg3[%add3A_23, %dma_start3A_1081] : memref<12544x128xi32, #tpu.memory_space<hbm>> -> memref<2x128xi32, #tpu.memory_space<hbm>>
        %dma_start3A_1083 = arith.constant 0 : i32
        %dma_start3A_1084 = tpu.memref_slice %arg3[%add3A_23, %dma_start3A_1083] : memref<12544x128xi32, #tpu.memory_space<hbm>> -> memref<2x128xi32, #tpu.memory_space<hbm>>
        tpu.enqueue_dma source(%dma_start3A_1084 : memref<2x128xi32, #tpu.memory_space<hbm>>) target(%arg11 : memref<2x128xi32, #tpu.memory_space<vmem>>) target_semaphore(%run_scoped3A : memref<!tpu.dma_semaphore, #tpu.memory_space<semaphore_mem>>)
        %dma_wait3A_1085 = arith.constant 0 : i32
        %dma_wait3A_1086 = tpu.memref_slice %arg3[%add3A_23, %dma_wait3A_1085] : memref<12544x128xi32, #tpu.memory_space<hbm>> -> memref<2x128xi32, #tpu.memory_space<hbm>>
        %dma_wait3A_1087 = arith.constant 0 : i32
        %dma_wait3A_1088 = tpu.memref_slice %arg3[%add3A_23, %dma_wait3A_1087] : memref<12544x128xi32, #tpu.memory_space<hbm>> -> memref<2x128xi32, #tpu.memory_space<hbm>>
        tpu.wait_dma2 semaphore(%run_scoped3A : memref<!tpu.dma_semaphore, #tpu.memory_space<semaphore_mem>>) src(%dma_wait3A_1088 : memref<2x128xi32, #tpu.memory_space<hbm>>) dst(%arg11 : memref<2x128xi32, #tpu.memory_space<vmem>>)
        tpu.yield
      }) : () -> ()
      %dma_start3A = arith.constant 0 : i32
      %dma_start3A_24 = arith.constant 0 : i32
      %dma_start3A_25 = arith.constant 0 : i32
      %dma_start3A_26 = tpu.memref_slice %arg12[%dma_start3A_24, %dma_start3A_25] : memref<2x128xf32, #tpu.memory_space<vmem>> -> memref<1x128xf32, #tpu.memory_space<vmem>>
      %dma_start3A_27 = tpu.memref_squeeze %dma_start3A_26 : memref<1x128xf32, #tpu.memory_space<vmem>> -> memref<128xf32, #tpu.memory_space<vmem>>
      %dma_start3A_28 = arith.constant 0 : i32
      %dma_start3A_29 = tpu.memref_slice %arg10[%dma_start3A, %dma_start3A_28] : memref<2x128xi32, #tpu.memory_space<vmem>> -> memref<1x128xi32, #tpu.memory_space<vmem>>
      %dma_start3A_30 = tpu.memref_squeeze %dma_start3A_29 : memref<1x128xi32, #tpu.memory_space<vmem>> -> memref<128xi32, #tpu.memory_space<vmem>>
      %dma_start3A_31 = arith.constant 0 : i32
      %dma_start3A_32 = tpu.memref_slice %arg4[%dma_start3A_31] : memref<100000xf32, #tpu.memory_space<hbm>> -> memref<100000xf32, #tpu.memory_space<hbm>>
      tpu.enqueue_indirect_dma source(%dma_start3A_32 : memref<100000xf32, #tpu.memory_space<hbm>>) target(%dma_start3A_27 : memref<128xf32, #tpu.memory_space<vmem>>) offsets(%dma_start3A_30 : memref<128xi32, #tpu.memory_space<vmem>>) semaphore(%arg22 : memref<!tpu.dma_semaphore, #tpu.memory_space<semaphore_mem>>)
      %dma_start3A_33 = arith.constant 0 : i32
      %dma_start3A_34 = arith.constant 0 : i32
      %dma_start3A_35 = arith.constant 0 : i32
      %dma_start3A_36 = tpu.memref_slice %arg13[%dma_start3A_34, %dma_start3A_35] : memref<2x128xf32, #tpu.memory_space<vmem>> -> memref<1x128xf32, #tpu.memory_space<vmem>>
      %dma_start3A_37 = tpu.memref_squeeze %dma_start3A_36 : memref<1x128xf32, #tpu.memory_space<vmem>> -> memref<128xf32, #tpu.memory_space<vmem>>
      %dma_start3A_38 = arith.constant 0 : i32
      %dma_start3A_39 = tpu.memref_slice %arg10[%dma_start3A_33, %dma_start3A_38] : memref<2x128xi32, #tpu.memory_space<vmem>> -> memref<1x128xi32, #tpu.memory_space<vmem>>
      %dma_start3A_40 = tpu.memref_squeeze %dma_start3A_39 : memref<1x128xi32, #tpu.memory_space<vmem>> -> memref<128xi32, #tpu.memory_space<vmem>>
      %dma_start3A_41 = arith.constant 0 : i32
      %dma_start3A_42 = tpu.memref_slice %arg5[%dma_start3A_41] : memref<100000xf32, #tpu.memory_space<hbm>> -> memref<100000xf32, #tpu.memory_space<hbm>>
      tpu.enqueue_indirect_dma source(%dma_start3A_42 : memref<100000xf32, #tpu.memory_space<hbm>>) target(%dma_start3A_37 : memref<128xf32, #tpu.memory_space<vmem>>) offsets(%dma_start3A_40 : memref<128xi32, #tpu.memory_space<vmem>>) semaphore(%arg22 : memref<!tpu.dma_semaphore, #tpu.memory_space<semaphore_mem>>)
      %dma_start3A_43 = arith.constant 0 : i32
      %dma_start3A_44 = arith.constant 0 : i32
      %dma_start3A_45 = arith.constant 0 : i32
      %dma_start3A_46 = tpu.memref_slice %arg14[%dma_start3A_44, %dma_start3A_45] : memref<2x128xf32, #tpu.memory_space<vmem>> -> memref<1x128xf32, #tpu.memory_space<vmem>>
      %dma_start3A_47 = tpu.memref_squeeze %dma_start3A_46 : memref<1x128xf32, #tpu.memory_space<vmem>> -> memref<128xf32, #tpu.memory_space<vmem>>
      %dma_start3A_48 = arith.constant 0 : i32
      %dma_start3A_49 = tpu.memref_slice %arg10[%dma_start3A_43, %dma_start3A_48] : memref<2x128xi32, #tpu.memory_space<vmem>> -> memref<1x128xi32, #tpu.memory_space<vmem>>
      %dma_start3A_50 = tpu.memref_squeeze %dma_start3A_49 : memref<1x128xi32, #tpu.memory_space<vmem>> -> memref<128xi32, #tpu.memory_space<vmem>>
      %dma_start3A_51 = arith.constant 0 : i32
      %dma_start3A_52 = tpu.memref_slice %arg6[%dma_start3A_51] : memref<100000xf32, #tpu.memory_space<hbm>> -> memref<100000xf32, #tpu.memory_space<hbm>>
      tpu.enqueue_indirect_dma source(%dma_start3A_52 : memref<100000xf32, #tpu.memory_space<hbm>>) target(%dma_start3A_47 : memref<128xf32, #tpu.memory_space<vmem>>) offsets(%dma_start3A_50 : memref<128xi32, #tpu.memory_space<vmem>>) semaphore(%arg22 : memref<!tpu.dma_semaphore, #tpu.memory_space<semaphore_mem>>)
      %dma_start3A_53 = arith.constant 0 : i32
      %dma_start3A_54 = arith.constant 0 : i32
      %dma_start3A_55 = arith.constant 0 : i32
      %dma_start3A_56 = tpu.memref_slice %arg15[%dma_start3A_54, %dma_start3A_55] : memref<2x128xf32, #tpu.memory_space<vmem>> -> memref<1x128xf32, #tpu.memory_space<vmem>>
      %dma_start3A_57 = tpu.memref_squeeze %dma_start3A_56 : memref<1x128xf32, #tpu.memory_space<vmem>> -> memref<128xf32, #tpu.memory_space<vmem>>
      %dma_start3A_58 = arith.constant 0 : i32
      %dma_start3A_59 = tpu.memref_slice %arg11[%dma_start3A_53, %dma_start3A_58] : memref<2x128xi32, #tpu.memory_space<vmem>> -> memref<1x128xi32, #tpu.memory_space<vmem>>
      %dma_start3A_60 = tpu.memref_squeeze %dma_start3A_59 : memref<1x128xi32, #tpu.memory_space<vmem>> -> memref<128xi32, #tpu.memory_space<vmem>>
      %dma_start3A_61 = arith.constant 0 : i32
      %dma_start3A_62 = tpu.memref_slice %arg7[%dma_start3A_61] : memref<100016xf32, #tpu.memory_space<hbm>> -> memref<100016xf32, #tpu.memory_space<hbm>>
      tpu.enqueue_indirect_dma source(%dma_start3A_62 : memref<100016xf32, #tpu.memory_space<hbm>>) target(%dma_start3A_57 : memref<128xf32, #tpu.memory_space<vmem>>) offsets(%dma_start3A_60 : memref<128xi32, #tpu.memory_space<vmem>>) semaphore(%arg22 : memref<!tpu.dma_semaphore, #tpu.memory_space<semaphore_mem>>)
      %dma_start3A_63 = arith.constant 1 : i32
      %dma_start3A_64 = arith.constant 1 : i32
      %dma_start3A_65 = arith.constant 0 : i32
      %dma_start3A_66 = tpu.memref_slice %arg12[%dma_start3A_64, %dma_start3A_65] : memref<2x128xf32, #tpu.memory_space<vmem>> -> memref<1x128xf32, #tpu.memory_space<vmem>>
      %dma_start3A_67 = tpu.memref_squeeze %dma_start3A_66 : memref<1x128xf32, #tpu.memory_space<vmem>> -> memref<128xf32, #tpu.memory_space<vmem>>
      %dma_start3A_68 = arith.constant 0 : i32
      %dma_start3A_69 = tpu.memref_slice %arg10[%dma_start3A_63, %dma_start3A_68] : memref<2x128xi32, #tpu.memory_space<vmem>> -> memref<1x128xi32, #tpu.memory_space<vmem>>
      %dma_start3A_70 = tpu.memref_squeeze %dma_start3A_69 : memref<1x128xi32, #tpu.memory_space<vmem>> -> memref<128xi32, #tpu.memory_space<vmem>>
      %dma_start3A_71 = arith.constant 0 : i32
      %dma_start3A_72 = tpu.memref_slice %arg4[%dma_start3A_71] : memref<100000xf32, #tpu.memory_space<hbm>> -> memref<100000xf32, #tpu.memory_space<hbm>>
      tpu.enqueue_indirect_dma source(%dma_start3A_72 : memref<100000xf32, #tpu.memory_space<hbm>>) target(%dma_start3A_67 : memref<128xf32, #tpu.memory_space<vmem>>) offsets(%dma_start3A_70 : memref<128xi32, #tpu.memory_space<vmem>>) semaphore(%arg22 : memref<!tpu.dma_semaphore, #tpu.memory_space<semaphore_mem>>)
      %dma_start3A_73 = arith.constant 1 : i32
      %dma_start3A_74 = arith.constant 1 : i32
      %dma_start3A_75 = arith.constant 0 : i32
      %dma_start3A_76 = tpu.memref_slice %arg13[%dma_start3A_74, %dma_start3A_75] : memref<2x128xf32, #tpu.memory_space<vmem>> -> memref<1x128xf32, #tpu.memory_space<vmem>>
      %dma_start3A_77 = tpu.memref_squeeze %dma_start3A_76 : memref<1x128xf32, #tpu.memory_space<vmem>> -> memref<128xf32, #tpu.memory_space<vmem>>
      %dma_start3A_78 = arith.constant 0 : i32
      %dma_start3A_79 = tpu.memref_slice %arg10[%dma_start3A_73, %dma_start3A_78] : memref<2x128xi32, #tpu.memory_space<vmem>> -> memref<1x128xi32, #tpu.memory_space<vmem>>
      %dma_start3A_80 = tpu.memref_squeeze %dma_start3A_79 : memref<1x128xi32, #tpu.memory_space<vmem>> -> memref<128xi32, #tpu.memory_space<vmem>>
      %dma_start3A_81 = arith.constant 0 : i32
      %dma_start3A_82 = tpu.memref_slice %arg5[%dma_start3A_81] : memref<100000xf32, #tpu.memory_space<hbm>> -> memref<100000xf32, #tpu.memory_space<hbm>>
      tpu.enqueue_indirect_dma source(%dma_start3A_82 : memref<100000xf32, #tpu.memory_space<hbm>>) target(%dma_start3A_77 : memref<128xf32, #tpu.memory_space<vmem>>) offsets(%dma_start3A_80 : memref<128xi32, #tpu.memory_space<vmem>>) semaphore(%arg22 : memref<!tpu.dma_semaphore, #tpu.memory_space<semaphore_mem>>)
      %dma_start3A_83 = arith.constant 1 : i32
      %dma_start3A_84 = arith.constant 1 : i32
      %dma_start3A_85 = arith.constant 0 : i32
      %dma_start3A_86 = tpu.memref_slice %arg14[%dma_start3A_84, %dma_start3A_85] : memref<2x128xf32, #tpu.memory_space<vmem>> -> memref<1x128xf32, #tpu.memory_space<vmem>>
      %dma_start3A_87 = tpu.memref_squeeze %dma_start3A_86 : memref<1x128xf32, #tpu.memory_space<vmem>> -> memref<128xf32, #tpu.memory_space<vmem>>
      %dma_start3A_88 = arith.constant 0 : i32
      %dma_start3A_89 = tpu.memref_slice %arg10[%dma_start3A_83, %dma_start3A_88] : memref<2x128xi32, #tpu.memory_space<vmem>> -> memref<1x128xi32, #tpu.memory_space<vmem>>
      %dma_start3A_90 = tpu.memref_squeeze %dma_start3A_89 : memref<1x128xi32, #tpu.memory_space<vmem>> -> memref<128xi32, #tpu.memory_space<vmem>>
      %dma_start3A_91 = arith.constant 0 : i32
      %dma_start3A_92 = tpu.memref_slice %arg6[%dma_start3A_91] : memref<100000xf32, #tpu.memory_space<hbm>> -> memref<100000xf32, #tpu.memory_space<hbm>>
      tpu.enqueue_indirect_dma source(%dma_start3A_92 : memref<100000xf32, #tpu.memory_space<hbm>>) target(%dma_start3A_87 : memref<128xf32, #tpu.memory_space<vmem>>) offsets(%dma_start3A_90 : memref<128xi32, #tpu.memory_space<vmem>>) semaphore(%arg22 : memref<!tpu.dma_semaphore, #tpu.memory_space<semaphore_mem>>)
      %dma_start3A_93 = arith.constant 1 : i32
      %dma_start3A_94 = arith.constant 1 : i32
      %dma_start3A_95 = arith.constant 0 : i32
      %dma_start3A_96 = tpu.memref_slice %arg15[%dma_start3A_94, %dma_start3A_95] : memref<2x128xf32, #tpu.memory_space<vmem>> -> memref<1x128xf32, #tpu.memory_space<vmem>>
      %dma_start3A_97 = tpu.memref_squeeze %dma_start3A_96 : memref<1x128xf32, #tpu.memory_space<vmem>> -> memref<128xf32, #tpu.memory_space<vmem>>
      %dma_start3A_98 = arith.constant 0 : i32
      %dma_start3A_99 = tpu.memref_slice %arg11[%dma_start3A_93, %dma_start3A_98] : memref<2x128xi32, #tpu.memory_space<vmem>> -> memref<1x128xi32, #tpu.memory_space<vmem>>
      %dma_start3A_100 = tpu.memref_squeeze %dma_start3A_99 : memref<1x128xi32, #tpu.memory_space<vmem>> -> memref<128xi32, #tpu.memory_space<vmem>>
      %dma_start3A_101 = arith.constant 0 : i32
      %dma_start3A_102 = tpu.memref_slice %arg7[%dma_start3A_101] : memref<100016xf32, #tpu.memory_space<hbm>> -> memref<100016xf32, #tpu.memory_space<hbm>>
      tpu.enqueue_indirect_dma source(%dma_start3A_102 : memref<100016xf32, #tpu.memory_space<hbm>>) target(%dma_start3A_97 : memref<128xf32, #tpu.memory_space<vmem>>) offsets(%dma_start3A_100 : memref<128xi32, #tpu.memory_space<vmem>>) semaphore(%arg22 : memref<!tpu.dma_semaphore, #tpu.memory_space<semaphore_mem>>)
      %dma_wait3A = arith.constant 0 : i32
      %dma_wait3A_103 = arith.constant 0 : i32
      %dma_wait3A_104 = arith.constant 0 : i32
      %dma_wait3A_105 = tpu.memref_slice %arg12[%dma_wait3A_103, %dma_wait3A_104] : memref<2x128xf32, #tpu.memory_space<vmem>> -> memref<1x128xf32, #tpu.memory_space<vmem>>
      %dma_wait3A_106 = tpu.memref_squeeze %dma_wait3A_105 : memref<1x128xf32, #tpu.memory_space<vmem>> -> memref<128xf32, #tpu.memory_space<vmem>>
      %dma_wait3A_107 = arith.constant 0 : i32
      %dma_wait3A_108 = tpu.memref_slice %arg10[%dma_wait3A, %dma_wait3A_107] : memref<2x128xi32, #tpu.memory_space<vmem>> -> memref<1x128xi32, #tpu.memory_space<vmem>>
      %dma_wait3A_109 = tpu.memref_squeeze %dma_wait3A_108 : memref<1x128xi32, #tpu.memory_space<vmem>> -> memref<128xi32, #tpu.memory_space<vmem>>
      %dma_wait3A_110 = arith.constant 0 : i32
      %dma_wait3A_111 = tpu.memref_slice %arg4[%dma_wait3A_110] : memref<100000xf32, #tpu.memory_space<hbm>> -> memref<100000xf32, #tpu.memory_space<hbm>>
      tpu.wait_indirect_dma semaphore(%arg22 : memref<!tpu.dma_semaphore, #tpu.memory_space<semaphore_mem>>) src(%dma_wait3A_111 : memref<100000xf32, #tpu.memory_space<hbm>>) dst(%dma_wait3A_106 : memref<128xf32, #tpu.memory_space<vmem>>)
      %dma_wait3A_112 = arith.constant 0 : i32
      %dma_wait3A_113 = arith.constant 0 : i32
      %dma_wait3A_114 = arith.constant 0 : i32
      %dma_wait3A_115 = tpu.memref_slice %arg13[%dma_wait3A_113, %dma_wait3A_114] : memref<2x128xf32, #tpu.memory_space<vmem>> -> memref<1x128xf32, #tpu.memory_space<vmem>>
      %dma_wait3A_116 = tpu.memref_squeeze %dma_wait3A_115 : memref<1x128xf32, #tpu.memory_space<vmem>> -> memref<128xf32, #tpu.memory_space<vmem>>
      %dma_wait3A_117 = arith.constant 0 : i32
      %dma_wait3A_118 = tpu.memref_slice %arg10[%dma_wait3A_112, %dma_wait3A_117] : memref<2x128xi32, #tpu.memory_space<vmem>> -> memref<1x128xi32, #tpu.memory_space<vmem>>
      %dma_wait3A_119 = tpu.memref_squeeze %dma_wait3A_118 : memref<1x128xi32, #tpu.memory_space<vmem>> -> memref<128xi32, #tpu.memory_space<vmem>>
      %dma_wait3A_120 = arith.constant 0 : i32
      %dma_wait3A_121 = tpu.memref_slice %arg5[%dma_wait3A_120] : memref<100000xf32, #tpu.memory_space<hbm>> -> memref<100000xf32, #tpu.memory_space<hbm>>
      tpu.wait_indirect_dma semaphore(%arg22 : memref<!tpu.dma_semaphore, #tpu.memory_space<semaphore_mem>>) src(%dma_wait3A_121 : memref<100000xf32, #tpu.memory_space<hbm>>) dst(%dma_wait3A_116 : memref<128xf32, #tpu.memory_space<vmem>>)
      %dma_wait3A_122 = arith.constant 0 : i32
      %dma_wait3A_123 = arith.constant 0 : i32
      %dma_wait3A_124 = arith.constant 0 : i32
      %dma_wait3A_125 = tpu.memref_slice %arg14[%dma_wait3A_123, %dma_wait3A_124] : memref<2x128xf32, #tpu.memory_space<vmem>> -> memref<1x128xf32, #tpu.memory_space<vmem>>
      %dma_wait3A_126 = tpu.memref_squeeze %dma_wait3A_125 : memref<1x128xf32, #tpu.memory_space<vmem>> -> memref<128xf32, #tpu.memory_space<vmem>>
      %dma_wait3A_127 = arith.constant 0 : i32
      %dma_wait3A_128 = tpu.memref_slice %arg10[%dma_wait3A_122, %dma_wait3A_127] : memref<2x128xi32, #tpu.memory_space<vmem>> -> memref<1x128xi32, #tpu.memory_space<vmem>>
      %dma_wait3A_129 = tpu.memref_squeeze %dma_wait3A_128 : memref<1x128xi32, #tpu.memory_space<vmem>> -> memref<128xi32, #tpu.memory_space<vmem>>
      %dma_wait3A_130 = arith.constant 0 : i32
      %dma_wait3A_131 = tpu.memref_slice %arg6[%dma_wait3A_130] : memref<100000xf32, #tpu.memory_space<hbm>> -> memref<100000xf32, #tpu.memory_space<hbm>>
      tpu.wait_indirect_dma semaphore(%arg22 : memref<!tpu.dma_semaphore, #tpu.memory_space<semaphore_mem>>) src(%dma_wait3A_131 : memref<100000xf32, #tpu.memory_space<hbm>>) dst(%dma_wait3A_126 : memref<128xf32, #tpu.memory_space<vmem>>)
      %dma_wait3A_132 = arith.constant 0 : i32
      %dma_wait3A_133 = arith.constant 0 : i32
      %dma_wait3A_134 = arith.constant 0 : i32
      %dma_wait3A_135 = tpu.memref_slice %arg15[%dma_wait3A_133, %dma_wait3A_134] : memref<2x128xf32, #tpu.memory_space<vmem>> -> memref<1x128xf32, #tpu.memory_space<vmem>>
      %dma_wait3A_136 = tpu.memref_squeeze %dma_wait3A_135 : memref<1x128xf32, #tpu.memory_space<vmem>> -> memref<128xf32, #tpu.memory_space<vmem>>
      %dma_wait3A_137 = arith.constant 0 : i32
      %dma_wait3A_138 = tpu.memref_slice %arg11[%dma_wait3A_132, %dma_wait3A_137] : memref<2x128xi32, #tpu.memory_space<vmem>> -> memref<1x128xi32, #tpu.memory_space<vmem>>
      %dma_wait3A_139 = tpu.memref_squeeze %dma_wait3A_138 : memref<1x128xi32, #tpu.memory_space<vmem>> -> memref<128xi32, #tpu.memory_space<vmem>>
      %dma_wait3A_140 = arith.constant 0 : i32
      %dma_wait3A_141 = tpu.memref_slice %arg7[%dma_wait3A_140] : memref<100016xf32, #tpu.memory_space<hbm>> -> memref<100016xf32, #tpu.memory_space<hbm>>
      tpu.wait_indirect_dma semaphore(%arg22 : memref<!tpu.dma_semaphore, #tpu.memory_space<semaphore_mem>>) src(%dma_wait3A_141 : memref<100016xf32, #tpu.memory_space<hbm>>) dst(%dma_wait3A_136 : memref<128xf32, #tpu.memory_space<vmem>>)
      %dma_wait3A_142 = arith.constant 1 : i32
      %dma_wait3A_143 = arith.constant 1 : i32
      %dma_wait3A_144 = arith.constant 0 : i32
      %dma_wait3A_145 = tpu.memref_slice %arg12[%dma_wait3A_143, %dma_wait3A_144] : memref<2x128xf32, #tpu.memory_space<vmem>> -> memref<1x128xf32, #tpu.memory_space<vmem>>
      %dma_wait3A_146 = tpu.memref_squeeze %dma_wait3A_145 : memref<1x128xf32, #tpu.memory_space<vmem>> -> memref<128xf32, #tpu.memory_space<vmem>>
      %dma_wait3A_147 = arith.constant 0 : i32
      %dma_wait3A_148 = tpu.memref_slice %arg10[%dma_wait3A_142, %dma_wait3A_147] : memref<2x128xi32, #tpu.memory_space<vmem>> -> memref<1x128xi32, #tpu.memory_space<vmem>>
      %dma_wait3A_149 = tpu.memref_squeeze %dma_wait3A_148 : memref<1x128xi32, #tpu.memory_space<vmem>> -> memref<128xi32, #tpu.memory_space<vmem>>
      %dma_wait3A_150 = arith.constant 0 : i32
      %dma_wait3A_151 = tpu.memref_slice %arg4[%dma_wait3A_150] : memref<100000xf32, #tpu.memory_space<hbm>> -> memref<100000xf32, #tpu.memory_space<hbm>>
      tpu.wait_indirect_dma semaphore(%arg22 : memref<!tpu.dma_semaphore, #tpu.memory_space<semaphore_mem>>) src(%dma_wait3A_151 : memref<100000xf32, #tpu.memory_space<hbm>>) dst(%dma_wait3A_146 : memref<128xf32, #tpu.memory_space<vmem>>)
      %dma_wait3A_152 = arith.constant 1 : i32
      %dma_wait3A_153 = arith.constant 1 : i32
      %dma_wait3A_154 = arith.constant 0 : i32
      %dma_wait3A_155 = tpu.memref_slice %arg13[%dma_wait3A_153, %dma_wait3A_154] : memref<2x128xf32, #tpu.memory_space<vmem>> -> memref<1x128xf32, #tpu.memory_space<vmem>>
      %dma_wait3A_156 = tpu.memref_squeeze %dma_wait3A_155 : memref<1x128xf32, #tpu.memory_space<vmem>> -> memref<128xf32, #tpu.memory_space<vmem>>
      %dma_wait3A_157 = arith.constant 0 : i32
      %dma_wait3A_158 = tpu.memref_slice %arg10[%dma_wait3A_152, %dma_wait3A_157] : memref<2x128xi32, #tpu.memory_space<vmem>> -> memref<1x128xi32, #tpu.memory_space<vmem>>
      %dma_wait3A_159 = tpu.memref_squeeze %dma_wait3A_158 : memref<1x128xi32, #tpu.memory_space<vmem>> -> memref<128xi32, #tpu.memory_space<vmem>>
      %dma_wait3A_160 = arith.constant 0 : i32
      %dma_wait3A_161 = tpu.memref_slice %arg5[%dma_wait3A_160] : memref<100000xf32, #tpu.memory_space<hbm>> -> memref<100000xf32, #tpu.memory_space<hbm>>
      tpu.wait_indirect_dma semaphore(%arg22 : memref<!tpu.dma_semaphore, #tpu.memory_space<semaphore_mem>>) src(%dma_wait3A_161 : memref<100000xf32, #tpu.memory_space<hbm>>) dst(%dma_wait3A_156 : memref<128xf32, #tpu.memory_space<vmem>>)
      %dma_wait3A_162 = arith.constant 1 : i32
      %dma_wait3A_163 = arith.constant 1 : i32
      %dma_wait3A_164 = arith.constant 0 : i32
      %dma_wait3A_165 = tpu.memref_slice %arg14[%dma_wait3A_163, %dma_wait3A_164] : memref<2x128xf32, #tpu.memory_space<vmem>> -> memref<1x128xf32, #tpu.memory_space<vmem>>
      %dma_wait3A_166 = tpu.memref_squeeze %dma_wait3A_165 : memref<1x128xf32, #tpu.memory_space<vmem>> -> memref<128xf32, #tpu.memory_space<vmem>>
      %dma_wait3A_167 = arith.constant 0 : i32
      %dma_wait3A_168 = tpu.memref_slice %arg10[%dma_wait3A_162, %dma_wait3A_167] : memref<2x128xi32, #tpu.memory_space<vmem>> -> memref<1x128xi32, #tpu.memory_space<vmem>>
      %dma_wait3A_169 = tpu.memref_squeeze %dma_wait3A_168 : memref<1x128xi32, #tpu.memory_space<vmem>> -> memref<128xi32, #tpu.memory_space<vmem>>
      %dma_wait3A_170 = arith.constant 0 : i32
      %dma_wait3A_171 = tpu.memref_slice %arg6[%dma_wait3A_170] : memref<100000xf32, #tpu.memory_space<hbm>> -> memref<100000xf32, #tpu.memory_space<hbm>>
      tpu.wait_indirect_dma semaphore(%arg22 : memref<!tpu.dma_semaphore, #tpu.memory_space<semaphore_mem>>) src(%dma_wait3A_171 : memref<100000xf32, #tpu.memory_space<hbm>>) dst(%dma_wait3A_166 : memref<128xf32, #tpu.memory_space<vmem>>)
      %dma_wait3A_172 = arith.constant 1 : i32
      %dma_wait3A_173 = arith.constant 1 : i32
      %dma_wait3A_174 = arith.constant 0 : i32
      %dma_wait3A_175 = tpu.memref_slice %arg15[%dma_wait3A_173, %dma_wait3A_174] : memref<2x128xf32, #tpu.memory_space<vmem>> -> memref<1x128xf32, #tpu.memory_space<vmem>>
      %dma_wait3A_176 = tpu.memref_squeeze %dma_wait3A_175 : memref<1x128xf32, #tpu.memory_space<vmem>> -> memref<128xf32, #tpu.memory_space<vmem>>
      %dma_wait3A_177 = arith.constant 0 : i32
      %dma_wait3A_178 = tpu.memref_slice %arg11[%dma_wait3A_172, %dma_wait3A_177] : memref<2x128xi32, #tpu.memory_space<vmem>> -> memref<1x128xi32, #tpu.memory_space<vmem>>
      %dma_wait3A_179 = tpu.memref_squeeze %dma_wait3A_178 : memref<1x128xi32, #tpu.memory_space<vmem>> -> memref<128xi32, #tpu.memory_space<vmem>>
      %dma_wait3A_180 = arith.constant 0 : i32
      %dma_wait3A_181 = tpu.memref_slice %arg7[%dma_wait3A_180] : memref<100016xf32, #tpu.memory_space<hbm>> -> memref<100016xf32, #tpu.memory_space<hbm>>
      tpu.wait_indirect_dma semaphore(%arg22 : memref<!tpu.dma_semaphore, #tpu.memory_space<semaphore_mem>>) src(%dma_wait3A_181 : memref<100016xf32, #tpu.memory_space<hbm>>) dst(%dma_wait3A_176 : memref<128xf32, #tpu.memory_space<vmem>>)
      %get3A = arith.constant 0 : i32
      %get3A_182 = arith.index_cast %get3A : i32 to index
      %get3A_183 = arith.constant 0 : index
      %get3A_184 = tpu.vector_load %arg14[%get3A_182, %get3A_183] {strides = array<i32>} : memref<2x128xf32, #tpu.memory_space<vmem>>, vector<1x16xf32>,
      %get3A_185 = vector.shape_cast %get3A_184 : vector<1x16xf32> to vector<16xf32>
      %get3A_186 = arith.constant 0 : i32
      %get3A_187 = arith.index_cast %get3A_186 : i32 to index
      %get3A_188 = arith.constant 0 : index
      %get3A_189 = tpu.vector_load %arg15[%get3A_187, %get3A_188] {strides = array<i32>} : memref<2x128xf32, #tpu.memory_space<vmem>>, vector<1x16xf32>,
      %get3A_190 = vector.shape_cast %get3A_189 : vector<1x16xf32> to vector<16xf32>
      %add3A_191 = arith.addf %get3A_185, %get3A_190 : vector<16xf32>
      %ge3A = arith.constant 0.000000e+00 : f32
      %ge3A_192 = vector.broadcast %ge3A : f32 to vector<16xf32>
      %ge3A_193 = arith.cmpf oge, %add3A_191, %ge3A_192 : vector<16xf32>
      %mul3A_194 = arith.constant 2.000000e-01 : f32
      %mul3A_195 = vector.broadcast %mul3A_194 : f32 to vector<16xf32>
      %mul3A_196 = arith.mulf %add3A_191, %mul3A_195 : vector<16xf32>
      %select_n3A = arith.select %ge3A_193, %add3A_191, %mul3A_196 : vector<16xi1>, vector<16xf32>
      %exp3A = math.exp %select_n3A : vector<16xf32>
      %swap3A = arith.constant 0 : i32
      %swap3A_197 = arith.index_cast %swap3A : i32 to index
      %swap3A_198 = arith.constant 0 : index
      %swap3A_199 = tpu.vector_load %arg16[%swap3A_197, %swap3A_198] {strides = array<i32>} : memref<2x128xf32, #tpu.memory_space<vmem>>, vector<1x16xf32>,
      %swap3A_200 = vector.shape_cast %swap3A_199 : vector<1x16xf32> to vector<16xf32>
      %swap3A_201 = vector.shape_cast %exp3A : vector<16xf32> to vector<1x16xf32>
      tpu.vector_store %arg16[%swap3A_197, %swap3A_198], %swap3A_201 {strides = array<i32>} : memref<2x128xf32, #tpu.memory_space<vmem>>, vector<1x16xf32>,
      %get3A_202 = arith.constant 0 : i32
      %get3A_203 = arith.index_cast %get3A_202 : i32 to index
      %get3A_204 = arith.constant 0 : index
      %get3A_205 = tpu.vector_load %arg12[%get3A_203, %get3A_204] {strides = array<i32>} : memref<2x128xf32, #tpu.memory_space<vmem>>, vector<1x16xf32>,
      %get3A_206 = vector.shape_cast %get3A_205 : vector<1x16xf32> to vector<16xf32>
      %mul3A_207 = arith.mulf %exp3A, %get3A_206 : vector<16xf32>
      %swap3A_208 = arith.constant 0 : i32
      %swap3A_209 = arith.index_cast %swap3A_208 : i32 to index
      %swap3A_210 = arith.constant 0 : index
      %swap3A_211 = tpu.vector_load %arg17[%swap3A_209, %swap3A_210] {strides = array<i32>} : memref<2x128xf32, #tpu.memory_space<vmem>>, vector<1x16xf32>,
      %swap3A_212 = vector.shape_cast %swap3A_211 : vector<1x16xf32> to vector<16xf32>
      %swap3A_213 = vector.shape_cast %mul3A_207 : vector<16xf32> to vector<1x16xf32>
      tpu.vector_store %arg17[%swap3A_209, %swap3A_210], %swap3A_213 {strides = array<i32>} : memref<2x128xf32, #tpu.memory_space<vmem>>, vector<1x16xf32>,
      %get3A_214 = arith.constant 0 : i32
      %get3A_215 = arith.index_cast %get3A_214 : i32 to index
      %get3A_216 = arith.constant 0 : index
      %get3A_217 = tpu.vector_load %arg13[%get3A_215, %get3A_216] {strides = array<i32>} : memref<2x128xf32, #tpu.memory_space<vmem>>, vector<1x16xf32>,
      %get3A_218 = vector.shape_cast %get3A_217 : vector<1x16xf32> to vector<16xf32>
      %mul3A_219 = arith.mulf %exp3A, %get3A_218 : vector<16xf32>
      %swap3A_220 = arith.constant 0 : i32
      %swap3A_221 = arith.index_cast %swap3A_220 : i32 to index
      %swap3A_222 = arith.constant 0 : index
      %swap3A_223 = tpu.vector_load %arg18[%swap3A_221, %swap3A_222] {strides = array<i32>} : memref<2x128xf32, #tpu.memory_space<vmem>>, vector<1x16xf32>,
      %swap3A_224 = vector.shape_cast %swap3A_223 : vector<1x16xf32> to vector<16xf32>
      %swap3A_225 = vector.shape_cast %mul3A_219 : vector<16xf32> to vector<1x16xf32>
      tpu.vector_store %arg18[%swap3A_221, %swap3A_222], %swap3A_225 {strides = array<i32>} : memref<2x128xf32, #tpu.memory_space<vmem>>, vector<1x16xf32>,
      %get3A_226 = arith.constant 0 : i32
      %get3A_227 = arith.index_cast %get3A_226 : i32 to index
      %get3A_228 = arith.constant 16 : index
      %get3A_229 = tpu.vector_load %arg14[%get3A_227, %get3A_228] {strides = array<i32>} : memref<2x128xf32, #tpu.memory_space<vmem>>, vector<1x16xf32>,
      %get3A_230 = vector.shape_cast %get3A_229 : vector<1x16xf32> to vector<16xf32>
      %get3A_231 = arith.constant 0 : i32
      %get3A_232 = arith.index_cast %get3A_231 : i32 to index
      %get3A_233 = arith.constant 16 : index
      %get3A_234 = tpu.vector_load %arg15[%get3A_232, %get3A_233] {strides = array<i32>} : memref<2x128xf32, #tpu.memory_space<vmem>>, vector<1x16xf32>,
      %get3A_235 = vector.shape_cast %get3A_234 : vector<1x16xf32> to vector<16xf32>
      %add3A_236 = arith.addf %get3A_230, %get3A_235 : vector<16xf32>
      %ge3A_237 = arith.constant 0.000000e+00 : f32
      %ge3A_238 = vector.broadcast %ge3A_237 : f32 to vector<16xf32>
      %ge3A_239 = arith.cmpf oge, %add3A_236, %ge3A_238 : vector<16xf32>
      %mul3A_240 = arith.constant 2.000000e-01 : f32
      %mul3A_241 = vector.broadcast %mul3A_240 : f32 to vector<16xf32>
      %mul3A_242 = arith.mulf %add3A_236, %mul3A_241 : vector<16xf32>
      %select_n3A_243 = arith.select %ge3A_239, %add3A_236, %mul3A_242 : vector<16xi1>, vector<16xf32>
      %exp3A_244 = math.exp %select_n3A_243 : vector<16xf32>
      %swap3A_245 = arith.constant 0 : i32
      %swap3A_246 = arith.index_cast %swap3A_245 : i32 to index
      %swap3A_247 = arith.constant 16 : index
      %swap3A_248 = tpu.vector_load %arg16[%swap3A_246, %swap3A_247] {strides = array<i32>} : memref<2x128xf32, #tpu.memory_space<vmem>>, vector<1x16xf32>,
      %swap3A_249 = vector.shape_cast %swap3A_248 : vector<1x16xf32> to vector<16xf32>
      %swap3A_250 = vector.shape_cast %exp3A_244 : vector<16xf32> to vector<1x16xf32>
      tpu.vector_store %arg16[%swap3A_246, %swap3A_247], %swap3A_250 {strides = array<i32>} : memref<2x128xf32, #tpu.memory_space<vmem>>, vector<1x16xf32>,
      %get3A_251 = arith.constant 0 : i32
      %get3A_252 = arith.index_cast %get3A_251 : i32 to index
      %get3A_253 = arith.constant 16 : index
      %get3A_254 = tpu.vector_load %arg12[%get3A_252, %get3A_253] {strides = array<i32>} : memref<2x128xf32, #tpu.memory_space<vmem>>, vector<1x16xf32>,
      %get3A_255 = vector.shape_cast %get3A_254 : vector<1x16xf32> to vector<16xf32>
      %mul3A_256 = arith.mulf %exp3A_244, %get3A_255 : vector<16xf32>
      %swap3A_257 = arith.constant 0 : i32
      %swap3A_258 = arith.index_cast %swap3A_257 : i32 to index
      %swap3A_259 = arith.constant 16 : index
      %swap3A_260 = tpu.vector_load %arg17[%swap3A_258, %swap3A_259] {strides = array<i32>} : memref<2x128xf32, #tpu.memory_space<vmem>>, vector<1x16xf32>,
      %swap3A_261 = vector.shape_cast %swap3A_260 : vector<1x16xf32> to vector<16xf32>
      %swap3A_262 = vector.shape_cast %mul3A_256 : vector<16xf32> to vector<1x16xf32>
      tpu.vector_store %arg17[%swap3A_258, %swap3A_259], %swap3A_262 {strides = array<i32>} : memref<2x128xf32, #tpu.memory_space<vmem>>, vector<1x16xf32>,
      %get3A_263 = arith.constant 0 : i32
      %get3A_264 = arith.index_cast %get3A_263 : i32 to index
      %get3A_265 = arith.constant 16 : index
      %get3A_266 = tpu.vector_load %arg13[%get3A_264, %get3A_265] {strides = array<i32>} : memref<2x128xf32, #tpu.memory_space<vmem>>, vector<1x16xf32>,
      %get3A_267 = vector.shape_cast %get3A_266 : vector<1x16xf32> to vector<16xf32>
      %mul3A_268 = arith.mulf %exp3A_244, %get3A_267 : vector<16xf32>
      %swap3A_269 = arith.constant 0 : i32
      %swap3A_270 = arith.index_cast %swap3A_269 : i32 to index
      %swap3A_271 = arith.constant 16 : index
      %swap3A_272 = tpu.vector_load %arg18[%swap3A_270, %swap3A_271] {strides = array<i32>} : memref<2x128xf32, #tpu.memory_space<vmem>>, vector<1x16xf32>,
      %swap3A_273 = vector.shape_cast %swap3A_272 : vector<1x16xf32> to vector<16xf32>
      %swap3A_274 = vector.shape_cast %mul3A_268 : vector<16xf32> to vector<1x16xf32>
      tpu.vector_store %arg18[%swap3A_270, %swap3A_271], %swap3A_274 {strides = array<i32>} : memref<2x128xf32, #tpu.memory_space<vmem>>, vector<1x16xf32>,
      %get3A_275 = arith.constant 0 : i32
      %get3A_276 = arith.index_cast %get3A_275 : i32 to index
      %get3A_277 = arith.constant 32 : index
      %get3A_278 = tpu.vector_load %arg14[%get3A_276, %get3A_277] {strides = array<i32>} : memref<2x128xf32, #tpu.memory_space<vmem>>, vector<1x16xf32>,
      %get3A_279 = vector.shape_cast %get3A_278 : vector<1x16xf32> to vector<16xf32>
      %get3A_280 = arith.constant 0 : i32
      %get3A_281 = arith.index_cast %get3A_280 : i32 to index
      %get3A_282 = arith.constant 32 : index
      %get3A_283 = tpu.vector_load %arg15[%get3A_281, %get3A_282] {strides = array<i32>} : memref<2x128xf32, #tpu.memory_space<vmem>>, vector<1x16xf32>,
      %get3A_284 = vector.shape_cast %get3A_283 : vector<1x16xf32> to vector<16xf32>
      %add3A_285 = arith.addf %get3A_279, %get3A_284 : vector<16xf32>
      %ge3A_286 = arith.constant 0.000000e+00 : f32
      %ge3A_287 = vector.broadcast %ge3A_286 : f32 to vector<16xf32>
      %ge3A_288 = arith.cmpf oge, %add3A_285, %ge3A_287 : vector<16xf32>
      %mul3A_289 = arith.constant 2.000000e-01 : f32
      %mul3A_290 = vector.broadcast %mul3A_289 : f32 to vector<16xf32>
      %mul3A_291 = arith.mulf %add3A_285, %mul3A_290 : vector<16xf32>
      %select_n3A_292 = arith.select %ge3A_288, %add3A_285, %mul3A_291 : vector<16xi1>, vector<16xf32>
      %exp3A_293 = math.exp %select_n3A_292 : vector<16xf32>
      %swap3A_294 = arith.constant 0 : i32
      %swap3A_295 = arith.index_cast %swap3A_294 : i32 to index
      %swap3A_296 = arith.constant 32 : index
      %swap3A_297 = tpu.vector_load %arg16[%swap3A_295, %swap3A_296] {strides = array<i32>} : memref<2x128xf32, #tpu.memory_space<vmem>>, vector<1x16xf32>,
      %swap3A_298 = vector.shape_cast %swap3A_297 : vector<1x16xf32> to vector<16xf32>
      %swap3A_299 = vector.shape_cast %exp3A_293 : vector<16xf32> to vector<1x16xf32>
      tpu.vector_store %arg16[%swap3A_295, %swap3A_296], %swap3A_299 {strides = array<i32>} : memref<2x128xf32, #tpu.memory_space<vmem>>, vector<1x16xf32>,
      %get3A_300 = arith.constant 0 : i32
      %get3A_301 = arith.index_cast %get3A_300 : i32 to index
      %get3A_302 = arith.constant 32 : index
      %get3A_303 = tpu.vector_load %arg12[%get3A_301, %get3A_302] {strides = array<i32>} : memref<2x128xf32, #tpu.memory_space<vmem>>, vector<1x16xf32>,
      %get3A_304 = vector.shape_cast %get3A_303 : vector<1x16xf32> to vector<16xf32>
      %mul3A_305 = arith.mulf %exp3A_293, %get3A_304 : vector<16xf32>
      %swap3A_306 = arith.constant 0 : i32
      %swap3A_307 = arith.index_cast %swap3A_306 : i32 to index
      %swap3A_308 = arith.constant 32 : index
      %swap3A_309 = tpu.vector_load %arg17[%swap3A_307, %swap3A_308] {strides = array<i32>} : memref<2x128xf32, #tpu.memory_space<vmem>>, vector<1x16xf32>,
      %swap3A_310 = vector.shape_cast %swap3A_309 : vector<1x16xf32> to vector<16xf32>
      %swap3A_311 = vector.shape_cast %mul3A_305 : vector<16xf32> to vector<1x16xf32>
      tpu.vector_store %arg17[%swap3A_307, %swap3A_308], %swap3A_311 {strides = array<i32>} : memref<2x128xf32, #tpu.memory_space<vmem>>, vector<1x16xf32>,
      %get3A_312 = arith.constant 0 : i32
      %get3A_313 = arith.index_cast %get3A_312 : i32 to index
      %get3A_314 = arith.constant 32 : index
      %get3A_315 = tpu.vector_load %arg13[%get3A_313, %get3A_314] {strides = array<i32>} : memref<2x128xf32, #tpu.memory_space<vmem>>, vector<1x16xf32>,
      %get3A_316 = vector.shape_cast %get3A_315 : vector<1x16xf32> to vector<16xf32>
      %mul3A_317 = arith.mulf %exp3A_293, %get3A_316 : vector<16xf32>
      %swap3A_318 = arith.constant 0 : i32
      %swap3A_319 = arith.index_cast %swap3A_318 : i32 to index
      %swap3A_320 = arith.constant 32 : index
      %swap3A_321 = tpu.vector_load %arg18[%swap3A_319, %swap3A_320] {strides = array<i32>} : memref<2x128xf32, #tpu.memory_space<vmem>>, vector<1x16xf32>,
      %swap3A_322 = vector.shape_cast %swap3A_321 : vector<1x16xf32> to vector<16xf32>
      %swap3A_323 = vector.shape_cast %mul3A_317 : vector<16xf32> to vector<1x16xf32>
      tpu.vector_store %arg18[%swap3A_319, %swap3A_320], %swap3A_323 {strides = array<i32>} : memref<2x128xf32, #tpu.memory_space<vmem>>, vector<1x16xf32>,
      %get3A_324 = arith.constant 0 : i32
      %get3A_325 = arith.index_cast %get3A_324 : i32 to index
      %get3A_326 = arith.constant 48 : index
      %get3A_327 = tpu.vector_load %arg14[%get3A_325, %get3A_326] {strides = array<i32>} : memref<2x128xf32, #tpu.memory_space<vmem>>, vector<1x16xf32>,
      %get3A_328 = vector.shape_cast %get3A_327 : vector<1x16xf32> to vector<16xf32>
      %get3A_329 = arith.constant 0 : i32
      %get3A_330 = arith.index_cast %get3A_329 : i32 to index
      %get3A_331 = arith.constant 48 : index
      %get3A_332 = tpu.vector_load %arg15[%get3A_330, %get3A_331] {strides = array<i32>} : memref<2x128xf32, #tpu.memory_space<vmem>>, vector<1x16xf32>,
      %get3A_333 = vector.shape_cast %get3A_332 : vector<1x16xf32> to vector<16xf32>
      %add3A_334 = arith.addf %get3A_328, %get3A_333 : vector<16xf32>
      %ge3A_335 = arith.constant 0.000000e+00 : f32
      %ge3A_336 = vector.broadcast %ge3A_335 : f32 to vector<16xf32>
      %ge3A_337 = arith.cmpf oge, %add3A_334, %ge3A_336 : vector<16xf32>
      %mul3A_338 = arith.constant 2.000000e-01 : f32
      %mul3A_339 = vector.broadcast %mul3A_338 : f32 to vector<16xf32>
      %mul3A_340 = arith.mulf %add3A_334, %mul3A_339 : vector<16xf32>
      %select_n3A_341 = arith.select %ge3A_337, %add3A_334, %mul3A_340 : vector<16xi1>, vector<16xf32>
      %exp3A_342 = math.exp %select_n3A_341 : vector<16xf32>
      %swap3A_343 = arith.constant 0 : i32
      %swap3A_344 = arith.index_cast %swap3A_343 : i32 to index
      %swap3A_345 = arith.constant 48 : index
      %swap3A_346 = tpu.vector_load %arg16[%swap3A_344, %swap3A_345] {strides = array<i32>} : memref<2x128xf32, #tpu.memory_space<vmem>>, vector<1x16xf32>,
      %swap3A_347 = vector.shape_cast %swap3A_346 : vector<1x16xf32> to vector<16xf32>
      %swap3A_348 = vector.shape_cast %exp3A_342 : vector<16xf32> to vector<1x16xf32>
      tpu.vector_store %arg16[%swap3A_344, %swap3A_345], %swap3A_348 {strides = array<i32>} : memref<2x128xf32, #tpu.memory_space<vmem>>, vector<1x16xf32>,
      %get3A_349 = arith.constant 0 : i32
      %get3A_350 = arith.index_cast %get3A_349 : i32 to index
      %get3A_351 = arith.constant 48 : index
      %get3A_352 = tpu.vector_load %arg12[%get3A_350, %get3A_351] {strides = array<i32>} : memref<2x128xf32, #tpu.memory_space<vmem>>, vector<1x16xf32>,
      %get3A_353 = vector.shape_cast %get3A_352 : vector<1x16xf32> to vector<16xf32>
      %mul3A_354 = arith.mulf %exp3A_342, %get3A_353 : vector<16xf32>
      %swap3A_355 = arith.constant 0 : i32
      %swap3A_356 = arith.index_cast %swap3A_355 : i32 to index
      %swap3A_357 = arith.constant 48 : index
      %swap3A_358 = tpu.vector_load %arg17[%swap3A_356, %swap3A_357] {strides = array<i32>} : memref<2x128xf32, #tpu.memory_space<vmem>>, vector<1x16xf32>,
      %swap3A_359 = vector.shape_cast %swap3A_358 : vector<1x16xf32> to vector<16xf32>
      %swap3A_360 = vector.shape_cast %mul3A_354 : vector<16xf32> to vector<1x16xf32>
      tpu.vector_store %arg17[%swap3A_356, %swap3A_357], %swap3A_360 {strides = array<i32>} : memref<2x128xf32, #tpu.memory_space<vmem>>, vector<1x16xf32>,
      %get3A_361 = arith.constant 0 : i32
      %get3A_362 = arith.index_cast %get3A_361 : i32 to index
      %get3A_363 = arith.constant 48 : index
      %get3A_364 = tpu.vector_load %arg13[%get3A_362, %get3A_363] {strides = array<i32>} : memref<2x128xf32, #tpu.memory_space<vmem>>, vector<1x16xf32>,
      %get3A_365 = vector.shape_cast %get3A_364 : vector<1x16xf32> to vector<16xf32>
      %mul3A_366 = arith.mulf %exp3A_342, %get3A_365 : vector<16xf32>
      %swap3A_367 = arith.constant 0 : i32
      %swap3A_368 = arith.index_cast %swap3A_367 : i32 to index
      %swap3A_369 = arith.constant 48 : index
      %swap3A_370 = tpu.vector_load %arg18[%swap3A_368, %swap3A_369] {strides = array<i32>} : memref<2x128xf32, #tpu.memory_space<vmem>>, vector<1x16xf32>,
      %swap3A_371 = vector.shape_cast %swap3A_370 : vector<1x16xf32> to vector<16xf32>
      %swap3A_372 = vector.shape_cast %mul3A_366 : vector<16xf32> to vector<1x16xf32>
      tpu.vector_store %arg18[%swap3A_368, %swap3A_369], %swap3A_372 {strides = array<i32>} : memref<2x128xf32, #tpu.memory_space<vmem>>, vector<1x16xf32>,
      %get3A_373 = arith.constant 0 : i32
      %get3A_374 = arith.index_cast %get3A_373 : i32 to index
      %get3A_375 = arith.constant 64 : index
      %get3A_376 = tpu.vector_load %arg14[%get3A_374, %get3A_375] {strides = array<i32>} : memref<2x128xf32, #tpu.memory_space<vmem>>, vector<1x16xf32>,
      %get3A_377 = vector.shape_cast %get3A_376 : vector<1x16xf32> to vector<16xf32>
      %get3A_378 = arith.constant 0 : i32
      %get3A_379 = arith.index_cast %get3A_378 : i32 to index
      %get3A_380 = arith.constant 64 : index
      %get3A_381 = tpu.vector_load %arg15[%get3A_379, %get3A_380] {strides = array<i32>} : memref<2x128xf32, #tpu.memory_space<vmem>>, vector<1x16xf32>,
      %get3A_382 = vector.shape_cast %get3A_381 : vector<1x16xf32> to vector<16xf32>
      %add3A_383 = arith.addf %get3A_377, %get3A_382 : vector<16xf32>
      %ge3A_384 = arith.constant 0.000000e+00 : f32
      %ge3A_385 = vector.broadcast %ge3A_384 : f32 to vector<16xf32>
      %ge3A_386 = arith.cmpf oge, %add3A_383, %ge3A_385 : vector<16xf32>
      %mul3A_387 = arith.constant 2.000000e-01 : f32
      %mul3A_388 = vector.broadcast %mul3A_387 : f32 to vector<16xf32>
      %mul3A_389 = arith.mulf %add3A_383, %mul3A_388 : vector<16xf32>
      %select_n3A_390 = arith.select %ge3A_386, %add3A_383, %mul3A_389 : vector<16xi1>, vector<16xf32>
      %exp3A_391 = math.exp %select_n3A_390 : vector<16xf32>
      %swap3A_392 = arith.constant 0 : i32
      %swap3A_393 = arith.index_cast %swap3A_392 : i32 to index
      %swap3A_394 = arith.constant 64 : index
      %swap3A_395 = tpu.vector_load %arg16[%swap3A_393, %swap3A_394] {strides = array<i32>} : memref<2x128xf32, #tpu.memory_space<vmem>>, vector<1x16xf32>,
      %swap3A_396 = vector.shape_cast %swap3A_395 : vector<1x16xf32> to vector<16xf32>
      %swap3A_397 = vector.shape_cast %exp3A_391 : vector<16xf32> to vector<1x16xf32>
      tpu.vector_store %arg16[%swap3A_393, %swap3A_394], %swap3A_397 {strides = array<i32>} : memref<2x128xf32, #tpu.memory_space<vmem>>, vector<1x16xf32>,
      %get3A_398 = arith.constant 0 : i32
      %get3A_399 = arith.index_cast %get3A_398 : i32 to index
      %get3A_400 = arith.constant 64 : index
      %get3A_401 = tpu.vector_load %arg12[%get3A_399, %get3A_400] {strides = array<i32>} : memref<2x128xf32, #tpu.memory_space<vmem>>, vector<1x16xf32>,
      %get3A_402 = vector.shape_cast %get3A_401 : vector<1x16xf32> to vector<16xf32>
      %mul3A_403 = arith.mulf %exp3A_391, %get3A_402 : vector<16xf32>
      %swap3A_404 = arith.constant 0 : i32
      %swap3A_405 = arith.index_cast %swap3A_404 : i32 to index
      %swap3A_406 = arith.constant 64 : index
      %swap3A_407 = tpu.vector_load %arg17[%swap3A_405, %swap3A_406] {strides = array<i32>} : memref<2x128xf32, #tpu.memory_space<vmem>>, vector<1x16xf32>,
      %swap3A_408 = vector.shape_cast %swap3A_407 : vector<1x16xf32> to vector<16xf32>
      %swap3A_409 = vector.shape_cast %mul3A_403 : vector<16xf32> to vector<1x16xf32>
      tpu.vector_store %arg17[%swap3A_405, %swap3A_406], %swap3A_409 {strides = array<i32>} : memref<2x128xf32, #tpu.memory_space<vmem>>, vector<1x16xf32>,
      %get3A_410 = arith.constant 0 : i32
      %get3A_411 = arith.index_cast %get3A_410 : i32 to index
      %get3A_412 = arith.constant 64 : index
      %get3A_413 = tpu.vector_load %arg13[%get3A_411, %get3A_412] {strides = array<i32>} : memref<2x128xf32, #tpu.memory_space<vmem>>, vector<1x16xf32>,
      %get3A_414 = vector.shape_cast %get3A_413 : vector<1x16xf32> to vector<16xf32>
      %mul3A_415 = arith.mulf %exp3A_391, %get3A_414 : vector<16xf32>
      %swap3A_416 = arith.constant 0 : i32
      %swap3A_417 = arith.index_cast %swap3A_416 : i32 to index
      %swap3A_418 = arith.constant 64 : index
      %swap3A_419 = tpu.vector_load %arg18[%swap3A_417, %swap3A_418] {strides = array<i32>} : memref<2x128xf32, #tpu.memory_space<vmem>>, vector<1x16xf32>,
      %swap3A_420 = vector.shape_cast %swap3A_419 : vector<1x16xf32> to vector<16xf32>
      %swap3A_421 = vector.shape_cast %mul3A_415 : vector<16xf32> to vector<1x16xf32>
      tpu.vector_store %arg18[%swap3A_417, %swap3A_418], %swap3A_421 {strides = array<i32>} : memref<2x128xf32, #tpu.memory_space<vmem>>, vector<1x16xf32>,
      %get3A_422 = arith.constant 0 : i32
      %get3A_423 = arith.index_cast %get3A_422 : i32 to index
      %get3A_424 = arith.constant 80 : index
      %get3A_425 = tpu.vector_load %arg14[%get3A_423, %get3A_424] {strides = array<i32>} : memref<2x128xf32, #tpu.memory_space<vmem>>, vector<1x16xf32>,
      %get3A_426 = vector.shape_cast %get3A_425 : vector<1x16xf32> to vector<16xf32>
      %get3A_427 = arith.constant 0 : i32
      %get3A_428 = arith.index_cast %get3A_427 : i32 to index
      %get3A_429 = arith.constant 80 : index
      %get3A_430 = tpu.vector_load %arg15[%get3A_428, %get3A_429] {strides = array<i32>} : memref<2x128xf32, #tpu.memory_space<vmem>>, vector<1x16xf32>,
      %get3A_431 = vector.shape_cast %get3A_430 : vector<1x16xf32> to vector<16xf32>
      %add3A_432 = arith.addf %get3A_426, %get3A_431 : vector<16xf32>
      %ge3A_433 = arith.constant 0.000000e+00 : f32
      %ge3A_434 = vector.broadcast %ge3A_433 : f32 to vector<16xf32>
      %ge3A_435 = arith.cmpf oge, %add3A_432, %ge3A_434 : vector<16xf32>
      %mul3A_436 = arith.constant 2.000000e-01 : f32
      %mul3A_437 = vector.broadcast %mul3A_436 : f32 to vector<16xf32>
      %mul3A_438 = arith.mulf %add3A_432, %mul3A_437 : vector<16xf32>
      %select_n3A_439 = arith.select %ge3A_435, %add3A_432, %mul3A_438 : vector<16xi1>, vector<16xf32>
      %exp3A_440 = math.exp %select_n3A_439 : vector<16xf32>
      %swap3A_441 = arith.constant 0 : i32
      %swap3A_442 = arith.index_cast %swap3A_441 : i32 to index
      %swap3A_443 = arith.constant 80 : index
      %swap3A_444 = tpu.vector_load %arg16[%swap3A_442, %swap3A_443] {strides = array<i32>} : memref<2x128xf32, #tpu.memory_space<vmem>>, vector<1x16xf32>,
      %swap3A_445 = vector.shape_cast %swap3A_444 : vector<1x16xf32> to vector<16xf32>
      %swap3A_446 = vector.shape_cast %exp3A_440 : vector<16xf32> to vector<1x16xf32>
      tpu.vector_store %arg16[%swap3A_442, %swap3A_443], %swap3A_446 {strides = array<i32>} : memref<2x128xf32, #tpu.memory_space<vmem>>, vector<1x16xf32>,
      %get3A_447 = arith.constant 0 : i32
      %get3A_448 = arith.index_cast %get3A_447 : i32 to index
      %get3A_449 = arith.constant 80 : index
      %get3A_450 = tpu.vector_load %arg12[%get3A_448, %get3A_449] {strides = array<i32>} : memref<2x128xf32, #tpu.memory_space<vmem>>, vector<1x16xf32>,
      %get3A_451 = vector.shape_cast %get3A_450 : vector<1x16xf32> to vector<16xf32>
      %mul3A_452 = arith.mulf %exp3A_440, %get3A_451 : vector<16xf32>
      %swap3A_453 = arith.constant 0 : i32
      %swap3A_454 = arith.index_cast %swap3A_453 : i32 to index
      %swap3A_455 = arith.constant 80 : index
      %swap3A_456 = tpu.vector_load %arg17[%swap3A_454, %swap3A_455] {strides = array<i32>} : memref<2x128xf32, #tpu.memory_space<vmem>>, vector<1x16xf32>,
      %swap3A_457 = vector.shape_cast %swap3A_456 : vector<1x16xf32> to vector<16xf32>
      %swap3A_458 = vector.shape_cast %mul3A_452 : vector<16xf32> to vector<1x16xf32>
      tpu.vector_store %arg17[%swap3A_454, %swap3A_455], %swap3A_458 {strides = array<i32>} : memref<2x128xf32, #tpu.memory_space<vmem>>, vector<1x16xf32>,
      %get3A_459 = arith.constant 0 : i32
      %get3A_460 = arith.index_cast %get3A_459 : i32 to index
      %get3A_461 = arith.constant 80 : index
      %get3A_462 = tpu.vector_load %arg13[%get3A_460, %get3A_461] {strides = array<i32>} : memref<2x128xf32, #tpu.memory_space<vmem>>, vector<1x16xf32>,
      %get3A_463 = vector.shape_cast %get3A_462 : vector<1x16xf32> to vector<16xf32>
      %mul3A_464 = arith.mulf %exp3A_440, %get3A_463 : vector<16xf32>
      %swap3A_465 = arith.constant 0 : i32
      %swap3A_466 = arith.index_cast %swap3A_465 : i32 to index
      %swap3A_467 = arith.constant 80 : index
      %swap3A_468 = tpu.vector_load %arg18[%swap3A_466, %swap3A_467] {strides = array<i32>} : memref<2x128xf32, #tpu.memory_space<vmem>>, vector<1x16xf32>,
      %swap3A_469 = vector.shape_cast %swap3A_468 : vector<1x16xf32> to vector<16xf32>
      %swap3A_470 = vector.shape_cast %mul3A_464 : vector<16xf32> to vector<1x16xf32>
      tpu.vector_store %arg18[%swap3A_466, %swap3A_467], %swap3A_470 {strides = array<i32>} : memref<2x128xf32, #tpu.memory_space<vmem>>, vector<1x16xf32>,
      %get3A_471 = arith.constant 0 : i32
      %get3A_472 = arith.index_cast %get3A_471 : i32 to index
      %get3A_473 = arith.constant 96 : index
      %get3A_474 = tpu.vector_load %arg14[%get3A_472, %get3A_473] {strides = array<i32>} : memref<2x128xf32, #tpu.memory_space<vmem>>, vector<1x16xf32>,
      %get3A_475 = vector.shape_cast %get3A_474 : vector<1x16xf32> to vector<16xf32>
      %get3A_476 = arith.constant 0 : i32
      %get3A_477 = arith.index_cast %get3A_476 : i32 to index
      %get3A_478 = arith.constant 96 : index
      %get3A_479 = tpu.vector_load %arg15[%get3A_477, %get3A_478] {strides = array<i32>} : memref<2x128xf32, #tpu.memory_space<vmem>>, vector<1x16xf32>,
      %get3A_480 = vector.shape_cast %get3A_479 : vector<1x16xf32> to vector<16xf32>
      %add3A_481 = arith.addf %get3A_475, %get3A_480 : vector<16xf32>
      %ge3A_482 = arith.constant 0.000000e+00 : f32
      %ge3A_483 = vector.broadcast %ge3A_482 : f32 to vector<16xf32>
      %ge3A_484 = arith.cmpf oge, %add3A_481, %ge3A_483 : vector<16xf32>
      %mul3A_485 = arith.constant 2.000000e-01 : f32
      %mul3A_486 = vector.broadcast %mul3A_485 : f32 to vector<16xf32>
      %mul3A_487 = arith.mulf %add3A_481, %mul3A_486 : vector<16xf32>
      %select_n3A_488 = arith.select %ge3A_484, %add3A_481, %mul3A_487 : vector<16xi1>, vector<16xf32>
      %exp3A_489 = math.exp %select_n3A_488 : vector<16xf32>
      %swap3A_490 = arith.constant 0 : i32
      %swap3A_491 = arith.index_cast %swap3A_490 : i32 to index
      %swap3A_492 = arith.constant 96 : index
      %swap3A_493 = tpu.vector_load %arg16[%swap3A_491, %swap3A_492] {strides = array<i32>} : memref<2x128xf32, #tpu.memory_space<vmem>>, vector<1x16xf32>,
      %swap3A_494 = vector.shape_cast %swap3A_493 : vector<1x16xf32> to vector<16xf32>
      %swap3A_495 = vector.shape_cast %exp3A_489 : vector<16xf32> to vector<1x16xf32>
      tpu.vector_store %arg16[%swap3A_491, %swap3A_492], %swap3A_495 {strides = array<i32>} : memref<2x128xf32, #tpu.memory_space<vmem>>, vector<1x16xf32>,
      %get3A_496 = arith.constant 0 : i32
      %get3A_497 = arith.index_cast %get3A_496 : i32 to index
      %get3A_498 = arith.constant 96 : index
      %get3A_499 = tpu.vector_load %arg12[%get3A_497, %get3A_498] {strides = array<i32>} : memref<2x128xf32, #tpu.memory_space<vmem>>, vector<1x16xf32>,
      %get3A_500 = vector.shape_cast %get3A_499 : vector<1x16xf32> to vector<16xf32>
      %mul3A_501 = arith.mulf %exp3A_489, %get3A_500 : vector<16xf32>
      %swap3A_502 = arith.constant 0 : i32
      %swap3A_503 = arith.index_cast %swap3A_502 : i32 to index
      %swap3A_504 = arith.constant 96 : index
      %swap3A_505 = tpu.vector_load %arg17[%swap3A_503, %swap3A_504] {strides = array<i32>} : memref<2x128xf32, #tpu.memory_space<vmem>>, vector<1x16xf32>,
      %swap3A_506 = vector.shape_cast %swap3A_505 : vector<1x16xf32> to vector<16xf32>
      %swap3A_507 = vector.shape_cast %mul3A_501 : vector<16xf32> to vector<1x16xf32>
      tpu.vector_store %arg17[%swap3A_503, %swap3A_504], %swap3A_507 {strides = array<i32>} : memref<2x128xf32, #tpu.memory_space<vmem>>, vector<1x16xf32>,
      %get3A_508 = arith.constant 0 : i32
      %get3A_509 = arith.index_cast %get3A_508 : i32 to index
      %get3A_510 = arith.constant 96 : index
      %get3A_511 = tpu.vector_load %arg13[%get3A_509, %get3A_510] {strides = array<i32>} : memref<2x128xf32, #tpu.memory_space<vmem>>, vector<1x16xf32>,
      %get3A_512 = vector.shape_cast %get3A_511 : vector<1x16xf32> to vector<16xf32>
      %mul3A_513 = arith.mulf %exp3A_489, %get3A_512 : vector<16xf32>
      %swap3A_514 = arith.constant 0 : i32
      %swap3A_515 = arith.index_cast %swap3A_514 : i32 to index
      %swap3A_516 = arith.constant 96 : index
      %swap3A_517 = tpu.vector_load %arg18[%swap3A_515, %swap3A_516] {strides = array<i32>} : memref<2x128xf32, #tpu.memory_space<vmem>>, vector<1x16xf32>,
      %swap3A_518 = vector.shape_cast %swap3A_517 : vector<1x16xf32> to vector<16xf32>
      %swap3A_519 = vector.shape_cast %mul3A_513 : vector<16xf32> to vector<1x16xf32>
      tpu.vector_store %arg18[%swap3A_515, %swap3A_516], %swap3A_519 {strides = array<i32>} : memref<2x128xf32, #tpu.memory_space<vmem>>, vector<1x16xf32>,
      %get3A_520 = arith.constant 0 : i32
      %get3A_521 = arith.index_cast %get3A_520 : i32 to index
      %get3A_522 = arith.constant 112 : index
      %get3A_523 = tpu.vector_load %arg14[%get3A_521, %get3A_522] {strides = array<i32>} : memref<2x128xf32, #tpu.memory_space<vmem>>, vector<1x16xf32>,
      %get3A_524 = vector.shape_cast %get3A_523 : vector<1x16xf32> to vector<16xf32>
      %get3A_525 = arith.constant 0 : i32
      %get3A_526 = arith.index_cast %get3A_525 : i32 to index
      %get3A_527 = arith.constant 112 : index
      %get3A_528 = tpu.vector_load %arg15[%get3A_526, %get3A_527] {strides = array<i32>} : memref<2x128xf32, #tpu.memory_space<vmem>>, vector<1x16xf32>,
      %get3A_529 = vector.shape_cast %get3A_528 : vector<1x16xf32> to vector<16xf32>
      %add3A_530 = arith.addf %get3A_524, %get3A_529 : vector<16xf32>
      %ge3A_531 = arith.constant 0.000000e+00 : f32
      %ge3A_532 = vector.broadcast %ge3A_531 : f32 to vector<16xf32>
      %ge3A_533 = arith.cmpf oge, %add3A_530, %ge3A_532 : vector<16xf32>
      %mul3A_534 = arith.constant 2.000000e-01 : f32
      %mul3A_535 = vector.broadcast %mul3A_534 : f32 to vector<16xf32>
      %mul3A_536 = arith.mulf %add3A_530, %mul3A_535 : vector<16xf32>
      %select_n3A_537 = arith.select %ge3A_533, %add3A_530, %mul3A_536 : vector<16xi1>, vector<16xf32>
      %exp3A_538 = math.exp %select_n3A_537 : vector<16xf32>
      %swap3A_539 = arith.constant 0 : i32
      %swap3A_540 = arith.index_cast %swap3A_539 : i32 to index
      %swap3A_541 = arith.constant 112 : index
      %swap3A_542 = tpu.vector_load %arg16[%swap3A_540, %swap3A_541] {strides = array<i32>} : memref<2x128xf32, #tpu.memory_space<vmem>>, vector<1x16xf32>,
      %swap3A_543 = vector.shape_cast %swap3A_542 : vector<1x16xf32> to vector<16xf32>
      %swap3A_544 = vector.shape_cast %exp3A_538 : vector<16xf32> to vector<1x16xf32>
      tpu.vector_store %arg16[%swap3A_540, %swap3A_541], %swap3A_544 {strides = array<i32>} : memref<2x128xf32, #tpu.memory_space<vmem>>, vector<1x16xf32>,
      %get3A_545 = arith.constant 0 : i32
      %get3A_546 = arith.index_cast %get3A_545 : i32 to index
      %get3A_547 = arith.constant 112 : index
      %get3A_548 = tpu.vector_load %arg12[%get3A_546, %get3A_547] {strides = array<i32>} : memref<2x128xf32, #tpu.memory_space<vmem>>, vector<1x16xf32>,
      %get3A_549 = vector.shape_cast %get3A_548 : vector<1x16xf32> to vector<16xf32>
      %mul3A_550 = arith.mulf %exp3A_538, %get3A_549 : vector<16xf32>
      %swap3A_551 = arith.constant 0 : i32
      %swap3A_552 = arith.index_cast %swap3A_551 : i32 to index
      %swap3A_553 = arith.constant 112 : index
      %swap3A_554 = tpu.vector_load %arg17[%swap3A_552, %swap3A_553] {strides = array<i32>} : memref<2x128xf32, #tpu.memory_space<vmem>>, vector<1x16xf32>,
      %swap3A_555 = vector.shape_cast %swap3A_554 : vector<1x16xf32> to vector<16xf32>
      %swap3A_556 = vector.shape_cast %mul3A_550 : vector<16xf32> to vector<1x16xf32>
      tpu.vector_store %arg17[%swap3A_552, %swap3A_553], %swap3A_556 {strides = array<i32>} : memref<2x128xf32, #tpu.memory_space<vmem>>, vector<1x16xf32>,
      %get3A_557 = arith.constant 0 : i32
      %get3A_558 = arith.index_cast %get3A_557 : i32 to index
      %get3A_559 = arith.constant 112 : index
      %get3A_560 = tpu.vector_load %arg13[%get3A_558, %get3A_559] {strides = array<i32>} : memref<2x128xf32, #tpu.memory_space<vmem>>, vector<1x16xf32>,
      %get3A_561 = vector.shape_cast %get3A_560 : vector<1x16xf32> to vector<16xf32>
      %mul3A_562 = arith.mulf %exp3A_538, %get3A_561 : vector<16xf32>
      %swap3A_563 = arith.constant 0 : i32
      %swap3A_564 = arith.index_cast %swap3A_563 : i32 to index
      %swap3A_565 = arith.constant 112 : index
      %swap3A_566 = tpu.vector_load %arg18[%swap3A_564, %swap3A_565] {strides = array<i32>} : memref<2x128xf32, #tpu.memory_space<vmem>>, vector<1x16xf32>,
      %swap3A_567 = vector.shape_cast %swap3A_566 : vector<1x16xf32> to vector<16xf32>
      %swap3A_568 = vector.shape_cast %mul3A_562 : vector<16xf32> to vector<1x16xf32>
      tpu.vector_store %arg18[%swap3A_564, %swap3A_565], %swap3A_568 {strides = array<i32>} : memref<2x128xf32, #tpu.memory_space<vmem>>, vector<1x16xf32>,
      %get3A_569 = arith.constant 1 : i32
      %get3A_570 = arith.index_cast %get3A_569 : i32 to index
      %get3A_571 = arith.constant 0 : index
      %get3A_572 = tpu.vector_load %arg14[%get3A_570, %get3A_571] {strides = array<i32>} : memref<2x128xf32, #tpu.memory_space<vmem>>, vector<1x16xf32>,
      %get3A_573 = vector.shape_cast %get3A_572 : vector<1x16xf32> to vector<16xf32>
      %get3A_574 = arith.constant 1 : i32
      %get3A_575 = arith.index_cast %get3A_574 : i32 to index
      %get3A_576 = arith.constant 0 : index
      %get3A_577 = tpu.vector_load %arg15[%get3A_575, %get3A_576] {strides = array<i32>} : memref<2x128xf32, #tpu.memory_space<vmem>>, vector<1x16xf32>,
      %get3A_578 = vector.shape_cast %get3A_577 : vector<1x16xf32> to vector<16xf32>
      %add3A_579 = arith.addf %get3A_573, %get3A_578 : vector<16xf32>
      %ge3A_580 = arith.constant 0.000000e+00 : f32
      %ge3A_581 = vector.broadcast %ge3A_580 : f32 to vector<16xf32>
      %ge3A_582 = arith.cmpf oge, %add3A_579, %ge3A_581 : vector<16xf32>
      %mul3A_583 = arith.constant 2.000000e-01 : f32
      %mul3A_584 = vector.broadcast %mul3A_583 : f32 to vector<16xf32>
      %mul3A_585 = arith.mulf %add3A_579, %mul3A_584 : vector<16xf32>
      %select_n3A_586 = arith.select %ge3A_582, %add3A_579, %mul3A_585 : vector<16xi1>, vector<16xf32>
      %exp3A_587 = math.exp %select_n3A_586 : vector<16xf32>
      %swap3A_588 = arith.constant 1 : i32
      %swap3A_589 = arith.index_cast %swap3A_588 : i32 to index
      %swap3A_590 = arith.constant 0 : index
      %swap3A_591 = tpu.vector_load %arg16[%swap3A_589, %swap3A_590] {strides = array<i32>} : memref<2x128xf32, #tpu.memory_space<vmem>>, vector<1x16xf32>,
      %swap3A_592 = vector.shape_cast %swap3A_591 : vector<1x16xf32> to vector<16xf32>
      %swap3A_593 = vector.shape_cast %exp3A_587 : vector<16xf32> to vector<1x16xf32>
      tpu.vector_store %arg16[%swap3A_589, %swap3A_590], %swap3A_593 {strides = array<i32>} : memref<2x128xf32, #tpu.memory_space<vmem>>, vector<1x16xf32>,
      %get3A_594 = arith.constant 1 : i32
      %get3A_595 = arith.index_cast %get3A_594 : i32 to index
      %get3A_596 = arith.constant 0 : index
      %get3A_597 = tpu.vector_load %arg12[%get3A_595, %get3A_596] {strides = array<i32>} : memref<2x128xf32, #tpu.memory_space<vmem>>, vector<1x16xf32>,
      %get3A_598 = vector.shape_cast %get3A_597 : vector<1x16xf32> to vector<16xf32>
      %mul3A_599 = arith.mulf %exp3A_587, %get3A_598 : vector<16xf32>
      %swap3A_600 = arith.constant 1 : i32
      %swap3A_601 = arith.index_cast %swap3A_600 : i32 to index
      %swap3A_602 = arith.constant 0 : index
      %swap3A_603 = tpu.vector_load %arg17[%swap3A_601, %swap3A_602] {strides = array<i32>} : memref<2x128xf32, #tpu.memory_space<vmem>>, vector<1x16xf32>,
      %swap3A_604 = vector.shape_cast %swap3A_603 : vector<1x16xf32> to vector<16xf32>
      %swap3A_605 = vector.shape_cast %mul3A_599 : vector<16xf32> to vector<1x16xf32>
      tpu.vector_store %arg17[%swap3A_601, %swap3A_602], %swap3A_605 {strides = array<i32>} : memref<2x128xf32, #tpu.memory_space<vmem>>, vector<1x16xf32>,
      %get3A_606 = arith.constant 1 : i32
      %get3A_607 = arith.index_cast %get3A_606 : i32 to index
      %get3A_608 = arith.constant 0 : index
      %get3A_609 = tpu.vector_load %arg13[%get3A_607, %get3A_608] {strides = array<i32>} : memref<2x128xf32, #tpu.memory_space<vmem>>, vector<1x16xf32>,
      %get3A_610 = vector.shape_cast %get3A_609 : vector<1x16xf32> to vector<16xf32>
      %mul3A_611 = arith.mulf %exp3A_587, %get3A_610 : vector<16xf32>
      %swap3A_612 = arith.constant 1 : i32
      %swap3A_613 = arith.index_cast %swap3A_612 : i32 to index
      %swap3A_614 = arith.constant 0 : index
      %swap3A_615 = tpu.vector_load %arg18[%swap3A_613, %swap3A_614] {strides = array<i32>} : memref<2x128xf32, #tpu.memory_space<vmem>>, vector<1x16xf32>,
      %swap3A_616 = vector.shape_cast %swap3A_615 : vector<1x16xf32> to vector<16xf32>
      %swap3A_617 = vector.shape_cast %mul3A_611 : vector<16xf32> to vector<1x16xf32>
      tpu.vector_store %arg18[%swap3A_613, %swap3A_614], %swap3A_617 {strides = array<i32>} : memref<2x128xf32, #tpu.memory_space<vmem>>, vector<1x16xf32>,
      %get3A_618 = arith.constant 1 : i32
      %get3A_619 = arith.index_cast %get3A_618 : i32 to index
      %get3A_620 = arith.constant 16 : index
      %get3A_621 = tpu.vector_load %arg14[%get3A_619, %get3A_620] {strides = array<i32>} : memref<2x128xf32, #tpu.memory_space<vmem>>, vector<1x16xf32>,
      %get3A_622 = vector.shape_cast %get3A_621 : vector<1x16xf32> to vector<16xf32>
      %get3A_623 = arith.constant 1 : i32
      %get3A_624 = arith.index_cast %get3A_623 : i32 to index
      %get3A_625 = arith.constant 16 : index
      %get3A_626 = tpu.vector_load %arg15[%get3A_624, %get3A_625] {strides = array<i32>} : memref<2x128xf32, #tpu.memory_space<vmem>>, vector<1x16xf32>,
      %get3A_627 = vector.shape_cast %get3A_626 : vector<1x16xf32> to vector<16xf32>
      %add3A_628 = arith.addf %get3A_622, %get3A_627 : vector<16xf32>
      %ge3A_629 = arith.constant 0.000000e+00 : f32
      %ge3A_630 = vector.broadcast %ge3A_629 : f32 to vector<16xf32>
      %ge3A_631 = arith.cmpf oge, %add3A_628, %ge3A_630 : vector<16xf32>
      %mul3A_632 = arith.constant 2.000000e-01 : f32
      %mul3A_633 = vector.broadcast %mul3A_632 : f32 to vector<16xf32>
      %mul3A_634 = arith.mulf %add3A_628, %mul3A_633 : vector<16xf32>
      %select_n3A_635 = arith.select %ge3A_631, %add3A_628, %mul3A_634 : vector<16xi1>, vector<16xf32>
      %exp3A_636 = math.exp %select_n3A_635 : vector<16xf32>
      %swap3A_637 = arith.constant 1 : i32
      %swap3A_638 = arith.index_cast %swap3A_637 : i32 to index
      %swap3A_639 = arith.constant 16 : index
      %swap3A_640 = tpu.vector_load %arg16[%swap3A_638, %swap3A_639] {strides = array<i32>} : memref<2x128xf32, #tpu.memory_space<vmem>>, vector<1x16xf32>,
      %swap3A_641 = vector.shape_cast %swap3A_640 : vector<1x16xf32> to vector<16xf32>
      %swap3A_642 = vector.shape_cast %exp3A_636 : vector<16xf32> to vector<1x16xf32>
      tpu.vector_store %arg16[%swap3A_638, %swap3A_639], %swap3A_642 {strides = array<i32>} : memref<2x128xf32, #tpu.memory_space<vmem>>, vector<1x16xf32>,
      %get3A_643 = arith.constant 1 : i32
      %get3A_644 = arith.index_cast %get3A_643 : i32 to index
      %get3A_645 = arith.constant 16 : index
      %get3A_646 = tpu.vector_load %arg12[%get3A_644, %get3A_645] {strides = array<i32>} : memref<2x128xf32, #tpu.memory_space<vmem>>, vector<1x16xf32>,
      %get3A_647 = vector.shape_cast %get3A_646 : vector<1x16xf32> to vector<16xf32>
      %mul3A_648 = arith.mulf %exp3A_636, %get3A_647 : vector<16xf32>
      %swap3A_649 = arith.constant 1 : i32
      %swap3A_650 = arith.index_cast %swap3A_649 : i32 to index
      %swap3A_651 = arith.constant 16 : index
      %swap3A_652 = tpu.vector_load %arg17[%swap3A_650, %swap3A_651] {strides = array<i32>} : memref<2x128xf32, #tpu.memory_space<vmem>>, vector<1x16xf32>,
      %swap3A_653 = vector.shape_cast %swap3A_652 : vector<1x16xf32> to vector<16xf32>
      %swap3A_654 = vector.shape_cast %mul3A_648 : vector<16xf32> to vector<1x16xf32>
      tpu.vector_store %arg17[%swap3A_650, %swap3A_651], %swap3A_654 {strides = array<i32>} : memref<2x128xf32, #tpu.memory_space<vmem>>, vector<1x16xf32>,
      %get3A_655 = arith.constant 1 : i32
      %get3A_656 = arith.index_cast %get3A_655 : i32 to index
      %get3A_657 = arith.constant 16 : index
      %get3A_658 = tpu.vector_load %arg13[%get3A_656, %get3A_657] {strides = array<i32>} : memref<2x128xf32, #tpu.memory_space<vmem>>, vector<1x16xf32>,
      %get3A_659 = vector.shape_cast %get3A_658 : vector<1x16xf32> to vector<16xf32>
      %mul3A_660 = arith.mulf %exp3A_636, %get3A_659 : vector<16xf32>
      %swap3A_661 = arith.constant 1 : i32
      %swap3A_662 = arith.index_cast %swap3A_661 : i32 to index
      %swap3A_663 = arith.constant 16 : index
      %swap3A_664 = tpu.vector_load %arg18[%swap3A_662, %swap3A_663] {strides = array<i32>} : memref<2x128xf32, #tpu.memory_space<vmem>>, vector<1x16xf32>,
      %swap3A_665 = vector.shape_cast %swap3A_664 : vector<1x16xf32> to vector<16xf32>
      %swap3A_666 = vector.shape_cast %mul3A_660 : vector<16xf32> to vector<1x16xf32>
      tpu.vector_store %arg18[%swap3A_662, %swap3A_663], %swap3A_666 {strides = array<i32>} : memref<2x128xf32, #tpu.memory_space<vmem>>, vector<1x16xf32>,
      %get3A_667 = arith.constant 1 : i32
      %get3A_668 = arith.index_cast %get3A_667 : i32 to index
      %get3A_669 = arith.constant 32 : index
      %get3A_670 = tpu.vector_load %arg14[%get3A_668, %get3A_669] {strides = array<i32>} : memref<2x128xf32, #tpu.memory_space<vmem>>, vector<1x16xf32>,
      %get3A_671 = vector.shape_cast %get3A_670 : vector<1x16xf32> to vector<16xf32>
      %get3A_672 = arith.constant 1 : i32
      %get3A_673 = arith.index_cast %get3A_672 : i32 to index
      %get3A_674 = arith.constant 32 : index
      %get3A_675 = tpu.vector_load %arg15[%get3A_673, %get3A_674] {strides = array<i32>} : memref<2x128xf32, #tpu.memory_space<vmem>>, vector<1x16xf32>,
      %get3A_676 = vector.shape_cast %get3A_675 : vector<1x16xf32> to vector<16xf32>
      %add3A_677 = arith.addf %get3A_671, %get3A_676 : vector<16xf32>
      %ge3A_678 = arith.constant 0.000000e+00 : f32
      %ge3A_679 = vector.broadcast %ge3A_678 : f32 to vector<16xf32>
      %ge3A_680 = arith.cmpf oge, %add3A_677, %ge3A_679 : vector<16xf32>
      %mul3A_681 = arith.constant 2.000000e-01 : f32
      %mul3A_682 = vector.broadcast %mul3A_681 : f32 to vector<16xf32>
      %mul3A_683 = arith.mulf %add3A_677, %mul3A_682 : vector<16xf32>
      %select_n3A_684 = arith.select %ge3A_680, %add3A_677, %mul3A_683 : vector<16xi1>, vector<16xf32>
      %exp3A_685 = math.exp %select_n3A_684 : vector<16xf32>
      %swap3A_686 = arith.constant 1 : i32
      %swap3A_687 = arith.index_cast %swap3A_686 : i32 to index
      %swap3A_688 = arith.constant 32 : index
      %swap3A_689 = tpu.vector_load %arg16[%swap3A_687, %swap3A_688] {strides = array<i32>} : memref<2x128xf32, #tpu.memory_space<vmem>>, vector<1x16xf32>,
      %swap3A_690 = vector.shape_cast %swap3A_689 : vector<1x16xf32> to vector<16xf32>
      %swap3A_691 = vector.shape_cast %exp3A_685 : vector<16xf32> to vector<1x16xf32>
      tpu.vector_store %arg16[%swap3A_687, %swap3A_688], %swap3A_691 {strides = array<i32>} : memref<2x128xf32, #tpu.memory_space<vmem>>, vector<1x16xf32>,
      %get3A_692 = arith.constant 1 : i32
      %get3A_693 = arith.index_cast %get3A_692 : i32 to index
      %get3A_694 = arith.constant 32 : index
      %get3A_695 = tpu.vector_load %arg12[%get3A_693, %get3A_694] {strides = array<i32>} : memref<2x128xf32, #tpu.memory_space<vmem>>, vector<1x16xf32>,
      %get3A_696 = vector.shape_cast %get3A_695 : vector<1x16xf32> to vector<16xf32>
      %mul3A_697 = arith.mulf %exp3A_685, %get3A_696 : vector<16xf32>
      %swap3A_698 = arith.constant 1 : i32
      %swap3A_699 = arith.index_cast %swap3A_698 : i32 to index
      %swap3A_700 = arith.constant 32 : index
      %swap3A_701 = tpu.vector_load %arg17[%swap3A_699, %swap3A_700] {strides = array<i32>} : memref<2x128xf32, #tpu.memory_space<vmem>>, vector<1x16xf32>,
      %swap3A_702 = vector.shape_cast %swap3A_701 : vector<1x16xf32> to vector<16xf32>
      %swap3A_703 = vector.shape_cast %mul3A_697 : vector<16xf32> to vector<1x16xf32>
      tpu.vector_store %arg17[%swap3A_699, %swap3A_700], %swap3A_703 {strides = array<i32>} : memref<2x128xf32, #tpu.memory_space<vmem>>, vector<1x16xf32>,
      %get3A_704 = arith.constant 1 : i32
      %get3A_705 = arith.index_cast %get3A_704 : i32 to index
      %get3A_706 = arith.constant 32 : index
      %get3A_707 = tpu.vector_load %arg13[%get3A_705, %get3A_706] {strides = array<i32>} : memref<2x128xf32, #tpu.memory_space<vmem>>, vector<1x16xf32>,
      %get3A_708 = vector.shape_cast %get3A_707 : vector<1x16xf32> to vector<16xf32>
      %mul3A_709 = arith.mulf %exp3A_685, %get3A_708 : vector<16xf32>
      %swap3A_710 = arith.constant 1 : i32
      %swap3A_711 = arith.index_cast %swap3A_710 : i32 to index
      %swap3A_712 = arith.constant 32 : index
      %swap3A_713 = tpu.vector_load %arg18[%swap3A_711, %swap3A_712] {strides = array<i32>} : memref<2x128xf32, #tpu.memory_space<vmem>>, vector<1x16xf32>,
      %swap3A_714 = vector.shape_cast %swap3A_713 : vector<1x16xf32> to vector<16xf32>
      %swap3A_715 = vector.shape_cast %mul3A_709 : vector<16xf32> to vector<1x16xf32>
      tpu.vector_store %arg18[%swap3A_711, %swap3A_712], %swap3A_715 {strides = array<i32>} : memref<2x128xf32, #tpu.memory_space<vmem>>, vector<1x16xf32>,
      %get3A_716 = arith.constant 1 : i32
      %get3A_717 = arith.index_cast %get3A_716 : i32 to index
      %get3A_718 = arith.constant 48 : index
      %get3A_719 = tpu.vector_load %arg14[%get3A_717, %get3A_718] {strides = array<i32>} : memref<2x128xf32, #tpu.memory_space<vmem>>, vector<1x16xf32>,
      %get3A_720 = vector.shape_cast %get3A_719 : vector<1x16xf32> to vector<16xf32>
      %get3A_721 = arith.constant 1 : i32
      %get3A_722 = arith.index_cast %get3A_721 : i32 to index
      %get3A_723 = arith.constant 48 : index
      %get3A_724 = tpu.vector_load %arg15[%get3A_722, %get3A_723] {strides = array<i32>} : memref<2x128xf32, #tpu.memory_space<vmem>>, vector<1x16xf32>,
      %get3A_725 = vector.shape_cast %get3A_724 : vector<1x16xf32> to vector<16xf32>
      %add3A_726 = arith.addf %get3A_720, %get3A_725 : vector<16xf32>
      %ge3A_727 = arith.constant 0.000000e+00 : f32
      %ge3A_728 = vector.broadcast %ge3A_727 : f32 to vector<16xf32>
      %ge3A_729 = arith.cmpf oge, %add3A_726, %ge3A_728 : vector<16xf32>
      %mul3A_730 = arith.constant 2.000000e-01 : f32
      %mul3A_731 = vector.broadcast %mul3A_730 : f32 to vector<16xf32>
      %mul3A_732 = arith.mulf %add3A_726, %mul3A_731 : vector<16xf32>
      %select_n3A_733 = arith.select %ge3A_729, %add3A_726, %mul3A_732 : vector<16xi1>, vector<16xf32>
      %exp3A_734 = math.exp %select_n3A_733 : vector<16xf32>
      %swap3A_735 = arith.constant 1 : i32
      %swap3A_736 = arith.index_cast %swap3A_735 : i32 to index
      %swap3A_737 = arith.constant 48 : index
      %swap3A_738 = tpu.vector_load %arg16[%swap3A_736, %swap3A_737] {strides = array<i32>} : memref<2x128xf32, #tpu.memory_space<vmem>>, vector<1x16xf32>,
      %swap3A_739 = vector.shape_cast %swap3A_738 : vector<1x16xf32> to vector<16xf32>
      %swap3A_740 = vector.shape_cast %exp3A_734 : vector<16xf32> to vector<1x16xf32>
      tpu.vector_store %arg16[%swap3A_736, %swap3A_737], %swap3A_740 {strides = array<i32>} : memref<2x128xf32, #tpu.memory_space<vmem>>, vector<1x16xf32>,
      %get3A_741 = arith.constant 1 : i32
      %get3A_742 = arith.index_cast %get3A_741 : i32 to index
      %get3A_743 = arith.constant 48 : index
      %get3A_744 = tpu.vector_load %arg12[%get3A_742, %get3A_743] {strides = array<i32>} : memref<2x128xf32, #tpu.memory_space<vmem>>, vector<1x16xf32>,
      %get3A_745 = vector.shape_cast %get3A_744 : vector<1x16xf32> to vector<16xf32>
      %mul3A_746 = arith.mulf %exp3A_734, %get3A_745 : vector<16xf32>
      %swap3A_747 = arith.constant 1 : i32
      %swap3A_748 = arith.index_cast %swap3A_747 : i32 to index
      %swap3A_749 = arith.constant 48 : index
      %swap3A_750 = tpu.vector_load %arg17[%swap3A_748, %swap3A_749] {strides = array<i32>} : memref<2x128xf32, #tpu.memory_space<vmem>>, vector<1x16xf32>,
      %swap3A_751 = vector.shape_cast %swap3A_750 : vector<1x16xf32> to vector<16xf32>
      %swap3A_752 = vector.shape_cast %mul3A_746 : vector<16xf32> to vector<1x16xf32>
      tpu.vector_store %arg17[%swap3A_748, %swap3A_749], %swap3A_752 {strides = array<i32>} : memref<2x128xf32, #tpu.memory_space<vmem>>, vector<1x16xf32>,
      %get3A_753 = arith.constant 1 : i32
      %get3A_754 = arith.index_cast %get3A_753 : i32 to index
      %get3A_755 = arith.constant 48 : index
      %get3A_756 = tpu.vector_load %arg13[%get3A_754, %get3A_755] {strides = array<i32>} : memref<2x128xf32, #tpu.memory_space<vmem>>, vector<1x16xf32>,
      %get3A_757 = vector.shape_cast %get3A_756 : vector<1x16xf32> to vector<16xf32>
      %mul3A_758 = arith.mulf %exp3A_734, %get3A_757 : vector<16xf32>
      %swap3A_759 = arith.constant 1 : i32
      %swap3A_760 = arith.index_cast %swap3A_759 : i32 to index
      %swap3A_761 = arith.constant 48 : index
      %swap3A_762 = tpu.vector_load %arg18[%swap3A_760, %swap3A_761] {strides = array<i32>} : memref<2x128xf32, #tpu.memory_space<vmem>>, vector<1x16xf32>,
      %swap3A_763 = vector.shape_cast %swap3A_762 : vector<1x16xf32> to vector<16xf32>
      %swap3A_764 = vector.shape_cast %mul3A_758 : vector<16xf32> to vector<1x16xf32>
      tpu.vector_store %arg18[%swap3A_760, %swap3A_761], %swap3A_764 {strides = array<i32>} : memref<2x128xf32, #tpu.memory_space<vmem>>, vector<1x16xf32>,
      %get3A_765 = arith.constant 1 : i32
      %get3A_766 = arith.index_cast %get3A_765 : i32 to index
      %get3A_767 = arith.constant 64 : index
      %get3A_768 = tpu.vector_load %arg14[%get3A_766, %get3A_767] {strides = array<i32>} : memref<2x128xf32, #tpu.memory_space<vmem>>, vector<1x16xf32>,
      %get3A_769 = vector.shape_cast %get3A_768 : vector<1x16xf32> to vector<16xf32>
      %get3A_770 = arith.constant 1 : i32
      %get3A_771 = arith.index_cast %get3A_770 : i32 to index
      %get3A_772 = arith.constant 64 : index
      %get3A_773 = tpu.vector_load %arg15[%get3A_771, %get3A_772] {strides = array<i32>} : memref<2x128xf32, #tpu.memory_space<vmem>>, vector<1x16xf32>,
      %get3A_774 = vector.shape_cast %get3A_773 : vector<1x16xf32> to vector<16xf32>
      %add3A_775 = arith.addf %get3A_769, %get3A_774 : vector<16xf32>
      %ge3A_776 = arith.constant 0.000000e+00 : f32
      %ge3A_777 = vector.broadcast %ge3A_776 : f32 to vector<16xf32>
      %ge3A_778 = arith.cmpf oge, %add3A_775, %ge3A_777 : vector<16xf32>
      %mul3A_779 = arith.constant 2.000000e-01 : f32
      %mul3A_780 = vector.broadcast %mul3A_779 : f32 to vector<16xf32>
      %mul3A_781 = arith.mulf %add3A_775, %mul3A_780 : vector<16xf32>
      %select_n3A_782 = arith.select %ge3A_778, %add3A_775, %mul3A_781 : vector<16xi1>, vector<16xf32>
      %exp3A_783 = math.exp %select_n3A_782 : vector<16xf32>
      %swap3A_784 = arith.constant 1 : i32
      %swap3A_785 = arith.index_cast %swap3A_784 : i32 to index
      %swap3A_786 = arith.constant 64 : index
      %swap3A_787 = tpu.vector_load %arg16[%swap3A_785, %swap3A_786] {strides = array<i32>} : memref<2x128xf32, #tpu.memory_space<vmem>>, vector<1x16xf32>,
      %swap3A_788 = vector.shape_cast %swap3A_787 : vector<1x16xf32> to vector<16xf32>
      %swap3A_789 = vector.shape_cast %exp3A_783 : vector<16xf32> to vector<1x16xf32>
      tpu.vector_store %arg16[%swap3A_785, %swap3A_786], %swap3A_789 {strides = array<i32>} : memref<2x128xf32, #tpu.memory_space<vmem>>, vector<1x16xf32>,
      %get3A_790 = arith.constant 1 : i32
      %get3A_791 = arith.index_cast %get3A_790 : i32 to index
      %get3A_792 = arith.constant 64 : index
      %get3A_793 = tpu.vector_load %arg12[%get3A_791, %get3A_792] {strides = array<i32>} : memref<2x128xf32, #tpu.memory_space<vmem>>, vector<1x16xf32>,
      %get3A_794 = vector.shape_cast %get3A_793 : vector<1x16xf32> to vector<16xf32>
      %mul3A_795 = arith.mulf %exp3A_783, %get3A_794 : vector<16xf32>
      %swap3A_796 = arith.constant 1 : i32
      %swap3A_797 = arith.index_cast %swap3A_796 : i32 to index
      %swap3A_798 = arith.constant 64 : index
      %swap3A_799 = tpu.vector_load %arg17[%swap3A_797, %swap3A_798] {strides = array<i32>} : memref<2x128xf32, #tpu.memory_space<vmem>>, vector<1x16xf32>,
      %swap3A_800 = vector.shape_cast %swap3A_799 : vector<1x16xf32> to vector<16xf32>
      %swap3A_801 = vector.shape_cast %mul3A_795 : vector<16xf32> to vector<1x16xf32>
      tpu.vector_store %arg17[%swap3A_797, %swap3A_798], %swap3A_801 {strides = array<i32>} : memref<2x128xf32, #tpu.memory_space<vmem>>, vector<1x16xf32>,
      %get3A_802 = arith.constant 1 : i32
      %get3A_803 = arith.index_cast %get3A_802 : i32 to index
      %get3A_804 = arith.constant 64 : index
      %get3A_805 = tpu.vector_load %arg13[%get3A_803, %get3A_804] {strides = array<i32>} : memref<2x128xf32, #tpu.memory_space<vmem>>, vector<1x16xf32>,
      %get3A_806 = vector.shape_cast %get3A_805 : vector<1x16xf32> to vector<16xf32>
      %mul3A_807 = arith.mulf %exp3A_783, %get3A_806 : vector<16xf32>
      %swap3A_808 = arith.constant 1 : i32
      %swap3A_809 = arith.index_cast %swap3A_808 : i32 to index
      %swap3A_810 = arith.constant 64 : index
      %swap3A_811 = tpu.vector_load %arg18[%swap3A_809, %swap3A_810] {strides = array<i32>} : memref<2x128xf32, #tpu.memory_space<vmem>>, vector<1x16xf32>,
      %swap3A_812 = vector.shape_cast %swap3A_811 : vector<1x16xf32> to vector<16xf32>
      %swap3A_813 = vector.shape_cast %mul3A_807 : vector<16xf32> to vector<1x16xf32>
      tpu.vector_store %arg18[%swap3A_809, %swap3A_810], %swap3A_813 {strides = array<i32>} : memref<2x128xf32, #tpu.memory_space<vmem>>, vector<1x16xf32>,
      %get3A_814 = arith.constant 1 : i32
      %get3A_815 = arith.index_cast %get3A_814 : i32 to index
      %get3A_816 = arith.constant 80 : index
      %get3A_817 = tpu.vector_load %arg14[%get3A_815, %get3A_816] {strides = array<i32>} : memref<2x128xf32, #tpu.memory_space<vmem>>, vector<1x16xf32>,
      %get3A_818 = vector.shape_cast %get3A_817 : vector<1x16xf32> to vector<16xf32>
      %get3A_819 = arith.constant 1 : i32
      %get3A_820 = arith.index_cast %get3A_819 : i32 to index
      %get3A_821 = arith.constant 80 : index
      %get3A_822 = tpu.vector_load %arg15[%get3A_820, %get3A_821] {strides = array<i32>} : memref<2x128xf32, #tpu.memory_space<vmem>>, vector<1x16xf32>,
      %get3A_823 = vector.shape_cast %get3A_822 : vector<1x16xf32> to vector<16xf32>
      %add3A_824 = arith.addf %get3A_818, %get3A_823 : vector<16xf32>
      %ge3A_825 = arith.constant 0.000000e+00 : f32
      %ge3A_826 = vector.broadcast %ge3A_825 : f32 to vector<16xf32>
      %ge3A_827 = arith.cmpf oge, %add3A_824, %ge3A_826 : vector<16xf32>
      %mul3A_828 = arith.constant 2.000000e-01 : f32
      %mul3A_829 = vector.broadcast %mul3A_828 : f32 to vector<16xf32>
      %mul3A_830 = arith.mulf %add3A_824, %mul3A_829 : vector<16xf32>
      %select_n3A_831 = arith.select %ge3A_827, %add3A_824, %mul3A_830 : vector<16xi1>, vector<16xf32>
      %exp3A_832 = math.exp %select_n3A_831 : vector<16xf32>
      %swap3A_833 = arith.constant 1 : i32
      %swap3A_834 = arith.index_cast %swap3A_833 : i32 to index
      %swap3A_835 = arith.constant 80 : index
      %swap3A_836 = tpu.vector_load %arg16[%swap3A_834, %swap3A_835] {strides = array<i32>} : memref<2x128xf32, #tpu.memory_space<vmem>>, vector<1x16xf32>,
      %swap3A_837 = vector.shape_cast %swap3A_836 : vector<1x16xf32> to vector<16xf32>
      %swap3A_838 = vector.shape_cast %exp3A_832 : vector<16xf32> to vector<1x16xf32>
      tpu.vector_store %arg16[%swap3A_834, %swap3A_835], %swap3A_838 {strides = array<i32>} : memref<2x128xf32, #tpu.memory_space<vmem>>, vector<1x16xf32>,
      %get3A_839 = arith.constant 1 : i32
      %get3A_840 = arith.index_cast %get3A_839 : i32 to index
      %get3A_841 = arith.constant 80 : index
      %get3A_842 = tpu.vector_load %arg12[%get3A_840, %get3A_841] {strides = array<i32>} : memref<2x128xf32, #tpu.memory_space<vmem>>, vector<1x16xf32>,
      %get3A_843 = vector.shape_cast %get3A_842 : vector<1x16xf32> to vector<16xf32>
      %mul3A_844 = arith.mulf %exp3A_832, %get3A_843 : vector<16xf32>
      %swap3A_845 = arith.constant 1 : i32
      %swap3A_846 = arith.index_cast %swap3A_845 : i32 to index
      %swap3A_847 = arith.constant 80 : index
      %swap3A_848 = tpu.vector_load %arg17[%swap3A_846, %swap3A_847] {strides = array<i32>} : memref<2x128xf32, #tpu.memory_space<vmem>>, vector<1x16xf32>,
      %swap3A_849 = vector.shape_cast %swap3A_848 : vector<1x16xf32> to vector<16xf32>
      %swap3A_850 = vector.shape_cast %mul3A_844 : vector<16xf32> to vector<1x16xf32>
      tpu.vector_store %arg17[%swap3A_846, %swap3A_847], %swap3A_850 {strides = array<i32>} : memref<2x128xf32, #tpu.memory_space<vmem>>, vector<1x16xf32>,
      %get3A_851 = arith.constant 1 : i32
      %get3A_852 = arith.index_cast %get3A_851 : i32 to index
      %get3A_853 = arith.constant 80 : index
      %get3A_854 = tpu.vector_load %arg13[%get3A_852, %get3A_853] {strides = array<i32>} : memref<2x128xf32, #tpu.memory_space<vmem>>, vector<1x16xf32>,
      %get3A_855 = vector.shape_cast %get3A_854 : vector<1x16xf32> to vector<16xf32>
      %mul3A_856 = arith.mulf %exp3A_832, %get3A_855 : vector<16xf32>
      %swap3A_857 = arith.constant 1 : i32
      %swap3A_858 = arith.index_cast %swap3A_857 : i32 to index
      %swap3A_859 = arith.constant 80 : index
      %swap3A_860 = tpu.vector_load %arg18[%swap3A_858, %swap3A_859] {strides = array<i32>} : memref<2x128xf32, #tpu.memory_space<vmem>>, vector<1x16xf32>,
      %swap3A_861 = vector.shape_cast %swap3A_860 : vector<1x16xf32> to vector<16xf32>
      %swap3A_862 = vector.shape_cast %mul3A_856 : vector<16xf32> to vector<1x16xf32>
      tpu.vector_store %arg18[%swap3A_858, %swap3A_859], %swap3A_862 {strides = array<i32>} : memref<2x128xf32, #tpu.memory_space<vmem>>, vector<1x16xf32>,
      %get3A_863 = arith.constant 1 : i32
      %get3A_864 = arith.index_cast %get3A_863 : i32 to index
      %get3A_865 = arith.constant 96 : index
      %get3A_866 = tpu.vector_load %arg14[%get3A_864, %get3A_865] {strides = array<i32>} : memref<2x128xf32, #tpu.memory_space<vmem>>, vector<1x16xf32>,
      %get3A_867 = vector.shape_cast %get3A_866 : vector<1x16xf32> to vector<16xf32>
      %get3A_868 = arith.constant 1 : i32
      %get3A_869 = arith.index_cast %get3A_868 : i32 to index
      %get3A_870 = arith.constant 96 : index
      %get3A_871 = tpu.vector_load %arg15[%get3A_869, %get3A_870] {strides = array<i32>} : memref<2x128xf32, #tpu.memory_space<vmem>>, vector<1x16xf32>,
      %get3A_872 = vector.shape_cast %get3A_871 : vector<1x16xf32> to vector<16xf32>
      %add3A_873 = arith.addf %get3A_867, %get3A_872 : vector<16xf32>
      %ge3A_874 = arith.constant 0.000000e+00 : f32
      %ge3A_875 = vector.broadcast %ge3A_874 : f32 to vector<16xf32>
      %ge3A_876 = arith.cmpf oge, %add3A_873, %ge3A_875 : vector<16xf32>
      %mul3A_877 = arith.constant 2.000000e-01 : f32
      %mul3A_878 = vector.broadcast %mul3A_877 : f32 to vector<16xf32>
      %mul3A_879 = arith.mulf %add3A_873, %mul3A_878 : vector<16xf32>
      %select_n3A_880 = arith.select %ge3A_876, %add3A_873, %mul3A_879 : vector<16xi1>, vector<16xf32>
      %exp3A_881 = math.exp %select_n3A_880 : vector<16xf32>
      %swap3A_882 = arith.constant 1 : i32
      %swap3A_883 = arith.index_cast %swap3A_882 : i32 to index
      %swap3A_884 = arith.constant 96 : index
      %swap3A_885 = tpu.vector_load %arg16[%swap3A_883, %swap3A_884] {strides = array<i32>} : memref<2x128xf32, #tpu.memory_space<vmem>>, vector<1x16xf32>,
      %swap3A_886 = vector.shape_cast %swap3A_885 : vector<1x16xf32> to vector<16xf32>
      %swap3A_887 = vector.shape_cast %exp3A_881 : vector<16xf32> to vector<1x16xf32>
      tpu.vector_store %arg16[%swap3A_883, %swap3A_884], %swap3A_887 {strides = array<i32>} : memref<2x128xf32, #tpu.memory_space<vmem>>, vector<1x16xf32>,
      %get3A_888 = arith.constant 1 : i32
      %get3A_889 = arith.index_cast %get3A_888 : i32 to index
      %get3A_890 = arith.constant 96 : index
      %get3A_891 = tpu.vector_load %arg12[%get3A_889, %get3A_890] {strides = array<i32>} : memref<2x128xf32, #tpu.memory_space<vmem>>, vector<1x16xf32>,
      %get3A_892 = vector.shape_cast %get3A_891 : vector<1x16xf32> to vector<16xf32>
      %mul3A_893 = arith.mulf %exp3A_881, %get3A_892 : vector<16xf32>
      %swap3A_894 = arith.constant 1 : i32
      %swap3A_895 = arith.index_cast %swap3A_894 : i32 to index
      %swap3A_896 = arith.constant 96 : index
      %swap3A_897 = tpu.vector_load %arg17[%swap3A_895, %swap3A_896] {strides = array<i32>} : memref<2x128xf32, #tpu.memory_space<vmem>>, vector<1x16xf32>,
      %swap3A_898 = vector.shape_cast %swap3A_897 : vector<1x16xf32> to vector<16xf32>
      %swap3A_899 = vector.shape_cast %mul3A_893 : vector<16xf32> to vector<1x16xf32>
      tpu.vector_store %arg17[%swap3A_895, %swap3A_896], %swap3A_899 {strides = array<i32>} : memref<2x128xf32, #tpu.memory_space<vmem>>, vector<1x16xf32>,
      %get3A_900 = arith.constant 1 : i32
      %get3A_901 = arith.index_cast %get3A_900 : i32 to index
      %get3A_902 = arith.constant 96 : index
      %get3A_903 = tpu.vector_load %arg13[%get3A_901, %get3A_902] {strides = array<i32>} : memref<2x128xf32, #tpu.memory_space<vmem>>, vector<1x16xf32>,
      %get3A_904 = vector.shape_cast %get3A_903 : vector<1x16xf32> to vector<16xf32>
      %mul3A_905 = arith.mulf %exp3A_881, %get3A_904 : vector<16xf32>
      %swap3A_906 = arith.constant 1 : i32
      %swap3A_907 = arith.index_cast %swap3A_906 : i32 to index
      %swap3A_908 = arith.constant 96 : index
      %swap3A_909 = tpu.vector_load %arg18[%swap3A_907, %swap3A_908] {strides = array<i32>} : memref<2x128xf32, #tpu.memory_space<vmem>>, vector<1x16xf32>,
      %swap3A_910 = vector.shape_cast %swap3A_909 : vector<1x16xf32> to vector<16xf32>
      %swap3A_911 = vector.shape_cast %mul3A_905 : vector<16xf32> to vector<1x16xf32>
      tpu.vector_store %arg18[%swap3A_907, %swap3A_908], %swap3A_911 {strides = array<i32>} : memref<2x128xf32, #tpu.memory_space<vmem>>, vector<1x16xf32>,
      %get3A_912 = arith.constant 1 : i32
      %get3A_913 = arith.index_cast %get3A_912 : i32 to index
      %get3A_914 = arith.constant 112 : index
      %get3A_915 = tpu.vector_load %arg14[%get3A_913, %get3A_914] {strides = array<i32>} : memref<2x128xf32, #tpu.memory_space<vmem>>, vector<1x16xf32>,
      %get3A_916 = vector.shape_cast %get3A_915 : vector<1x16xf32> to vector<16xf32>
      %get3A_917 = arith.constant 1 : i32
      %get3A_918 = arith.index_cast %get3A_917 : i32 to index
      %get3A_919 = arith.constant 112 : index
      %get3A_920 = tpu.vector_load %arg15[%get3A_918, %get3A_919] {strides = array<i32>} : memref<2x128xf32, #tpu.memory_space<vmem>>, vector<1x16xf32>,
      %get3A_921 = vector.shape_cast %get3A_920 : vector<1x16xf32> to vector<16xf32>
      %add3A_922 = arith.addf %get3A_916, %get3A_921 : vector<16xf32>
      %ge3A_923 = arith.constant 0.000000e+00 : f32
      %ge3A_924 = vector.broadcast %ge3A_923 : f32 to vector<16xf32>
      %ge3A_925 = arith.cmpf oge, %add3A_922, %ge3A_924 : vector<16xf32>
      %mul3A_926 = arith.constant 2.000000e-01 : f32
      %mul3A_927 = vector.broadcast %mul3A_926 : f32 to vector<16xf32>
      %mul3A_928 = arith.mulf %add3A_922, %mul3A_927 : vector<16xf32>
      %select_n3A_929 = arith.select %ge3A_925, %add3A_922, %mul3A_928 : vector<16xi1>, vector<16xf32>
      %exp3A_930 = math.exp %select_n3A_929 : vector<16xf32>
      %swap3A_931 = arith.constant 1 : i32
      %swap3A_932 = arith.index_cast %swap3A_931 : i32 to index
      %swap3A_933 = arith.constant 112 : index
      %swap3A_934 = tpu.vector_load %arg16[%swap3A_932, %swap3A_933] {strides = array<i32>} : memref<2x128xf32, #tpu.memory_space<vmem>>, vector<1x16xf32>,
      %swap3A_935 = vector.shape_cast %swap3A_934 : vector<1x16xf32> to vector<16xf32>
      %swap3A_936 = vector.shape_cast %exp3A_930 : vector<16xf32> to vector<1x16xf32>
      tpu.vector_store %arg16[%swap3A_932, %swap3A_933], %swap3A_936 {strides = array<i32>} : memref<2x128xf32, #tpu.memory_space<vmem>>, vector<1x16xf32>,
      %get3A_937 = arith.constant 1 : i32
      %get3A_938 = arith.index_cast %get3A_937 : i32 to index
      %get3A_939 = arith.constant 112 : index
      %get3A_940 = tpu.vector_load %arg12[%get3A_938, %get3A_939] {strides = array<i32>} : memref<2x128xf32, #tpu.memory_space<vmem>>, vector<1x16xf32>,
      %get3A_941 = vector.shape_cast %get3A_940 : vector<1x16xf32> to vector<16xf32>
      %mul3A_942 = arith.mulf %exp3A_930, %get3A_941 : vector<16xf32>
      %swap3A_943 = arith.constant 1 : i32
      %swap3A_944 = arith.index_cast %swap3A_943 : i32 to index
      %swap3A_945 = arith.constant 112 : index
      %swap3A_946 = tpu.vector_load %arg17[%swap3A_944, %swap3A_945] {strides = array<i32>} : memref<2x128xf32, #tpu.memory_space<vmem>>, vector<1x16xf32>,
      %swap3A_947 = vector.shape_cast %swap3A_946 : vector<1x16xf32> to vector<16xf32>
      %swap3A_948 = vector.shape_cast %mul3A_942 : vector<16xf32> to vector<1x16xf32>
      tpu.vector_store %arg17[%swap3A_944, %swap3A_945], %swap3A_948 {strides = array<i32>} : memref<2x128xf32, #tpu.memory_space<vmem>>, vector<1x16xf32>,
      %get3A_949 = arith.constant 1 : i32
      %get3A_950 = arith.index_cast %get3A_949 : i32 to index
      %get3A_951 = arith.constant 112 : index
      %get3A_952 = tpu.vector_load %arg13[%get3A_950, %get3A_951] {strides = array<i32>} : memref<2x128xf32, #tpu.memory_space<vmem>>, vector<1x16xf32>,
      %get3A_953 = vector.shape_cast %get3A_952 : vector<1x16xf32> to vector<16xf32>
      %mul3A_954 = arith.mulf %exp3A_930, %get3A_953 : vector<16xf32>
      %swap3A_955 = arith.constant 1 : i32
      %swap3A_956 = arith.index_cast %swap3A_955 : i32 to index
      %swap3A_957 = arith.constant 112 : index
      %swap3A_958 = tpu.vector_load %arg18[%swap3A_956, %swap3A_957] {strides = array<i32>} : memref<2x128xf32, #tpu.memory_space<vmem>>, vector<1x16xf32>,
      %swap3A_959 = vector.shape_cast %swap3A_958 : vector<1x16xf32> to vector<16xf32>
      %swap3A_960 = vector.shape_cast %mul3A_954 : vector<16xf32> to vector<1x16xf32>
      tpu.vector_store %arg18[%swap3A_956, %swap3A_957], %swap3A_960 {strides = array<i32>} : memref<2x128xf32, #tpu.memory_space<vmem>>, vector<1x16xf32>,
      %dma_start3A_961 = arith.constant 0 : i32
      %dma_start3A_962 = arith.constant 0 : i32
      %dma_start3A_963 = arith.constant 0 : i32
      %dma_start3A_964 = tpu.memref_slice %arg16[%dma_start3A_961, %dma_start3A_963] : memref<2x128xf32, #tpu.memory_space<vmem>> -> memref<1x128xf32, #tpu.memory_space<vmem>>
      %dma_start3A_965 = tpu.memref_squeeze %dma_start3A_964 : memref<1x128xf32, #tpu.memory_space<vmem>> -> memref<128xf32, #tpu.memory_space<vmem>>
      %dma_start3A_966 = arith.constant 0 : i32
      %dma_start3A_967 = tpu.memref_slice %arg11[%dma_start3A_962, %dma_start3A_966] : memref<2x128xi32, #tpu.memory_space<vmem>> -> memref<1x128xi32, #tpu.memory_space<vmem>>
      %dma_start3A_968 = tpu.memref_squeeze %dma_start3A_967 : memref<1x128xi32, #tpu.memory_space<vmem>> -> memref<128xi32, #tpu.memory_space<vmem>>
      %dma_start3A_969 = arith.constant 0 : i32
      %dma_start3A_970 = tpu.memref_slice %arg19[%dma_start3A_969] : memref<100352xf32, #tpu.memory_space<vmem_shared>> -> memref<100352xf32, #tpu.memory_space<vmem_shared>>
      tpu.enqueue_indirect_dma source(%dma_start3A_965 : memref<128xf32, #tpu.memory_space<vmem>>) target(%dma_start3A_970 : memref<100352xf32, #tpu.memory_space<vmem_shared>>) offsets(%dma_start3A_968 : memref<128xi32, #tpu.memory_space<vmem>>) semaphore(%arg23 : memref<!tpu.dma_semaphore, #tpu.memory_space<semaphore_mem>>) {add = true}
      %dma_start3A_971 = arith.constant 0 : i32
      %dma_start3A_972 = arith.constant 0 : i32
      %dma_start3A_973 = arith.constant 0 : i32
      %dma_start3A_974 = tpu.memref_slice %arg17[%dma_start3A_971, %dma_start3A_973] : memref<2x128xf32, #tpu.memory_space<vmem>> -> memref<1x128xf32, #tpu.memory_space<vmem>>
      %dma_start3A_975 = tpu.memref_squeeze %dma_start3A_974 : memref<1x128xf32, #tpu.memory_space<vmem>> -> memref<128xf32, #tpu.memory_space<vmem>>
      %dma_start3A_976 = arith.constant 0 : i32
      %dma_start3A_977 = tpu.memref_slice %arg11[%dma_start3A_972, %dma_start3A_976] : memref<2x128xi32, #tpu.memory_space<vmem>> -> memref<1x128xi32, #tpu.memory_space<vmem>>
      %dma_start3A_978 = tpu.memref_squeeze %dma_start3A_977 : memref<1x128xi32, #tpu.memory_space<vmem>> -> memref<128xi32, #tpu.memory_space<vmem>>
      %dma_start3A_979 = arith.constant 0 : i32
      %dma_start3A_980 = tpu.memref_slice %arg20[%dma_start3A_979] : memref<100352xf32, #tpu.memory_space<vmem_shared>> -> memref<100352xf32, #tpu.memory_space<vmem_shared>>
      tpu.enqueue_indirect_dma source(%dma_start3A_975 : memref<128xf32, #tpu.memory_space<vmem>>) target(%dma_start3A_980 : memref<100352xf32, #tpu.memory_space<vmem_shared>>) offsets(%dma_start3A_978 : memref<128xi32, #tpu.memory_space<vmem>>) semaphore(%arg23 : memref<!tpu.dma_semaphore, #tpu.memory_space<semaphore_mem>>) {add = true}
      %dma_start3A_981 = arith.constant 0 : i32
      %dma_start3A_982 = arith.constant 0 : i32
      %dma_start3A_983 = arith.constant 0 : i32
      %dma_start3A_984 = tpu.memref_slice %arg18[%dma_start3A_981, %dma_start3A_983] : memref<2x128xf32, #tpu.memory_space<vmem>> -> memref<1x128xf32, #tpu.memory_space<vmem>>
      %dma_start3A_985 = tpu.memref_squeeze %dma_start3A_984 : memref<1x128xf32, #tpu.memory_space<vmem>> -> memref<128xf32, #tpu.memory_space<vmem>>
      %dma_start3A_986 = arith.constant 0 : i32
      %dma_start3A_987 = tpu.memref_slice %arg11[%dma_start3A_982, %dma_start3A_986] : memref<2x128xi32, #tpu.memory_space<vmem>> -> memref<1x128xi32, #tpu.memory_space<vmem>>
      %dma_start3A_988 = tpu.memref_squeeze %dma_start3A_987 : memref<1x128xi32, #tpu.memory_space<vmem>> -> memref<128xi32, #tpu.memory_space<vmem>>
      %dma_start3A_989 = arith.constant 0 : i32
      %dma_start3A_990 = tpu.memref_slice %arg21[%dma_start3A_989] : memref<100352xf32, #tpu.memory_space<vmem_shared>> -> memref<100352xf32, #tpu.memory_space<vmem_shared>>
      tpu.enqueue_indirect_dma source(%dma_start3A_985 : memref<128xf32, #tpu.memory_space<vmem>>) target(%dma_start3A_990 : memref<100352xf32, #tpu.memory_space<vmem_shared>>) offsets(%dma_start3A_988 : memref<128xi32, #tpu.memory_space<vmem>>) semaphore(%arg23 : memref<!tpu.dma_semaphore, #tpu.memory_space<semaphore_mem>>) {add = true}
      %dma_start3A_991 = arith.constant 1 : i32
      %dma_start3A_992 = arith.constant 1 : i32
      %dma_start3A_993 = arith.constant 0 : i32
      %dma_start3A_994 = tpu.memref_slice %arg16[%dma_start3A_991, %dma_start3A_993] : memref<2x128xf32, #tpu.memory_space<vmem>> -> memref<1x128xf32, #tpu.memory_space<vmem>>
      %dma_start3A_995 = tpu.memref_squeeze %dma_start3A_994 : memref<1x128xf32, #tpu.memory_space<vmem>> -> memref<128xf32, #tpu.memory_space<vmem>>
      %dma_start3A_996 = arith.constant 0 : i32
      %dma_start3A_997 = tpu.memref_slice %arg11[%dma_start3A_992, %dma_start3A_996] : memref<2x128xi32, #tpu.memory_space<vmem>> -> memref<1x128xi32, #tpu.memory_space<vmem>>
      %dma_start3A_998 = tpu.memref_squeeze %dma_start3A_997 : memref<1x128xi32, #tpu.memory_space<vmem>> -> memref<128xi32, #tpu.memory_space<vmem>>
      %dma_start3A_999 = arith.constant 0 : i32
      %dma_start3A_1000 = tpu.memref_slice %arg19[%dma_start3A_999] : memref<100352xf32, #tpu.memory_space<vmem_shared>> -> memref<100352xf32, #tpu.memory_space<vmem_shared>>
      tpu.enqueue_indirect_dma source(%dma_start3A_995 : memref<128xf32, #tpu.memory_space<vmem>>) target(%dma_start3A_1000 : memref<100352xf32, #tpu.memory_space<vmem_shared>>) offsets(%dma_start3A_998 : memref<128xi32, #tpu.memory_space<vmem>>) semaphore(%arg23 : memref<!tpu.dma_semaphore, #tpu.memory_space<semaphore_mem>>) {add = true}
      %dma_start3A_1001 = arith.constant 1 : i32
      %dma_start3A_1002 = arith.constant 1 : i32
      %dma_start3A_1003 = arith.constant 0 : i32
      %dma_start3A_1004 = tpu.memref_slice %arg17[%dma_start3A_1001, %dma_start3A_1003] : memref<2x128xf32, #tpu.memory_space<vmem>> -> memref<1x128xf32, #tpu.memory_space<vmem>>
      %dma_start3A_1005 = tpu.memref_squeeze %dma_start3A_1004 : memref<1x128xf32, #tpu.memory_space<vmem>> -> memref<128xf32, #tpu.memory_space<vmem>>
      %dma_start3A_1006 = arith.constant 0 : i32
      %dma_start3A_1007 = tpu.memref_slice %arg11[%dma_start3A_1002, %dma_start3A_1006] : memref<2x128xi32, #tpu.memory_space<vmem>> -> memref<1x128xi32, #tpu.memory_space<vmem>>
      %dma_start3A_1008 = tpu.memref_squeeze %dma_start3A_1007 : memref<1x128xi32, #tpu.memory_space<vmem>> -> memref<128xi32, #tpu.memory_space<vmem>>
      %dma_start3A_1009 = arith.constant 0 : i32
      %dma_start3A_1010 = tpu.memref_slice %arg20[%dma_start3A_1009] : memref<100352xf32, #tpu.memory_space<vmem_shared>> -> memref<100352xf32, #tpu.memory_space<vmem_shared>>
      tpu.enqueue_indirect_dma source(%dma_start3A_1005 : memref<128xf32, #tpu.memory_space<vmem>>) target(%dma_start3A_1010 : memref<100352xf32, #tpu.memory_space<vmem_shared>>) offsets(%dma_start3A_1008 : memref<128xi32, #tpu.memory_space<vmem>>) semaphore(%arg23 : memref<!tpu.dma_semaphore, #tpu.memory_space<semaphore_mem>>) {add = true}
      %dma_start3A_1011 = arith.constant 1 : i32
      %dma_start3A_1012 = arith.constant 1 : i32
      %dma_start3A_1013 = arith.constant 0 : i32
      %dma_start3A_1014 = tpu.memref_slice %arg18[%dma_start3A_1011, %dma_start3A_1013] : memref<2x128xf32, #tpu.memory_space<vmem>> -> memref<1x128xf32, #tpu.memory_space<vmem>>
      %dma_start3A_1015 = tpu.memref_squeeze %dma_start3A_1014 : memref<1x128xf32, #tpu.memory_space<vmem>> -> memref<128xf32, #tpu.memory_space<vmem>>
      %dma_start3A_1016 = arith.constant 0 : i32
      %dma_start3A_1017 = tpu.memref_slice %arg11[%dma_start3A_1012, %dma_start3A_1016] : memref<2x128xi32, #tpu.memory_space<vmem>> -> memref<1x128xi32, #tpu.memory_space<vmem>>
      %dma_start3A_1018 = tpu.memref_squeeze %dma_start3A_1017 : memref<1x128xi32, #tpu.memory_space<vmem>> -> memref<128xi32, #tpu.memory_space<vmem>>
      %dma_start3A_1019 = arith.constant 0 : i32
      %dma_start3A_1020 = tpu.memref_slice %arg21[%dma_start3A_1019] : memref<100352xf32, #tpu.memory_space<vmem_shared>> -> memref<100352xf32, #tpu.memory_space<vmem_shared>>
      tpu.enqueue_indirect_dma source(%dma_start3A_1015 : memref<128xf32, #tpu.memory_space<vmem>>) target(%dma_start3A_1020 : memref<100352xf32, #tpu.memory_space<vmem_shared>>) offsets(%dma_start3A_1018 : memref<128xi32, #tpu.memory_space<vmem>>) semaphore(%arg23 : memref<!tpu.dma_semaphore, #tpu.memory_space<semaphore_mem>>) {add = true}
      %dma_wait3A_1021 = arith.constant 0 : i32
      %dma_wait3A_1022 = arith.constant 0 : i32
      %dma_wait3A_1023 = arith.constant 0 : i32
      %dma_wait3A_1024 = tpu.memref_slice %arg16[%dma_wait3A_1021, %dma_wait3A_1023] : memref<2x128xf32, #tpu.memory_space<vmem>> -> memref<1x128xf32, #tpu.memory_space<vmem>>
      %dma_wait3A_1025 = tpu.memref_squeeze %dma_wait3A_1024 : memref<1x128xf32, #tpu.memory_space<vmem>> -> memref<128xf32, #tpu.memory_space<vmem>>
      %dma_wait3A_1026 = arith.constant 0 : i32
      %dma_wait3A_1027 = tpu.memref_slice %arg11[%dma_wait3A_1022, %dma_wait3A_1026] : memref<2x128xi32, #tpu.memory_space<vmem>> -> memref<1x128xi32, #tpu.memory_space<vmem>>
      %dma_wait3A_1028 = tpu.memref_squeeze %dma_wait3A_1027 : memref<1x128xi32, #tpu.memory_space<vmem>> -> memref<128xi32, #tpu.memory_space<vmem>>
      %dma_wait3A_1029 = arith.constant 0 : i32
      %dma_wait3A_1030 = tpu.memref_slice %arg19[%dma_wait3A_1029] : memref<100352xf32, #tpu.memory_space<vmem_shared>> -> memref<100352xf32, #tpu.memory_space<vmem_shared>>
      tpu.wait_indirect_dma semaphore(%arg23 : memref<!tpu.dma_semaphore, #tpu.memory_space<semaphore_mem>>) src(%dma_wait3A_1025 : memref<128xf32, #tpu.memory_space<vmem>>) dst(%dma_wait3A_1030 : memref<100352xf32, #tpu.memory_space<vmem_shared>>)
      %dma_wait3A_1031 = arith.constant 0 : i32
      %dma_wait3A_1032 = arith.constant 0 : i32
      %dma_wait3A_1033 = arith.constant 0 : i32
      %dma_wait3A_1034 = tpu.memref_slice %arg17[%dma_wait3A_1031, %dma_wait3A_1033] : memref<2x128xf32, #tpu.memory_space<vmem>> -> memref<1x128xf32, #tpu.memory_space<vmem>>
      %dma_wait3A_1035 = tpu.memref_squeeze %dma_wait3A_1034 : memref<1x128xf32, #tpu.memory_space<vmem>> -> memref<128xf32, #tpu.memory_space<vmem>>
      %dma_wait3A_1036 = arith.constant 0 : i32
      %dma_wait3A_1037 = tpu.memref_slice %arg11[%dma_wait3A_1032, %dma_wait3A_1036] : memref<2x128xi32, #tpu.memory_space<vmem>> -> memref<1x128xi32, #tpu.memory_space<vmem>>
      %dma_wait3A_1038 = tpu.memref_squeeze %dma_wait3A_1037 : memref<1x128xi32, #tpu.memory_space<vmem>> -> memref<128xi32, #tpu.memory_space<vmem>>
      %dma_wait3A_1039 = arith.constant 0 : i32
      %dma_wait3A_1040 = tpu.memref_slice %arg20[%dma_wait3A_1039] : memref<100352xf32, #tpu.memory_space<vmem_shared>> -> memref<100352xf32, #tpu.memory_space<vmem_shared>>
      tpu.wait_indirect_dma semaphore(%arg23 : memref<!tpu.dma_semaphore, #tpu.memory_space<semaphore_mem>>) src(%dma_wait3A_1035 : memref<128xf32, #tpu.memory_space<vmem>>) dst(%dma_wait3A_1040 : memref<100352xf32, #tpu.memory_space<vmem_shared>>)
      %dma_wait3A_1041 = arith.constant 0 : i32
      %dma_wait3A_1042 = arith.constant 0 : i32
      %dma_wait3A_1043 = arith.constant 0 : i32
      %dma_wait3A_1044 = tpu.memref_slice %arg18[%dma_wait3A_1041, %dma_wait3A_1043] : memref<2x128xf32, #tpu.memory_space<vmem>> -> memref<1x128xf32, #tpu.memory_space<vmem>>
      %dma_wait3A_1045 = tpu.memref_squeeze %dma_wait3A_1044 : memref<1x128xf32, #tpu.memory_space<vmem>> -> memref<128xf32, #tpu.memory_space<vmem>>
      %dma_wait3A_1046 = arith.constant 0 : i32
      %dma_wait3A_1047 = tpu.memref_slice %arg11[%dma_wait3A_1042, %dma_wait3A_1046] : memref<2x128xi32, #tpu.memory_space<vmem>> -> memref<1x128xi32, #tpu.memory_space<vmem>>
      %dma_wait3A_1048 = tpu.memref_squeeze %dma_wait3A_1047 : memref<1x128xi32, #tpu.memory_space<vmem>> -> memref<128xi32, #tpu.memory_space<vmem>>
      %dma_wait3A_1049 = arith.constant 0 : i32
      %dma_wait3A_1050 = tpu.memref_slice %arg21[%dma_wait3A_1049] : memref<100352xf32, #tpu.memory_space<vmem_shared>> -> memref<100352xf32, #tpu.memory_space<vmem_shared>>
      tpu.wait_indirect_dma semaphore(%arg23 : memref<!tpu.dma_semaphore, #tpu.memory_space<semaphore_mem>>) src(%dma_wait3A_1045 : memref<128xf32, #tpu.memory_space<vmem>>) dst(%dma_wait3A_1050 : memref<100352xf32, #tpu.memory_space<vmem_shared>>)
      %dma_wait3A_1051 = arith.constant 1 : i32
      %dma_wait3A_1052 = arith.constant 1 : i32
      %dma_wait3A_1053 = arith.constant 0 : i32
      %dma_wait3A_1054 = tpu.memref_slice %arg16[%dma_wait3A_1051, %dma_wait3A_1053] : memref<2x128xf32, #tpu.memory_space<vmem>> -> memref<1x128xf32, #tpu.memory_space<vmem>>
      %dma_wait3A_1055 = tpu.memref_squeeze %dma_wait3A_1054 : memref<1x128xf32, #tpu.memory_space<vmem>> -> memref<128xf32, #tpu.memory_space<vmem>>
      %dma_wait3A_1056 = arith.constant 0 : i32
      %dma_wait3A_1057 = tpu.memref_slice %arg11[%dma_wait3A_1052, %dma_wait3A_1056] : memref<2x128xi32, #tpu.memory_space<vmem>> -> memref<1x128xi32, #tpu.memory_space<vmem>>
      %dma_wait3A_1058 = tpu.memref_squeeze %dma_wait3A_1057 : memref<1x128xi32, #tpu.memory_space<vmem>> -> memref<128xi32, #tpu.memory_space<vmem>>
      %dma_wait3A_1059 = arith.constant 0 : i32
      %dma_wait3A_1060 = tpu.memref_slice %arg19[%dma_wait3A_1059] : memref<100352xf32, #tpu.memory_space<vmem_shared>> -> memref<100352xf32, #tpu.memory_space<vmem_shared>>
      tpu.wait_indirect_dma semaphore(%arg23 : memref<!tpu.dma_semaphore, #tpu.memory_space<semaphore_mem>>) src(%dma_wait3A_1055 : memref<128xf32, #tpu.memory_space<vmem>>) dst(%dma_wait3A_1060 : memref<100352xf32, #tpu.memory_space<vmem_shared>>)
      %dma_wait3A_1061 = arith.constant 1 : i32
      %dma_wait3A_1062 = arith.constant 1 : i32
      %dma_wait3A_1063 = arith.constant 0 : i32
      %dma_wait3A_1064 = tpu.memref_slice %arg17[%dma_wait3A_1061, %dma_wait3A_1063] : memref<2x128xf32, #tpu.memory_space<vmem>> -> memref<1x128xf32, #tpu.memory_space<vmem>>
      %dma_wait3A_1065 = tpu.memref_squeeze %dma_wait3A_1064 : memref<1x128xf32, #tpu.memory_space<vmem>> -> memref<128xf32, #tpu.memory_space<vmem>>
      %dma_wait3A_1066 = arith.constant 0 : i32
      %dma_wait3A_1067 = tpu.memref_slice %arg11[%dma_wait3A_1062, %dma_wait3A_1066] : memref<2x128xi32, #tpu.memory_space<vmem>> -> memref<1x128xi32, #tpu.memory_space<vmem>>
      %dma_wait3A_1068 = tpu.memref_squeeze %dma_wait3A_1067 : memref<1x128xi32, #tpu.memory_space<vmem>> -> memref<128xi32, #tpu.memory_space<vmem>>
      %dma_wait3A_1069 = arith.constant 0 : i32
      %dma_wait3A_1070 = tpu.memref_slice %arg20[%dma_wait3A_1069] : memref<100352xf32, #tpu.memory_space<vmem_shared>> -> memref<100352xf32, #tpu.memory_space<vmem_shared>>
      tpu.wait_indirect_dma semaphore(%arg23 : memref<!tpu.dma_semaphore, #tpu.memory_space<semaphore_mem>>) src(%dma_wait3A_1065 : memref<128xf32, #tpu.memory_space<vmem>>) dst(%dma_wait3A_1070 : memref<100352xf32, #tpu.memory_space<vmem_shared>>)
      %dma_wait3A_1071 = arith.constant 1 : i32
      %dma_wait3A_1072 = arith.constant 1 : i32
      %dma_wait3A_1073 = arith.constant 0 : i32
      %dma_wait3A_1074 = tpu.memref_slice %arg18[%dma_wait3A_1071, %dma_wait3A_1073] : memref<2x128xf32, #tpu.memory_space<vmem>> -> memref<1x128xf32, #tpu.memory_space<vmem>>
      %dma_wait3A_1075 = tpu.memref_squeeze %dma_wait3A_1074 : memref<1x128xf32, #tpu.memory_space<vmem>> -> memref<128xf32, #tpu.memory_space<vmem>>
      %dma_wait3A_1076 = arith.constant 0 : i32
      %dma_wait3A_1077 = tpu.memref_slice %arg11[%dma_wait3A_1072, %dma_wait3A_1076] : memref<2x128xi32, #tpu.memory_space<vmem>> -> memref<1x128xi32, #tpu.memory_space<vmem>>
      %dma_wait3A_1078 = tpu.memref_squeeze %dma_wait3A_1077 : memref<1x128xi32, #tpu.memory_space<vmem>> -> memref<128xi32, #tpu.memory_space<vmem>>
      %dma_wait3A_1079 = arith.constant 0 : i32
      %dma_wait3A_1080 = tpu.memref_slice %arg21[%dma_wait3A_1079] : memref<100352xf32, #tpu.memory_space<vmem_shared>> -> memref<100352xf32, #tpu.memory_space<vmem_shared>>
      tpu.wait_indirect_dma semaphore(%arg23 : memref<!tpu.dma_semaphore, #tpu.memory_space<semaphore_mem>>) src(%dma_wait3A_1075 : memref<128xf32, #tpu.memory_space<vmem>>) dst(%dma_wait3A_1080 : memref<100352xf32, #tpu.memory_space<vmem_shared>>)
    }
    %scan3A_9 = arith.constant 196 : i32
    %barrier3A_10 = arith.constant 0 : index
    tpu.barrier barrier_id(%barrier3A_10)
    %mul3A_11 = arith.constant 301056 : i32
    %mul3A_12 = arith.muli %arg0, %mul3A_11 : i32
    %mul3A_13 = arith.constant 6272 : i32
    %mul3A_14 = arith.muli %arg1, %mul3A_13 : i32
    %add3A_15 = arith.addi %mul3A_12, %mul3A_14 : i32
    "tpu.region"() ({
      %run_scoped3A = tpu.sem_alloc : memref<!tpu.dma_semaphore, #tpu.memory_space<semaphore_mem>>
      %dma_start3A = tpu.memref_slice %arg9[%add3A_15] : memref<602112xf32, #tpu.memory_space<hbm>> -> memref<6272xf32, #tpu.memory_space<hbm>>
      %dma_start3A_20 = tpu.memref_slice %arg19[%mul3A_2] : memref<100352xf32, #tpu.memory_space<vmem_shared>> -> memref<6272xf32, #tpu.memory_space<vmem_shared>>
      tpu.enqueue_dma source(%dma_start3A_20 : memref<6272xf32, #tpu.memory_space<vmem_shared>>) target(%dma_start3A : memref<6272xf32, #tpu.memory_space<hbm>>) target_semaphore(%run_scoped3A : memref<!tpu.dma_semaphore, #tpu.memory_space<semaphore_mem>>)
      %dma_wait3A = tpu.memref_slice %arg9[%add3A_15] : memref<602112xf32, #tpu.memory_space<hbm>> -> memref<6272xf32, #tpu.memory_space<hbm>>
      %dma_wait3A_21 = tpu.memref_slice %arg19[%mul3A_2] : memref<100352xf32, #tpu.memory_space<vmem_shared>> -> memref<6272xf32, #tpu.memory_space<vmem_shared>>
      tpu.wait_dma2 semaphore(%run_scoped3A : memref<!tpu.dma_semaphore, #tpu.memory_space<semaphore_mem>>) src(%dma_wait3A_21 : memref<6272xf32, #tpu.memory_space<vmem_shared>>) dst(%dma_wait3A : memref<6272xf32, #tpu.memory_space<hbm>>)
      tpu.yield
    }) : () -> ()
    %add3A_16 = arith.constant 100352 : i32
    %add3A_17 = arith.addi %add3A_15, %add3A_16 : i32
    "tpu.region"() ({
      %run_scoped3A = tpu.sem_alloc : memref<!tpu.dma_semaphore, #tpu.memory_space<semaphore_mem>>
      %dma_start3A = tpu.memref_slice %arg9[%add3A_17] : memref<602112xf32, #tpu.memory_space<hbm>> -> memref<6272xf32, #tpu.memory_space<hbm>>
      %dma_start3A_20 = tpu.memref_slice %arg20[%mul3A_2] : memref<100352xf32, #tpu.memory_space<vmem_shared>> -> memref<6272xf32, #tpu.memory_space<vmem_shared>>
      tpu.enqueue_dma source(%dma_start3A_20 : memref<6272xf32, #tpu.memory_space<vmem_shared>>) target(%dma_start3A : memref<6272xf32, #tpu.memory_space<hbm>>) target_semaphore(%run_scoped3A : memref<!tpu.dma_semaphore, #tpu.memory_space<semaphore_mem>>)
      %dma_wait3A = tpu.memref_slice %arg9[%add3A_17] : memref<602112xf32, #tpu.memory_space<hbm>> -> memref<6272xf32, #tpu.memory_space<hbm>>
      %dma_wait3A_21 = tpu.memref_slice %arg20[%mul3A_2] : memref<100352xf32, #tpu.memory_space<vmem_shared>> -> memref<6272xf32, #tpu.memory_space<vmem_shared>>
      tpu.wait_dma2 semaphore(%run_scoped3A : memref<!tpu.dma_semaphore, #tpu.memory_space<semaphore_mem>>) src(%dma_wait3A_21 : memref<6272xf32, #tpu.memory_space<vmem_shared>>) dst(%dma_wait3A : memref<6272xf32, #tpu.memory_space<hbm>>)
      tpu.yield
    }) : () -> ()
    %add3A_18 = arith.constant 200704 : i32
    %add3A_19 = arith.addi %add3A_15, %add3A_18 : i32
    "tpu.region"() ({
      %run_scoped3A = tpu.sem_alloc : memref<!tpu.dma_semaphore, #tpu.memory_space<semaphore_mem>>
      %dma_start3A = tpu.memref_slice %arg9[%add3A_19] : memref<602112xf32, #tpu.memory_space<hbm>> -> memref<6272xf32, #tpu.memory_space<hbm>>
      %dma_start3A_20 = tpu.memref_slice %arg21[%mul3A_2] : memref<100352xf32, #tpu.memory_space<vmem_shared>> -> memref<6272xf32, #tpu.memory_space<vmem_shared>>
      tpu.enqueue_dma source(%dma_start3A_20 : memref<6272xf32, #tpu.memory_space<vmem_shared>>) target(%dma_start3A : memref<6272xf32, #tpu.memory_space<hbm>>) target_semaphore(%run_scoped3A : memref<!tpu.dma_semaphore, #tpu.memory_space<semaphore_mem>>)
      %dma_wait3A = tpu.memref_slice %arg9[%add3A_19] : memref<602112xf32, #tpu.memory_space<hbm>> -> memref<6272xf32, #tpu.memory_space<hbm>>
      %dma_wait3A_21 = tpu.memref_slice %arg21[%mul3A_2] : memref<100352xf32, #tpu.memory_space<vmem_shared>> -> memref<6272xf32, #tpu.memory_space<vmem_shared>>
      tpu.wait_dma2 semaphore(%run_scoped3A : memref<!tpu.dma_semaphore, #tpu.memory_space<semaphore_mem>>) src(%dma_wait3A_21 : memref<6272xf32, #tpu.memory_space<vmem_shared>>) dst(%dma_wait3A : memref<6272xf32, #tpu.memory_space<hbm>>)
      tpu.yield
    }) : () -> ()
    return
  }
}

#map = affine_map<(d0, d1) -> (0, 0)>
#map1 = affine_map<(d0, d1) -> (0)>
module attributes {stable_mosaic.version = 14 : i64} {
  func.func @_edge_body(%arg0: i32, %arg1: i32, %arg2: memref<12544x128xi32, #tpu.memory_space<hbm>>, %arg3: memref<12544x128xi32, #tpu.memory_space<hbm>>, %arg4: memref<100000xf32, #tpu.memory_space<hbm>>, %arg5: memref<100000xf32, #tpu.memory_space<hbm>>, %arg6: memref<100000xf32, #tpu.memory_space<hbm>>, %arg7: memref<100016xf32, #tpu.memory_space<hbm>>, %arg8: memref<6272xf32, #tpu.memory_space<hbm>>, %arg9: memref<602112xf32, #tpu.memory_space<hbm>>, %arg10: memref<2x128xi32, #tpu.memory_space<vmem>>, %arg11: memref<2x128xi32, #tpu.memory_space<vmem>>, %arg12: memref<2x128xf32, #tpu.memory_space<vmem>>, %arg13: memref<2x128xf32, #tpu.memory_space<vmem>>, %arg14: memref<2x128xf32, #tpu.memory_space<vmem>>, %arg15: memref<2x128xf32, #tpu.memory_space<vmem>>, %arg16: memref<2x128xf32, #tpu.memory_space<vmem>>, %arg17: memref<2x128xf32, #tpu.memory_space<vmem>>, %arg18: memref<2x128xf32, #tpu.memory_space<vmem>>, %arg19: memref<100352xf32, #tpu.memory_space<vmem_shared>>, %arg20: memref<100352xf32, #tpu.memory_space<vmem_shared>>, %arg21: memref<100352xf32, #tpu.memory_space<vmem_shared>>, %arg22: memref<!tpu.dma_semaphore, #tpu.memory_space<semaphore_mem>>, %arg23: memref<!tpu.dma_semaphore, #tpu.memory_space<semaphore_mem>>) attributes {dimension_semantics = [#tpu.dimension_semantics<core_parallel>, #tpu.dimension_semantics<subcore_parallel>], iteration_bounds = array<i64: 2, 16>, scalar_prefetch = 0 : i64, scratch_operands = 14 : i64, tpu.core_type = #tpu.core_type<sc_vector_subcore>, window_params = [{transform_indices = #map}, {transform_indices = #map}, {transform_indices = #map1}, {transform_indices = #map1}, {transform_indices = #map1}, {transform_indices = #map1}, {transform_indices = #map1}, {transform_indices = #map1}]} {
    %mul3A = arith.constant 2 : i32
    %mul3A_0 = arith.muli %arg1, %mul3A : i32
    %add3A = arith.addi %mul3A_0, %arg0 : i32
    %mul3A_1 = arith.constant 6272 : i32
    %mul3A_2 = arith.muli %arg1, %mul3A_1 : i32
    "tpu.region"() ({
      %run_scoped3A = tpu.sem_alloc : memref<!tpu.dma_semaphore, #tpu.memory_space<semaphore_mem>>
      %dma_start3A = tpu.memref_slice %arg19[%mul3A_2] : memref<100352xf32, #tpu.memory_space<vmem_shared>> -> memref<6272xf32, #tpu.memory_space<vmem_shared>>
      tpu.enqueue_dma source(%arg8 : memref<6272xf32, #tpu.memory_space<hbm>>) target(%dma_start3A : memref<6272xf32, #tpu.memory_space<vmem_shared>>) target_semaphore(%run_scoped3A : memref<!tpu.dma_semaphore, #tpu.memory_space<semaphore_mem>>)
      %dma_wait3A = tpu.memref_slice %arg19[%mul3A_2] : memref<100352xf32, #tpu.memory_space<vmem_shared>> -> memref<6272xf32, #tpu.memory_space<vmem_shared>>
      tpu.wait_dma2 semaphore(%run_scoped3A : memref<!tpu.dma_semaphore, #tpu.memory_space<semaphore_mem>>) src(%arg8 : memref<6272xf32, #tpu.memory_space<hbm>>) dst(%dma_wait3A : memref<6272xf32, #tpu.memory_space<vmem_shared>>)
      tpu.yield
    }) : () -> ()
    "tpu.region"() ({
      %run_scoped3A = tpu.sem_alloc : memref<!tpu.dma_semaphore, #tpu.memory_space<semaphore_mem>>
      %dma_start3A = tpu.memref_slice %arg20[%mul3A_2] : memref<100352xf32, #tpu.memory_space<vmem_shared>> -> memref<6272xf32, #tpu.memory_space<vmem_shared>>
      tpu.enqueue_dma source(%arg8 : memref<6272xf32, #tpu.memory_space<hbm>>) target(%dma_start3A : memref<6272xf32, #tpu.memory_space<vmem_shared>>) target_semaphore(%run_scoped3A : memref<!tpu.dma_semaphore, #tpu.memory_space<semaphore_mem>>)
      %dma_wait3A = tpu.memref_slice %arg20[%mul3A_2] : memref<100352xf32, #tpu.memory_space<vmem_shared>> -> memref<6272xf32, #tpu.memory_space<vmem_shared>>
      tpu.wait_dma2 semaphore(%run_scoped3A : memref<!tpu.dma_semaphore, #tpu.memory_space<semaphore_mem>>) src(%arg8 : memref<6272xf32, #tpu.memory_space<hbm>>) dst(%dma_wait3A : memref<6272xf32, #tpu.memory_space<vmem_shared>>)
      tpu.yield
    }) : () -> ()
    "tpu.region"() ({
      %run_scoped3A = tpu.sem_alloc : memref<!tpu.dma_semaphore, #tpu.memory_space<semaphore_mem>>
      %dma_start3A = tpu.memref_slice %arg21[%mul3A_2] : memref<100352xf32, #tpu.memory_space<vmem_shared>> -> memref<6272xf32, #tpu.memory_space<vmem_shared>>
      tpu.enqueue_dma source(%arg8 : memref<6272xf32, #tpu.memory_space<hbm>>) target(%dma_start3A : memref<6272xf32, #tpu.memory_space<vmem_shared>>) target_semaphore(%run_scoped3A : memref<!tpu.dma_semaphore, #tpu.memory_space<semaphore_mem>>)
      %dma_wait3A = tpu.memref_slice %arg21[%mul3A_2] : memref<100352xf32, #tpu.memory_space<vmem_shared>> -> memref<6272xf32, #tpu.memory_space<vmem_shared>>
      tpu.wait_dma2 semaphore(%run_scoped3A : memref<!tpu.dma_semaphore, #tpu.memory_space<semaphore_mem>>) src(%arg8 : memref<6272xf32, #tpu.memory_space<hbm>>) dst(%dma_wait3A : memref<6272xf32, #tpu.memory_space<vmem_shared>>)
      tpu.yield
    }) : () -> ()
    %barrier3A = arith.constant 0 : index
    tpu.barrier barrier_id(%barrier3A)
    %mul3A_3 = arith.constant 392 : i32
    %mul3A_4 = arith.muli %add3A, %mul3A_3 : i32
    %scan3A = arith.constant 0 : i32
    %scan3A_5 = arith.constant 0 : i32
    %scan3A_6 = arith.constant 196 : i32
    %scan3A_7 = arith.addi %scan3A_5, %scan3A_6 : i32
    %scan3A_8 = arith.constant 1 : i32
    scf.for %scan3A_20 = %scan3A_5 to %scan3A_7 step %scan3A_8  : i32 {
      %mul3A_21 = arith.constant 2 : i32
      %mul3A_22 = arith.muli %scan3A_20, %mul3A_21 : i32
      %add3A_23 = arith.addi %mul3A_4, %mul3A_22 : i32
      "tpu.region"() ({
        %run_scoped3A = tpu.sem_alloc : memref<!tpu.dma_semaphore, #tpu.memory_space<semaphore_mem>>
        %dma_start3A_1081 = arith.constant 0 : i32
        %dma_start3A_1082 = tpu.memref_slice %arg2[%add3A_23, %dma_start3A_1081] : memref<12544x128xi32, #tpu.memory_space<hbm>> -> memref<2x128xi32, #tpu.memory_space<hbm>>
        %dma_start3A_1083 = arith.constant 0 : i32
        %dma_start3A_1084 = tpu.memref_slice %arg2[%add3A_23, %dma_start3A_1083] : memref<12544x128xi32, #tpu.memory_space<hbm>> -> memref<2x128xi32, #tpu.memory_space<hbm>>
        tpu.enqueue_dma source(%dma_start3A_1084 : memref<2x128xi32, #tpu.memory_space<hbm>>) target(%arg10 : memref<2x128xi32, #tpu.memory_space<vmem>>) target_semaphore(%run_scoped3A : memref<!tpu.dma_semaphore, #tpu.memory_space<semaphore_mem>>)
        %dma_wait3A_1085 = arith.constant 0 : i32
        %dma_wait3A_1086 = tpu.memref_slice %arg2[%add3A_23, %dma_wait3A_1085] : memref<12544x128xi32, #tpu.memory_space<hbm>> -> memref<2x128xi32, #tpu.memory_space<hbm>>
        %dma_wait3A_1087 = arith.constant 0 : i32
        %dma_wait3A_1088 = tpu.memref_slice %arg2[%add3A_23, %dma_wait3A_1087] : memref<12544x128xi32, #tpu.memory_space<hbm>> -> memref<2x128xi32, #tpu.memory_space<hbm>>
        tpu.wait_dma2 semaphore(%run_scoped3A : memref<!tpu.dma_semaphore, #tpu.memory_space<semaphore_mem>>) src(%dma_wait3A_1088 : memref<2x128xi32, #tpu.memory_space<hbm>>) dst(%arg10 : memref<2x128xi32, #tpu.memory_space<vmem>>)
        tpu.yield
      }) : () -> ()
      "tpu.region"() ({
        %run_scoped3A = tpu.sem_alloc : memref<!tpu.dma_semaphore, #tpu.memory_space<semaphore_mem>>
        %dma_start3A_1081 = arith.constant 0 : i32
        %dma_start3A_1082 = tpu.memref_slice %arg3[%add3A_23, %dma_start3A_1081] : memref<12544x128xi32, #tpu.memory_space<hbm>> -> memref<2x128xi32, #tpu.memory_space<hbm>>
        %dma_start3A_1083 = arith.constant 0 : i32
        %dma_start3A_1084 = tpu.memref_slice %arg3[%add3A_23, %dma_start3A_1083] : memref<12544x128xi32, #tpu.memory_space<hbm>> -> memref<2x128xi32, #tpu.memory_space<hbm>>
        tpu.enqueue_dma source(%dma_start3A_1084 : memref<2x128xi32, #tpu.memory_space<hbm>>) target(%arg11 : memref<2x128xi32, #tpu.memory_space<vmem>>) target_semaphore(%run_scoped3A : memref<!tpu.dma_semaphore, #tpu.memory_space<semaphore_mem>>)
        %dma_wait3A_1085 = arith.constant 0 : i32
        %dma_wait3A_1086 = tpu.memref_slice %arg3[%add3A_23, %dma_wait3A_1085] : memref<12544x128xi32, #tpu.memory_space<hbm>> -> memref<2x128xi32, #tpu.memory_space<hbm>>
        %dma_wait3A_1087 = arith.constant 0 : i32
        %dma_wait3A_1088 = tpu.memref_slice %arg3[%add3A_23, %dma_wait3A_1087] : memref<12544x128xi32, #tpu.memory_space<hbm>> -> memref<2x128xi32, #tpu.memory_space<hbm>>
        tpu.wait_dma2 semaphore(%run_scoped3A : memref<!tpu.dma_semaphore, #tpu.memory_space<semaphore_mem>>) src(%dma_wait3A_1088 : memref<2x128xi32, #tpu.memory_space<hbm>>) dst(%arg11 : memref<2x128xi32, #tpu.memory_space<vmem>>)
        tpu.yield
      }) : () -> ()
      %dma_start3A = arith.constant 0 : i32
      %dma_start3A_24 = arith.constant 0 : i32
      %dma_start3A_25 = arith.constant 0 : i32
      %dma_start3A_26 = tpu.memref_slice %arg12[%dma_start3A_24, %dma_start3A_25] : memref<2x128xf32, #tpu.memory_space<vmem>> -> memref<1x128xf32, #tpu.memory_space<vmem>>
      %dma_start3A_27 = tpu.memref_squeeze %dma_start3A_26 : memref<1x128xf32, #tpu.memory_space<vmem>> -> memref<128xf32, #tpu.memory_space<vmem>>
      %dma_start3A_28 = arith.constant 0 : i32
      %dma_start3A_29 = tpu.memref_slice %arg10[%dma_start3A, %dma_start3A_28] : memref<2x128xi32, #tpu.memory_space<vmem>> -> memref<1x128xi32, #tpu.memory_space<vmem>>
      %dma_start3A_30 = tpu.memref_squeeze %dma_start3A_29 : memref<1x128xi32, #tpu.memory_space<vmem>> -> memref<128xi32, #tpu.memory_space<vmem>>
      %dma_start3A_31 = arith.constant 0 : i32
      %dma_start3A_32 = tpu.memref_slice %arg4[%dma_start3A_31] : memref<100000xf32, #tpu.memory_space<hbm>> -> memref<100000xf32, #tpu.memory_space<hbm>>
      tpu.enqueue_indirect_dma source(%dma_start3A_32 : memref<100000xf32, #tpu.memory_space<hbm>>) target(%dma_start3A_27 : memref<128xf32, #tpu.memory_space<vmem>>) offsets(%dma_start3A_30 : memref<128xi32, #tpu.memory_space<vmem>>) semaphore(%arg22 : memref<!tpu.dma_semaphore, #tpu.memory_space<semaphore_mem>>)
      %dma_start3A_33 = arith.constant 0 : i32
      %dma_start3A_34 = arith.constant 0 : i32
      %dma_start3A_35 = arith.constant 0 : i32
      %dma_start3A_36 = tpu.memref_slice %arg13[%dma_start3A_34, %dma_start3A_35] : memref<2x128xf32, #tpu.memory_space<vmem>> -> memref<1x128xf32, #tpu.memory_space<vmem>>
      %dma_start3A_37 = tpu.memref_squeeze %dma_start3A_36 : memref<1x128xf32, #tpu.memory_space<vmem>> -> memref<128xf32, #tpu.memory_space<vmem>>
      %dma_start3A_38 = arith.constant 0 : i32
      %dma_start3A_39 = tpu.memref_slice %arg10[%dma_start3A_33, %dma_start3A_38] : memref<2x128xi32, #tpu.memory_space<vmem>> -> memref<1x128xi32, #tpu.memory_space<vmem>>
      %dma_start3A_40 = tpu.memref_squeeze %dma_start3A_39 : memref<1x128xi32, #tpu.memory_space<vmem>> -> memref<128xi32, #tpu.memory_space<vmem>>
      %dma_start3A_41 = arith.constant 0 : i32
      %dma_start3A_42 = tpu.memref_slice %arg5[%dma_start3A_41] : memref<100000xf32, #tpu.memory_space<hbm>> -> memref<100000xf32, #tpu.memory_space<hbm>>
      tpu.enqueue_indirect_dma source(%dma_start3A_42 : memref<100000xf32, #tpu.memory_space<hbm>>) target(%dma_start3A_37 : memref<128xf32, #tpu.memory_space<vmem>>) offsets(%dma_start3A_40 : memref<128xi32, #tpu.memory_space<vmem>>) semaphore(%arg22 : memref<!tpu.dma_semaphore, #tpu.memory_space<semaphore_mem>>)
      %dma_start3A_43 = arith.constant 0 : i32
      %dma_start3A_44 = arith.constant 0 : i32
      %dma_start3A_45 = arith.constant 0 : i32
      %dma_start3A_46 = tpu.memref_slice %arg14[%dma_start3A_44, %dma_start3A_45] : memref<2x128xf32, #tpu.memory_space<vmem>> -> memref<1x128xf32, #tpu.memory_space<vmem>>
      %dma_start3A_47 = tpu.memref_squeeze %dma_start3A_46 : memref<1x128xf32, #tpu.memory_space<vmem>> -> memref<128xf32, #tpu.memory_space<vmem>>
      %dma_start3A_48 = arith.constant 0 : i32
      %dma_start3A_49 = tpu.memref_slice %arg10[%dma_start3A_43, %dma_start3A_48] : memref<2x128xi32, #tpu.memory_space<vmem>> -> memref<1x128xi32, #tpu.memory_space<vmem>>
      %dma_start3A_50 = tpu.memref_squeeze %dma_start3A_49 : memref<1x128xi32, #tpu.memory_space<vmem>> -> memref<128xi32, #tpu.memory_space<vmem>>
      %dma_start3A_51 = arith.constant 0 : i32
      %dma_start3A_52 = tpu.memref_slice %arg6[%dma_start3A_51] : memref<100000xf32, #tpu.memory_space<hbm>> -> memref<100000xf32, #tpu.memory_space<hbm>>
      tpu.enqueue_indirect_dma source(%dma_start3A_52 : memref<100000xf32, #tpu.memory_space<hbm>>) target(%dma_start3A_47 : memref<128xf32, #tpu.memory_space<vmem>>) offsets(%dma_start3A_50 : memref<128xi32, #tpu.memory_space<vmem>>) semaphore(%arg22 : memref<!tpu.dma_semaphore, #tpu.memory_space<semaphore_mem>>)
      %dma_start3A_53 = arith.constant 0 : i32
      %dma_start3A_54 = arith.constant 0 : i32
      %dma_start3A_55 = arith.constant 0 : i32
      %dma_start3A_56 = tpu.memref_slice %arg15[%dma_start3A_54, %dma_start3A_55] : memref<2x128xf32, #tpu.memory_space<vmem>> -> memref<1x128xf32, #tpu.memory_space<vmem>>
      %dma_start3A_57 = tpu.memref_squeeze %dma_start3A_56 : memref<1x128xf32, #tpu.memory_space<vmem>> -> memref<128xf32, #tpu.memory_space<vmem>>
      %dma_start3A_58 = arith.constant 0 : i32
      %dma_start3A_59 = tpu.memref_slice %arg11[%dma_start3A_53, %dma_start3A_58] : memref<2x128xi32, #tpu.memory_space<vmem>> -> memref<1x128xi32, #tpu.memory_space<vmem>>
      %dma_start3A_60 = tpu.memref_squeeze %dma_start3A_59 : memref<1x128xi32, #tpu.memory_space<vmem>> -> memref<128xi32, #tpu.memory_space<vmem>>
      %dma_start3A_61 = arith.constant 0 : i32
      %dma_start3A_62 = tpu.memref_slice %arg7[%dma_start3A_61] : memref<100016xf32, #tpu.memory_space<hbm>> -> memref<100016xf32, #tpu.memory_space<hbm>>
      tpu.enqueue_indirect_dma source(%dma_start3A_62 : memref<100016xf32, #tpu.memory_space<hbm>>) target(%dma_start3A_57 : memref<128xf32, #tpu.memory_space<vmem>>) offsets(%dma_start3A_60 : memref<128xi32, #tpu.memory_space<vmem>>) semaphore(%arg22 : memref<!tpu.dma_semaphore, #tpu.memory_space<semaphore_mem>>)
      %dma_start3A_63 = arith.constant 1 : i32
      %dma_start3A_64 = arith.constant 1 : i32
      %dma_start3A_65 = arith.constant 0 : i32
      %dma_start3A_66 = tpu.memref_slice %arg12[%dma_start3A_64, %dma_start3A_65] : memref<2x128xf32, #tpu.memory_space<vmem>> -> memref<1x128xf32, #tpu.memory_space<vmem>>
      %dma_start3A_67 = tpu.memref_squeeze %dma_start3A_66 : memref<1x128xf32, #tpu.memory_space<vmem>> -> memref<128xf32, #tpu.memory_space<vmem>>
      %dma_start3A_68 = arith.constant 0 : i32
      %dma_start3A_69 = tpu.memref_slice %arg10[%dma_start3A_63, %dma_start3A_68] : memref<2x128xi32, #tpu.memory_space<vmem>> -> memref<1x128xi32, #tpu.memory_space<vmem>>
      %dma_start3A_70 = tpu.memref_squeeze %dma_start3A_69 : memref<1x128xi32, #tpu.memory_space<vmem>> -> memref<128xi32, #tpu.memory_space<vmem>>
      %dma_start3A_71 = arith.constant 0 : i32
      %dma_start3A_72 = tpu.memref_slice %arg4[%dma_start3A_71] : memref<100000xf32, #tpu.memory_space<hbm>> -> memref<100000xf32, #tpu.memory_space<hbm>>
      tpu.enqueue_indirect_dma source(%dma_start3A_72 : memref<100000xf32, #tpu.memory_space<hbm>>) target(%dma_start3A_67 : memref<128xf32, #tpu.memory_space<vmem>>) offsets(%dma_start3A_70 : memref<128xi32, #tpu.memory_space<vmem>>) semaphore(%arg22 : memref<!tpu.dma_semaphore, #tpu.memory_space<semaphore_mem>>)
      %dma_start3A_73 = arith.constant 1 : i32
      %dma_start3A_74 = arith.constant 1 : i32
      %dma_start3A_75 = arith.constant 0 : i32
      %dma_start3A_76 = tpu.memref_slice %arg13[%dma_start3A_74, %dma_start3A_75] : memref<2x128xf32, #tpu.memory_space<vmem>> -> memref<1x128xf32, #tpu.memory_space<vmem>>
      %dma_start3A_77 = tpu.memref_squeeze %dma_start3A_76 : memref<1x128xf32, #tpu.memory_space<vmem>> -> memref<128xf32, #tpu.memory_space<vmem>>
      %dma_start3A_78 = arith.constant 0 : i32
      %dma_start3A_79 = tpu.memref_slice %arg10[%dma_start3A_73, %dma_start3A_78] : memref<2x128xi32, #tpu.memory_space<vmem>> -> memref<1x128xi32, #tpu.memory_space<vmem>>
      %dma_start3A_80 = tpu.memref_squeeze %dma_start3A_79 : memref<1x128xi32, #tpu.memory_space<vmem>> -> memref<128xi32, #tpu.memory_space<vmem>>
      %dma_start3A_81 = arith.constant 0 : i32
      %dma_start3A_82 = tpu.memref_slice %arg5[%dma_start3A_81] : memref<100000xf32, #tpu.memory_space<hbm>> -> memref<100000xf32, #tpu.memory_space<hbm>>
      tpu.enqueue_indirect_dma source(%dma_start3A_82 : memref<100000xf32, #tpu.memory_space<hbm>>) target(%dma_start3A_77 : memref<128xf32, #tpu.memory_space<vmem>>) offsets(%dma_start3A_80 : memref<128xi32, #tpu.memory_space<vmem>>) semaphore(%arg22 : memref<!tpu.dma_semaphore, #tpu.memory_space<semaphore_mem>>)
      %dma_start3A_83 = arith.constant 1 : i32
      %dma_start3A_84 = arith.constant 1 : i32
      %dma_start3A_85 = arith.constant 0 : i32
      %dma_start3A_86 = tpu.memref_slice %arg14[%dma_start3A_84, %dma_start3A_85] : memref<2x128xf32, #tpu.memory_space<vmem>> -> memref<1x128xf32, #tpu.memory_space<vmem>>
      %dma_start3A_87 = tpu.memref_squeeze %dma_start3A_86 : memref<1x128xf32, #tpu.memory_space<vmem>> -> memref<128xf32, #tpu.memory_space<vmem>>
      %dma_start3A_88 = arith.constant 0 : i32
      %dma_start3A_89 = tpu.memref_slice %arg10[%dma_start3A_83, %dma_start3A_88] : memref<2x128xi32, #tpu.memory_space<vmem>> -> memref<1x128xi32, #tpu.memory_space<vmem>>
      %dma_start3A_90 = tpu.memref_squeeze %dma_start3A_89 : memref<1x128xi32, #tpu.memory_space<vmem>> -> memref<128xi32, #tpu.memory_space<vmem>>
      %dma_start3A_91 = arith.constant 0 : i32
      %dma_start3A_92 = tpu.memref_slice %arg6[%dma_start3A_91] : memref<100000xf32, #tpu.memory_space<hbm>> -> memref<100000xf32, #tpu.memory_space<hbm>>
      tpu.enqueue_indirect_dma source(%dma_start3A_92 : memref<100000xf32, #tpu.memory_space<hbm>>) target(%dma_start3A_87 : memref<128xf32, #tpu.memory_space<vmem>>) offsets(%dma_start3A_90 : memref<128xi32, #tpu.memory_space<vmem>>) semaphore(%arg22 : memref<!tpu.dma_semaphore, #tpu.memory_space<semaphore_mem>>)
      %dma_start3A_93 = arith.constant 1 : i32
      %dma_start3A_94 = arith.constant 1 : i32
      %dma_start3A_95 = arith.constant 0 : i32
      %dma_start3A_96 = tpu.memref_slice %arg15[%dma_start3A_94, %dma_start3A_95] : memref<2x128xf32, #tpu.memory_space<vmem>> -> memref<1x128xf32, #tpu.memory_space<vmem>>
      %dma_start3A_97 = tpu.memref_squeeze %dma_start3A_96 : memref<1x128xf32, #tpu.memory_space<vmem>> -> memref<128xf32, #tpu.memory_space<vmem>>
      %dma_start3A_98 = arith.constant 0 : i32
      %dma_start3A_99 = tpu.memref_slice %arg11[%dma_start3A_93, %dma_start3A_98] : memref<2x128xi32, #tpu.memory_space<vmem>> -> memref<1x128xi32, #tpu.memory_space<vmem>>
      %dma_start3A_100 = tpu.memref_squeeze %dma_start3A_99 : memref<1x128xi32, #tpu.memory_space<vmem>> -> memref<128xi32, #tpu.memory_space<vmem>>
      %dma_start3A_101 = arith.constant 0 : i32
      %dma_start3A_102 = tpu.memref_slice %arg7[%dma_start3A_101] : memref<100016xf32, #tpu.memory_space<hbm>> -> memref<100016xf32, #tpu.memory_space<hbm>>
      tpu.enqueue_indirect_dma source(%dma_start3A_102 : memref<100016xf32, #tpu.memory_space<hbm>>) target(%dma_start3A_97 : memref<128xf32, #tpu.memory_space<vmem>>) offsets(%dma_start3A_100 : memref<128xi32, #tpu.memory_space<vmem>>) semaphore(%arg22 : memref<!tpu.dma_semaphore, #tpu.memory_space<semaphore_mem>>)
      %dma_wait3A = arith.constant 0 : i32
      %dma_wait3A_103 = arith.constant 0 : i32
      %dma_wait3A_104 = arith.constant 0 : i32
      %dma_wait3A_105 = tpu.memref_slice %arg12[%dma_wait3A_103, %dma_wait3A_104] : memref<2x128xf32, #tpu.memory_space<vmem>> -> memref<1x128xf32, #tpu.memory_space<vmem>>
      %dma_wait3A_106 = tpu.memref_squeeze %dma_wait3A_105 : memref<1x128xf32, #tpu.memory_space<vmem>> -> memref<128xf32, #tpu.memory_space<vmem>>
      %dma_wait3A_107 = arith.constant 0 : i32
      %dma_wait3A_108 = tpu.memref_slice %arg10[%dma_wait3A, %dma_wait3A_107] : memref<2x128xi32, #tpu.memory_space<vmem>> -> memref<1x128xi32, #tpu.memory_space<vmem>>
      %dma_wait3A_109 = tpu.memref_squeeze %dma_wait3A_108 : memref<1x128xi32, #tpu.memory_space<vmem>> -> memref<128xi32, #tpu.memory_space<vmem>>
      %dma_wait3A_110 = arith.constant 0 : i32
      %dma_wait3A_111 = tpu.memref_slice %arg4[%dma_wait3A_110] : memref<100000xf32, #tpu.memory_space<hbm>> -> memref<100000xf32, #tpu.memory_space<hbm>>
      tpu.wait_indirect_dma semaphore(%arg22 : memref<!tpu.dma_semaphore, #tpu.memory_space<semaphore_mem>>) src(%dma_wait3A_111 : memref<100000xf32, #tpu.memory_space<hbm>>) dst(%dma_wait3A_106 : memref<128xf32, #tpu.memory_space<vmem>>)
      %dma_wait3A_112 = arith.constant 0 : i32
      %dma_wait3A_113 = arith.constant 0 : i32
      %dma_wait3A_114 = arith.constant 0 : i32
      %dma_wait3A_115 = tpu.memref_slice %arg13[%dma_wait3A_113, %dma_wait3A_114] : memref<2x128xf32, #tpu.memory_space<vmem>> -> memref<1x128xf32, #tpu.memory_space<vmem>>
      %dma_wait3A_116 = tpu.memref_squeeze %dma_wait3A_115 : memref<1x128xf32, #tpu.memory_space<vmem>> -> memref<128xf32, #tpu.memory_space<vmem>>
      %dma_wait3A_117 = arith.constant 0 : i32
      %dma_wait3A_118 = tpu.memref_slice %arg10[%dma_wait3A_112, %dma_wait3A_117] : memref<2x128xi32, #tpu.memory_space<vmem>> -> memref<1x128xi32, #tpu.memory_space<vmem>>
      %dma_wait3A_119 = tpu.memref_squeeze %dma_wait3A_118 : memref<1x128xi32, #tpu.memory_space<vmem>> -> memref<128xi32, #tpu.memory_space<vmem>>
      %dma_wait3A_120 = arith.constant 0 : i32
      %dma_wait3A_121 = tpu.memref_slice %arg5[%dma_wait3A_120] : memref<100000xf32, #tpu.memory_space<hbm>> -> memref<100000xf32, #tpu.memory_space<hbm>>
      tpu.wait_indirect_dma semaphore(%arg22 : memref<!tpu.dma_semaphore, #tpu.memory_space<semaphore_mem>>) src(%dma_wait3A_121 : memref<100000xf32, #tpu.memory_space<hbm>>) dst(%dma_wait3A_116 : memref<128xf32, #tpu.memory_space<vmem>>)
      %dma_wait3A_122 = arith.constant 0 : i32
      %dma_wait3A_123 = arith.constant 0 : i32
      %dma_wait3A_124 = arith.constant 0 : i32
      %dma_wait3A_125 = tpu.memref_slice %arg14[%dma_wait3A_123, %dma_wait3A_124] : memref<2x128xf32, #tpu.memory_space<vmem>> -> memref<1x128xf32, #tpu.memory_space<vmem>>
      %dma_wait3A_126 = tpu.memref_squeeze %dma_wait3A_125 : memref<1x128xf32, #tpu.memory_space<vmem>> -> memref<128xf32, #tpu.memory_space<vmem>>
      %dma_wait3A_127 = arith.constant 0 : i32
      %dma_wait3A_128 = tpu.memref_slice %arg10[%dma_wait3A_122, %dma_wait3A_127] : memref<2x128xi32, #tpu.memory_space<vmem>> -> memref<1x128xi32, #tpu.memory_space<vmem>>
      %dma_wait3A_129 = tpu.memref_squeeze %dma_wait3A_128 : memref<1x128xi32, #tpu.memory_space<vmem>> -> memref<128xi32, #tpu.memory_space<vmem>>
      %dma_wait3A_130 = arith.constant 0 : i32
      %dma_wait3A_131 = tpu.memref_slice %arg6[%dma_wait3A_130] : memref<100000xf32, #tpu.memory_space<hbm>> -> memref<100000xf32, #tpu.memory_space<hbm>>
      tpu.wait_indirect_dma semaphore(%arg22 : memref<!tpu.dma_semaphore, #tpu.memory_space<semaphore_mem>>) src(%dma_wait3A_131 : memref<100000xf32, #tpu.memory_space<hbm>>) dst(%dma_wait3A_126 : memref<128xf32, #tpu.memory_space<vmem>>)
      %dma_wait3A_132 = arith.constant 0 : i32
      %dma_wait3A_133 = arith.constant 0 : i32
      %dma_wait3A_134 = arith.constant 0 : i32
      %dma_wait3A_135 = tpu.memref_slice %arg15[%dma_wait3A_133, %dma_wait3A_134] : memref<2x128xf32, #tpu.memory_space<vmem>> -> memref<1x128xf32, #tpu.memory_space<vmem>>
      %dma_wait3A_136 = tpu.memref_squeeze %dma_wait3A_135 : memref<1x128xf32, #tpu.memory_space<vmem>> -> memref<128xf32, #tpu.memory_space<vmem>>
      %dma_wait3A_137 = arith.constant 0 : i32
      %dma_wait3A_138 = tpu.memref_slice %arg11[%dma_wait3A_132, %dma_wait3A_137] : memref<2x128xi32, #tpu.memory_space<vmem>> -> memref<1x128xi32, #tpu.memory_space<vmem>>
      %dma_wait3A_139 = tpu.memref_squeeze %dma_wait3A_138 : memref<1x128xi32, #tpu.memory_space<vmem>> -> memref<128xi32, #tpu.memory_space<vmem>>
      %dma_wait3A_140 = arith.constant 0 : i32
      %dma_wait3A_141 = tpu.memref_slice %arg7[%dma_wait3A_140] : memref<100016xf32, #tpu.memory_space<hbm>> -> memref<100016xf32, #tpu.memory_space<hbm>>
      tpu.wait_indirect_dma semaphore(%arg22 : memref<!tpu.dma_semaphore, #tpu.memory_space<semaphore_mem>>) src(%dma_wait3A_141 : memref<100016xf32, #tpu.memory_space<hbm>>) dst(%dma_wait3A_136 : memref<128xf32, #tpu.memory_space<vmem>>)
      %dma_wait3A_142 = arith.constant 1 : i32
      %dma_wait3A_143 = arith.constant 1 : i32
      %dma_wait3A_144 = arith.constant 0 : i32
      %dma_wait3A_145 = tpu.memref_slice %arg12[%dma_wait3A_143, %dma_wait3A_144] : memref<2x128xf32, #tpu.memory_space<vmem>> -> memref<1x128xf32, #tpu.memory_space<vmem>>
      %dma_wait3A_146 = tpu.memref_squeeze %dma_wait3A_145 : memref<1x128xf32, #tpu.memory_space<vmem>> -> memref<128xf32, #tpu.memory_space<vmem>>
      %dma_wait3A_147 = arith.constant 0 : i32
      %dma_wait3A_148 = tpu.memref_slice %arg10[%dma_wait3A_142, %dma_wait3A_147] : memref<2x128xi32, #tpu.memory_space<vmem>> -> memref<1x128xi32, #tpu.memory_space<vmem>>
      %dma_wait3A_149 = tpu.memref_squeeze %dma_wait3A_148 : memref<1x128xi32, #tpu.memory_space<vmem>> -> memref<128xi32, #tpu.memory_space<vmem>>
      %dma_wait3A_150 = arith.constant 0 : i32
      %dma_wait3A_151 = tpu.memref_slice %arg4[%dma_wait3A_150] : memref<100000xf32, #tpu.memory_space<hbm>> -> memref<100000xf32, #tpu.memory_space<hbm>>
      tpu.wait_indirect_dma semaphore(%arg22 : memref<!tpu.dma_semaphore, #tpu.memory_space<semaphore_mem>>) src(%dma_wait3A_151 : memref<100000xf32, #tpu.memory_space<hbm>>) dst(%dma_wait3A_146 : memref<128xf32, #tpu.memory_space<vmem>>)
      %dma_wait3A_152 = arith.constant 1 : i32
      %dma_wait3A_153 = arith.constant 1 : i32
      %dma_wait3A_154 = arith.constant 0 : i32
      %dma_wait3A_155 = tpu.memref_slice %arg13[%dma_wait3A_153, %dma_wait3A_154] : memref<2x128xf32, #tpu.memory_space<vmem>> -> memref<1x128xf32, #tpu.memory_space<vmem>>
      %dma_wait3A_156 = tpu.memref_squeeze %dma_wait3A_155 : memref<1x128xf32, #tpu.memory_space<vmem>> -> memref<128xf32, #tpu.memory_space<vmem>>
      %dma_wait3A_157 = arith.constant 0 : i32
      %dma_wait3A_158 = tpu.memref_slice %arg10[%dma_wait3A_152, %dma_wait3A_157] : memref<2x128xi32, #tpu.memory_space<vmem>> -> memref<1x128xi32, #tpu.memory_space<vmem>>
      %dma_wait3A_159 = tpu.memref_squeeze %dma_wait3A_158 : memref<1x128xi32, #tpu.memory_space<vmem>> -> memref<128xi32, #tpu.memory_space<vmem>>
      %dma_wait3A_160 = arith.constant 0 : i32
      %dma_wait3A_161 = tpu.memref_slice %arg5[%dma_wait3A_160] : memref<100000xf32, #tpu.memory_space<hbm>> -> memref<100000xf32, #tpu.memory_space<hbm>>
      tpu.wait_indirect_dma semaphore(%arg22 : memref<!tpu.dma_semaphore, #tpu.memory_space<semaphore_mem>>) src(%dma_wait3A_161 : memref<100000xf32, #tpu.memory_space<hbm>>) dst(%dma_wait3A_156 : memref<128xf32, #tpu.memory_space<vmem>>)
      %dma_wait3A_162 = arith.constant 1 : i32
      %dma_wait3A_163 = arith.constant 1 : i32
      %dma_wait3A_164 = arith.constant 0 : i32
      %dma_wait3A_165 = tpu.memref_slice %arg14[%dma_wait3A_163, %dma_wait3A_164] : memref<2x128xf32, #tpu.memory_space<vmem>> -> memref<1x128xf32, #tpu.memory_space<vmem>>
      %dma_wait3A_166 = tpu.memref_squeeze %dma_wait3A_165 : memref<1x128xf32, #tpu.memory_space<vmem>> -> memref<128xf32, #tpu.memory_space<vmem>>
      %dma_wait3A_167 = arith.constant 0 : i32
      %dma_wait3A_168 = tpu.memref_slice %arg10[%dma_wait3A_162, %dma_wait3A_167] : memref<2x128xi32, #tpu.memory_space<vmem>> -> memref<1x128xi32, #tpu.memory_space<vmem>>
      %dma_wait3A_169 = tpu.memref_squeeze %dma_wait3A_168 : memref<1x128xi32, #tpu.memory_space<vmem>> -> memref<128xi32, #tpu.memory_space<vmem>>
      %dma_wait3A_170 = arith.constant 0 : i32
      %dma_wait3A_171 = tpu.memref_slice %arg6[%dma_wait3A_170] : memref<100000xf32, #tpu.memory_space<hbm>> -> memref<100000xf32, #tpu.memory_space<hbm>>
      tpu.wait_indirect_dma semaphore(%arg22 : memref<!tpu.dma_semaphore, #tpu.memory_space<semaphore_mem>>) src(%dma_wait3A_171 : memref<100000xf32, #tpu.memory_space<hbm>>) dst(%dma_wait3A_166 : memref<128xf32, #tpu.memory_space<vmem>>)
      %dma_wait3A_172 = arith.constant 1 : i32
      %dma_wait3A_173 = arith.constant 1 : i32
      %dma_wait3A_174 = arith.constant 0 : i32
      %dma_wait3A_175 = tpu.memref_slice %arg15[%dma_wait3A_173, %dma_wait3A_174] : memref<2x128xf32, #tpu.memory_space<vmem>> -> memref<1x128xf32, #tpu.memory_space<vmem>>
      %dma_wait3A_176 = tpu.memref_squeeze %dma_wait3A_175 : memref<1x128xf32, #tpu.memory_space<vmem>> -> memref<128xf32, #tpu.memory_space<vmem>>
      %dma_wait3A_177 = arith.constant 0 : i32
      %dma_wait3A_178 = tpu.memref_slice %arg11[%dma_wait3A_172, %dma_wait3A_177] : memref<2x128xi32, #tpu.memory_space<vmem>> -> memref<1x128xi32, #tpu.memory_space<vmem>>
      %dma_wait3A_179 = tpu.memref_squeeze %dma_wait3A_178 : memref<1x128xi32, #tpu.memory_space<vmem>> -> memref<128xi32, #tpu.memory_space<vmem>>
      %dma_wait3A_180 = arith.constant 0 : i32
      %dma_wait3A_181 = tpu.memref_slice %arg7[%dma_wait3A_180] : memref<100016xf32, #tpu.memory_space<hbm>> -> memref<100016xf32, #tpu.memory_space<hbm>>
      tpu.wait_indirect_dma semaphore(%arg22 : memref<!tpu.dma_semaphore, #tpu.memory_space<semaphore_mem>>) src(%dma_wait3A_181 : memref<100016xf32, #tpu.memory_space<hbm>>) dst(%dma_wait3A_176 : memref<128xf32, #tpu.memory_space<vmem>>)
      %get3A = arith.constant 0 : i32
      %get3A_182 = arith.index_cast %get3A : i32 to index
      %get3A_183 = arith.constant 0 : index
      %get3A_184 = tpu.vector_load %arg14[%get3A_182, %get3A_183] {strides = array<i32>} : memref<2x128xf32, #tpu.memory_space<vmem>>, vector<1x16xf32>,
      %get3A_185 = vector.shape_cast %get3A_184 : vector<1x16xf32> to vector<16xf32>
      %get3A_186 = arith.constant 0 : i32
      %get3A_187 = arith.index_cast %get3A_186 : i32 to index
      %get3A_188 = arith.constant 0 : index
      %get3A_189 = tpu.vector_load %arg15[%get3A_187, %get3A_188] {strides = array<i32>} : memref<2x128xf32, #tpu.memory_space<vmem>>, vector<1x16xf32>,
      %get3A_190 = vector.shape_cast %get3A_189 : vector<1x16xf32> to vector<16xf32>
      %add3A_191 = arith.addf %get3A_185, %get3A_190 : vector<16xf32>
      %ge3A = arith.constant 0.000000e+00 : f32
      %ge3A_192 = vector.broadcast %ge3A : f32 to vector<16xf32>
      %ge3A_193 = arith.cmpf oge, %add3A_191, %ge3A_192 : vector<16xf32>
      %mul3A_194 = arith.constant 2.000000e-01 : f32
      %mul3A_195 = vector.broadcast %mul3A_194 : f32 to vector<16xf32>
      %mul3A_196 = arith.mulf %add3A_191, %mul3A_195 : vector<16xf32>
      %select_n3A = arith.select %ge3A_193, %add3A_191, %mul3A_196 : vector<16xi1>, vector<16xf32>
      %exp3A = math.exp %select_n3A : vector<16xf32>
      %swap3A = arith.constant 0 : i32
      %swap3A_197 = arith.index_cast %swap3A : i32 to index
      %swap3A_198 = arith.constant 0 : index
      %swap3A_199 = tpu.vector_load %arg16[%swap3A_197, %swap3A_198] {strides = array<i32>} : memref<2x128xf32, #tpu.memory_space<vmem>>, vector<1x16xf32>,
      %swap3A_200 = vector.shape_cast %swap3A_199 : vector<1x16xf32> to vector<16xf32>
      %swap3A_201 = vector.shape_cast %exp3A : vector<16xf32> to vector<1x16xf32>
      tpu.vector_store %arg16[%swap3A_197, %swap3A_198], %swap3A_201 {strides = array<i32>} : memref<2x128xf32, #tpu.memory_space<vmem>>, vector<1x16xf32>,
      %get3A_202 = arith.constant 0 : i32
      %get3A_203 = arith.index_cast %get3A_202 : i32 to index
      %get3A_204 = arith.constant 0 : index
      %get3A_205 = tpu.vector_load %arg12[%get3A_203, %get3A_204] {strides = array<i32>} : memref<2x128xf32, #tpu.memory_space<vmem>>, vector<1x16xf32>,
      %get3A_206 = vector.shape_cast %get3A_205 : vector<1x16xf32> to vector<16xf32>
      %mul3A_207 = arith.mulf %exp3A, %get3A_206 : vector<16xf32>
      %swap3A_208 = arith.constant 0 : i32
      %swap3A_209 = arith.index_cast %swap3A_208 : i32 to index
      %swap3A_210 = arith.constant 0 : index
      %swap3A_211 = tpu.vector_load %arg17[%swap3A_209, %swap3A_210] {strides = array<i32>} : memref<2x128xf32, #tpu.memory_space<vmem>>, vector<1x16xf32>,
      %swap3A_212 = vector.shape_cast %swap3A_211 : vector<1x16xf32> to vector<16xf32>
      %swap3A_213 = vector.shape_cast %mul3A_207 : vector<16xf32> to vector<1x16xf32>
      tpu.vector_store %arg17[%swap3A_209, %swap3A_210], %swap3A_213 {strides = array<i32>} : memref<2x128xf32, #tpu.memory_space<vmem>>, vector<1x16xf32>,
      %get3A_214 = arith.constant 0 : i32
      %get3A_215 = arith.index_cast %get3A_214 : i32 to index
      %get3A_216 = arith.constant 0 : index
      %get3A_217 = tpu.vector_load %arg13[%get3A_215, %get3A_216] {strides = array<i32>} : memref<2x128xf32, #tpu.memory_space<vmem>>, vector<1x16xf32>,
      %get3A_218 = vector.shape_cast %get3A_217 : vector<1x16xf32> to vector<16xf32>
      %mul3A_219 = arith.mulf %exp3A, %get3A_218 : vector<16xf32>
      %swap3A_220 = arith.constant 0 : i32
      %swap3A_221 = arith.index_cast %swap3A_220 : i32 to index
      %swap3A_222 = arith.constant 0 : index
      %swap3A_223 = tpu.vector_load %arg18[%swap3A_221, %swap3A_222] {strides = array<i32>} : memref<2x128xf32, #tpu.memory_space<vmem>>, vector<1x16xf32>,
      %swap3A_224 = vector.shape_cast %swap3A_223 : vector<1x16xf32> to vector<16xf32>
      %swap3A_225 = vector.shape_cast %mul3A_219 : vector<16xf32> to vector<1x16xf32>
      tpu.vector_store %arg18[%swap3A_221, %swap3A_222], %swap3A_225 {strides = array<i32>} : memref<2x128xf32, #tpu.memory_space<vmem>>, vector<1x16xf32>,
      %get3A_226 = arith.constant 0 : i32
      %get3A_227 = arith.index_cast %get3A_226 : i32 to index
      %get3A_228 = arith.constant 16 : index
      %get3A_229 = tpu.vector_load %arg14[%get3A_227, %get3A_228] {strides = array<i32>} : memref<2x128xf32, #tpu.memory_space<vmem>>, vector<1x16xf32>,
      %get3A_230 = vector.shape_cast %get3A_229 : vector<1x16xf32> to vector<16xf32>
      %get3A_231 = arith.constant 0 : i32
      %get3A_232 = arith.index_cast %get3A_231 : i32 to index
      %get3A_233 = arith.constant 16 : index
      %get3A_234 = tpu.vector_load %arg15[%get3A_232, %get3A_233] {strides = array<i32>} : memref<2x128xf32, #tpu.memory_space<vmem>>, vector<1x16xf32>,
      %get3A_235 = vector.shape_cast %get3A_234 : vector<1x16xf32> to vector<16xf32>
      %add3A_236 = arith.addf %get3A_230, %get3A_235 : vector<16xf32>
      %ge3A_237 = arith.constant 0.000000e+00 : f32
      %ge3A_238 = vector.broadcast %ge3A_237 : f32 to vector<16xf32>
      %ge3A_239 = arith.cmpf oge, %add3A_236, %ge3A_238 : vector<16xf32>
      %mul3A_240 = arith.constant 2.000000e-01 : f32
      %mul3A_241 = vector.broadcast %mul3A_240 : f32 to vector<16xf32>
      %mul3A_242 = arith.mulf %add3A_236, %mul3A_241 : vector<16xf32>
      %select_n3A_243 = arith.select %ge3A_239, %add3A_236, %mul3A_242 : vector<16xi1>, vector<16xf32>
      %exp3A_244 = math.exp %select_n3A_243 : vector<16xf32>
      %swap3A_245 = arith.constant 0 : i32
      %swap3A_246 = arith.index_cast %swap3A_245 : i32 to index
      %swap3A_247 = arith.constant 16 : index
      %swap3A_248 = tpu.vector_load %arg16[%swap3A_246, %swap3A_247] {strides = array<i32>} : memref<2x128xf32, #tpu.memory_space<vmem>>, vector<1x16xf32>,
      %swap3A_249 = vector.shape_cast %swap3A_248 : vector<1x16xf32> to vector<16xf32>
      %swap3A_250 = vector.shape_cast %exp3A_244 : vector<16xf32> to vector<1x16xf32>
      tpu.vector_store %arg16[%swap3A_246, %swap3A_247], %swap3A_250 {strides = array<i32>} : memref<2x128xf32, #tpu.memory_space<vmem>>, vector<1x16xf32>,
      %get3A_251 = arith.constant 0 : i32
      %get3A_252 = arith.index_cast %get3A_251 : i32 to index
      %get3A_253 = arith.constant 16 : index
      %get3A_254 = tpu.vector_load %arg12[%get3A_252, %get3A_253] {strides = array<i32>} : memref<2x128xf32, #tpu.memory_space<vmem>>, vector<1x16xf32>,
      %get3A_255 = vector.shape_cast %get3A_254 : vector<1x16xf32> to vector<16xf32>
      %mul3A_256 = arith.mulf %exp3A_244, %get3A_255 : vector<16xf32>
      %swap3A_257 = arith.constant 0 : i32
      %swap3A_258 = arith.index_cast %swap3A_257 : i32 to index
      %swap3A_259 = arith.constant 16 : index
      %swap3A_260 = tpu.vector_load %arg17[%swap3A_258, %swap3A_259] {strides = array<i32>} : memref<2x128xf32, #tpu.memory_space<vmem>>, vector<1x16xf32>,
      %swap3A_261 = vector.shape_cast %swap3A_260 : vector<1x16xf32> to vector<16xf32>
      %swap3A_262 = vector.shape_cast %mul3A_256 : vector<16xf32> to vector<1x16xf32>
      tpu.vector_store %arg17[%swap3A_258, %swap3A_259], %swap3A_262 {strides = array<i32>} : memref<2x128xf32, #tpu.memory_space<vmem>>, vector<1x16xf32>,
      %get3A_263 = arith.constant 0 : i32
      %get3A_264 = arith.index_cast %get3A_263 : i32 to index
      %get3A_265 = arith.constant 16 : index
      %get3A_266 = tpu.vector_load %arg13[%get3A_264, %get3A_265] {strides = array<i32>} : memref<2x128xf32, #tpu.memory_space<vmem>>, vector<1x16xf32>,
      %get3A_267 = vector.shape_cast %get3A_266 : vector<1x16xf32> to vector<16xf32>
      %mul3A_268 = arith.mulf %exp3A_244, %get3A_267 : vector<16xf32>
      %swap3A_269 = arith.constant 0 : i32
      %swap3A_270 = arith.index_cast %swap3A_269 : i32 to index
      %swap3A_271 = arith.constant 16 : index
      %swap3A_272 = tpu.vector_load %arg18[%swap3A_270, %swap3A_271] {strides = array<i32>} : memref<2x128xf32, #tpu.memory_space<vmem>>, vector<1x16xf32>,
      %swap3A_273 = vector.shape_cast %swap3A_272 : vector<1x16xf32> to vector<16xf32>
      %swap3A_274 = vector.shape_cast %mul3A_268 : vector<16xf32> to vector<1x16xf32>
      tpu.vector_store %arg18[%swap3A_270, %swap3A_271], %swap3A_274 {strides = array<i32>} : memref<2x128xf32, #tpu.memory_space<vmem>>, vector<1x16xf32>,
      %get3A_275 = arith.constant 0 : i32
      %get3A_276 = arith.index_cast %get3A_275 : i32 to index
      %get3A_277 = arith.constant 32 : index
      %get3A_278 = tpu.vector_load %arg14[%get3A_276, %get3A_277] {strides = array<i32>} : memref<2x128xf32, #tpu.memory_space<vmem>>, vector<1x16xf32>,
      %get3A_279 = vector.shape_cast %get3A_278 : vector<1x16xf32> to vector<16xf32>
      %get3A_280 = arith.constant 0 : i32
      %get3A_281 = arith.index_cast %get3A_280 : i32 to index
      %get3A_282 = arith.constant 32 : index
      %get3A_283 = tpu.vector_load %arg15[%get3A_281, %get3A_282] {strides = array<i32>} : memref<2x128xf32, #tpu.memory_space<vmem>>, vector<1x16xf32>,
      %get3A_284 = vector.shape_cast %get3A_283 : vector<1x16xf32> to vector<16xf32>
      %add3A_285 = arith.addf %get3A_279, %get3A_284 : vector<16xf32>
      %ge3A_286 = arith.constant 0.000000e+00 : f32
      %ge3A_287 = vector.broadcast %ge3A_286 : f32 to vector<16xf32>
      %ge3A_288 = arith.cmpf oge, %add3A_285, %ge3A_287 : vector<16xf32>
      %mul3A_289 = arith.constant 2.000000e-01 : f32
      %mul3A_290 = vector.broadcast %mul3A_289 : f32 to vector<16xf32>
      %mul3A_291 = arith.mulf %add3A_285, %mul3A_290 : vector<16xf32>
      %select_n3A_292 = arith.select %ge3A_288, %add3A_285, %mul3A_291 : vector<16xi1>, vector<16xf32>
      %exp3A_293 = math.exp %select_n3A_292 : vector<16xf32>
      %swap3A_294 = arith.constant 0 : i32
      %swap3A_295 = arith.index_cast %swap3A_294 : i32 to index
      %swap3A_296 = arith.constant 32 : index
      %swap3A_297 = tpu.vector_load %arg16[%swap3A_295, %swap3A_296] {strides = array<i32>} : memref<2x128xf32, #tpu.memory_space<vmem>>, vector<1x16xf32>,
      %swap3A_298 = vector.shape_cast %swap3A_297 : vector<1x16xf32> to vector<16xf32>
      %swap3A_299 = vector.shape_cast %exp3A_293 : vector<16xf32> to vector<1x16xf32>
      tpu.vector_store %arg16[%swap3A_295, %swap3A_296], %swap3A_299 {strides = array<i32>} : memref<2x128xf32, #tpu.memory_space<vmem>>, vector<1x16xf32>,
      %get3A_300 = arith.constant 0 : i32
      %get3A_301 = arith.index_cast %get3A_300 : i32 to index
      %get3A_302 = arith.constant 32 : index
      %get3A_303 = tpu.vector_load %arg12[%get3A_301, %get3A_302] {strides = array<i32>} : memref<2x128xf32, #tpu.memory_space<vmem>>, vector<1x16xf32>,
      %get3A_304 = vector.shape_cast %get3A_303 : vector<1x16xf32> to vector<16xf32>
      %mul3A_305 = arith.mulf %exp3A_293, %get3A_304 : vector<16xf32>
      %swap3A_306 = arith.constant 0 : i32
      %swap3A_307 = arith.index_cast %swap3A_306 : i32 to index
      %swap3A_308 = arith.constant 32 : index
      %swap3A_309 = tpu.vector_load %arg17[%swap3A_307, %swap3A_308] {strides = array<i32>} : memref<2x128xf32, #tpu.memory_space<vmem>>, vector<1x16xf32>,
      %swap3A_310 = vector.shape_cast %swap3A_309 : vector<1x16xf32> to vector<16xf32>
      %swap3A_311 = vector.shape_cast %mul3A_305 : vector<16xf32> to vector<1x16xf32>
      tpu.vector_store %arg17[%swap3A_307, %swap3A_308], %swap3A_311 {strides = array<i32>} : memref<2x128xf32, #tpu.memory_space<vmem>>, vector<1x16xf32>,
      %get3A_312 = arith.constant 0 : i32
      %get3A_313 = arith.index_cast %get3A_312 : i32 to index
      %get3A_314 = arith.constant 32 : index
      %get3A_315 = tpu.vector_load %arg13[%get3A_313, %get3A_314] {strides = array<i32>} : memref<2x128xf32, #tpu.memory_space<vmem>>, vector<1x16xf32>,
      %get3A_316 = vector.shape_cast %get3A_315 : vector<1x16xf32> to vector<16xf32>
      %mul3A_317 = arith.mulf %exp3A_293, %get3A_316 : vector<16xf32>
      %swap3A_318 = arith.constant 0 : i32
      %swap3A_319 = arith.index_cast %swap3A_318 : i32 to index
      %swap3A_320 = arith.constant 32 : index
      %swap3A_321 = tpu.vector_load %arg18[%swap3A_319, %swap3A_320] {strides = array<i32>} : memref<2x128xf32, #tpu.memory_space<vmem>>, vector<1x16xf32>,
      %swap3A_322 = vector.shape_cast %swap3A_321 : vector<1x16xf32> to vector<16xf32>
      %swap3A_323 = vector.shape_cast %mul3A_317 : vector<16xf32> to vector<1x16xf32>
      tpu.vector_store %arg18[%swap3A_319, %swap3A_320], %swap3A_323 {strides = array<i32>} : memref<2x128xf32, #tpu.memory_space<vmem>>, vector<1x16xf32>,
      %get3A_324 = arith.constant 0 : i32
      %get3A_325 = arith.index_cast %get3A_324 : i32 to index
      %get3A_326 = arith.constant 48 : index
      %get3A_327 = tpu.vector_load %arg14[%get3A_325, %get3A_326] {strides = array<i32>} : memref<2x128xf32, #tpu.memory_space<vmem>>, vector<1x16xf32>,
      %get3A_328 = vector.shape_cast %get3A_327 : vector<1x16xf32> to vector<16xf32>
      %get3A_329 = arith.constant 0 : i32
      %get3A_330 = arith.index_cast %get3A_329 : i32 to index
      %get3A_331 = arith.constant 48 : index
      %get3A_332 = tpu.vector_load %arg15[%get3A_330, %get3A_331] {strides = array<i32>} : memref<2x128xf32, #tpu.memory_space<vmem>>, vector<1x16xf32>,
      %get3A_333 = vector.shape_cast %get3A_332 : vector<1x16xf32> to vector<16xf32>
      %add3A_334 = arith.addf %get3A_328, %get3A_333 : vector<16xf32>
      %ge3A_335 = arith.constant 0.000000e+00 : f32
      %ge3A_336 = vector.broadcast %ge3A_335 : f32 to vector<16xf32>
      %ge3A_337 = arith.cmpf oge, %add3A_334, %ge3A_336 : vector<16xf32>
      %mul3A_338 = arith.constant 2.000000e-01 : f32
      %mul3A_339 = vector.broadcast %mul3A_338 : f32 to vector<16xf32>
      %mul3A_340 = arith.mulf %add3A_334, %mul3A_339 : vector<16xf32>
      %select_n3A_341 = arith.select %ge3A_337, %add3A_334, %mul3A_340 : vector<16xi1>, vector<16xf32>
      %exp3A_342 = math.exp %select_n3A_341 : vector<16xf32>
      %swap3A_343 = arith.constant 0 : i32
      %swap3A_344 = arith.index_cast %swap3A_343 : i32 to index
      %swap3A_345 = arith.constant 48 : index
      %swap3A_346 = tpu.vector_load %arg16[%swap3A_344, %swap3A_345] {strides = array<i32>} : memref<2x128xf32, #tpu.memory_space<vmem>>, vector<1x16xf32>,
      %swap3A_347 = vector.shape_cast %swap3A_346 : vector<1x16xf32> to vector<16xf32>
      %swap3A_348 = vector.shape_cast %exp3A_342 : vector<16xf32> to vector<1x16xf32>
      tpu.vector_store %arg16[%swap3A_344, %swap3A_345], %swap3A_348 {strides = array<i32>} : memref<2x128xf32, #tpu.memory_space<vmem>>, vector<1x16xf32>,
      %get3A_349 = arith.constant 0 : i32
      %get3A_350 = arith.index_cast %get3A_349 : i32 to index
      %get3A_351 = arith.constant 48 : index
      %get3A_352 = tpu.vector_load %arg12[%get3A_350, %get3A_351] {strides = array<i32>} : memref<2x128xf32, #tpu.memory_space<vmem>>, vector<1x16xf32>,
      %get3A_353 = vector.shape_cast %get3A_352 : vector<1x16xf32> to vector<16xf32>
      %mul3A_354 = arith.mulf %exp3A_342, %get3A_353 : vector<16xf32>
      %swap3A_355 = arith.constant 0 : i32
      %swap3A_356 = arith.index_cast %swap3A_355 : i32 to index
      %swap3A_357 = arith.constant 48 : index
      %swap3A_358 = tpu.vector_load %arg17[%swap3A_356, %swap3A_357] {strides = array<i32>} : memref<2x128xf32, #tpu.memory_space<vmem>>, vector<1x16xf32>,
      %swap3A_359 = vector.shape_cast %swap3A_358 : vector<1x16xf32> to vector<16xf32>
      %swap3A_360 = vector.shape_cast %mul3A_354 : vector<16xf32> to vector<1x16xf32>
      tpu.vector_store %arg17[%swap3A_356, %swap3A_357], %swap3A_360 {strides = array<i32>} : memref<2x128xf32, #tpu.memory_space<vmem>>, vector<1x16xf32>,
      %get3A_361 = arith.constant 0 : i32
      %get3A_362 = arith.index_cast %get3A_361 : i32 to index
      %get3A_363 = arith.constant 48 : index
      %get3A_364 = tpu.vector_load %arg13[%get3A_362, %get3A_363] {strides = array<i32>} : memref<2x128xf32, #tpu.memory_space<vmem>>, vector<1x16xf32>,
      %get3A_365 = vector.shape_cast %get3A_364 : vector<1x16xf32> to vector<16xf32>
      %mul3A_366 = arith.mulf %exp3A_342, %get3A_365 : vector<16xf32>
      %swap3A_367 = arith.constant 0 : i32
      %swap3A_368 = arith.index_cast %swap3A_367 : i32 to index
      %swap3A_369 = arith.constant 48 : index
      %swap3A_370 = tpu.vector_load %arg18[%swap3A_368, %swap3A_369] {strides = array<i32>} : memref<2x128xf32, #tpu.memory_space<vmem>>, vector<1x16xf32>,
      %swap3A_371 = vector.shape_cast %swap3A_370 : vector<1x16xf32> to vector<16xf32>
      %swap3A_372 = vector.shape_cast %mul3A_366 : vector<16xf32> to vector<1x16xf32>
      tpu.vector_store %arg18[%swap3A_368, %swap3A_369], %swap3A_372 {strides = array<i32>} : memref<2x128xf32, #tpu.memory_space<vmem>>, vector<1x16xf32>,
      %get3A_373 = arith.constant 0 : i32
      %get3A_374 = arith.index_cast %get3A_373 : i32 to index
      %get3A_375 = arith.constant 64 : index
      %get3A_376 = tpu.vector_load %arg14[%get3A_374, %get3A_375] {strides = array<i32>} : memref<2x128xf32, #tpu.memory_space<vmem>>, vector<1x16xf32>,
      %get3A_377 = vector.shape_cast %get3A_376 : vector<1x16xf32> to vector<16xf32>
      %get3A_378 = arith.constant 0 : i32
      %get3A_379 = arith.index_cast %get3A_378 : i32 to index
      %get3A_380 = arith.constant 64 : index
      %get3A_381 = tpu.vector_load %arg15[%get3A_379, %get3A_380] {strides = array<i32>} : memref<2x128xf32, #tpu.memory_space<vmem>>, vector<1x16xf32>,
      %get3A_382 = vector.shape_cast %get3A_381 : vector<1x16xf32> to vector<16xf32>
      %add3A_383 = arith.addf %get3A_377, %get3A_382 : vector<16xf32>
      %ge3A_384 = arith.constant 0.000000e+00 : f32
      %ge3A_385 = vector.broadcast %ge3A_384 : f32 to vector<16xf32>
      %ge3A_386 = arith.cmpf oge, %add3A_383, %ge3A_385 : vector<16xf32>
      %mul3A_387 = arith.constant 2.000000e-01 : f32
      %mul3A_388 = vector.broadcast %mul3A_387 : f32 to vector<16xf32>
      %mul3A_389 = arith.mulf %add3A_383, %mul3A_388 : vector<16xf32>
      %select_n3A_390 = arith.select %ge3A_386, %add3A_383, %mul3A_389 : vector<16xi1>, vector<16xf32>
      %exp3A_391 = math.exp %select_n3A_390 : vector<16xf32>
      %swap3A_392 = arith.constant 0 : i32
      %swap3A_393 = arith.index_cast %swap3A_392 : i32 to index
      %swap3A_394 = arith.constant 64 : index
      %swap3A_395 = tpu.vector_load %arg16[%swap3A_393, %swap3A_394] {strides = array<i32>} : memref<2x128xf32, #tpu.memory_space<vmem>>, vector<1x16xf32>,
      %swap3A_396 = vector.shape_cast %swap3A_395 : vector<1x16xf32> to vector<16xf32>
      %swap3A_397 = vector.shape_cast %exp3A_391 : vector<16xf32> to vector<1x16xf32>
      tpu.vector_store %arg16[%swap3A_393, %swap3A_394], %swap3A_397 {strides = array<i32>} : memref<2x128xf32, #tpu.memory_space<vmem>>, vector<1x16xf32>,
      %get3A_398 = arith.constant 0 : i32
      %get3A_399 = arith.index_cast %get3A_398 : i32 to index
      %get3A_400 = arith.constant 64 : index
      %get3A_401 = tpu.vector_load %arg12[%get3A_399, %get3A_400] {strides = array<i32>} : memref<2x128xf32, #tpu.memory_space<vmem>>, vector<1x16xf32>,
      %get3A_402 = vector.shape_cast %get3A_401 : vector<1x16xf32> to vector<16xf32>
      %mul3A_403 = arith.mulf %exp3A_391, %get3A_402 : vector<16xf32>
      %swap3A_404 = arith.constant 0 : i32
      %swap3A_405 = arith.index_cast %swap3A_404 : i32 to index
      %swap3A_406 = arith.constant 64 : index
      %swap3A_407 = tpu.vector_load %arg17[%swap3A_405, %swap3A_406] {strides = array<i32>} : memref<2x128xf32, #tpu.memory_space<vmem>>, vector<1x16xf32>,
      %swap3A_408 = vector.shape_cast %swap3A_407 : vector<1x16xf32> to vector<16xf32>
      %swap3A_409 = vector.shape_cast %mul3A_403 : vector<16xf32> to vector<1x16xf32>
      tpu.vector_store %arg17[%swap3A_405, %swap3A_406], %swap3A_409 {strides = array<i32>} : memref<2x128xf32, #tpu.memory_space<vmem>>, vector<1x16xf32>,
      %get3A_410 = arith.constant 0 : i32
      %get3A_411 = arith.index_cast %get3A_410 : i32 to index
      %get3A_412 = arith.constant 64 : index
      %get3A_413 = tpu.vector_load %arg13[%get3A_411, %get3A_412] {strides = array<i32>} : memref<2x128xf32, #tpu.memory_space<vmem>>, vector<1x16xf32>,
      %get3A_414 = vector.shape_cast %get3A_413 : vector<1x16xf32> to vector<16xf32>
      %mul3A_415 = arith.mulf %exp3A_391, %get3A_414 : vector<16xf32>
      %swap3A_416 = arith.constant 0 : i32
      %swap3A_417 = arith.index_cast %swap3A_416 : i32 to index
      %swap3A_418 = arith.constant 64 : index
      %swap3A_419 = tpu.vector_load %arg18[%swap3A_417, %swap3A_418] {strides = array<i32>} : memref<2x128xf32, #tpu.memory_space<vmem>>, vector<1x16xf32>,
      %swap3A_420 = vector.shape_cast %swap3A_419 : vector<1x16xf32> to vector<16xf32>
      %swap3A_421 = vector.shape_cast %mul3A_415 : vector<16xf32> to vector<1x16xf32>
      tpu.vector_store %arg18[%swap3A_417, %swap3A_418], %swap3A_421 {strides = array<i32>} : memref<2x128xf32, #tpu.memory_space<vmem>>, vector<1x16xf32>,
      %get3A_422 = arith.constant 0 : i32
      %get3A_423 = arith.index_cast %get3A_422 : i32 to index
      %get3A_424 = arith.constant 80 : index
      %get3A_425 = tpu.vector_load %arg14[%get3A_423, %get3A_424] {strides = array<i32>} : memref<2x128xf32, #tpu.memory_space<vmem>>, vector<1x16xf32>,
      %get3A_426 = vector.shape_cast %get3A_425 : vector<1x16xf32> to vector<16xf32>
      %get3A_427 = arith.constant 0 : i32
      %get3A_428 = arith.index_cast %get3A_427 : i32 to index
      %get3A_429 = arith.constant 80 : index
      %get3A_430 = tpu.vector_load %arg15[%get3A_428, %get3A_429] {strides = array<i32>} : memref<2x128xf32, #tpu.memory_space<vmem>>, vector<1x16xf32>,
      %get3A_431 = vector.shape_cast %get3A_430 : vector<1x16xf32> to vector<16xf32>
      %add3A_432 = arith.addf %get3A_426, %get3A_431 : vector<16xf32>
      %ge3A_433 = arith.constant 0.000000e+00 : f32
      %ge3A_434 = vector.broadcast %ge3A_433 : f32 to vector<16xf32>
      %ge3A_435 = arith.cmpf oge, %add3A_432, %ge3A_434 : vector<16xf32>
      %mul3A_436 = arith.constant 2.000000e-01 : f32
      %mul3A_437 = vector.broadcast %mul3A_436 : f32 to vector<16xf32>
      %mul3A_438 = arith.mulf %add3A_432, %mul3A_437 : vector<16xf32>
      %select_n3A_439 = arith.select %ge3A_435, %add3A_432, %mul3A_438 : vector<16xi1>, vector<16xf32>
      %exp3A_440 = math.exp %select_n3A_439 : vector<16xf32>
      %swap3A_441 = arith.constant 0 : i32
      %swap3A_442 = arith.index_cast %swap3A_441 : i32 to index
      %swap3A_443 = arith.constant 80 : index
      %swap3A_444 = tpu.vector_load %arg16[%swap3A_442, %swap3A_443] {strides = array<i32>} : memref<2x128xf32, #tpu.memory_space<vmem>>, vector<1x16xf32>,
      %swap3A_445 = vector.shape_cast %swap3A_444 : vector<1x16xf32> to vector<16xf32>
      %swap3A_446 = vector.shape_cast %exp3A_440 : vector<16xf32> to vector<1x16xf32>
      tpu.vector_store %arg16[%swap3A_442, %swap3A_443], %swap3A_446 {strides = array<i32>} : memref<2x128xf32, #tpu.memory_space<vmem>>, vector<1x16xf32>,
      %get3A_447 = arith.constant 0 : i32
      %get3A_448 = arith.index_cast %get3A_447 : i32 to index
      %get3A_449 = arith.constant 80 : index
      %get3A_450 = tpu.vector_load %arg12[%get3A_448, %get3A_449] {strides = array<i32>} : memref<2x128xf32, #tpu.memory_space<vmem>>, vector<1x16xf32>,
      %get3A_451 = vector.shape_cast %get3A_450 : vector<1x16xf32> to vector<16xf32>
      %mul3A_452 = arith.mulf %exp3A_440, %get3A_451 : vector<16xf32>
      %swap3A_453 = arith.constant 0 : i32
      %swap3A_454 = arith.index_cast %swap3A_453 : i32 to index
      %swap3A_455 = arith.constant 80 : index
      %swap3A_456 = tpu.vector_load %arg17[%swap3A_454, %swap3A_455] {strides = array<i32>} : memref<2x128xf32, #tpu.memory_space<vmem>>, vector<1x16xf32>,
      %swap3A_457 = vector.shape_cast %swap3A_456 : vector<1x16xf32> to vector<16xf32>
      %swap3A_458 = vector.shape_cast %mul3A_452 : vector<16xf32> to vector<1x16xf32>
      tpu.vector_store %arg17[%swap3A_454, %swap3A_455], %swap3A_458 {strides = array<i32>} : memref<2x128xf32, #tpu.memory_space<vmem>>, vector<1x16xf32>,
      %get3A_459 = arith.constant 0 : i32
      %get3A_460 = arith.index_cast %get3A_459 : i32 to index
      %get3A_461 = arith.constant 80 : index
      %get3A_462 = tpu.vector_load %arg13[%get3A_460, %get3A_461] {strides = array<i32>} : memref<2x128xf32, #tpu.memory_space<vmem>>, vector<1x16xf32>,
      %get3A_463 = vector.shape_cast %get3A_462 : vector<1x16xf32> to vector<16xf32>
      %mul3A_464 = arith.mulf %exp3A_440, %get3A_463 : vector<16xf32>
      %swap3A_465 = arith.constant 0 : i32
      %swap3A_466 = arith.index_cast %swap3A_465 : i32 to index
      %swap3A_467 = arith.constant 80 : index
      %swap3A_468 = tpu.vector_load %arg18[%swap3A_466, %swap3A_467] {strides = array<i32>} : memref<2x128xf32, #tpu.memory_space<vmem>>, vector<1x16xf32>,
      %swap3A_469 = vector.shape_cast %swap3A_468 : vector<1x16xf32> to vector<16xf32>
      %swap3A_470 = vector.shape_cast %mul3A_464 : vector<16xf32> to vector<1x16xf32>
      tpu.vector_store %arg18[%swap3A_466, %swap3A_467], %swap3A_470 {strides = array<i32>} : memref<2x128xf32, #tpu.memory_space<vmem>>, vector<1x16xf32>,
      %get3A_471 = arith.constant 0 : i32
      %get3A_472 = arith.index_cast %get3A_471 : i32 to index
      %get3A_473 = arith.constant 96 : index
      %get3A_474 = tpu.vector_load %arg14[%get3A_472, %get3A_473] {strides = array<i32>} : memref<2x128xf32, #tpu.memory_space<vmem>>, vector<1x16xf32>,
      %get3A_475 = vector.shape_cast %get3A_474 : vector<1x16xf32> to vector<16xf32>
      %get3A_476 = arith.constant 0 : i32
      %get3A_477 = arith.index_cast %get3A_476 : i32 to index
      %get3A_478 = arith.constant 96 : index
      %get3A_479 = tpu.vector_load %arg15[%get3A_477, %get3A_478] {strides = array<i32>} : memref<2x128xf32, #tpu.memory_space<vmem>>, vector<1x16xf32>,
      %get3A_480 = vector.shape_cast %get3A_479 : vector<1x16xf32> to vector<16xf32>
      %add3A_481 = arith.addf %get3A_475, %get3A_480 : vector<16xf32>
      %ge3A_482 = arith.constant 0.000000e+00 : f32
      %ge3A_483 = vector.broadcast %ge3A_482 : f32 to vector<16xf32>
      %ge3A_484 = arith.cmpf oge, %add3A_481, %ge3A_483 : vector<16xf32>
      %mul3A_485 = arith.constant 2.000000e-01 : f32
      %mul3A_486 = vector.broadcast %mul3A_485 : f32 to vector<16xf32>
      %mul3A_487 = arith.mulf %add3A_481, %mul3A_486 : vector<16xf32>
      %select_n3A_488 = arith.select %ge3A_484, %add3A_481, %mul3A_487 : vector<16xi1>, vector<16xf32>
      %exp3A_489 = math.exp %select_n3A_488 : vector<16xf32>
      %swap3A_490 = arith.constant 0 : i32
      %swap3A_491 = arith.index_cast %swap3A_490 : i32 to index
      %swap3A_492 = arith.constant 96 : index
      %swap3A_493 = tpu.vector_load %arg16[%swap3A_491, %swap3A_492] {strides = array<i32>} : memref<2x128xf32, #tpu.memory_space<vmem>>, vector<1x16xf32>,
      %swap3A_494 = vector.shape_cast %swap3A_493 : vector<1x16xf32> to vector<16xf32>
      %swap3A_495 = vector.shape_cast %exp3A_489 : vector<16xf32> to vector<1x16xf32>
      tpu.vector_store %arg16[%swap3A_491, %swap3A_492], %swap3A_495 {strides = array<i32>} : memref<2x128xf32, #tpu.memory_space<vmem>>, vector<1x16xf32>,
      %get3A_496 = arith.constant 0 : i32
      %get3A_497 = arith.index_cast %get3A_496 : i32 to index
      %get3A_498 = arith.constant 96 : index
      %get3A_499 = tpu.vector_load %arg12[%get3A_497, %get3A_498] {strides = array<i32>} : memref<2x128xf32, #tpu.memory_space<vmem>>, vector<1x16xf32>,
      %get3A_500 = vector.shape_cast %get3A_499 : vector<1x16xf32> to vector<16xf32>
      %mul3A_501 = arith.mulf %exp3A_489, %get3A_500 : vector<16xf32>
      %swap3A_502 = arith.constant 0 : i32
      %swap3A_503 = arith.index_cast %swap3A_502 : i32 to index
      %swap3A_504 = arith.constant 96 : index
      %swap3A_505 = tpu.vector_load %arg17[%swap3A_503, %swap3A_504] {strides = array<i32>} : memref<2x128xf32, #tpu.memory_space<vmem>>, vector<1x16xf32>,
      %swap3A_506 = vector.shape_cast %swap3A_505 : vector<1x16xf32> to vector<16xf32>
      %swap3A_507 = vector.shape_cast %mul3A_501 : vector<16xf32> to vector<1x16xf32>
      tpu.vector_store %arg17[%swap3A_503, %swap3A_504], %swap3A_507 {strides = array<i32>} : memref<2x128xf32, #tpu.memory_space<vmem>>, vector<1x16xf32>,
      %get3A_508 = arith.constant 0 : i32
      %get3A_509 = arith.index_cast %get3A_508 : i32 to index
      %get3A_510 = arith.constant 96 : index
      %get3A_511 = tpu.vector_load %arg13[%get3A_509, %get3A_510] {strides = array<i32>} : memref<2x128xf32, #tpu.memory_space<vmem>>, vector<1x16xf32>,
      %get3A_512 = vector.shape_cast %get3A_511 : vector<1x16xf32> to vector<16xf32>
      %mul3A_513 = arith.mulf %exp3A_489, %get3A_512 : vector<16xf32>
      %swap3A_514 = arith.constant 0 : i32
      %swap3A_515 = arith.index_cast %swap3A_514 : i32 to index
      %swap3A_516 = arith.constant 96 : index
      %swap3A_517 = tpu.vector_load %arg18[%swap3A_515, %swap3A_516] {strides = array<i32>} : memref<2x128xf32, #tpu.memory_space<vmem>>, vector<1x16xf32>,
      %swap3A_518 = vector.shape_cast %swap3A_517 : vector<1x16xf32> to vector<16xf32>
      %swap3A_519 = vector.shape_cast %mul3A_513 : vector<16xf32> to vector<1x16xf32>
      tpu.vector_store %arg18[%swap3A_515, %swap3A_516], %swap3A_519 {strides = array<i32>} : memref<2x128xf32, #tpu.memory_space<vmem>>, vector<1x16xf32>,
      %get3A_520 = arith.constant 0 : i32
      %get3A_521 = arith.index_cast %get3A_520 : i32 to index
      %get3A_522 = arith.constant 112 : index
      %get3A_523 = tpu.vector_load %arg14[%get3A_521, %get3A_522] {strides = array<i32>} : memref<2x128xf32, #tpu.memory_space<vmem>>, vector<1x16xf32>,
      %get3A_524 = vector.shape_cast %get3A_523 : vector<1x16xf32> to vector<16xf32>
      %get3A_525 = arith.constant 0 : i32
      %get3A_526 = arith.index_cast %get3A_525 : i32 to index
      %get3A_527 = arith.constant 112 : index
      %get3A_528 = tpu.vector_load %arg15[%get3A_526, %get3A_527] {strides = array<i32>} : memref<2x128xf32, #tpu.memory_space<vmem>>, vector<1x16xf32>,
      %get3A_529 = vector.shape_cast %get3A_528 : vector<1x16xf32> to vector<16xf32>
      %add3A_530 = arith.addf %get3A_524, %get3A_529 : vector<16xf32>
      %ge3A_531 = arith.constant 0.000000e+00 : f32
      %ge3A_532 = vector.broadcast %ge3A_531 : f32 to vector<16xf32>
      %ge3A_533 = arith.cmpf oge, %add3A_530, %ge3A_532 : vector<16xf32>
      %mul3A_534 = arith.constant 2.000000e-01 : f32
      %mul3A_535 = vector.broadcast %mul3A_534 : f32 to vector<16xf32>
      %mul3A_536 = arith.mulf %add3A_530, %mul3A_535 : vector<16xf32>
      %select_n3A_537 = arith.select %ge3A_533, %add3A_530, %mul3A_536 : vector<16xi1>, vector<16xf32>
      %exp3A_538 = math.exp %select_n3A_537 : vector<16xf32>
      %swap3A_539 = arith.constant 0 : i32
      %swap3A_540 = arith.index_cast %swap3A_539 : i32 to index
      %swap3A_541 = arith.constant 112 : index
      %swap3A_542 = tpu.vector_load %arg16[%swap3A_540, %swap3A_541] {strides = array<i32>} : memref<2x128xf32, #tpu.memory_space<vmem>>, vector<1x16xf32>,
      %swap3A_543 = vector.shape_cast %swap3A_542 : vector<1x16xf32> to vector<16xf32>
      %swap3A_544 = vector.shape_cast %exp3A_538 : vector<16xf32> to vector<1x16xf32>
      tpu.vector_store %arg16[%swap3A_540, %swap3A_541], %swap3A_544 {strides = array<i32>} : memref<2x128xf32, #tpu.memory_space<vmem>>, vector<1x16xf32>,
      %get3A_545 = arith.constant 0 : i32
      %get3A_546 = arith.index_cast %get3A_545 : i32 to index
      %get3A_547 = arith.constant 112 : index
      %get3A_548 = tpu.vector_load %arg12[%get3A_546, %get3A_547] {strides = array<i32>} : memref<2x128xf32, #tpu.memory_space<vmem>>, vector<1x16xf32>,
      %get3A_549 = vector.shape_cast %get3A_548 : vector<1x16xf32> to vector<16xf32>
      %mul3A_550 = arith.mulf %exp3A_538, %get3A_549 : vector<16xf32>
      %swap3A_551 = arith.constant 0 : i32
      %swap3A_552 = arith.index_cast %swap3A_551 : i32 to index
      %swap3A_553 = arith.constant 112 : index
      %swap3A_554 = tpu.vector_load %arg17[%swap3A_552, %swap3A_553] {strides = array<i32>} : memref<2x128xf32, #tpu.memory_space<vmem>>, vector<1x16xf32>,
      %swap3A_555 = vector.shape_cast %swap3A_554 : vector<1x16xf32> to vector<16xf32>
      %swap3A_556 = vector.shape_cast %mul3A_550 : vector<16xf32> to vector<1x16xf32>
      tpu.vector_store %arg17[%swap3A_552, %swap3A_553], %swap3A_556 {strides = array<i32>} : memref<2x128xf32, #tpu.memory_space<vmem>>, vector<1x16xf32>,
      %get3A_557 = arith.constant 0 : i32
      %get3A_558 = arith.index_cast %get3A_557 : i32 to index
      %get3A_559 = arith.constant 112 : index
      %get3A_560 = tpu.vector_load %arg13[%get3A_558, %get3A_559] {strides = array<i32>} : memref<2x128xf32, #tpu.memory_space<vmem>>, vector<1x16xf32>,
      %get3A_561 = vector.shape_cast %get3A_560 : vector<1x16xf32> to vector<16xf32>
      %mul3A_562 = arith.mulf %exp3A_538, %get3A_561 : vector<16xf32>
      %swap3A_563 = arith.constant 0 : i32
      %swap3A_564 = arith.index_cast %swap3A_563 : i32 to index
      %swap3A_565 = arith.constant 112 : index
      %swap3A_566 = tpu.vector_load %arg18[%swap3A_564, %swap3A_565] {strides = array<i32>} : memref<2x128xf32, #tpu.memory_space<vmem>>, vector<1x16xf32>,
      %swap3A_567 = vector.shape_cast %swap3A_566 : vector<1x16xf32> to vector<16xf32>
      %swap3A_568 = vector.shape_cast %mul3A_562 : vector<16xf32> to vector<1x16xf32>
      tpu.vector_store %arg18[%swap3A_564, %swap3A_565], %swap3A_568 {strides = array<i32>} : memref<2x128xf32, #tpu.memory_space<vmem>>, vector<1x16xf32>,
      %get3A_569 = arith.constant 1 : i32
      %get3A_570 = arith.index_cast %get3A_569 : i32 to index
      %get3A_571 = arith.constant 0 : index
      %get3A_572 = tpu.vector_load %arg14[%get3A_570, %get3A_571] {strides = array<i32>} : memref<2x128xf32, #tpu.memory_space<vmem>>, vector<1x16xf32>,
      %get3A_573 = vector.shape_cast %get3A_572 : vector<1x16xf32> to vector<16xf32>
      %get3A_574 = arith.constant 1 : i32
      %get3A_575 = arith.index_cast %get3A_574 : i32 to index
      %get3A_576 = arith.constant 0 : index
      %get3A_577 = tpu.vector_load %arg15[%get3A_575, %get3A_576] {strides = array<i32>} : memref<2x128xf32, #tpu.memory_space<vmem>>, vector<1x16xf32>,
      %get3A_578 = vector.shape_cast %get3A_577 : vector<1x16xf32> to vector<16xf32>
      %add3A_579 = arith.addf %get3A_573, %get3A_578 : vector<16xf32>
      %ge3A_580 = arith.constant 0.000000e+00 : f32
      %ge3A_581 = vector.broadcast %ge3A_580 : f32 to vector<16xf32>
      %ge3A_582 = arith.cmpf oge, %add3A_579, %ge3A_581 : vector<16xf32>
      %mul3A_583 = arith.constant 2.000000e-01 : f32
      %mul3A_584 = vector.broadcast %mul3A_583 : f32 to vector<16xf32>
      %mul3A_585 = arith.mulf %add3A_579, %mul3A_584 : vector<16xf32>
      %select_n3A_586 = arith.select %ge3A_582, %add3A_579, %mul3A_585 : vector<16xi1>, vector<16xf32>
      %exp3A_587 = math.exp %select_n3A_586 : vector<16xf32>
      %swap3A_588 = arith.constant 1 : i32
      %swap3A_589 = arith.index_cast %swap3A_588 : i32 to index
      %swap3A_590 = arith.constant 0 : index
      %swap3A_591 = tpu.vector_load %arg16[%swap3A_589, %swap3A_590] {strides = array<i32>} : memref<2x128xf32, #tpu.memory_space<vmem>>, vector<1x16xf32>,
      %swap3A_592 = vector.shape_cast %swap3A_591 : vector<1x16xf32> to vector<16xf32>
      %swap3A_593 = vector.shape_cast %exp3A_587 : vector<16xf32> to vector<1x16xf32>
      tpu.vector_store %arg16[%swap3A_589, %swap3A_590], %swap3A_593 {strides = array<i32>} : memref<2x128xf32, #tpu.memory_space<vmem>>, vector<1x16xf32>,
      %get3A_594 = arith.constant 1 : i32
      %get3A_595 = arith.index_cast %get3A_594 : i32 to index
      %get3A_596 = arith.constant 0 : index
      %get3A_597 = tpu.vector_load %arg12[%get3A_595, %get3A_596] {strides = array<i32>} : memref<2x128xf32, #tpu.memory_space<vmem>>, vector<1x16xf32>,
      %get3A_598 = vector.shape_cast %get3A_597 : vector<1x16xf32> to vector<16xf32>
      %mul3A_599 = arith.mulf %exp3A_587, %get3A_598 : vector<16xf32>
      %swap3A_600 = arith.constant 1 : i32
      %swap3A_601 = arith.index_cast %swap3A_600 : i32 to index
      %swap3A_602 = arith.constant 0 : index
      %swap3A_603 = tpu.vector_load %arg17[%swap3A_601, %swap3A_602] {strides = array<i32>} : memref<2x128xf32, #tpu.memory_space<vmem>>, vector<1x16xf32>,
      %swap3A_604 = vector.shape_cast %swap3A_603 : vector<1x16xf32> to vector<16xf32>
      %swap3A_605 = vector.shape_cast %mul3A_599 : vector<16xf32> to vector<1x16xf32>
      tpu.vector_store %arg17[%swap3A_601, %swap3A_602], %swap3A_605 {strides = array<i32>} : memref<2x128xf32, #tpu.memory_space<vmem>>, vector<1x16xf32>,
      %get3A_606 = arith.constant 1 : i32
      %get3A_607 = arith.index_cast %get3A_606 : i32 to index
      %get3A_608 = arith.constant 0 : index
      %get3A_609 = tpu.vector_load %arg13[%get3A_607, %get3A_608] {strides = array<i32>} : memref<2x128xf32, #tpu.memory_space<vmem>>, vector<1x16xf32>,
      %get3A_610 = vector.shape_cast %get3A_609 : vector<1x16xf32> to vector<16xf32>
      %mul3A_611 = arith.mulf %exp3A_587, %get3A_610 : vector<16xf32>
      %swap3A_612 = arith.constant 1 : i32
      %swap3A_613 = arith.index_cast %swap3A_612 : i32 to index
      %swap3A_614 = arith.constant 0 : index
      %swap3A_615 = tpu.vector_load %arg18[%swap3A_613, %swap3A_614] {strides = array<i32>} : memref<2x128xf32, #tpu.memory_space<vmem>>, vector<1x16xf32>,
      %swap3A_616 = vector.shape_cast %swap3A_615 : vector<1x16xf32> to vector<16xf32>
      %swap3A_617 = vector.shape_cast %mul3A_611 : vector<16xf32> to vector<1x16xf32>
      tpu.vector_store %arg18[%swap3A_613, %swap3A_614], %swap3A_617 {strides = array<i32>} : memref<2x128xf32, #tpu.memory_space<vmem>>, vector<1x16xf32>,
      %get3A_618 = arith.constant 1 : i32
      %get3A_619 = arith.index_cast %get3A_618 : i32 to index
      %get3A_620 = arith.constant 16 : index
      %get3A_621 = tpu.vector_load %arg14[%get3A_619, %get3A_620] {strides = array<i32>} : memref<2x128xf32, #tpu.memory_space<vmem>>, vector<1x16xf32>,
      %get3A_622 = vector.shape_cast %get3A_621 : vector<1x16xf32> to vector<16xf32>
      %get3A_623 = arith.constant 1 : i32
      %get3A_624 = arith.index_cast %get3A_623 : i32 to index
      %get3A_625 = arith.constant 16 : index
      %get3A_626 = tpu.vector_load %arg15[%get3A_624, %get3A_625] {strides = array<i32>} : memref<2x128xf32, #tpu.memory_space<vmem>>, vector<1x16xf32>,
      %get3A_627 = vector.shape_cast %get3A_626 : vector<1x16xf32> to vector<16xf32>
      %add3A_628 = arith.addf %get3A_622, %get3A_627 : vector<16xf32>
      %ge3A_629 = arith.constant 0.000000e+00 : f32
      %ge3A_630 = vector.broadcast %ge3A_629 : f32 to vector<16xf32>
      %ge3A_631 = arith.cmpf oge, %add3A_628, %ge3A_630 : vector<16xf32>
      %mul3A_632 = arith.constant 2.000000e-01 : f32
      %mul3A_633 = vector.broadcast %mul3A_632 : f32 to vector<16xf32>
      %mul3A_634 = arith.mulf %add3A_628, %mul3A_633 : vector<16xf32>
      %select_n3A_635 = arith.select %ge3A_631, %add3A_628, %mul3A_634 : vector<16xi1>, vector<16xf32>
      %exp3A_636 = math.exp %select_n3A_635 : vector<16xf32>
      %swap3A_637 = arith.constant 1 : i32
      %swap3A_638 = arith.index_cast %swap3A_637 : i32 to index
      %swap3A_639 = arith.constant 16 : index
      %swap3A_640 = tpu.vector_load %arg16[%swap3A_638, %swap3A_639] {strides = array<i32>} : memref<2x128xf32, #tpu.memory_space<vmem>>, vector<1x16xf32>,
      %swap3A_641 = vector.shape_cast %swap3A_640 : vector<1x16xf32> to vector<16xf32>
      %swap3A_642 = vector.shape_cast %exp3A_636 : vector<16xf32> to vector<1x16xf32>
      tpu.vector_store %arg16[%swap3A_638, %swap3A_639], %swap3A_642 {strides = array<i32>} : memref<2x128xf32, #tpu.memory_space<vmem>>, vector<1x16xf32>,
      %get3A_643 = arith.constant 1 : i32
      %get3A_644 = arith.index_cast %get3A_643 : i32 to index
      %get3A_645 = arith.constant 16 : index
      %get3A_646 = tpu.vector_load %arg12[%get3A_644, %get3A_645] {strides = array<i32>} : memref<2x128xf32, #tpu.memory_space<vmem>>, vector<1x16xf32>,
      %get3A_647 = vector.shape_cast %get3A_646 : vector<1x16xf32> to vector<16xf32>
      %mul3A_648 = arith.mulf %exp3A_636, %get3A_647 : vector<16xf32>
      %swap3A_649 = arith.constant 1 : i32
      %swap3A_650 = arith.index_cast %swap3A_649 : i32 to index
      %swap3A_651 = arith.constant 16 : index
      %swap3A_652 = tpu.vector_load %arg17[%swap3A_650, %swap3A_651] {strides = array<i32>} : memref<2x128xf32, #tpu.memory_space<vmem>>, vector<1x16xf32>,
      %swap3A_653 = vector.shape_cast %swap3A_652 : vector<1x16xf32> to vector<16xf32>
      %swap3A_654 = vector.shape_cast %mul3A_648 : vector<16xf32> to vector<1x16xf32>
      tpu.vector_store %arg17[%swap3A_650, %swap3A_651], %swap3A_654 {strides = array<i32>} : memref<2x128xf32, #tpu.memory_space<vmem>>, vector<1x16xf32>,
      %get3A_655 = arith.constant 1 : i32
      %get3A_656 = arith.index_cast %get3A_655 : i32 to index
      %get3A_657 = arith.constant 16 : index
      %get3A_658 = tpu.vector_load %arg13[%get3A_656, %get3A_657] {strides = array<i32>} : memref<2x128xf32, #tpu.memory_space<vmem>>, vector<1x16xf32>,
      %get3A_659 = vector.shape_cast %get3A_658 : vector<1x16xf32> to vector<16xf32>
      %mul3A_660 = arith.mulf %exp3A_636, %get3A_659 : vector<16xf32>
      %swap3A_661 = arith.constant 1 : i32
      %swap3A_662 = arith.index_cast %swap3A_661 : i32 to index
      %swap3A_663 = arith.constant 16 : index
      %swap3A_664 = tpu.vector_load %arg18[%swap3A_662, %swap3A_663] {strides = array<i32>} : memref<2x128xf32, #tpu.memory_space<vmem>>, vector<1x16xf32>,
      %swap3A_665 = vector.shape_cast %swap3A_664 : vector<1x16xf32> to vector<16xf32>
      %swap3A_666 = vector.shape_cast %mul3A_660 : vector<16xf32> to vector<1x16xf32>
      tpu.vector_store %arg18[%swap3A_662, %swap3A_663], %swap3A_666 {strides = array<i32>} : memref<2x128xf32, #tpu.memory_space<vmem>>, vector<1x16xf32>,
      %get3A_667 = arith.constant 1 : i32
      %get3A_668 = arith.index_cast %get3A_667 : i32 to index
      %get3A_669 = arith.constant 32 : index
      %get3A_670 = tpu.vector_load %arg14[%get3A_668, %get3A_669] {strides = array<i32>} : memref<2x128xf32, #tpu.memory_space<vmem>>, vector<1x16xf32>,
      %get3A_671 = vector.shape_cast %get3A_670 : vector<1x16xf32> to vector<16xf32>
      %get3A_672 = arith.constant 1 : i32
      %get3A_673 = arith.index_cast %get3A_672 : i32 to index
      %get3A_674 = arith.constant 32 : index
      %get3A_675 = tpu.vector_load %arg15[%get3A_673, %get3A_674] {strides = array<i32>} : memref<2x128xf32, #tpu.memory_space<vmem>>, vector<1x16xf32>,
      %get3A_676 = vector.shape_cast %get3A_675 : vector<1x16xf32> to vector<16xf32>
      %add3A_677 = arith.addf %get3A_671, %get3A_676 : vector<16xf32>
      %ge3A_678 = arith.constant 0.000000e+00 : f32
      %ge3A_679 = vector.broadcast %ge3A_678 : f32 to vector<16xf32>
      %ge3A_680 = arith.cmpf oge, %add3A_677, %ge3A_679 : vector<16xf32>
      %mul3A_681 = arith.constant 2.000000e-01 : f32
      %mul3A_682 = vector.broadcast %mul3A_681 : f32 to vector<16xf32>
      %mul3A_683 = arith.mulf %add3A_677, %mul3A_682 : vector<16xf32>
      %select_n3A_684 = arith.select %ge3A_680, %add3A_677, %mul3A_683 : vector<16xi1>, vector<16xf32>
      %exp3A_685 = math.exp %select_n3A_684 : vector<16xf32>
      %swap3A_686 = arith.constant 1 : i32
      %swap3A_687 = arith.index_cast %swap3A_686 : i32 to index
      %swap3A_688 = arith.constant 32 : index
      %swap3A_689 = tpu.vector_load %arg16[%swap3A_687, %swap3A_688] {strides = array<i32>} : memref<2x128xf32, #tpu.memory_space<vmem>>, vector<1x16xf32>,
      %swap3A_690 = vector.shape_cast %swap3A_689 : vector<1x16xf32> to vector<16xf32>
      %swap3A_691 = vector.shape_cast %exp3A_685 : vector<16xf32> to vector<1x16xf32>
      tpu.vector_store %arg16[%swap3A_687, %swap3A_688], %swap3A_691 {strides = array<i32>} : memref<2x128xf32, #tpu.memory_space<vmem>>, vector<1x16xf32>,
      %get3A_692 = arith.constant 1 : i32
      %get3A_693 = arith.index_cast %get3A_692 : i32 to index
      %get3A_694 = arith.constant 32 : index
      %get3A_695 = tpu.vector_load %arg12[%get3A_693, %get3A_694] {strides = array<i32>} : memref<2x128xf32, #tpu.memory_space<vmem>>, vector<1x16xf32>,
      %get3A_696 = vector.shape_cast %get3A_695 : vector<1x16xf32> to vector<16xf32>
      %mul3A_697 = arith.mulf %exp3A_685, %get3A_696 : vector<16xf32>
      %swap3A_698 = arith.constant 1 : i32
      %swap3A_699 = arith.index_cast %swap3A_698 : i32 to index
      %swap3A_700 = arith.constant 32 : index
      %swap3A_701 = tpu.vector_load %arg17[%swap3A_699, %swap3A_700] {strides = array<i32>} : memref<2x128xf32, #tpu.memory_space<vmem>>, vector<1x16xf32>,
      %swap3A_702 = vector.shape_cast %swap3A_701 : vector<1x16xf32> to vector<16xf32>
      %swap3A_703 = vector.shape_cast %mul3A_697 : vector<16xf32> to vector<1x16xf32>
      tpu.vector_store %arg17[%swap3A_699, %swap3A_700], %swap3A_703 {strides = array<i32>} : memref<2x128xf32, #tpu.memory_space<vmem>>, vector<1x16xf32>,
      %get3A_704 = arith.constant 1 : i32
      %get3A_705 = arith.index_cast %get3A_704 : i32 to index
      %get3A_706 = arith.constant 32 : index
      %get3A_707 = tpu.vector_load %arg13[%get3A_705, %get3A_706] {strides = array<i32>} : memref<2x128xf32, #tpu.memory_space<vmem>>, vector<1x16xf32>,
      %get3A_708 = vector.shape_cast %get3A_707 : vector<1x16xf32> to vector<16xf32>
      %mul3A_709 = arith.mulf %exp3A_685, %get3A_708 : vector<16xf32>
      %swap3A_710 = arith.constant 1 : i32
      %swap3A_711 = arith.index_cast %swap3A_710 : i32 to index
      %swap3A_712 = arith.constant 32 : index
      %swap3A_713 = tpu.vector_load %arg18[%swap3A_711, %swap3A_712] {strides = array<i32>} : memref<2x128xf32, #tpu.memory_space<vmem>>, vector<1x16xf32>,
      %swap3A_714 = vector.shape_cast %swap3A_713 : vector<1x16xf32> to vector<16xf32>
      %swap3A_715 = vector.shape_cast %mul3A_709 : vector<16xf32> to vector<1x16xf32>
      tpu.vector_store %arg18[%swap3A_711, %swap3A_712], %swap3A_715 {strides = array<i32>} : memref<2x128xf32, #tpu.memory_space<vmem>>, vector<1x16xf32>,
      %get3A_716 = arith.constant 1 : i32
      %get3A_717 = arith.index_cast %get3A_716 : i32 to index
      %get3A_718 = arith.constant 48 : index
      %get3A_719 = tpu.vector_load %arg14[%get3A_717, %get3A_718] {strides = array<i32>} : memref<2x128xf32, #tpu.memory_space<vmem>>, vector<1x16xf32>,
      %get3A_720 = vector.shape_cast %get3A_719 : vector<1x16xf32> to vector<16xf32>
      %get3A_721 = arith.constant 1 : i32
      %get3A_722 = arith.index_cast %get3A_721 : i32 to index
      %get3A_723 = arith.constant 48 : index
      %get3A_724 = tpu.vector_load %arg15[%get3A_722, %get3A_723] {strides = array<i32>} : memref<2x128xf32, #tpu.memory_space<vmem>>, vector<1x16xf32>,
      %get3A_725 = vector.shape_cast %get3A_724 : vector<1x16xf32> to vector<16xf32>
      %add3A_726 = arith.addf %get3A_720, %get3A_725 : vector<16xf32>
      %ge3A_727 = arith.constant 0.000000e+00 : f32
      %ge3A_728 = vector.broadcast %ge3A_727 : f32 to vector<16xf32>
      %ge3A_729 = arith.cmpf oge, %add3A_726, %ge3A_728 : vector<16xf32>
      %mul3A_730 = arith.constant 2.000000e-01 : f32
      %mul3A_731 = vector.broadcast %mul3A_730 : f32 to vector<16xf32>
      %mul3A_732 = arith.mulf %add3A_726, %mul3A_731 : vector<16xf32>
      %select_n3A_733 = arith.select %ge3A_729, %add3A_726, %mul3A_732 : vector<16xi1>, vector<16xf32>
      %exp3A_734 = math.exp %select_n3A_733 : vector<16xf32>
      %swap3A_735 = arith.constant 1 : i32
      %swap3A_736 = arith.index_cast %swap3A_735 : i32 to index
      %swap3A_737 = arith.constant 48 : index
      %swap3A_738 = tpu.vector_load %arg16[%swap3A_736, %swap3A_737] {strides = array<i32>} : memref<2x128xf32, #tpu.memory_space<vmem>>, vector<1x16xf32>,
      %swap3A_739 = vector.shape_cast %swap3A_738 : vector<1x16xf32> to vector<16xf32>
      %swap3A_740 = vector.shape_cast %exp3A_734 : vector<16xf32> to vector<1x16xf32>
      tpu.vector_store %arg16[%swap3A_736, %swap3A_737], %swap3A_740 {strides = array<i32>} : memref<2x128xf32, #tpu.memory_space<vmem>>, vector<1x16xf32>,
      %get3A_741 = arith.constant 1 : i32
      %get3A_742 = arith.index_cast %get3A_741 : i32 to index
      %get3A_743 = arith.constant 48 : index
      %get3A_744 = tpu.vector_load %arg12[%get3A_742, %get3A_743] {strides = array<i32>} : memref<2x128xf32, #tpu.memory_space<vmem>>, vector<1x16xf32>,
      %get3A_745 = vector.shape_cast %get3A_744 : vector<1x16xf32> to vector<16xf32>
      %mul3A_746 = arith.mulf %exp3A_734, %get3A_745 : vector<16xf32>
      %swap3A_747 = arith.constant 1 : i32
      %swap3A_748 = arith.index_cast %swap3A_747 : i32 to index
      %swap3A_749 = arith.constant 48 : index
      %swap3A_750 = tpu.vector_load %arg17[%swap3A_748, %swap3A_749] {strides = array<i32>} : memref<2x128xf32, #tpu.memory_space<vmem>>, vector<1x16xf32>,
      %swap3A_751 = vector.shape_cast %swap3A_750 : vector<1x16xf32> to vector<16xf32>
      %swap3A_752 = vector.shape_cast %mul3A_746 : vector<16xf32> to vector<1x16xf32>
      tpu.vector_store %arg17[%swap3A_748, %swap3A_749], %swap3A_752 {strides = array<i32>} : memref<2x128xf32, #tpu.memory_space<vmem>>, vector<1x16xf32>,
      %get3A_753 = arith.constant 1 : i32
      %get3A_754 = arith.index_cast %get3A_753 : i32 to index
      %get3A_755 = arith.constant 48 : index
      %get3A_756 = tpu.vector_load %arg13[%get3A_754, %get3A_755] {strides = array<i32>} : memref<2x128xf32, #tpu.memory_space<vmem>>, vector<1x16xf32>,
      %get3A_757 = vector.shape_cast %get3A_756 : vector<1x16xf32> to vector<16xf32>
      %mul3A_758 = arith.mulf %exp3A_734, %get3A_757 : vector<16xf32>
      %swap3A_759 = arith.constant 1 : i32
      %swap3A_760 = arith.index_cast %swap3A_759 : i32 to index
      %swap3A_761 = arith.constant 48 : index
      %swap3A_762 = tpu.vector_load %arg18[%swap3A_760, %swap3A_761] {strides = array<i32>} : memref<2x128xf32, #tpu.memory_space<vmem>>, vector<1x16xf32>,
      %swap3A_763 = vector.shape_cast %swap3A_762 : vector<1x16xf32> to vector<16xf32>
      %swap3A_764 = vector.shape_cast %mul3A_758 : vector<16xf32> to vector<1x16xf32>
      tpu.vector_store %arg18[%swap3A_760, %swap3A_761], %swap3A_764 {strides = array<i32>} : memref<2x128xf32, #tpu.memory_space<vmem>>, vector<1x16xf32>,
      %get3A_765 = arith.constant 1 : i32
      %get3A_766 = arith.index_cast %get3A_765 : i32 to index
      %get3A_767 = arith.constant 64 : index
      %get3A_768 = tpu.vector_load %arg14[%get3A_766, %get3A_767] {strides = array<i32>} : memref<2x128xf32, #tpu.memory_space<vmem>>, vector<1x16xf32>,
      %get3A_769 = vector.shape_cast %get3A_768 : vector<1x16xf32> to vector<16xf32>
      %get3A_770 = arith.constant 1 : i32
      %get3A_771 = arith.index_cast %get3A_770 : i32 to index
      %get3A_772 = arith.constant 64 : index
      %get3A_773 = tpu.vector_load %arg15[%get3A_771, %get3A_772] {strides = array<i32>} : memref<2x128xf32, #tpu.memory_space<vmem>>, vector<1x16xf32>,
      %get3A_774 = vector.shape_cast %get3A_773 : vector<1x16xf32> to vector<16xf32>
      %add3A_775 = arith.addf %get3A_769, %get3A_774 : vector<16xf32>
      %ge3A_776 = arith.constant 0.000000e+00 : f32
      %ge3A_777 = vector.broadcast %ge3A_776 : f32 to vector<16xf32>
      %ge3A_778 = arith.cmpf oge, %add3A_775, %ge3A_777 : vector<16xf32>
      %mul3A_779 = arith.constant 2.000000e-01 : f32
      %mul3A_780 = vector.broadcast %mul3A_779 : f32 to vector<16xf32>
      %mul3A_781 = arith.mulf %add3A_775, %mul3A_780 : vector<16xf32>
      %select_n3A_782 = arith.select %ge3A_778, %add3A_775, %mul3A_781 : vector<16xi1>, vector<16xf32>
      %exp3A_783 = math.exp %select_n3A_782 : vector<16xf32>
      %swap3A_784 = arith.constant 1 : i32
      %swap3A_785 = arith.index_cast %swap3A_784 : i32 to index
      %swap3A_786 = arith.constant 64 : index
      %swap3A_787 = tpu.vector_load %arg16[%swap3A_785, %swap3A_786] {strides = array<i32>} : memref<2x128xf32, #tpu.memory_space<vmem>>, vector<1x16xf32>,
      %swap3A_788 = vector.shape_cast %swap3A_787 : vector<1x16xf32> to vector<16xf32>
      %swap3A_789 = vector.shape_cast %exp3A_783 : vector<16xf32> to vector<1x16xf32>
      tpu.vector_store %arg16[%swap3A_785, %swap3A_786], %swap3A_789 {strides = array<i32>} : memref<2x128xf32, #tpu.memory_space<vmem>>, vector<1x16xf32>,
      %get3A_790 = arith.constant 1 : i32
      %get3A_791 = arith.index_cast %get3A_790 : i32 to index
      %get3A_792 = arith.constant 64 : index
      %get3A_793 = tpu.vector_load %arg12[%get3A_791, %get3A_792] {strides = array<i32>} : memref<2x128xf32, #tpu.memory_space<vmem>>, vector<1x16xf32>,
      %get3A_794 = vector.shape_cast %get3A_793 : vector<1x16xf32> to vector<16xf32>
      %mul3A_795 = arith.mulf %exp3A_783, %get3A_794 : vector<16xf32>
      %swap3A_796 = arith.constant 1 : i32
      %swap3A_797 = arith.index_cast %swap3A_796 : i32 to index
      %swap3A_798 = arith.constant 64 : index
      %swap3A_799 = tpu.vector_load %arg17[%swap3A_797, %swap3A_798] {strides = array<i32>} : memref<2x128xf32, #tpu.memory_space<vmem>>, vector<1x16xf32>,
      %swap3A_800 = vector.shape_cast %swap3A_799 : vector<1x16xf32> to vector<16xf32>
      %swap3A_801 = vector.shape_cast %mul3A_795 : vector<16xf32> to vector<1x16xf32>
      tpu.vector_store %arg17[%swap3A_797, %swap3A_798], %swap3A_801 {strides = array<i32>} : memref<2x128xf32, #tpu.memory_space<vmem>>, vector<1x16xf32>,
      %get3A_802 = arith.constant 1 : i32
      %get3A_803 = arith.index_cast %get3A_802 : i32 to index
      %get3A_804 = arith.constant 64 : index
      %get3A_805 = tpu.vector_load %arg13[%get3A_803, %get3A_804] {strides = array<i32>} : memref<2x128xf32, #tpu.memory_space<vmem>>, vector<1x16xf32>,
      %get3A_806 = vector.shape_cast %get3A_805 : vector<1x16xf32> to vector<16xf32>
      %mul3A_807 = arith.mulf %exp3A_783, %get3A_806 : vector<16xf32>
      %swap3A_808 = arith.constant 1 : i32
      %swap3A_809 = arith.index_cast %swap3A_808 : i32 to index
      %swap3A_810 = arith.constant 64 : index
      %swap3A_811 = tpu.vector_load %arg18[%swap3A_809, %swap3A_810] {strides = array<i32>} : memref<2x128xf32, #tpu.memory_space<vmem>>, vector<1x16xf32>,
      %swap3A_812 = vector.shape_cast %swap3A_811 : vector<1x16xf32> to vector<16xf32>
      %swap3A_813 = vector.shape_cast %mul3A_807 : vector<16xf32> to vector<1x16xf32>
      tpu.vector_store %arg18[%swap3A_809, %swap3A_810], %swap3A_813 {strides = array<i32>} : memref<2x128xf32, #tpu.memory_space<vmem>>, vector<1x16xf32>,
      %get3A_814 = arith.constant 1 : i32
      %get3A_815 = arith.index_cast %get3A_814 : i32 to index
      %get3A_816 = arith.constant 80 : index
      %get3A_817 = tpu.vector_load %arg14[%get3A_815, %get3A_816] {strides = array<i32>} : memref<2x128xf32, #tpu.memory_space<vmem>>, vector<1x16xf32>,
      %get3A_818 = vector.shape_cast %get3A_817 : vector<1x16xf32> to vector<16xf32>
      %get3A_819 = arith.constant 1 : i32
      %get3A_820 = arith.index_cast %get3A_819 : i32 to index
      %get3A_821 = arith.constant 80 : index
      %get3A_822 = tpu.vector_load %arg15[%get3A_820, %get3A_821] {strides = array<i32>} : memref<2x128xf32, #tpu.memory_space<vmem>>, vector<1x16xf32>,
      %get3A_823 = vector.shape_cast %get3A_822 : vector<1x16xf32> to vector<16xf32>
      %add3A_824 = arith.addf %get3A_818, %get3A_823 : vector<16xf32>
      %ge3A_825 = arith.constant 0.000000e+00 : f32
      %ge3A_826 = vector.broadcast %ge3A_825 : f32 to vector<16xf32>
      %ge3A_827 = arith.cmpf oge, %add3A_824, %ge3A_826 : vector<16xf32>
      %mul3A_828 = arith.constant 2.000000e-01 : f32
      %mul3A_829 = vector.broadcast %mul3A_828 : f32 to vector<16xf32>
      %mul3A_830 = arith.mulf %add3A_824, %mul3A_829 : vector<16xf32>
      %select_n3A_831 = arith.select %ge3A_827, %add3A_824, %mul3A_830 : vector<16xi1>, vector<16xf32>
      %exp3A_832 = math.exp %select_n3A_831 : vector<16xf32>
      %swap3A_833 = arith.constant 1 : i32
      %swap3A_834 = arith.index_cast %swap3A_833 : i32 to index
      %swap3A_835 = arith.constant 80 : index
      %swap3A_836 = tpu.vector_load %arg16[%swap3A_834, %swap3A_835] {strides = array<i32>} : memref<2x128xf32, #tpu.memory_space<vmem>>, vector<1x16xf32>,
      %swap3A_837 = vector.shape_cast %swap3A_836 : vector<1x16xf32> to vector<16xf32>
      %swap3A_838 = vector.shape_cast %exp3A_832 : vector<16xf32> to vector<1x16xf32>
      tpu.vector_store %arg16[%swap3A_834, %swap3A_835], %swap3A_838 {strides = array<i32>} : memref<2x128xf32, #tpu.memory_space<vmem>>, vector<1x16xf32>,
      %get3A_839 = arith.constant 1 : i32
      %get3A_840 = arith.index_cast %get3A_839 : i32 to index
      %get3A_841 = arith.constant 80 : index
      %get3A_842 = tpu.vector_load %arg12[%get3A_840, %get3A_841] {strides = array<i32>} : memref<2x128xf32, #tpu.memory_space<vmem>>, vector<1x16xf32>,
      %get3A_843 = vector.shape_cast %get3A_842 : vector<1x16xf32> to vector<16xf32>
      %mul3A_844 = arith.mulf %exp3A_832, %get3A_843 : vector<16xf32>
      %swap3A_845 = arith.constant 1 : i32
      %swap3A_846 = arith.index_cast %swap3A_845 : i32 to index
      %swap3A_847 = arith.constant 80 : index
      %swap3A_848 = tpu.vector_load %arg17[%swap3A_846, %swap3A_847] {strides = array<i32>} : memref<2x128xf32, #tpu.memory_space<vmem>>, vector<1x16xf32>,
      %swap3A_849 = vector.shape_cast %swap3A_848 : vector<1x16xf32> to vector<16xf32>
      %swap3A_850 = vector.shape_cast %mul3A_844 : vector<16xf32> to vector<1x16xf32>
      tpu.vector_store %arg17[%swap3A_846, %swap3A_847], %swap3A_850 {strides = array<i32>} : memref<2x128xf32, #tpu.memory_space<vmem>>, vector<1x16xf32>,
      %get3A_851 = arith.constant 1 : i32
      %get3A_852 = arith.index_cast %get3A_851 : i32 to index
      %get3A_853 = arith.constant 80 : index
      %get3A_854 = tpu.vector_load %arg13[%get3A_852, %get3A_853] {strides = array<i32>} : memref<2x128xf32, #tpu.memory_space<vmem>>, vector<1x16xf32>,
      %get3A_855 = vector.shape_cast %get3A_854 : vector<1x16xf32> to vector<16xf32>
      %mul3A_856 = arith.mulf %exp3A_832, %get3A_855 : vector<16xf32>
      %swap3A_857 = arith.constant 1 : i32
      %swap3A_858 = arith.index_cast %swap3A_857 : i32 to index
      %swap3A_859 = arith.constant 80 : index
      %swap3A_860 = tpu.vector_load %arg18[%swap3A_858, %swap3A_859] {strides = array<i32>} : memref<2x128xf32, #tpu.memory_space<vmem>>, vector<1x16xf32>,
      %swap3A_861 = vector.shape_cast %swap3A_860 : vector<1x16xf32> to vector<16xf32>
      %swap3A_862 = vector.shape_cast %mul3A_856 : vector<16xf32> to vector<1x16xf32>
      tpu.vector_store %arg18[%swap3A_858, %swap3A_859], %swap3A_862 {strides = array<i32>} : memref<2x128xf32, #tpu.memory_space<vmem>>, vector<1x16xf32>,
      %get3A_863 = arith.constant 1 : i32
      %get3A_864 = arith.index_cast %get3A_863 : i32 to index
      %get3A_865 = arith.constant 96 : index
      %get3A_866 = tpu.vector_load %arg14[%get3A_864, %get3A_865] {strides = array<i32>} : memref<2x128xf32, #tpu.memory_space<vmem>>, vector<1x16xf32>,
      %get3A_867 = vector.shape_cast %get3A_866 : vector<1x16xf32> to vector<16xf32>
      %get3A_868 = arith.constant 1 : i32
      %get3A_869 = arith.index_cast %get3A_868 : i32 to index
      %get3A_870 = arith.constant 96 : index
      %get3A_871 = tpu.vector_load %arg15[%get3A_869, %get3A_870] {strides = array<i32>} : memref<2x128xf32, #tpu.memory_space<vmem>>, vector<1x16xf32>,
      %get3A_872 = vector.shape_cast %get3A_871 : vector<1x16xf32> to vector<16xf32>
      %add3A_873 = arith.addf %get3A_867, %get3A_872 : vector<16xf32>
      %ge3A_874 = arith.constant 0.000000e+00 : f32
      %ge3A_875 = vector.broadcast %ge3A_874 : f32 to vector<16xf32>
      %ge3A_876 = arith.cmpf oge, %add3A_873, %ge3A_875 : vector<16xf32>
      %mul3A_877 = arith.constant 2.000000e-01 : f32
      %mul3A_878 = vector.broadcast %mul3A_877 : f32 to vector<16xf32>
      %mul3A_879 = arith.mulf %add3A_873, %mul3A_878 : vector<16xf32>
      %select_n3A_880 = arith.select %ge3A_876, %add3A_873, %mul3A_879 : vector<16xi1>, vector<16xf32>
      %exp3A_881 = math.exp %select_n3A_880 : vector<16xf32>
      %swap3A_882 = arith.constant 1 : i32
      %swap3A_883 = arith.index_cast %swap3A_882 : i32 to index
      %swap3A_884 = arith.constant 96 : index
      %swap3A_885 = tpu.vector_load %arg16[%swap3A_883, %swap3A_884] {strides = array<i32>} : memref<2x128xf32, #tpu.memory_space<vmem>>, vector<1x16xf32>,
      %swap3A_886 = vector.shape_cast %swap3A_885 : vector<1x16xf32> to vector<16xf32>
      %swap3A_887 = vector.shape_cast %exp3A_881 : vector<16xf32> to vector<1x16xf32>
      tpu.vector_store %arg16[%swap3A_883, %swap3A_884], %swap3A_887 {strides = array<i32>} : memref<2x128xf32, #tpu.memory_space<vmem>>, vector<1x16xf32>,
      %get3A_888 = arith.constant 1 : i32
      %get3A_889 = arith.index_cast %get3A_888 : i32 to index
      %get3A_890 = arith.constant 96 : index
      %get3A_891 = tpu.vector_load %arg12[%get3A_889, %get3A_890] {strides = array<i32>} : memref<2x128xf32, #tpu.memory_space<vmem>>, vector<1x16xf32>,
      %get3A_892 = vector.shape_cast %get3A_891 : vector<1x16xf32> to vector<16xf32>
      %mul3A_893 = arith.mulf %exp3A_881, %get3A_892 : vector<16xf32>
      %swap3A_894 = arith.constant 1 : i32
      %swap3A_895 = arith.index_cast %swap3A_894 : i32 to index
      %swap3A_896 = arith.constant 96 : index
      %swap3A_897 = tpu.vector_load %arg17[%swap3A_895, %swap3A_896] {strides = array<i32>} : memref<2x128xf32, #tpu.memory_space<vmem>>, vector<1x16xf32>,
      %swap3A_898 = vector.shape_cast %swap3A_897 : vector<1x16xf32> to vector<16xf32>
      %swap3A_899 = vector.shape_cast %mul3A_893 : vector<16xf32> to vector<1x16xf32>
      tpu.vector_store %arg17[%swap3A_895, %swap3A_896], %swap3A_899 {strides = array<i32>} : memref<2x128xf32, #tpu.memory_space<vmem>>, vector<1x16xf32>,
      %get3A_900 = arith.constant 1 : i32
      %get3A_901 = arith.index_cast %get3A_900 : i32 to index
      %get3A_902 = arith.constant 96 : index
      %get3A_903 = tpu.vector_load %arg13[%get3A_901, %get3A_902] {strides = array<i32>} : memref<2x128xf32, #tpu.memory_space<vmem>>, vector<1x16xf32>,
      %get3A_904 = vector.shape_cast %get3A_903 : vector<1x16xf32> to vector<16xf32>
      %mul3A_905 = arith.mulf %exp3A_881, %get3A_904 : vector<16xf32>
      %swap3A_906 = arith.constant 1 : i32
      %swap3A_907 = arith.index_cast %swap3A_906 : i32 to index
      %swap3A_908 = arith.constant 96 : index
      %swap3A_909 = tpu.vector_load %arg18[%swap3A_907, %swap3A_908] {strides = array<i32>} : memref<2x128xf32, #tpu.memory_space<vmem>>, vector<1x16xf32>,
      %swap3A_910 = vector.shape_cast %swap3A_909 : vector<1x16xf32> to vector<16xf32>
      %swap3A_911 = vector.shape_cast %mul3A_905 : vector<16xf32> to vector<1x16xf32>
      tpu.vector_store %arg18[%swap3A_907, %swap3A_908], %swap3A_911 {strides = array<i32>} : memref<2x128xf32, #tpu.memory_space<vmem>>, vector<1x16xf32>,
      %get3A_912 = arith.constant 1 : i32
      %get3A_913 = arith.index_cast %get3A_912 : i32 to index
      %get3A_914 = arith.constant 112 : index
      %get3A_915 = tpu.vector_load %arg14[%get3A_913, %get3A_914] {strides = array<i32>} : memref<2x128xf32, #tpu.memory_space<vmem>>, vector<1x16xf32>,
      %get3A_916 = vector.shape_cast %get3A_915 : vector<1x16xf32> to vector<16xf32>
      %get3A_917 = arith.constant 1 : i32
      %get3A_918 = arith.index_cast %get3A_917 : i32 to index
      %get3A_919 = arith.constant 112 : index
      %get3A_920 = tpu.vector_load %arg15[%get3A_918, %get3A_919] {strides = array<i32>} : memref<2x128xf32, #tpu.memory_space<vmem>>, vector<1x16xf32>,
      %get3A_921 = vector.shape_cast %get3A_920 : vector<1x16xf32> to vector<16xf32>
      %add3A_922 = arith.addf %get3A_916, %get3A_921 : vector<16xf32>
      %ge3A_923 = arith.constant 0.000000e+00 : f32
      %ge3A_924 = vector.broadcast %ge3A_923 : f32 to vector<16xf32>
      %ge3A_925 = arith.cmpf oge, %add3A_922, %ge3A_924 : vector<16xf32>
      %mul3A_926 = arith.constant 2.000000e-01 : f32
      %mul3A_927 = vector.broadcast %mul3A_926 : f32 to vector<16xf32>
      %mul3A_928 = arith.mulf %add3A_922, %mul3A_927 : vector<16xf32>
      %select_n3A_929 = arith.select %ge3A_925, %add3A_922, %mul3A_928 : vector<16xi1>, vector<16xf32>
      %exp3A_930 = math.exp %select_n3A_929 : vector<16xf32>
      %swap3A_931 = arith.constant 1 : i32
      %swap3A_932 = arith.index_cast %swap3A_931 : i32 to index
      %swap3A_933 = arith.constant 112 : index
      %swap3A_934 = tpu.vector_load %arg16[%swap3A_932, %swap3A_933] {strides = array<i32>} : memref<2x128xf32, #tpu.memory_space<vmem>>, vector<1x16xf32>,
      %swap3A_935 = vector.shape_cast %swap3A_934 : vector<1x16xf32> to vector<16xf32>
      %swap3A_936 = vector.shape_cast %exp3A_930 : vector<16xf32> to vector<1x16xf32>
      tpu.vector_store %arg16[%swap3A_932, %swap3A_933], %swap3A_936 {strides = array<i32>} : memref<2x128xf32, #tpu.memory_space<vmem>>, vector<1x16xf32>,
      %get3A_937 = arith.constant 1 : i32
      %get3A_938 = arith.index_cast %get3A_937 : i32 to index
      %get3A_939 = arith.constant 112 : index
      %get3A_940 = tpu.vector_load %arg12[%get3A_938, %get3A_939] {strides = array<i32>} : memref<2x128xf32, #tpu.memory_space<vmem>>, vector<1x16xf32>,
      %get3A_941 = vector.shape_cast %get3A_940 : vector<1x16xf32> to vector<16xf32>
      %mul3A_942 = arith.mulf %exp3A_930, %get3A_941 : vector<16xf32>
      %swap3A_943 = arith.constant 1 : i32
      %swap3A_944 = arith.index_cast %swap3A_943 : i32 to index
      %swap3A_945 = arith.constant 112 : index
      %swap3A_946 = tpu.vector_load %arg17[%swap3A_944, %swap3A_945] {strides = array<i32>} : memref<2x128xf32, #tpu.memory_space<vmem>>, vector<1x16xf32>,
      %swap3A_947 = vector.shape_cast %swap3A_946 : vector<1x16xf32> to vector<16xf32>
      %swap3A_948 = vector.shape_cast %mul3A_942 : vector<16xf32> to vector<1x16xf32>
      tpu.vector_store %arg17[%swap3A_944, %swap3A_945], %swap3A_948 {strides = array<i32>} : memref<2x128xf32, #tpu.memory_space<vmem>>, vector<1x16xf32>,
      %get3A_949 = arith.constant 1 : i32
      %get3A_950 = arith.index_cast %get3A_949 : i32 to index
      %get3A_951 = arith.constant 112 : index
      %get3A_952 = tpu.vector_load %arg13[%get3A_950, %get3A_951] {strides = array<i32>} : memref<2x128xf32, #tpu.memory_space<vmem>>, vector<1x16xf32>,
      %get3A_953 = vector.shape_cast %get3A_952 : vector<1x16xf32> to vector<16xf32>
      %mul3A_954 = arith.mulf %exp3A_930, %get3A_953 : vector<16xf32>
      %swap3A_955 = arith.constant 1 : i32
      %swap3A_956 = arith.index_cast %swap3A_955 : i32 to index
      %swap3A_957 = arith.constant 112 : index
      %swap3A_958 = tpu.vector_load %arg18[%swap3A_956, %swap3A_957] {strides = array<i32>} : memref<2x128xf32, #tpu.memory_space<vmem>>, vector<1x16xf32>,
      %swap3A_959 = vector.shape_cast %swap3A_958 : vector<1x16xf32> to vector<16xf32>
      %swap3A_960 = vector.shape_cast %mul3A_954 : vector<16xf32> to vector<1x16xf32>
      tpu.vector_store %arg18[%swap3A_956, %swap3A_957], %swap3A_960 {strides = array<i32>} : memref<2x128xf32, #tpu.memory_space<vmem>>, vector<1x16xf32>,
      %dma_start3A_961 = arith.constant 0 : i32
      %dma_start3A_962 = arith.constant 0 : i32
      %dma_start3A_963 = arith.constant 0 : i32
      %dma_start3A_964 = tpu.memref_slice %arg16[%dma_start3A_961, %dma_start3A_963] : memref<2x128xf32, #tpu.memory_space<vmem>> -> memref<1x128xf32, #tpu.memory_space<vmem>>
      %dma_start3A_965 = tpu.memref_squeeze %dma_start3A_964 : memref<1x128xf32, #tpu.memory_space<vmem>> -> memref<128xf32, #tpu.memory_space<vmem>>
      %dma_start3A_966 = arith.constant 0 : i32
      %dma_start3A_967 = tpu.memref_slice %arg11[%dma_start3A_962, %dma_start3A_966] : memref<2x128xi32, #tpu.memory_space<vmem>> -> memref<1x128xi32, #tpu.memory_space<vmem>>
      %dma_start3A_968 = tpu.memref_squeeze %dma_start3A_967 : memref<1x128xi32, #tpu.memory_space<vmem>> -> memref<128xi32, #tpu.memory_space<vmem>>
      %dma_start3A_969 = arith.constant 0 : i32
      %dma_start3A_970 = tpu.memref_slice %arg19[%dma_start3A_969] : memref<100352xf32, #tpu.memory_space<vmem_shared>> -> memref<100352xf32, #tpu.memory_space<vmem_shared>>
      tpu.enqueue_indirect_dma source(%dma_start3A_965 : memref<128xf32, #tpu.memory_space<vmem>>) target(%dma_start3A_970 : memref<100352xf32, #tpu.memory_space<vmem_shared>>) offsets(%dma_start3A_968 : memref<128xi32, #tpu.memory_space<vmem>>) semaphore(%arg23 : memref<!tpu.dma_semaphore, #tpu.memory_space<semaphore_mem>>) {add = true}
      %dma_start3A_971 = arith.constant 0 : i32
      %dma_start3A_972 = arith.constant 0 : i32
      %dma_start3A_973 = arith.constant 0 : i32
      %dma_start3A_974 = tpu.memref_slice %arg17[%dma_start3A_971, %dma_start3A_973] : memref<2x128xf32, #tpu.memory_space<vmem>> -> memref<1x128xf32, #tpu.memory_space<vmem>>
      %dma_start3A_975 = tpu.memref_squeeze %dma_start3A_974 : memref<1x128xf32, #tpu.memory_space<vmem>> -> memref<128xf32, #tpu.memory_space<vmem>>
      %dma_start3A_976 = arith.constant 0 : i32
      %dma_start3A_977 = tpu.memref_slice %arg11[%dma_start3A_972, %dma_start3A_976] : memref<2x128xi32, #tpu.memory_space<vmem>> -> memref<1x128xi32, #tpu.memory_space<vmem>>
      %dma_start3A_978 = tpu.memref_squeeze %dma_start3A_977 : memref<1x128xi32, #tpu.memory_space<vmem>> -> memref<128xi32, #tpu.memory_space<vmem>>
      %dma_start3A_979 = arith.constant 0 : i32
      %dma_start3A_980 = tpu.memref_slice %arg20[%dma_start3A_979] : memref<100352xf32, #tpu.memory_space<vmem_shared>> -> memref<100352xf32, #tpu.memory_space<vmem_shared>>
      tpu.enqueue_indirect_dma source(%dma_start3A_975 : memref<128xf32, #tpu.memory_space<vmem>>) target(%dma_start3A_980 : memref<100352xf32, #tpu.memory_space<vmem_shared>>) offsets(%dma_start3A_978 : memref<128xi32, #tpu.memory_space<vmem>>) semaphore(%arg23 : memref<!tpu.dma_semaphore, #tpu.memory_space<semaphore_mem>>) {add = true}
      %dma_start3A_981 = arith.constant 0 : i32
      %dma_start3A_982 = arith.constant 0 : i32
      %dma_start3A_983 = arith.constant 0 : i32
      %dma_start3A_984 = tpu.memref_slice %arg18[%dma_start3A_981, %dma_start3A_983] : memref<2x128xf32, #tpu.memory_space<vmem>> -> memref<1x128xf32, #tpu.memory_space<vmem>>
      %dma_start3A_985 = tpu.memref_squeeze %dma_start3A_984 : memref<1x128xf32, #tpu.memory_space<vmem>> -> memref<128xf32, #tpu.memory_space<vmem>>
      %dma_start3A_986 = arith.constant 0 : i32
      %dma_start3A_987 = tpu.memref_slice %arg11[%dma_start3A_982, %dma_start3A_986] : memref<2x128xi32, #tpu.memory_space<vmem>> -> memref<1x128xi32, #tpu.memory_space<vmem>>
      %dma_start3A_988 = tpu.memref_squeeze %dma_start3A_987 : memref<1x128xi32, #tpu.memory_space<vmem>> -> memref<128xi32, #tpu.memory_space<vmem>>
      %dma_start3A_989 = arith.constant 0 : i32
      %dma_start3A_990 = tpu.memref_slice %arg21[%dma_start3A_989] : memref<100352xf32, #tpu.memory_space<vmem_shared>> -> memref<100352xf32, #tpu.memory_space<vmem_shared>>
      tpu.enqueue_indirect_dma source(%dma_start3A_985 : memref<128xf32, #tpu.memory_space<vmem>>) target(%dma_start3A_990 : memref<100352xf32, #tpu.memory_space<vmem_shared>>) offsets(%dma_start3A_988 : memref<128xi32, #tpu.memory_space<vmem>>) semaphore(%arg23 : memref<!tpu.dma_semaphore, #tpu.memory_space<semaphore_mem>>) {add = true}
      %dma_start3A_991 = arith.constant 1 : i32
      %dma_start3A_992 = arith.constant 1 : i32
      %dma_start3A_993 = arith.constant 0 : i32
      %dma_start3A_994 = tpu.memref_slice %arg16[%dma_start3A_991, %dma_start3A_993] : memref<2x128xf32, #tpu.memory_space<vmem>> -> memref<1x128xf32, #tpu.memory_space<vmem>>
      %dma_start3A_995 = tpu.memref_squeeze %dma_start3A_994 : memref<1x128xf32, #tpu.memory_space<vmem>> -> memref<128xf32, #tpu.memory_space<vmem>>
      %dma_start3A_996 = arith.constant 0 : i32
      %dma_start3A_997 = tpu.memref_slice %arg11[%dma_start3A_992, %dma_start3A_996] : memref<2x128xi32, #tpu.memory_space<vmem>> -> memref<1x128xi32, #tpu.memory_space<vmem>>
      %dma_start3A_998 = tpu.memref_squeeze %dma_start3A_997 : memref<1x128xi32, #tpu.memory_space<vmem>> -> memref<128xi32, #tpu.memory_space<vmem>>
      %dma_start3A_999 = arith.constant 0 : i32
      %dma_start3A_1000 = tpu.memref_slice %arg19[%dma_start3A_999] : memref<100352xf32, #tpu.memory_space<vmem_shared>> -> memref<100352xf32, #tpu.memory_space<vmem_shared>>
      tpu.enqueue_indirect_dma source(%dma_start3A_995 : memref<128xf32, #tpu.memory_space<vmem>>) target(%dma_start3A_1000 : memref<100352xf32, #tpu.memory_space<vmem_shared>>) offsets(%dma_start3A_998 : memref<128xi32, #tpu.memory_space<vmem>>) semaphore(%arg23 : memref<!tpu.dma_semaphore, #tpu.memory_space<semaphore_mem>>) {add = true}
      %dma_start3A_1001 = arith.constant 1 : i32
      %dma_start3A_1002 = arith.constant 1 : i32
      %dma_start3A_1003 = arith.constant 0 : i32
      %dma_start3A_1004 = tpu.memref_slice %arg17[%dma_start3A_1001, %dma_start3A_1003] : memref<2x128xf32, #tpu.memory_space<vmem>> -> memref<1x128xf32, #tpu.memory_space<vmem>>
      %dma_start3A_1005 = tpu.memref_squeeze %dma_start3A_1004 : memref<1x128xf32, #tpu.memory_space<vmem>> -> memref<128xf32, #tpu.memory_space<vmem>>
      %dma_start3A_1006 = arith.constant 0 : i32
      %dma_start3A_1007 = tpu.memref_slice %arg11[%dma_start3A_1002, %dma_start3A_1006] : memref<2x128xi32, #tpu.memory_space<vmem>> -> memref<1x128xi32, #tpu.memory_space<vmem>>
      %dma_start3A_1008 = tpu.memref_squeeze %dma_start3A_1007 : memref<1x128xi32, #tpu.memory_space<vmem>> -> memref<128xi32, #tpu.memory_space<vmem>>
      %dma_start3A_1009 = arith.constant 0 : i32
      %dma_start3A_1010 = tpu.memref_slice %arg20[%dma_start3A_1009] : memref<100352xf32, #tpu.memory_space<vmem_shared>> -> memref<100352xf32, #tpu.memory_space<vmem_shared>>
      tpu.enqueue_indirect_dma source(%dma_start3A_1005 : memref<128xf32, #tpu.memory_space<vmem>>) target(%dma_start3A_1010 : memref<100352xf32, #tpu.memory_space<vmem_shared>>) offsets(%dma_start3A_1008 : memref<128xi32, #tpu.memory_space<vmem>>) semaphore(%arg23 : memref<!tpu.dma_semaphore, #tpu.memory_space<semaphore_mem>>) {add = true}
      %dma_start3A_1011 = arith.constant 1 : i32
      %dma_start3A_1012 = arith.constant 1 : i32
      %dma_start3A_1013 = arith.constant 0 : i32
      %dma_start3A_1014 = tpu.memref_slice %arg18[%dma_start3A_1011, %dma_start3A_1013] : memref<2x128xf32, #tpu.memory_space<vmem>> -> memref<1x128xf32, #tpu.memory_space<vmem>>
      %dma_start3A_1015 = tpu.memref_squeeze %dma_start3A_1014 : memref<1x128xf32, #tpu.memory_space<vmem>> -> memref<128xf32, #tpu.memory_space<vmem>>
      %dma_start3A_1016 = arith.constant 0 : i32
      %dma_start3A_1017 = tpu.memref_slice %arg11[%dma_start3A_1012, %dma_start3A_1016] : memref<2x128xi32, #tpu.memory_space<vmem>> -> memref<1x128xi32, #tpu.memory_space<vmem>>
      %dma_start3A_1018 = tpu.memref_squeeze %dma_start3A_1017 : memref<1x128xi32, #tpu.memory_space<vmem>> -> memref<128xi32, #tpu.memory_space<vmem>>
      %dma_start3A_1019 = arith.constant 0 : i32
      %dma_start3A_1020 = tpu.memref_slice %arg21[%dma_start3A_1019] : memref<100352xf32, #tpu.memory_space<vmem_shared>> -> memref<100352xf32, #tpu.memory_space<vmem_shared>>
      tpu.enqueue_indirect_dma source(%dma_start3A_1015 : memref<128xf32, #tpu.memory_space<vmem>>) target(%dma_start3A_1020 : memref<100352xf32, #tpu.memory_space<vmem_shared>>) offsets(%dma_start3A_1018 : memref<128xi32, #tpu.memory_space<vmem>>) semaphore(%arg23 : memref<!tpu.dma_semaphore, #tpu.memory_space<semaphore_mem>>) {add = true}
      %dma_wait3A_1021 = arith.constant 0 : i32
      %dma_wait3A_1022 = arith.constant 0 : i32
      %dma_wait3A_1023 = arith.constant 0 : i32
      %dma_wait3A_1024 = tpu.memref_slice %arg16[%dma_wait3A_1021, %dma_wait3A_1023] : memref<2x128xf32, #tpu.memory_space<vmem>> -> memref<1x128xf32, #tpu.memory_space<vmem>>
      %dma_wait3A_1025 = tpu.memref_squeeze %dma_wait3A_1024 : memref<1x128xf32, #tpu.memory_space<vmem>> -> memref<128xf32, #tpu.memory_space<vmem>>
      %dma_wait3A_1026 = arith.constant 0 : i32
      %dma_wait3A_1027 = tpu.memref_slice %arg11[%dma_wait3A_1022, %dma_wait3A_1026] : memref<2x128xi32, #tpu.memory_space<vmem>> -> memref<1x128xi32, #tpu.memory_space<vmem>>
      %dma_wait3A_1028 = tpu.memref_squeeze %dma_wait3A_1027 : memref<1x128xi32, #tpu.memory_space<vmem>> -> memref<128xi32, #tpu.memory_space<vmem>>
      %dma_wait3A_1029 = arith.constant 0 : i32
      %dma_wait3A_1030 = tpu.memref_slice %arg19[%dma_wait3A_1029] : memref<100352xf32, #tpu.memory_space<vmem_shared>> -> memref<100352xf32, #tpu.memory_space<vmem_shared>>
      tpu.wait_indirect_dma semaphore(%arg23 : memref<!tpu.dma_semaphore, #tpu.memory_space<semaphore_mem>>) src(%dma_wait3A_1025 : memref<128xf32, #tpu.memory_space<vmem>>) dst(%dma_wait3A_1030 : memref<100352xf32, #tpu.memory_space<vmem_shared>>)
      %dma_wait3A_1031 = arith.constant 0 : i32
      %dma_wait3A_1032 = arith.constant 0 : i32
      %dma_wait3A_1033 = arith.constant 0 : i32
      %dma_wait3A_1034 = tpu.memref_slice %arg17[%dma_wait3A_1031, %dma_wait3A_1033] : memref<2x128xf32, #tpu.memory_space<vmem>> -> memref<1x128xf32, #tpu.memory_space<vmem>>
      %dma_wait3A_1035 = tpu.memref_squeeze %dma_wait3A_1034 : memref<1x128xf32, #tpu.memory_space<vmem>> -> memref<128xf32, #tpu.memory_space<vmem>>
      %dma_wait3A_1036 = arith.constant 0 : i32
      %dma_wait3A_1037 = tpu.memref_slice %arg11[%dma_wait3A_1032, %dma_wait3A_1036] : memref<2x128xi32, #tpu.memory_space<vmem>> -> memref<1x128xi32, #tpu.memory_space<vmem>>
      %dma_wait3A_1038 = tpu.memref_squeeze %dma_wait3A_1037 : memref<1x128xi32, #tpu.memory_space<vmem>> -> memref<128xi32, #tpu.memory_space<vmem>>
      %dma_wait3A_1039 = arith.constant 0 : i32
      %dma_wait3A_1040 = tpu.memref_slice %arg20[%dma_wait3A_1039] : memref<100352xf32, #tpu.memory_space<vmem_shared>> -> memref<100352xf32, #tpu.memory_space<vmem_shared>>
      tpu.wait_indirect_dma semaphore(%arg23 : memref<!tpu.dma_semaphore, #tpu.memory_space<semaphore_mem>>) src(%dma_wait3A_1035 : memref<128xf32, #tpu.memory_space<vmem>>) dst(%dma_wait3A_1040 : memref<100352xf32, #tpu.memory_space<vmem_shared>>)
      %dma_wait3A_1041 = arith.constant 0 : i32
      %dma_wait3A_1042 = arith.constant 0 : i32
      %dma_wait3A_1043 = arith.constant 0 : i32
      %dma_wait3A_1044 = tpu.memref_slice %arg18[%dma_wait3A_1041, %dma_wait3A_1043] : memref<2x128xf32, #tpu.memory_space<vmem>> -> memref<1x128xf32, #tpu.memory_space<vmem>>
      %dma_wait3A_1045 = tpu.memref_squeeze %dma_wait3A_1044 : memref<1x128xf32, #tpu.memory_space<vmem>> -> memref<128xf32, #tpu.memory_space<vmem>>
      %dma_wait3A_1046 = arith.constant 0 : i32
      %dma_wait3A_1047 = tpu.memref_slice %arg11[%dma_wait3A_1042, %dma_wait3A_1046] : memref<2x128xi32, #tpu.memory_space<vmem>> -> memref<1x128xi32, #tpu.memory_space<vmem>>
      %dma_wait3A_1048 = tpu.memref_squeeze %dma_wait3A_1047 : memref<1x128xi32, #tpu.memory_space<vmem>> -> memref<128xi32, #tpu.memory_space<vmem>>
      %dma_wait3A_1049 = arith.constant 0 : i32
      %dma_wait3A_1050 = tpu.memref_slice %arg21[%dma_wait3A_1049] : memref<100352xf32, #tpu.memory_space<vmem_shared>> -> memref<100352xf32, #tpu.memory_space<vmem_shared>>
      tpu.wait_indirect_dma semaphore(%arg23 : memref<!tpu.dma_semaphore, #tpu.memory_space<semaphore_mem>>) src(%dma_wait3A_1045 : memref<128xf32, #tpu.memory_space<vmem>>) dst(%dma_wait3A_1050 : memref<100352xf32, #tpu.memory_space<vmem_shared>>)
      %dma_wait3A_1051 = arith.constant 1 : i32
      %dma_wait3A_1052 = arith.constant 1 : i32
      %dma_wait3A_1053 = arith.constant 0 : i32
      %dma_wait3A_1054 = tpu.memref_slice %arg16[%dma_wait3A_1051, %dma_wait3A_1053] : memref<2x128xf32, #tpu.memory_space<vmem>> -> memref<1x128xf32, #tpu.memory_space<vmem>>
      %dma_wait3A_1055 = tpu.memref_squeeze %dma_wait3A_1054 : memref<1x128xf32, #tpu.memory_space<vmem>> -> memref<128xf32, #tpu.memory_space<vmem>>
      %dma_wait3A_1056 = arith.constant 0 : i32
      %dma_wait3A_1057 = tpu.memref_slice %arg11[%dma_wait3A_1052, %dma_wait3A_1056] : memref<2x128xi32, #tpu.memory_space<vmem>> -> memref<1x128xi32, #tpu.memory_space<vmem>>
      %dma_wait3A_1058 = tpu.memref_squeeze %dma_wait3A_1057 : memref<1x128xi32, #tpu.memory_space<vmem>> -> memref<128xi32, #tpu.memory_space<vmem>>
      %dma_wait3A_1059 = arith.constant 0 : i32
      %dma_wait3A_1060 = tpu.memref_slice %arg19[%dma_wait3A_1059] : memref<100352xf32, #tpu.memory_space<vmem_shared>> -> memref<100352xf32, #tpu.memory_space<vmem_shared>>
      tpu.wait_indirect_dma semaphore(%arg23 : memref<!tpu.dma_semaphore, #tpu.memory_space<semaphore_mem>>) src(%dma_wait3A_1055 : memref<128xf32, #tpu.memory_space<vmem>>) dst(%dma_wait3A_1060 : memref<100352xf32, #tpu.memory_space<vmem_shared>>)
      %dma_wait3A_1061 = arith.constant 1 : i32
      %dma_wait3A_1062 = arith.constant 1 : i32
      %dma_wait3A_1063 = arith.constant 0 : i32
      %dma_wait3A_1064 = tpu.memref_slice %arg17[%dma_wait3A_1061, %dma_wait3A_1063] : memref<2x128xf32, #tpu.memory_space<vmem>> -> memref<1x128xf32, #tpu.memory_space<vmem>>
      %dma_wait3A_1065 = tpu.memref_squeeze %dma_wait3A_1064 : memref<1x128xf32, #tpu.memory_space<vmem>> -> memref<128xf32, #tpu.memory_space<vmem>>
      %dma_wait3A_1066 = arith.constant 0 : i32
      %dma_wait3A_1067 = tpu.memref_slice %arg11[%dma_wait3A_1062, %dma_wait3A_1066] : memref<2x128xi32, #tpu.memory_space<vmem>> -> memref<1x128xi32, #tpu.memory_space<vmem>>
      %dma_wait3A_1068 = tpu.memref_squeeze %dma_wait3A_1067 : memref<1x128xi32, #tpu.memory_space<vmem>> -> memref<128xi32, #tpu.memory_space<vmem>>
      %dma_wait3A_1069 = arith.constant 0 : i32
      %dma_wait3A_1070 = tpu.memref_slice %arg20[%dma_wait3A_1069] : memref<100352xf32, #tpu.memory_space<vmem_shared>> -> memref<100352xf32, #tpu.memory_space<vmem_shared>>
      tpu.wait_indirect_dma semaphore(%arg23 : memref<!tpu.dma_semaphore, #tpu.memory_space<semaphore_mem>>) src(%dma_wait3A_1065 : memref<128xf32, #tpu.memory_space<vmem>>) dst(%dma_wait3A_1070 : memref<100352xf32, #tpu.memory_space<vmem_shared>>)
      %dma_wait3A_1071 = arith.constant 1 : i32
      %dma_wait3A_1072 = arith.constant 1 : i32
      %dma_wait3A_1073 = arith.constant 0 : i32
      %dma_wait3A_1074 = tpu.memref_slice %arg18[%dma_wait3A_1071, %dma_wait3A_1073] : memref<2x128xf32, #tpu.memory_space<vmem>> -> memref<1x128xf32, #tpu.memory_space<vmem>>
      %dma_wait3A_1075 = tpu.memref_squeeze %dma_wait3A_1074 : memref<1x128xf32, #tpu.memory_space<vmem>> -> memref<128xf32, #tpu.memory_space<vmem>>
      %dma_wait3A_1076 = arith.constant 0 : i32
      %dma_wait3A_1077 = tpu.memref_slice %arg11[%dma_wait3A_1072, %dma_wait3A_1076] : memref<2x128xi32, #tpu.memory_space<vmem>> -> memref<1x128xi32, #tpu.memory_space<vmem>>
      %dma_wait3A_1078 = tpu.memref_squeeze %dma_wait3A_1077 : memref<1x128xi32, #tpu.memory_space<vmem>> -> memref<128xi32, #tpu.memory_space<vmem>>
      %dma_wait3A_1079 = arith.constant 0 : i32
      %dma_wait3A_1080 = tpu.memref_slice %arg21[%dma_wait3A_1079] : memref<100352xf32, #tpu.memory_space<vmem_shared>> -> memref<100352xf32, #tpu.memory_space<vmem_shared>>
      tpu.wait_indirect_dma semaphore(%arg23 : memref<!tpu.dma_semaphore, #tpu.memory_space<semaphore_mem>>) src(%dma_wait3A_1075 : memref<128xf32, #tpu.memory_space<vmem>>) dst(%dma_wait3A_1080 : memref<100352xf32, #tpu.memory_space<vmem_shared>>)
    }
    %scan3A_9 = arith.constant 196 : i32
    %barrier3A_10 = arith.constant 0 : index
    tpu.barrier barrier_id(%barrier3A_10)
    %mul3A_11 = arith.constant 301056 : i32
    %mul3A_12 = arith.muli %arg0, %mul3A_11 : i32
    %mul3A_13 = arith.constant 6272 : i32
    %mul3A_14 = arith.muli %arg1, %mul3A_13 : i32
    %add3A_15 = arith.addi %mul3A_12, %mul3A_14 : i32
    "tpu.region"() ({
      %run_scoped3A = tpu.sem_alloc : memref<!tpu.dma_semaphore, #tpu.memory_space<semaphore_mem>>
      %dma_start3A = tpu.memref_slice %arg9[%add3A_15] : memref<602112xf32, #tpu.memory_space<hbm>> -> memref<6272xf32, #tpu.memory_space<hbm>>
      %dma_start3A_20 = tpu.memref_slice %arg19[%mul3A_2] : memref<100352xf32, #tpu.memory_space<vmem_shared>> -> memref<6272xf32, #tpu.memory_space<vmem_shared>>
      tpu.enqueue_dma source(%dma_start3A_20 : memref<6272xf32, #tpu.memory_space<vmem_shared>>) target(%dma_start3A : memref<6272xf32, #tpu.memory_space<hbm>>) target_semaphore(%run_scoped3A : memref<!tpu.dma_semaphore, #tpu.memory_space<semaphore_mem>>)
      %dma_wait3A = tpu.memref_slice %arg9[%add3A_15] : memref<602112xf32, #tpu.memory_space<hbm>> -> memref<6272xf32, #tpu.memory_space<hbm>>
      %dma_wait3A_21 = tpu.memref_slice %arg19[%mul3A_2] : memref<100352xf32, #tpu.memory_space<vmem_shared>> -> memref<6272xf32, #tpu.memory_space<vmem_shared>>
      tpu.wait_dma2 semaphore(%run_scoped3A : memref<!tpu.dma_semaphore, #tpu.memory_space<semaphore_mem>>) src(%dma_wait3A_21 : memref<6272xf32, #tpu.memory_space<vmem_shared>>) dst(%dma_wait3A : memref<6272xf32, #tpu.memory_space<hbm>>)
      tpu.yield
    }) : () -> ()
    %add3A_16 = arith.constant 100352 : i32
    %add3A_17 = arith.addi %add3A_15, %add3A_16 : i32
    "tpu.region"() ({
      %run_scoped3A = tpu.sem_alloc : memref<!tpu.dma_semaphore, #tpu.memory_space<semaphore_mem>>
      %dma_start3A = tpu.memref_slice %arg9[%add3A_17] : memref<602112xf32, #tpu.memory_space<hbm>> -> memref<6272xf32, #tpu.memory_space<hbm>>
      %dma_start3A_20 = tpu.memref_slice %arg20[%mul3A_2] : memref<100352xf32, #tpu.memory_space<vmem_shared>> -> memref<6272xf32, #tpu.memory_space<vmem_shared>>
      tpu.enqueue_dma source(%dma_start3A_20 : memref<6272xf32, #tpu.memory_space<vmem_shared>>) target(%dma_start3A : memref<6272xf32, #tpu.memory_space<hbm>>) target_semaphore(%run_scoped3A : memref<!tpu.dma_semaphore, #tpu.memory_space<semaphore_mem>>)
      %dma_wait3A = tpu.memref_slice %arg9[%add3A_17] : memref<602112xf32, #tpu.memory_space<hbm>> -> memref<6272xf32, #tpu.memory_space<hbm>>
      %dma_wait3A_21 = tpu.memref_slice %arg20[%mul3A_2] : memref<100352xf32, #tpu.memory_space<vmem_shared>> -> memref<6272xf32, #tpu.memory_space<vmem_shared>>
      tpu.wait_dma2 semaphore(%run_scoped3A : memref<!tpu.dma_semaphore, #tpu.memory_space<semaphore_mem>>) src(%dma_wait3A_21 : memref<6272xf32, #tpu.memory_space<vmem_shared>>) dst(%dma_wait3A : memref<6272xf32, #tpu.memory_space<hbm>>)
      tpu.yield
    }) : () -> ()
    %add3A_18 = arith.constant 200704 : i32
    %add3A_19 = arith.addi %add3A_15, %add3A_18 : i32
    "tpu.region"() ({
      %run_scoped3A = tpu.sem_alloc : memref<!tpu.dma_semaphore, #tpu.memory_space<semaphore_mem>>
      %dma_start3A = tpu.memref_slice %arg9[%add3A_19] : memref<602112xf32, #tpu.memory_space<hbm>> -> memref<6272xf32, #tpu.memory_space<hbm>>
      %dma_start3A_20 = tpu.memref_slice %arg21[%mul3A_2] : memref<100352xf32, #tpu.memory_space<vmem_shared>> -> memref<6272xf32, #tpu.memory_space<vmem_shared>>
      tpu.enqueue_dma source(%dma_start3A_20 : memref<6272xf32, #tpu.memory_space<vmem_shared>>) target(%dma_start3A : memref<6272xf32, #tpu.memory_space<hbm>>) target_semaphore(%run_scoped3A : memref<!tpu.dma_semaphore, #tpu.memory_space<semaphore_mem>>)
      %dma_wait3A = tpu.memref_slice %arg9[%add3A_19] : memref<602112xf32, #tpu.memory_space<hbm>> -> memref<6272xf32, #tpu.memory_space<hbm>>
      %dma_wait3A_21 = tpu.memref_slice %arg21[%mul3A_2] : memref<100352xf32, #tpu.memory_space<vmem_shared>> -> memref<6272xf32, #tpu.memory_space<vmem_shared>>
      tpu.wait_dma2 semaphore(%run_scoped3A : memref<!tpu.dma_semaphore, #tpu.memory_space<semaphore_mem>>) src(%dma_wait3A_21 : memref<6272xf32, #tpu.memory_space<vmem_shared>>) dst(%dma_wait3A : memref<6272xf32, #tpu.memory_space<hbm>>)
      tpu.yield
    }) : () -> ()
    return
  }
}

module attributes {stable_mosaic.version = 14 : i64} {
  func.func @_pre_body(%arg0: memref<100000xf32, #tpu.memory_space<vmem>>, %arg1: memref<100000xf32, #tpu.memory_space<vmem>>, %arg2: memref<2x64xf32, #tpu.memory_space<vmem>>, %arg3: memref<64xf32, #tpu.memory_space<vmem>>, %arg4: memref<64xf32, #tpu.memory_space<vmem>>, %arg5: memref<100000xf32, #tpu.memory_space<vmem>>, %arg6: memref<100000xf32, #tpu.memory_space<vmem>>) attributes {dimension_semantics = [], scalar_prefetch = 0 : i64, scratch_operands = 0 : i64, tpu.core_type = #tpu.core_type<tc>} {
    %get3A = arith.constant 0 : index
    %get3A_0 = arith.constant 0 : index
    %get3A_1 = vector.load %arg2[%get3A, %get3A_0] : memref<2x64xf32, #tpu.memory_space<vmem>>, vector<1x64xf32>
    %get3A_2 = vector.shape_cast %get3A_1 : vector<1x64xf32> to vector<64xf32>
    %get3A_3 = arith.constant 0 : index
    %get3A_4 = vector.load %arg3[%get3A_3] : memref<64xf32, #tpu.memory_space<vmem>>, vector<64xf32>
    %mul3A = arith.mulf %get3A_2, %get3A_4 : vector<64xf32>
    %reduce_sum3A = vector.shape_cast %mul3A : vector<64xf32> to vector<1x64xf32>
    %reduce_sum3A_5 = arith.constant dense<0.000000e+00> : vector<1xf32>
    %reduce_sum3A_6 = vector.multi_reduction <add>, %reduce_sum3A, %reduce_sum3A_5 [1] : vector<1x64xf32> to vector<1xf32>
    %reduce_sum3A_7 = vector.shape_cast %reduce_sum3A_6 : vector<1xf32> to vector<1x1xf32>
    %reduce_sum3A_8 = vector.extract %reduce_sum3A_7[0, 0] : f32 from vector<1x1xf32>
    %get3A_9 = arith.constant 1 : index
    %get3A_10 = arith.constant 0 : index
    %get3A_11 = vector.load %arg2[%get3A_9, %get3A_10] : memref<2x64xf32, #tpu.memory_space<vmem>>, vector<1x64xf32>
    %get3A_12 = vector.shape_cast %get3A_11 : vector<1x64xf32> to vector<64xf32>
    %get3A_13 = arith.constant 0 : index
    %get3A_14 = vector.load %arg3[%get3A_13] : memref<64xf32, #tpu.memory_space<vmem>>, vector<64xf32>
    %mul3A_15 = arith.mulf %get3A_12, %get3A_14 : vector<64xf32>
    %reduce_sum3A_16 = vector.shape_cast %mul3A_15 : vector<64xf32> to vector<1x64xf32>
    %reduce_sum3A_17 = arith.constant dense<0.000000e+00> : vector<1xf32>
    %reduce_sum3A_18 = vector.multi_reduction <add>, %reduce_sum3A_16, %reduce_sum3A_17 [1] : vector<1x64xf32> to vector<1xf32>
    %reduce_sum3A_19 = vector.shape_cast %reduce_sum3A_18 : vector<1xf32> to vector<1x1xf32>
    %reduce_sum3A_20 = vector.extract %reduce_sum3A_19[0, 0] : f32 from vector<1x1xf32>
    %get3A_21 = arith.constant 0 : index
    %get3A_22 = arith.constant 0 : index
    %get3A_23 = vector.load %arg2[%get3A_21, %get3A_22] : memref<2x64xf32, #tpu.memory_space<vmem>>, vector<1x64xf32>
    %get3A_24 = vector.shape_cast %get3A_23 : vector<1x64xf32> to vector<64xf32>
    %get3A_25 = arith.constant 0 : index
    %get3A_26 = vector.load %arg4[%get3A_25] : memref<64xf32, #tpu.memory_space<vmem>>, vector<64xf32>
    %mul3A_27 = arith.mulf %get3A_24, %get3A_26 : vector<64xf32>
    %reduce_sum3A_28 = vector.shape_cast %mul3A_27 : vector<64xf32> to vector<1x64xf32>
    %reduce_sum3A_29 = arith.constant dense<0.000000e+00> : vector<1xf32>
    %reduce_sum3A_30 = vector.multi_reduction <add>, %reduce_sum3A_28, %reduce_sum3A_29 [1] : vector<1x64xf32> to vector<1xf32>
    %reduce_sum3A_31 = vector.shape_cast %reduce_sum3A_30 : vector<1xf32> to vector<1x1xf32>
    %reduce_sum3A_32 = vector.extract %reduce_sum3A_31[0, 0] : f32 from vector<1x1xf32>
    %get3A_33 = arith.constant 1 : index
    %get3A_34 = arith.constant 0 : index
    %get3A_35 = vector.load %arg2[%get3A_33, %get3A_34] : memref<2x64xf32, #tpu.memory_space<vmem>>, vector<1x64xf32>
    %get3A_36 = vector.shape_cast %get3A_35 : vector<1x64xf32> to vector<64xf32>
    %get3A_37 = arith.constant 0 : index
    %get3A_38 = vector.load %arg4[%get3A_37] : memref<64xf32, #tpu.memory_space<vmem>>, vector<64xf32>
    %mul3A_39 = arith.mulf %get3A_36, %get3A_38 : vector<64xf32>
    %reduce_sum3A_40 = vector.shape_cast %mul3A_39 : vector<64xf32> to vector<1x64xf32>
    %reduce_sum3A_41 = arith.constant dense<0.000000e+00> : vector<1xf32>
    %reduce_sum3A_42 = vector.multi_reduction <add>, %reduce_sum3A_40, %reduce_sum3A_41 [1] : vector<1x64xf32> to vector<1xf32>
    %reduce_sum3A_43 = vector.shape_cast %reduce_sum3A_42 : vector<1xf32> to vector<1x1xf32>
    %reduce_sum3A_44 = vector.extract %reduce_sum3A_43[0, 0] : f32 from vector<1x1xf32>
    %get3A_45 = arith.constant 0 : index
    %get3A_46 = vector.load %arg0[%get3A_45] : memref<100000xf32, #tpu.memory_space<vmem>>, vector<100000xf32>
    %mul3A_47 = vector.broadcast %reduce_sum3A_8 : f32 to vector<100000xf32>
    %mul3A_48 = arith.mulf %get3A_46, %mul3A_47 : vector<100000xf32>
    %get3A_49 = arith.constant 0 : index
    %get3A_50 = vector.load %arg1[%get3A_49] : memref<100000xf32, #tpu.memory_space<vmem>>, vector<100000xf32>
    %mul3A_51 = vector.broadcast %reduce_sum3A_20 : f32 to vector<100000xf32>
    %mul3A_52 = arith.mulf %get3A_50, %mul3A_51 : vector<100000xf32>
    %add3A = arith.addf %mul3A_48, %mul3A_52 : vector<100000xf32>
    %swap3A = arith.constant 0 : index
    %swap3A_53 = vector.load %arg5[%swap3A] : memref<100000xf32, #tpu.memory_space<vmem>>, vector<100000xf32>
    tpu.vector_store %arg5[%swap3A], %add3A {strides = array<i32>} : memref<100000xf32, #tpu.memory_space<vmem>>, vector<100000xf32>,
    %get3A_54 = arith.constant 0 : index
    %get3A_55 = vector.load %arg0[%get3A_54] : memref<100000xf32, #tpu.memory_space<vmem>>, vector<100000xf32>
    %mul3A_56 = vector.broadcast %reduce_sum3A_32 : f32 to vector<100000xf32>
    %mul3A_57 = arith.mulf %get3A_55, %mul3A_56 : vector<100000xf32>
    %get3A_58 = arith.constant 0 : index
    %get3A_59 = vector.load %arg1[%get3A_58] : memref<100000xf32, #tpu.memory_space<vmem>>, vector<100000xf32>
    %mul3A_60 = vector.broadcast %reduce_sum3A_44 : f32 to vector<100000xf32>
    %mul3A_61 = arith.mulf %get3A_59, %mul3A_60 : vector<100000xf32>
    %add3A_62 = arith.addf %mul3A_57, %mul3A_61 : vector<100000xf32>
    %swap3A_63 = arith.constant 0 : index
    %swap3A_64 = vector.load %arg6[%swap3A_63] : memref<100000xf32, #tpu.memory_space<vmem>>, vector<100000xf32>
    tpu.vector_store %arg6[%swap3A_63], %add3A_62 {strides = array<i32>} : memref<100000xf32, #tpu.memory_space<vmem>>, vector<100000xf32>,
    return
  }
}

module attributes {stable_mosaic.version = 14 : i64} {
  func.func @_mid_body(%arg0: i32, %arg1: memref<8192xf32, #tpu.memory_space<vmem>>, %arg2: memref<8192xf32, #tpu.memory_space<vmem>>, %arg3: memref<8192xf32, #tpu.memory_space<vmem>>, %arg4: memref<8192xf32, #tpu.memory_space<vmem>>, %arg5: memref<8192xf32, #tpu.memory_space<vmem>>, %arg6: memref<8192xf32, #tpu.memory_space<vmem>>, %arg7: memref<2x64xf32, #tpu.memory_space<vmem>>, %arg8: memref<64xf32, #tpu.memory_space<vmem>>, %arg9: memref<64xf32, #tpu.memory_space<vmem>>, %arg10: memref<64xf32, #tpu.memory_space<vmem>>, %arg11: memref<2xf32, #tpu.memory_space<smem>>, %arg12: memref<2xf32, #tpu.memory_space<smem>>, %arg13: memref<8192xf32, #tpu.memory_space<vmem>>, %arg14: memref<8192xf32, #tpu.memory_space<vmem>>, %arg15: memref<8192xf32, #tpu.memory_space<vmem>>, %arg16: memref<8192xf32, #tpu.memory_space<vmem>>) attributes {dimension_semantics = [#tpu.dimension_semantics<arbitrary>], iteration_bounds = array<i64: 13>, scalar_prefetch = 0 : i64, scratch_operands = 0 : i64, tpu.core_type = #tpu.core_type<tc>, window_params = [{transform_indices = @transform_0, window_bounds = array<i64: 8192>}, {transform_indices = @transform_1, window_bounds = array<i64: 8192>}, {transform_indices = @transform_2, window_bounds = array<i64: 8192>}, {transform_indices = @transform_3, window_bounds = array<i64: 8192>}, {transform_indices = @transform_4, window_bounds = array<i64: 8192>}, {transform_indices = @transform_5, window_bounds = array<i64: 8192>}, {pipeline_mode = #tpu.pipeline_mode<synchronous>, transform_indices = @transform_6, window_bounds = array<i64: 2, 64>}, {pipeline_mode = #tpu.pipeline_mode<synchronous>, transform_indices = @transform_7, window_bounds = array<i64: 64>}, {pipeline_mode = #tpu.pipeline_mode<synchronous>, transform_indices = @transform_8, window_bounds = array<i64: 64>}, {pipeline_mode = #tpu.pipeline_mode<synchronous>, transform_indices = @transform_9, window_bounds = array<i64: 64>}, {transform_indices = @transform_10, window_bounds = array<i64: 2>}, {transform_indices = @transform_11, window_bounds = array<i64: 2>}, {transform_indices = @transform_12, window_bounds = array<i64: 8192>}, {transform_indices = @transform_13, window_bounds = array<i64: 8192>}, {transform_indices = @transform_14, window_bounds = array<i64: 8192>}, {transform_indices = @transform_15, window_bounds = array<i64: 8192>}]} {
    %get3A = arith.constant 0 : index
    %get3A_0 = vector.load %arg1[%get3A] : memref<8192xf32, #tpu.memory_space<vmem>>, vector<8192xf32>
    %get3A_1 = arith.constant 0 : index
    %get3A_2 = vector.load %arg2[%get3A_1] : memref<8192xf32, #tpu.memory_space<vmem>>, vector<8192xf32>
    %add3A = arith.addf %get3A_0, %get3A_2 : vector<8192xf32>
    %add3A_3 = arith.constant 1.000000e-16 : f32
    %add3A_4 = vector.broadcast %add3A_3 : f32 to vector<8192xf32>
    %add3A_5 = arith.addf %add3A, %add3A_4 : vector<8192xf32>
    %div3A = arith.constant 1.000000e+00 : f32
    %div3A_6 = vector.broadcast %div3A : f32 to vector<8192xf32>
    %div3A_7 = arith.divf %div3A_6, %add3A_5 : vector<8192xf32>
    %get3A_8 = arith.constant 0 : index
    %get3A_9 = vector.load %arg3[%get3A_8] : memref<8192xf32, #tpu.memory_space<vmem>>, vector<8192xf32>
    %get3A_10 = arith.constant 0 : index
    %get3A_11 = vector.load %arg4[%get3A_10] : memref<8192xf32, #tpu.memory_space<vmem>>, vector<8192xf32>
    %add3A_12 = arith.addf %get3A_9, %get3A_11 : vector<8192xf32>
    %mul3A = arith.mulf %add3A_12, %div3A_7 : vector<8192xf32>
    %get3A_13 = arith.constant 0 : index
    %get3A_14 = vector.load %arg5[%get3A_13] : memref<8192xf32, #tpu.memory_space<vmem>>, vector<8192xf32>
    %get3A_15 = arith.constant 0 : index
    %get3A_16 = vector.load %arg6[%get3A_15] : memref<8192xf32, #tpu.memory_space<vmem>>, vector<8192xf32>
    %add3A_17 = arith.addf %get3A_14, %get3A_16 : vector<8192xf32>
    %mul3A_18 = arith.mulf %add3A_17, %div3A_7 : vector<8192xf32>
    %broadcast_in_dim3A = vector.shape_cast %mul3A : vector<8192xf32> to vector<8192x1xf32>
    %get3A_19 = arith.constant 0 : index
    %get3A_20 = arith.constant 0 : index
    %get3A_21 = vector.load %arg7[%get3A_19, %get3A_20] : memref<2x64xf32, #tpu.memory_space<vmem>>, vector<1x64xf32>
    %get3A_22 = vector.shape_cast %get3A_21 : vector<1x64xf32> to vector<64xf32>
    %broadcast_in_dim3A_23 = vector.shape_cast %get3A_22 : vector<64xf32> to vector<1x64xf32>
    %mul3A_24 = vector.broadcast %broadcast_in_dim3A : vector<8192x1xf32> to vector<8192x64xf32>
    %mul3A_25 = vector.broadcast %broadcast_in_dim3A_23 : vector<1x64xf32> to vector<8192x64xf32>
    %mul3A_26 = arith.mulf %mul3A_24, %mul3A_25 : vector<8192x64xf32>
    %broadcast_in_dim3A_27 = vector.shape_cast %mul3A_18 : vector<8192xf32> to vector<8192x1xf32>
    %get3A_28 = arith.constant 1 : index
    %get3A_29 = arith.constant 0 : index
    %get3A_30 = vector.load %arg7[%get3A_28, %get3A_29] : memref<2x64xf32, #tpu.memory_space<vmem>>, vector<1x64xf32>
    %get3A_31 = vector.shape_cast %get3A_30 : vector<1x64xf32> to vector<64xf32>
    %broadcast_in_dim3A_32 = vector.shape_cast %get3A_31 : vector<64xf32> to vector<1x64xf32>
    %mul3A_33 = vector.broadcast %broadcast_in_dim3A_27 : vector<8192x1xf32> to vector<8192x64xf32>
    %mul3A_34 = vector.broadcast %broadcast_in_dim3A_32 : vector<1x64xf32> to vector<8192x64xf32>
    %mul3A_35 = arith.mulf %mul3A_33, %mul3A_34 : vector<8192x64xf32>
    %add3A_36 = arith.addf %mul3A_26, %mul3A_35 : vector<8192x64xf32>
    %get3A_37 = arith.constant 0 : index
    %get3A_38 = vector.load %arg8[%get3A_37] : memref<64xf32, #tpu.memory_space<vmem>>, vector<64xf32>
    %broadcast_in_dim3A_39 = vector.shape_cast %get3A_38 : vector<64xf32> to vector<1x64xf32>
    %add3A_40 = vector.broadcast %broadcast_in_dim3A_39 : vector<1x64xf32> to vector<8192x64xf32>
    %add3A_41 = arith.addf %add3A_36, %add3A_40 : vector<8192x64xf32>
    %max3A = arith.constant 0.000000e+00 : f32
    %max3A_42 = vector.broadcast %max3A : f32 to vector<8192x64xf32>
    %max3A_43 = arith.maximumf %add3A_41, %max3A_42 : vector<8192x64xf32>
    %get3A_44 = arith.constant 0 : index
    %get3A_45 = vector.load %arg9[%get3A_44] : memref<64xf32, #tpu.memory_space<vmem>>, vector<64xf32>
    %broadcast_in_dim3A_46 = vector.shape_cast %get3A_45 : vector<64xf32> to vector<1x64xf32>
    %mul3A_47 = vector.broadcast %broadcast_in_dim3A_46 : vector<1x64xf32> to vector<8192x64xf32>
    %mul3A_48 = arith.mulf %max3A_43, %mul3A_47 : vector<8192x64xf32>
    %reduce_sum3A = arith.constant dense<0.000000e+00> : vector<8192xf32>
    %reduce_sum3A_49 = vector.multi_reduction <add>, %mul3A_48, %reduce_sum3A [1] : vector<8192x64xf32> to vector<8192xf32>
    %get3A_50 = arith.constant 0 : index
    %get3A_51 = vector.load %arg10[%get3A_50] : memref<64xf32, #tpu.memory_space<vmem>>, vector<64xf32>
    %broadcast_in_dim3A_52 = vector.shape_cast %get3A_51 : vector<64xf32> to vector<1x64xf32>
    %mul3A_53 = vector.broadcast %broadcast_in_dim3A_52 : vector<1x64xf32> to vector<8192x64xf32>
    %mul3A_54 = arith.mulf %max3A_43, %mul3A_53 : vector<8192x64xf32>
    %reduce_sum3A_55 = arith.constant dense<0.000000e+00> : vector<8192xf32>
    %reduce_sum3A_56 = vector.multi_reduction <add>, %mul3A_54, %reduce_sum3A_55 [1] : vector<8192x64xf32> to vector<8192xf32>
    %swap3A = arith.constant 0 : index
    %swap3A_57 = vector.load %arg13[%swap3A] : memref<8192xf32, #tpu.memory_space<vmem>>, vector<8192xf32>
    tpu.vector_store %arg13[%swap3A], %reduce_sum3A_49 {strides = array<i32>} : memref<8192xf32, #tpu.memory_space<vmem>>, vector<8192xf32>,
    %swap3A_58 = arith.constant 0 : index
    %swap3A_59 = vector.load %arg14[%swap3A_58] : memref<8192xf32, #tpu.memory_space<vmem>>, vector<8192xf32>
    tpu.vector_store %arg14[%swap3A_58], %reduce_sum3A_56 {strides = array<i32>} : memref<8192xf32, #tpu.memory_space<vmem>>, vector<8192xf32>,
    %get3A_60 = arith.constant 0 : index
    %get3A_61 = memref.load %arg11[%get3A_60] : memref<2xf32, #tpu.memory_space<smem>>
    %mul3A_62 = vector.broadcast %get3A_61 : f32 to vector<8192xf32>
    %mul3A_63 = arith.mulf %reduce_sum3A_49, %mul3A_62 : vector<8192xf32>
    %get3A_64 = arith.constant 1 : index
    %get3A_65 = memref.load %arg11[%get3A_64] : memref<2xf32, #tpu.memory_space<smem>>
    %mul3A_66 = vector.broadcast %get3A_65 : f32 to vector<8192xf32>
    %mul3A_67 = arith.mulf %reduce_sum3A_56, %mul3A_66 : vector<8192xf32>
    %add3A_68 = arith.addf %mul3A_63, %mul3A_67 : vector<8192xf32>
    %swap3A_69 = arith.constant 0 : index
    %swap3A_70 = vector.load %arg15[%swap3A_69] : memref<8192xf32, #tpu.memory_space<vmem>>, vector<8192xf32>
    tpu.vector_store %arg15[%swap3A_69], %add3A_68 {strides = array<i32>} : memref<8192xf32, #tpu.memory_space<vmem>>, vector<8192xf32>,
    %get3A_71 = arith.constant 0 : index
    %get3A_72 = memref.load %arg12[%get3A_71] : memref<2xf32, #tpu.memory_space<smem>>
    %mul3A_73 = vector.broadcast %get3A_72 : f32 to vector<8192xf32>
    %mul3A_74 = arith.mulf %reduce_sum3A_49, %mul3A_73 : vector<8192xf32>
    %get3A_75 = arith.constant 1 : index
    %get3A_76 = memref.load %arg12[%get3A_75] : memref<2xf32, #tpu.memory_space<smem>>
    %mul3A_77 = vector.broadcast %get3A_76 : f32 to vector<8192xf32>
    %mul3A_78 = arith.mulf %reduce_sum3A_56, %mul3A_77 : vector<8192xf32>
    %add3A_79 = arith.addf %mul3A_74, %mul3A_78 : vector<8192xf32>
    %swap3A_80 = arith.constant 0 : index
    %swap3A_81 = vector.load %arg16[%swap3A_80] : memref<8192xf32, #tpu.memory_space<vmem>>, vector<8192xf32>
    tpu.vector_store %arg16[%swap3A_80], %add3A_79 {strides = array<i32>} : memref<8192xf32, #tpu.memory_space<vmem>>, vector<8192xf32>,
    return
  }
  func.func @transform_0(%arg0: i32) -> i32 {
    %c0_i32 = arith.constant 0 : i32
    return %arg0 : i32
  }
  func.func @transform_1(%arg0: i32) -> i32 {
    %c0_i32 = arith.constant 0 : i32
    return %arg0 : i32
  }
  func.func @transform_2(%arg0: i32) -> i32 {
    %c0_i32 = arith.constant 0 : i32
    return %arg0 : i32
  }
  func.func @transform_3(%arg0: i32) -> i32 {
    %c0_i32 = arith.constant 0 : i32
    return %arg0 : i32
  }
  func.func @transform_4(%arg0: i32) -> i32 {
    %c0_i32 = arith.constant 0 : i32
    return %arg0 : i32
  }
  func.func @transform_5(%arg0: i32) -> i32 {
    %c0_i32 = arith.constant 0 : i32
    return %arg0 : i32
  }
  func.func @transform_6(%arg0: i32) -> (i32, i32) {
    %c0_i32 = arith.constant 0 : i32
    %c0_i32_0 = arith.constant 0 : i32
    %c0_i32_1 = arith.constant 0 : i32
    return %c0_i32, %c0_i32_0 : i32, i32
  }
  func.func @transform_7(%arg0: i32) -> i32 {
    %c0_i32 = arith.constant 0 : i32
    %c0_i32_0 = arith.constant 0 : i32
    return %c0_i32 : i32
  }
  func.func @transform_8(%arg0: i32) -> i32 {
    %c0_i32 = arith.constant 0 : i32
    %c0_i32_0 = arith.constant 0 : i32
    return %c0_i32 : i32
  }
  func.func @transform_9(%arg0: i32) -> i32 {
    %c0_i32 = arith.constant 0 : i32
    %c0_i32_0 = arith.constant 0 : i32
    return %c0_i32 : i32
  }
  func.func @transform_10(%arg0: i32) -> i32 {
    %c0_i32 = arith.constant 0 : i32
    %c0_i32_0 = arith.constant 0 : i32
    return %c0_i32 : i32
  }
  func.func @transform_11(%arg0: i32) -> i32 {
    %c0_i32 = arith.constant 0 : i32
    %c0_i32_0 = arith.constant 0 : i32
    return %c0_i32 : i32
  }
  func.func @transform_12(%arg0: i32) -> i32 {
    %c0_i32 = arith.constant 0 : i32
    return %arg0 : i32
  }
  func.func @transform_13(%arg0: i32) -> i32 {
    %c0_i32 = arith.constant 0 : i32
    return %arg0 : i32
  }
  func.func @transform_14(%arg0: i32) -> i32 {
    %c0_i32 = arith.constant 0 : i32
    return %arg0 : i32
  }
  func.func @transform_15(%arg0: i32) -> i32 {
    %c0_i32 = arith.constant 0 : i32
    return %arg0 : i32
  }
}

module attributes {stable_mosaic.version = 14 : i64} {
  func.func @_post_body(%arg0: i32, %arg1: memref<8192xf32, #tpu.memory_space<vmem>>, %arg2: memref<8192xf32, #tpu.memory_space<vmem>>, %arg3: memref<8192xf32, #tpu.memory_space<vmem>>, %arg4: memref<8192xf32, #tpu.memory_space<vmem>>, %arg5: memref<8192xf32, #tpu.memory_space<vmem>>, %arg6: memref<8192xf32, #tpu.memory_space<vmem>>, %arg7: memref<2xf32, #tpu.memory_space<smem>>, %arg8: memref<8192xf32, #tpu.memory_space<vmem>>, %arg9: memref<8192xf32, #tpu.memory_space<vmem>>) attributes {dimension_semantics = [#tpu.dimension_semantics<arbitrary>], iteration_bounds = array<i64: 13>, scalar_prefetch = 0 : i64, scratch_operands = 0 : i64, tpu.core_type = #tpu.core_type<tc>, window_params = [{transform_indices = @transform_0, window_bounds = array<i64: 8192>}, {transform_indices = @transform_1, window_bounds = array<i64: 8192>}, {transform_indices = @transform_2, window_bounds = array<i64: 8192>}, {transform_indices = @transform_3, window_bounds = array<i64: 8192>}, {transform_indices = @transform_4, window_bounds = array<i64: 8192>}, {transform_indices = @transform_5, window_bounds = array<i64: 8192>}, {transform_indices = @transform_6, window_bounds = array<i64: 2>}, {transform_indices = @transform_7, window_bounds = array<i64: 8192>}, {transform_indices = @transform_8, window_bounds = array<i64: 8192>}]} {
    %get3A = arith.constant 0 : index
    %get3A_0 = vector.load %arg1[%get3A] : memref<8192xf32, #tpu.memory_space<vmem>>, vector<8192xf32>
    %get3A_1 = arith.constant 0 : index
    %get3A_2 = vector.load %arg2[%get3A_1] : memref<8192xf32, #tpu.memory_space<vmem>>, vector<8192xf32>
    %add3A = arith.addf %get3A_0, %get3A_2 : vector<8192xf32>
    %add3A_3 = arith.constant 1.000000e-16 : f32
    %add3A_4 = vector.broadcast %add3A_3 : f32 to vector<8192xf32>
    %add3A_5 = arith.addf %add3A, %add3A_4 : vector<8192xf32>
    %div3A = arith.constant 1.000000e+00 : f32
    %div3A_6 = vector.broadcast %div3A : f32 to vector<8192xf32>
    %div3A_7 = arith.divf %div3A_6, %add3A_5 : vector<8192xf32>
    %get3A_8 = arith.constant 0 : index
    %get3A_9 = vector.load %arg3[%get3A_8] : memref<8192xf32, #tpu.memory_space<vmem>>, vector<8192xf32>
    %get3A_10 = arith.constant 0 : index
    %get3A_11 = vector.load %arg4[%get3A_10] : memref<8192xf32, #tpu.memory_space<vmem>>, vector<8192xf32>
    %add3A_12 = arith.addf %get3A_9, %get3A_11 : vector<8192xf32>
    %mul3A = arith.mulf %add3A_12, %div3A_7 : vector<8192xf32>
    %get3A_13 = arith.constant 0 : index
    %get3A_14 = memref.load %arg7[%get3A_13] : memref<2xf32, #tpu.memory_space<smem>>
    %add3A_15 = vector.broadcast %get3A_14 : f32 to vector<8192xf32>
    %add3A_16 = arith.addf %mul3A, %add3A_15 : vector<8192xf32>
    %get3A_17 = arith.constant 0 : index
    %get3A_18 = vector.load %arg5[%get3A_17] : memref<8192xf32, #tpu.memory_space<vmem>>, vector<8192xf32>
    %get3A_19 = arith.constant 0 : index
    %get3A_20 = vector.load %arg6[%get3A_19] : memref<8192xf32, #tpu.memory_space<vmem>>, vector<8192xf32>
    %add3A_21 = arith.addf %get3A_18, %get3A_20 : vector<8192xf32>
    %mul3A_22 = arith.mulf %add3A_21, %div3A_7 : vector<8192xf32>
    %get3A_23 = arith.constant 1 : index
    %get3A_24 = memref.load %arg7[%get3A_23] : memref<2xf32, #tpu.memory_space<smem>>
    %add3A_25 = vector.broadcast %get3A_24 : f32 to vector<8192xf32>
    %add3A_26 = arith.addf %mul3A_22, %add3A_25 : vector<8192xf32>
    %max3A = arith.maximumf %add3A_16, %add3A_26 : vector<8192xf32>
    %sub3A = arith.subf %add3A_16, %max3A : vector<8192xf32>
    %exp3A = math.exp %sub3A : vector<8192xf32>
    %sub3A_27 = arith.subf %add3A_26, %max3A : vector<8192xf32>
    %exp3A_28 = math.exp %sub3A_27 : vector<8192xf32>
    %add3A_29 = arith.addf %exp3A, %exp3A_28 : vector<8192xf32>
    %log3A = math.log %add3A_29 : vector<8192xf32>
    %add3A_30 = arith.addf %max3A, %log3A : vector<8192xf32>
    %sub3A_31 = arith.subf %add3A_16, %add3A_30 : vector<8192xf32>
    %swap3A = arith.constant 0 : index
    %swap3A_32 = vector.load %arg8[%swap3A] : memref<8192xf32, #tpu.memory_space<vmem>>, vector<8192xf32>
    tpu.vector_store %arg8[%swap3A], %sub3A_31 {strides = array<i32>} : memref<8192xf32, #tpu.memory_space<vmem>>, vector<8192xf32>,
    %sub3A_33 = arith.subf %add3A_26, %add3A_30 : vector<8192xf32>
    %swap3A_34 = arith.constant 0 : index
    %swap3A_35 = vector.load %arg9[%swap3A_34] : memref<8192xf32, #tpu.memory_space<vmem>>, vector<8192xf32>
    tpu.vector_store %arg9[%swap3A_34], %sub3A_33 {strides = array<i32>} : memref<8192xf32, #tpu.memory_space<vmem>>, vector<8192xf32>,
    return
  }
  func.func @transform_0(%arg0: i32) -> i32 {
    %c0_i32 = arith.constant 0 : i32
    return %arg0 : i32
  }
  func.func @transform_1(%arg0: i32) -> i32 {
    %c0_i32 = arith.constant 0 : i32
    return %arg0 : i32
  }
  func.func @transform_2(%arg0: i32) -> i32 {
    %c0_i32 = arith.constant 0 : i32
    return %arg0 : i32
  }
  func.func @transform_3(%arg0: i32) -> i32 {
    %c0_i32 = arith.constant 0 : i32
    return %arg0 : i32
  }
  func.func @transform_4(%arg0: i32) -> i32 {
    %c0_i32 = arith.constant 0 : i32
    return %arg0 : i32
  }
  func.func @transform_5(%arg0: i32) -> i32 {
    %c0_i32 = arith.constant 0 : i32
    return %arg0 : i32
  }
  func.func @transform_6(%arg0: i32) -> i32 {
    %c0_i32 = arith.constant 0 : i32
    %c0_i32_0 = arith.constant 0 : i32
    return %c0_i32 : i32
  }
  func.func @transform_7(%arg0: i32) -> i32 {
    %c0_i32 = arith.constant 0 : i32
    return %arg0 : i32
  }
  func.func @transform_8(%arg0: i32) -> i32 {
    %c0_i32 = arith.constant 0 : i32
    return %arg0 : i32
  }
}

</mosaic_0001>

<sc_bundles>
// kernel: kernel.10.cloned.1.call-start
scs
__scs_entry_jumppad:
0x0: {  	(pc) =	sbr.rel $0x88, $3  }
0x1: {  	(tag) =	ssettag $0x0;
	lr =	simm.s32 $0x1  }
0x2: {  	[smem:$0x3F97] =	sst lr;
	_ =	strace $0xD0000000  }
0x3: {  	_ = 	snop  }
0x4: {  	_ = 	snop  }
0x5: {  	_ = 	snop  }
0x6: {  	_ = 	snop  }
0x7: {  	_ = 	snop  }
__scs_overlays_trampoline_lowered:
0x8: {  	[smem:$0x3FA6] =	sst s0  }
0x9: {  	[smem:$0x3FA7] =	sst s1  }
0xa: {  	[smem:$0x3FA8] =	sst s2  }
0xb: {  	[smem:$0x3FA9] =	sst s3  }
0xc: {  	[smem:$0x3FAA] =	sst s4  }
0xd: {  	[smem:$0x3FAB] =	sst s5  }
0xe: {  	[smem:$0x3FAC] =	sst s6  }
0xf: {  	[smem:$0x3FAD] =	sst s7  }
0x10: {  	[smem:$0x3FAE] =	sst s8  }
0x11: {  	[smem:$0x3FAF] =	sst s9;
	s0 =	simm.s32 @!p0 $0x0  }
0x12: {  	s1 =	sld [smem:$0x3F95];
	s0 =	simm.s32 @p0 $0x1  }
0x13: {  	[smem:$0x3FB0] =	sst s0;
	s0 =	simm.s32 @!p1 $0x0  }
0x14: {  	s2 =	sld [smem:$0x3F94];
	s0 =	simm.s32 @p1 $0x1  }
0x15: {  	[smem:$0x3FB1] =	sst s0;
	s0 =	simm.s32 @!p2 $0x0  }
0x16: {  	s3 =	sld [smem:$0x3FDB];
	s0 =	simm.s32 @p2 $0x1  }
0x17: {  	s4 =	simm.s32 $0x1BF5;
	[smem:$0x3FB3] =	sst s0  }
0x18: {  	s0 =	sld [smem:$0x3F96];
	_ =	swait.ge [sflag:s4], $0x0  }
0x19: {  	s7 =	sld [smem:$0x3F97]  }
0x1a: {  	s8 =	sadd.s32 $0xFFFFE003, lr  }
0x1b: {  	s9 =	sadd.s32 $0xFFFFFEF7, lr;
	s5 =	simm.s32 $0xFFFFFFFF;
	p2 =	slt.u32 s8, $0xFFFFF086  }
0x1c: {  	p1 =	slt.u32 s9, $0xF7A;
	s5 =	simm.s32 @!p2 $0x0  }
0x1d: {  	s5 =	simm.s32 @p1 $0x1;
	p0 =	seq.s32 s7, s2  }
0x1e: {  	s7 =	smul.u32 @!p0 $0xF7A, s2;
	p2 =	seq.s32 @!p0 s5, $0x0  }
0x1f: {  	s9 =	smul.u32 $0xF7A, s1;
	s8 =	simm.s32 @!p0 $0x1BF5;
	p2 =	por !p2, p0  }
0x20: {  	[sflag:s8] =	ssyncset.s32 @!p0 $0xFFFFF086;
	s6 =	sadd.s32 @!p0 s3, s7;
	s7 =	simm.s32 @!p0 $0x108  }
0x21: {  	s3 =	sadd.s32 s3, s9;
	s6 =	sadd.s32 @!p0 $0x88, s6;
	s7 =	simm.s32 @p2 $0x1082  }
0x22: {  	[simem:s7], [sflag:s8] =	dma.local @!p0 [hbm:s6], $0xF7A  }
0x23: {  	s9 =	sor.u32 $0xD0000000, s2;
	s6 =	simm.s32 $0x108;
	_ =	swait.ge @!p0 [sflag:s8], $0x0  }
0x24: {  	s3 =	sadd.s32 $0x88, s3;
	s6 =	simm.s32 @!p1 $0x1082;
	[sflag:s4] =	ssyncset.s32 $0xFFFFF086  }
0x25: {  	[simem:s6], [sflag:s4] =	dma.local [hbm:s3], $0xF7A  }
0x26: {  	[smem:$0x3F97] =	sst s1;
	(tag) =	ssettag s2;
	_ =	strace s9  }
0x27: {  	s1 =	sld [smem:$0x3FA7]  }
0x28: {  	s2 =	sld [smem:$0x3FA8]  }
0x29: {  	s4 =	sld [smem:$0x3FAA]  }
0x2a: {  	p0 =	seq.s32 s5, $0x0;
	s5 =	sld [smem:$0x3FAB]  }
0x2b: {  	s6 =	sld [smem:$0x3FAC]  }
0x2c: {  	s7 =	sld [smem:$0x3FAD]  }
0x2d: {  	s3 =	simm.s32 $0x108;
	s8 =	sld [smem:$0x3FAE]  }
0x2e: {  	s3 =	simm.s32 @!p0 $0x1082;
	s9 =	sld [smem:$0x3FAF]  }
0x2f: {  	lr =	sadd.s32 s0, s3;
	s0 =	sld [smem:$0x3FA6]  }
0x30: {  	s3 =	sld [smem:$0x3FA9]  }
0x31: {  	[smem:$0x3FB2] =	sst s10  }
0x32: {  	s10 =	sld [smem:$0x3FB0];
	_ =	sdelay $0x3  }
0x33: {  	p0 =	seq.s32 s10, $0x1;
	s10 =	sld [smem:$0x3FB2];
	_ =	sdelay $0x3  }
0x34: {  	[smem:$0x3FB2] =	sst s10  }
0x35: {  	s10 =	sld [smem:$0x3FB1];
	_ =	sdelay $0x3  }
0x36: {  	p1 =	seq.s32 s10, $0x1;
	s10 =	sld [smem:$0x3FB2];
	_ =	sdelay $0x3  }
0x37: {  	[smem:$0x3FB2] =	sst s10  }
0x38: {  	s10 =	sld [smem:$0x3FB3]  }
0x39: {  	_ = 	snop;
	(pc) =	sbr.ind lr, $3  }
0x3a: {  	_ = 	snop  }
0x3b: {  	_ = 	snop  }
0x3c: {  	p2 =	seq.s32 s10, $0x1;
	s10 =	sld [smem:$0x3FB2]  }
0x3d: {  	_ =	shalt  }
0x3e: {  	_ =	shalt  }
0x3f: {  	_ =	shalt  }
0x40: {  	_ =	shalt  }
0x41: {  	_ =	shalt  }
0x42: {  	_ =	shalt  }
0x43: {  	_ =	shalt  }
0x44: {  	_ =	shalt  }
0x45: {  	_ =	shalt  }
0x46: {  	_ =	shalt  }
0x47: {  	_ =	shalt  }
0x48: {  	_ =	shalt  }
0x49: {  	_ =	shalt  }
0x4a: {  	_ =	shalt  }
0x4b: {  	_ =	shalt  }
0x4c: {  	_ =	shalt  }
0x4d: {  	_ =	shalt  }
0x4e: {  	_ =	shalt  }
0x4f: {  	_ =	shalt  }
0x50: {  	_ =	shalt  }
0x51: {  	_ =	shalt  }
0x52: {  	_ =	shalt  }
0x53: {  	_ =	shalt  }
0x54: {  	_ =	shalt  }
0x55: {  	_ =	shalt  }
0x56: {  	_ =	shalt  }
0x57: {  	_ =	shalt  }
0x58: {  	_ =	shalt  }
0x59: {  	_ =	shalt  }
0x5a: {  	_ =	shalt  }
0x5b: {  	_ =	shalt  }
0x5c: {  	_ =	shalt  }
0x5d: {  	_ =	shalt  }
0x5e: {  	_ =	shalt  }
0x5f: {  	_ =	shalt  }
0x60: {  	_ =	shalt  }
0x61: {  	_ =	shalt  }
0x62: {  	_ =	shalt  }
0x63: {  	_ =	shalt  }
0x64: {  	_ =	shalt  }
0x65: {  	_ =	shalt  }
0x66: {  	_ =	shalt  }
0x67: {  	_ =	shalt  }
0x68: {  	_ =	shalt  }
0x69: {  	_ =	shalt  }
0x6a: {  	_ =	shalt  }
0x6b: {  	_ =	shalt  }
0x6c: {  	_ =	shalt  }
0x6d: {  	_ =	shalt  }
0x6e: {  	_ =	shalt  }
0x6f: {  	_ =	shalt  }
0x70: {  	_ =	shalt  }
0x71: {  	_ =	shalt  }
0x72: {  	_ =	shalt  }
0x73: {  	_ =	shalt  }
0x74: {  	_ =	shalt  }
0x75: {  	_ =	shalt  }
0x76: {  	_ =	shalt  }
0x77: {  	_ =	shalt  }
0x78: {  	_ =	shalt  }
0x79: {  	_ =	shalt  }
0x7a: {  	_ =	shalt  }
0x7b: {  	_ =	shalt  }
0x7c: {  	_ =	shalt  }
0x7d: {  	_ =	shalt  }
0x7e: {  	_ =	shalt  }
0x7f: {  	_ =	shalt  }
0x80: {  	_ =	shalt  }
0x81: {  	_ =	shalt  }
0x82: {  	_ =	shalt  }
0x83: {  	_ =	shalt  }
0x84: {  	_ =	shalt  }
0x85: {  	_ =	shalt  }
0x86: {  	_ =	shalt  }
0x87: {  	_ =	shalt  }
.Lfunc_end0:
.L_simem_size_0:
called_computation.1_lowered:
.L_overlay_start_0:
0x88: {  	s2 =	sld [smem:$0x3FD9]  }
0x89: {  	s3 =	sld [smem:$0x3FFE];
	_ =	sdelay $0x1  }
0x8a: {  	s1 =	srdreg.scid  }
0x8b: {  	s0 =	sand.u32 $0x1, s1  }
0x8c: {  	s17 =	sshll.u32 s0, $0xA;
	s2 =	sadd.s32 s3, s2  }
0x8d: {  	s2 =	sadd.s32 s2, s17  }
0x8e: {  	[smem:$0x3FBE] =	sst s2  }
0x8f: {  	_ = 	snop  }
0x90: {  	s2 =	sld [smem:$0x3FD0];
	(tm) =	ssettm $0x1  }
0x91: {  	s18 =	sld [smem:$0x3FFB];
	_ =	sdelay $0x3  }
0x92: {  	_ =	strace s18  }
0x93: {  	s3 =	sld [smem:$0x3FFC];
	_ =	sdelay $0x3  }
0x94: {  	_ =	strace s3  }
0x95: {  	s3 =	sld [smem:$0x3FFD];
	_ =	sdelay $0x3  }
0x96: {  	_ =	strace s3  }
0x97: {  	_ =	strace $0x8FFFFFFF  }
0x98: {  	s19 =	sld [smem:$0x3FDB];
	_ =	sdelay $0x1  }
0x99: {  	s4 =	simm.s32 $_scs_section_size  }
0x9a: {  	s5 =	simm.s32 $_size__tile_overlayer_lowered;
	s6 =	simm.s32 $_tile_overlayer_lowered  }
0x9b: {  	s22 =	simm.s32 $0x1BFF;
	s21 =	sshll.u32 s6, $0x1;
	s3 =	sadd.s32 s4, s19  }
0x9c: {  	s7 =	simm.s32 $0x0;
	s20 =	sshll.u32 s5, $0x1;
	s5 =	sadd.s32 s21, s3  }
0x9d: {  	[timem:s7], [sflag:s22] =	dma.local [hbm:s5], s20  }
0x9e: {  	_ =	swait.ge [sflag:s22], s20  }
0x9f: {  	s4 =	ssub.s32 $0x0, s20;
	[sflag:s22] =	ssyncset.done $0x0  }
0xa0: {  	[sflag:s22] =	ssyncadd.s32 s4;
	_ =	sdelay $0x1  }
0xa1: {  	s23 =	simm.s32 $0x1B8B  }
0xa2: {  	_ =	swait.ge [sflag:s23], $0x1  }
0xa3: {  	[sflag:s23] =	ssyncset.done $0x0  }
0xa4: {  	s25 =	simm.s32 $0x1B8E;
	s24 =	sld [smem:$0x3FFE];
	[sflag:s23] =	ssyncadd.s32 $0xFFFFFFFF  }
0xa5: {  	s26 =	simm.s32 $execute0_lowered;
	[smem:$0x3FD2] =	sst s25  }
0xa6: {  	s5 =	sshll.u32 s26, $0x1;
	_ =	strace $0x80000049;
	[dreg:$0x1] =	wrdreg $0xFFFFFFFF  }
0xa7: {  	s28 =	simm.s32 $_size_execute0_lowered;
	s3 =	sadd.s32 s3, s5;
	[dreg:$0x0] =	wrdreg $0x0  }
0xa8: {  	s5 =	sshll.u32 s28, $0x1;
	[dreg:$0x2] =	wrdreg s3  }
0xa9: {  	[dreg:$0x3] =	wrdreg s5  }
0xaa: {  	[dreg:$0x4] =	wrdreg $0xC0  }
0xab: {  	_ =	task [dreg:s7], $0x5FFFF  }
0xac: {  	[dreg:$0x1] =	wrdreg $0xFFFFFFFF  }
0xad: {  	[dreg:$0x0] =	wrdreg $0x60  }
0xae: {  	[dreg:$0x2] =	wrdreg s24  }
0xaf: {  	[dreg:$0x3] =	wrdreg s2  }
0xb0: {  	[dreg:$0x4] =	wrdreg $0x9000  }
0xb1: {  	[dreg:$0x5] =	wrdreg $0x21800  }
0xb2: {  	[dreg:$0x6] =	wrdreg $0x3A000  }
0xb3: {  	[dreg:$0x7] =	wrdreg $0x9  }
0xb4: {  	_ =	task.clear_ibuf [dreg:s7], $0x8FFFF;
	_ =	strace $0x90000049  }
0xb5: {  	s29 =	simm.s32 $0x9;
	_ =	strace $0x8000004B  }
0xb6: {  	_ =	swait.ge [sflag:s29], $0x1  }
0xb7: {  	[sflag:s29] =	ssyncadd.s32 $0xFFFFFFFF  }
0xb8: {  	_ =	strace $0x9000004B  }
0xb9: {  	_ =	sfence  }
0xba: {  	s30 =	sld [smem:$0x0];
	_ =	sdelay $0x2  }
0xbb: {  	s31 =	sshll.u32 s1, $0xD;
	s1 =	sshrl.u32 s1, $0x2  }
0xbc: {  	s3 =	sand.u32 $0x4000, s31;
	s1 =	sadd.s32 s1, s30  }
0xbd: {  	s0 =	sor.u32 s3, s0;
	s1 =	sshll.u32 s1, $0x11  }
0xbe: {  	s0 =	sor.u32 s1, s0  }
0xbf: {  	s0 =	sadd.s32 $0x8F2B, s0  }
0xc0: {  	[sflag:s0] =	ssyncadd.remote.s32 $0x1  }
0xc1: {  	_ =	sfence.sel $0xFFFF  }
0xc2: {  	[dreg:$0x0] =	wrdreg $0xFFFFFFFF;
	(pc) =	sbr.abs _section_cstart, $3  }
0xc3: {  	[dreg:$0x1] =	wrdreg $0xFFFFFFFF  }
0xc4: {  	_ =	task.clear_ibuf [dreg:s7], $0x2FFFF;
	_ =	strace $0x9FFFFFFF  }
0xc5: {  	(tm) =	ssettm $0x7FFFFFFF  }
tec
execute0_lowered:
.L_overlay_start_1:
0x0: {  	(tag) =	ssettag $0x1  }
0x1: {  	s1 =	rddreg [dreg:$0x0]  }
0x2: {  	s2 =	rddreg [dreg:$0x1]  }
0x3: {  	s3 =	rddreg [dreg:$0x2]  }
0x4: {  	s4 =	rddreg [dreg:$0x3]  }
0x5: {  	s5 =	rddreg [dreg:$0x4]  }
0x6: {  	s7 =	simm.s32 $0x0;
	s0 =	srdreg.scid;
	s15 =	stileid.u32  }
0x7: {  	s22 =	simm.s32 $0x200;
	s23 =	simm.s32 $0x300;
	s24 =	simm.s32 $0x400  }
0x8: {  	s25 =	simm.s32 $0x500;
	s26 =	simm.s32 $0x280;
	s28 =	simm.s32 $0x600  }
0x9: {  	s29 =	simm.s32 $0x700;
	[smem:$0x7FF] =	sst s7;
	s6 =	sadd.s32 $0x34200, s1  }
0xa: {  	s16 =	sadd.s32 $0x3200, s1;
	_ =	strace $0x8000004A;
	[dreg:$0x6] =	wrdreg s6  }
0xb: {  	s30 =	simm.s32 $0x800;
	s31 =	simm.s32 $0x680;
	[dreg:$0x7] =	wrdreg s16  }
0xc: {  	s0 =	sand.u32 $0x1, s0;
	s12 =	smul.u32 $0x1880, s15;
	[dreg:$0x9] =	wrdreg s22  }
0xd: {  	s8 =	sadd.s32 $0x65200, s1;
	s10 =	sadd.s32 $0x6B600, s1;
	[dreg:$0xa] =	wrdreg s23  }
0xe: {  	s18 =	sshll.u32 s15, $0x6;
	s9 =	smul.u32 $0x49800, s0;
	[dreg:$0xb] =	wrdreg s24  }
0xf: {  	s11 =	ssub.s32 $0x2, s0;
	s16 =	smul.u32 $0x18800, s15;
	[dreg:$0xc] =	wrdreg s25  }
0x10: {  	s0 =	smul.u32 $0xC400, s0;
	[dreg:$0xd] =	wrdreg s26;
	s22 =	simm.s32 $0x380  }
0x11: {  	s23 =	simm.s32 $0x480;
	s24 =	simm.s32 $0x180;
	s25 =	simm.s32 $0x580  }
0x12: {  	s26 =	simm.s32 $0x1;
	s13 =	sshrl.u32 s11, $0x1;
	s14 =	sadd.s32 s12, s3  }
0x13: {  	s17 =	sadd.s32 s12, s9;
	s9 =	sadd.s32 $0x68400, s1;
	s13 =	ssub.s32 s11, s13  }
0x14: {  	s11 =	sor.u32 $0x1C03, s18;
	s18 =	sadd.s32 s12, s4;
	s12 =	sadd.s32 s12, s5  }
0x15: {  	s0 =	sadd.s32 s0, s16;
	s15 =	sshrl.u32 s14, $0x3;
	s6 =	sshrl.u32 s17, $0x3  }
0x16: {  	s21 =	smax.u32 s13, $0x1;
	[dreg:$0x8] =	wrdreg s0;
	s17 =	simm.s32 $0x3  }
0x17: {  	s16 =	sshrl.u32 s18, $0x3;
	s18 =	sshrl.u32 s12, $0x3;
	[dreg:$0x11] =	wrdreg s21  }
0x18: {  	s0 =	simm.s32 $0x780;
	s6 =	sadd.s32 s6, s1;
	[dreg:$0x12] =	wrdreg s16  }
0x19: {  	s12 =	simm.s32 $0x2;
	[dreg:$0x13] =	wrdreg s18;
	s19 =	sadd.s32 $0x6BA00, s6  }
0x1a: {  	s13 =	simm.s32 $0x0;
	s20 =	sadd.s32 $0x6EB00, s6;
	[dreg:$0xe] =	wrdreg s19  }
0x1b: {  	s21 =	simm.s32 $0x80;
	s6 =	sadd.s32 $0x71C00, s6;
	[dreg:$0xf] =	wrdreg s20  }
0x1c: {  	[dreg:$0x10] =	wrdreg s6;
	s20 =	simm.s32 $0x100;
	s6 =	simm.s32 $0x880  }
.LBB2_1:
0x1d: {  	[spmem:s15], [sflag:s11] =	dma.local [hbm:s10], $0x310  }
0x1e: {  	_ =	swait.ge [sflag:s17], $0x310  }
0x1f: {  	[sflag:s17] =	ssyncset.done $0x0  }
0x20: {  	[sflag:s17] =	ssyncadd.s32 $0xFFFFFCF0  }
0x21: {  	[spmem:s16], [sflag:s11] =	dma.local [hbm:s10], $0x310  }
0x22: {  	_ =	swait.ge [sflag:s17], $0x310  }
0x23: {  	[sflag:s17] =	ssyncset.done $0x0  }
0x24: {  	[sflag:s17] =	ssyncadd.s32 $0xFFFFFCF0  }
0x25: {  	[spmem:s18], [sflag:s11] =	dma.local [hbm:s10], $0x310  }
0x26: {  	_ =	swait.ge [sflag:s17], $0x310  }
0x27: {  	[sflag:s17] =	ssyncset.done $0x0  }
0x28: {  	[sflag:s17] =	ssyncadd.s32 $0xFFFFFCF0  }
0x29: {  	s19 =	smov.u32 s15;
	s14 =	simm.s32 $0x0;
	[bflag:$0x0] =	sbarrier.arrive $0xFFFF  }
.LBB2_2:
0x2a: {  	s15 =	rddreg [dreg:$0x8]  }
0x2b: {  	s15 =	sadd.s32 s14, s15  }
0x2c: {  	s16 =	sand.u32 $0x300, s14;
	s15 =	sand.u32 $0x3FFC00, s15  }
0x2d: {  	s15 =	sor.u32 s16, s15  }
0x2e: {  	s18 =	rddreg [dreg:$0x6];
	s15 =	sshrl.u32 s15, $0x3  }
0x2f: {  	s18 =	sadd.s32 s18, s15  }
0x30: {  	[tilespmem:s7], [sflag:$0x3] =	stream.linear.gather [hbm4b:s18+s7], $0x100, $0x38;
	[tilespmem:$0x5280] =	vst v63  }
0x31: {  	_ =	swait.ge [sflag:s17], $0x100  }
0x32: {  	s18 =	rddreg [dreg:$0x7];
	[sflag:s17] =	ssyncset.done $0x0  }
0x33: {  	[sflag:s17] =	ssyncadd.s32 $0xFFFFFF00;
	s15 =	sadd.s32 s18, s15  }
0x34: {  	[tilespmem:s20], [sflag:$0x3] =	stream.linear.gather [hbm4b:s15+s7], $0x100, $0x38;
	[tilespmem:$0x5280] =	vst v63  }
0x35: {  	_ =	swait.ge [sflag:s17], $0x100  }
0x36: {  	[sflag:s17] =	ssyncset.done $0x0  }
0x37: {  	s18 =	rddreg [dreg:$0x9];
	[sflag:s17] =	ssyncadd.s32 $0xFFFFFF00  }
0x38: {  	[tilespmem:s18], [sflag:$0x1] =	stream.indirect.gather [hbm4b:s2+s21], $0x1, s7, s21, $0xb8;
	[tilespmem:$0x5280] =	vst v63  }
0x39: {  	s16 =	rddreg [dreg:$0xa]  }
0x3a: {  	[tilespmem:s16], [sflag:$0x1] =	stream.indirect.gather [hbm4b:s8+s21], $0x1, s7, s21, $0xb8;
	[tilespmem:$0x5280] =	vst v63  }
0x3b: {  	s18 =	rddreg [dreg:$0xb]  }
0x3c: {  	[tilespmem:s18], [sflag:$0x1] =	stream.indirect.gather [hbm4b:s1+s21], $0x1, s7, s21, $0xb8;
	[tilespmem:$0x5280] =	vst v63  }
0x3d: {  	s16 =	rddreg [dreg:$0xc]  }
0x3e: {  	[tilespmem:s16], [sflag:$0x1] =	stream.indirect.gather [hbm4b:s9+s21], $0x1, s20, s21, $0xb8;
	[tilespmem:$0x5280] =	vst v63  }
0x3f: {  	s18 =	rddreg [dreg:$0xd]  }
0x40: {  	[tilespmem:s18], [sflag:$0x1] =	stream.indirect.gather [hbm4b:s2+s21], $0x1, s21, s21, $0xb8;
	[tilespmem:$0x5280] =	vst v63  }
0x41: {  	_ = 	snop  }
0x42: {  	[tilespmem:s22], [sflag:$0x1] =	stream.indirect.gather [hbm4b:s8+s21], $0x1, s21, s21, $0xb8;
	[tilespmem:$0x5280] =	vst v63  }
0x43: {  	_ = 	snop  }
0x44: {  	[tilespmem:s23], [sflag:$0x1] =	stream.indirect.gather [hbm4b:s1+s21], $0x1, s21, s21, $0xb8;
	[tilespmem:$0x5280] =	vst v63  }
0x45: {  	_ = 	snop  }
0x46: {  	[tilespmem:s25], [sflag:$0x1] =	stream.indirect.gather [hbm4b:s9+s21], $0x1, s24, s21, $0xb8;
	[tilespmem:$0x5280] =	vst v63  }
0x47: {  	_ =	swait.ge [sflag:s26], $0x80  }
0x48: {  	[sflag:s26] =	ssyncset.done $0x0  }
0x49: {  	[sflag:s26] =	ssyncadd.s32 $0xFFFFFF80  }
0x4a: {  	_ =	swait.ge [sflag:s26], $0x80  }
0x4b: {  	[sflag:s26] =	ssyncset.done $0x0  }
0x4c: {  	[sflag:s26] =	ssyncadd.s32 $0xFFFFFF80  }
0x4d: {  	_ =	swait.ge [sflag:s26], $0x80  }
0x4e: {  	[sflag:s26] =	ssyncset.done $0x0  }
0x4f: {  	[sflag:s26] =	ssyncadd.s32 $0xFFFFFF80  }
0x50: {  	_ =	swait.ge [sflag:s26], $0x80  }
0x51: {  	[sflag:s26] =	ssyncset.done $0x0  }
0x52: {  	[sflag:s26] =	ssyncadd.s32 $0xFFFFFF80  }
0x53: {  	_ =	swait.ge [sflag:s26], $0x80  }
0x54: {  	[sflag:s26] =	ssyncset.done $0x0  }
0x55: {  	[sflag:s26] =	ssyncadd.s32 $0xFFFFFF80  }
0x56: {  	_ =	swait.ge [sflag:s26], $0x80  }
0x57: {  	[sflag:s26] =	ssyncset.done $0x0  }
0x58: {  	[sflag:s26] =	ssyncadd.s32 $0xFFFFFF80  }
0x59: {  	_ =	swait.ge [sflag:s26], $0x80  }
0x5a: {  	[sflag:s26] =	ssyncset.done $0x0  }
0x5b: {  	[sflag:s26] =	ssyncadd.s32 $0xFFFFFF80  }
0x5c: {  	_ =	swait.ge [sflag:s26], $0x80  }
0x5d: {  	[sflag:s26] =	ssyncset.done $0x0  }
0x5e: {  	[sflag:s26] =	ssyncadd.s32 $0xFFFFFF80  }
0x5f: {  	v0 =	vld [tilespmem:$0x400]  }
0x60: {  	v1 =	vld [tilespmem:$0x500]  }
0x61: {  	v2 =	vld [tilespmem:$0x200]  }
0x62: {  	v3 =	vld [tilespmem:$0x300]  }
0x63: {  	v4 =	vld [tilespmem:$0x410]  }
0x64: {  	v5 =	vld [tilespmem:$0x510]  }
0x65: {  	v6 =	vld [tilespmem:$0x210]  }
0x66: {  	v7 =	vld [tilespmem:$0x310]  }
0x67: {  	v8 =	vld [tilespmem:$0x420]  }
0x68: {  	v9 =	vld [tilespmem:$0x520]  }
0x69: {  	v52 =	vld [tilespmem:$0x220]  }
0x6a: {  	v10 =	vld [tilespmem:$0x320];
	v0 =	vadd.f32 v1, v0  }
0x6b: {  	v12 =	vld [tilespmem:$0x430]  }
0x6c: {  	v53 =	vld [tilespmem:$0x530];
	v11 =	vmul.f32 $2.000000030e-01, v0  }
0x6d: {  	v54 =	vld [tilespmem:$0x230];
	v4 =	vadd.f32 v5, v4;
	vm0 =	vge.f32 v0, $0.0e+00  }
0x6e: {  	v14 =	vld [tilespmem:$0x330];
	v0 =	vsel vm0, v0, v11  }
0x6f: {  	v55 =	vld [tilespmem:$0x440];
	v13 =	vmul.f32 $2.000000030e-01, v4;
	v0 =	vmul.f32 $1.442695020e+00, v0  }
0x70: {  	v57 =	vld [tilespmem:$0x540];
	v8 =	vadd.f32 v9, v8;
	vm13 =	vge.f32 v4, $0.0e+00  }
0x71: {  	v15 =	vld [tilespmem:$0x240];
	v56 =	vsel vm13, v4, v13;
	(erf) = vpow2.f32 v0  }
0x72: {  	v59 =	vld [tilespmem:$0x450];
	v58 =	vmul.f32 $2.000000030e-01, v8;
	v0 =	vmul.f32 $1.442695020e+00, v56  }
0x73: {  	v61 =	vld [tilespmem:$0x550];
	v5 =	vadd.f32 v53, v12;
	vm14 =	vge.f32 v8, $0.0e+00  }
0x74: {  	v16 =	vld [tilespmem:$0x340];
	v60 =	vsel vm14, v8, v58;
	(erf) = vpow2.f32 v0  }
0x75: {  	v63 =	vld [tilespmem:$0x460];
	v62 =	vmul.f32 $2.000000030e-01, v5;
	v0 =	vmul.f32 $1.442695020e+00, v60  }
0x76: {  	v22 =	vld [tilespmem:$0x560];
	vm15 =	vge.f32 v5, $0.0e+00;
	v4 =	vadd.f32 v57, v55  }
0x77: {  	v17 =	vld [tilespmem:$0x250];
	v21 =	vsel vm15, v5, v62;
	(erf) = vpow2.f32 v0  }
0x78: {  	v24 =	vld [tilespmem:$0x470];
	v8 =	vadd.f32 v61, v59;
	v23 =	vmul.f32 $2.000000030e-01, v4;
	v0 =	vmul.f32 $1.442695020e+00, v21  }
0x79: {  	v26 =	vld [tilespmem:$0x570];
	vm4 =	vge.f32 v4, $0.0e+00  }
0x7a: {  	v19 =	vld [tilespmem:$0x350];
	v18 =	vmul.f32 $2.000000030e-01, v8;
	v25 =	vsel vm4, v4, v23;
	(erf) = vpow2.f32 v0;
	v27 =	vpop (erf)  }
0x7b: {  	v28 =	vld [tilespmem:$0x480];
	v5 =	vadd.f32 v22, v63;
	v0 =	vmul.f32 $1.442695020e+00, v25;
	v2 =	vmul.f32 v27, v2  }
0x7c: {  	v30 =	vld [tilespmem:$0x580];
	vm5 =	vge.f32 v8, $0.0e+00;
	[tilespmem:$0x600] =	vst v27;
	v3 =	vmul.f32 v27, v3  }
0x7d: {  	v33 =	vld [tilespmem:$0x260];
	v32 =	vmul.f32 $2.000000030e-01, v5;
	v29 =	vsel vm5, v8, v18;
	(erf) = vpow2.f32 v0;
	v31 =	vpop (erf);
	[tilespmem:$0x700] =	vst v2  }
0x7e: {  	v35 =	vld [tilespmem:$0x490];
	v4 =	vadd.f32 v26, v24;
	v0 =	vmul.f32 $1.442695020e+00, v29;
	[tilespmem:$0x800] =	vst v3;
	v34 =	vmul.f32 v31, v6  }
0x7f: {  	v37 =	vld [tilespmem:$0x590];
	vm6 =	vge.f32 v5, $0.0e+00;
	[tilespmem:$0x610] =	vst v31;
	v2 =	vmul.f32 v31, v7  }
0x80: {  	v40 =	vld [tilespmem:$0x4A0];
	v36 =	vsel vm6, v5, v32;
	v39 =	vmul.f32 $2.000000030e-01, v4;
	(erf) = vpow2.f32 v0;
	v38 =	vpop (erf);
	[tilespmem:$0x710] =	vst v34  }
0x81: {  	v42 =	vld [tilespmem:$0x5A0];
	v41 =	vadd.f32 v30, v28;
	v0 =	vmul.f32 $1.442695020e+00, v36;
	[tilespmem:$0x810] =	vst v2;
	v1 =	vmul.f32 v38, v52  }
0x82: {  	v43 =	vld [tilespmem:$0x360];
	vm7 =	vge.f32 v4, $0.0e+00;
	[tilespmem:$0x620] =	vst v38;
	v3 =	vmul.f32 v38, v10  }
0x83: {  	v45 =	vld [tilespmem:$0x270];
	v9 =	vmul.f32 $2.000000030e-01, v41;
	v4 =	vsel vm7, v4, v39;
	(erf) = vpow2.f32 v0;
	v44 =	vpop (erf);
	[tilespmem:$0x720] =	vst v1  }
0x84: {  	v47 =	vld [tilespmem:$0x370];
	v5 =	vadd.f32 v37, v35;
	v4 =	vmul.f32 $1.442695020e+00, v4;
	[tilespmem:$0x820] =	vst v3;
	v46 =	vmul.f32 v44, v54  }
0x85: {  	v48 =	vld [tilespmem:$0x4B0];
	vm8 =	vge.f32 v41, $0.0e+00;
	[tilespmem:$0x630] =	vst v44;
	v1 =	vmul.f32 v44, v14  }
0x86: {  	v51 =	vld [tilespmem:$0x5B0];
	v50 =	vmul.f32 $2.000000030e-01, v5;
	v2 =	vsel vm8, v41, v9;
	(erf) = vpow2.f32 v4;
	[tilespmem:$0x730] =	vst v46;
	v49 =	vpop (erf)  }
0x87: {  	v57 =	vld [tilespmem:$0x4C0];
	v8 =	vadd.f32 v42, v40;
	v2 =	vmul.f32 $1.442695020e+00, v2;
	[tilespmem:$0x830] =	vst v1;
	v52 =	vmul.f32 v49, v15  }
0x88: {  	v60 =	vld [tilespmem:$0x5C0];
	vm9 =	vge.f32 v5, $0.0e+00;
	v53 =	vmul.f32 v49, v16;
	[tilespmem:$0x640] =	vst v49  }
0x89: {  	v20 =	vld [tilespmem:$0x290];
	v56 =	vmul.f32 $2.000000030e-01, v8;
	v55 =	vsel vm9, v5, v50;
	(erf) = vpow2.f32 v2;
	v58 =	vpop (erf);
	[tilespmem:$0x740] =	vst v52  }
0x8a: {  	v23 =	vld [tilespmem:$0x4E0];
	vm10 =	vge.f32 v8, $0.0e+00;
	v59 =	vmul.f32 $1.442695020e+00, v55;
	[tilespmem:$0x840] =	vst v53;
	v61 =	vmul.f32 v58, v17  }
0x8b: {  	v3 =	vsel vm10, v8, v56;
	v16 =	vadd.f32 v51, v48;
	[tilespmem:$0x650] =	vst v58;
	v9 =	vmul.f32 v58, v19;
	v17 =	vld [tilespmem:$0x4D0]  }
0x8c: {  	v3 =	vmul.f32 $1.442695020e+00, v3;
	(erf) = vpow2.f32 v59;
	v19 =	vld [tilespmem:$0x5D0];
	v63 =	vpop (erf);
	[tilespmem:$0x750] =	vst v61  }
0x8d: {  	v25 =	vld [tilespmem:$0x5E0];
	v2 =	vadd.f32 v60, v57;
	v21 =	vmul.f32 $2.000000030e-01, v16;
	v18 =	vmul.f32 v63, v33;
	[tilespmem:$0x850] =	vst v9  }
0x8e: {  	v54 =	vld [tilespmem:$0x280];
	vm11 =	vge.f32 v16, $0.0e+00;
	v0 =	vmul.f32 v63, v43;
	[tilespmem:$0x660] =	vst v63  }
0x8f: {  	v62 =	vld [tilespmem:$0x380];
	v27 =	vmul.f32 $2.000000030e-01, v2;
	(erf) = vpow2.f32 v3;
	v1 =	vsel vm11, v16, v21;
	v22 =	vpop (erf);
	[tilespmem:$0x760] =	vst v18  }
0x90: {  	v29 =	vld [tilespmem:$0x4F0];
	vm12 =	vge.f32 v2, $0.0e+00;
	v1 =	vmul.f32 $1.442695020e+00, v1;
	v24 =	vmul.f32 v22, v45;
	[tilespmem:$0x860] =	vst v0  }
0x91: {  	v31 =	vld [tilespmem:$0x5F0];
	v2 =	vsel vm12, v2, v27;
	[tilespmem:$0x670] =	vst v22;
	v6 =	vmul.f32 v22, v47;
	v4 =	vadd.f32 v19, v17  }
0x92: {  	v26 =	vld [tilespmem:$0x390];
	v2 =	vmul.f32 $1.442695020e+00, v2;
	v28 =	vpop (erf);
	[tilespmem:$0x770] =	vst v24;
	(erf) = vpow2.f32 v1  }
0x93: {  	v3 =	vadd.f32 v25, v23;
	[tilespmem:$0x870] =	vst v6;
	v30 =	vmul.f32 v28, v54;
	v33 =	vmul.f32 $2.000000030e-01, v4  }
0x94: {  	v32 =	vld [tilespmem:$0x2A0];
	[tilespmem:$0x680] =	vst v28;
	v11 =	vmul.f32 v28, v62;
	vm13 =	vge.f32 v4, $0.0e+00  }
0x95: {  	v37 =	vld [tilespmem:$0x3A0];
	v38 =	vmul.f32 $2.000000030e-01, v3;
	v34 =	vpop (erf);
	(erf) = vpow2.f32 v2;
	[tilespmem:$0x780] =	vst v30;
	v36 =	vsel vm13, v4, v33  }
0x96: {  	v5 =	vadd.f32 v31, v29;
	v35 =	vmul.f32 v34, v20;
	[tilespmem:$0x880] =	vst v11;
	v2 =	vmul.f32 $1.442695020e+00, v36  }
0x97: {  	v40 =	vld [tilespmem:$0x2B0];
	vm14 =	vge.f32 v3, $0.0e+00;
	[tilespmem:$0x690] =	vst v34;
	v0 =	vmul.f32 v34, v26  }
0x98: {  	v43 =	vld [tilespmem:$0x3B0];
	v45 =	vmul.f32 $2.000000030e-01, v5;
	v42 =	vsel vm14, v3, v38;
	v39 =	vpop (erf);
	[tilespmem:$0x790] =	vst v35;
	(erf) = vpow2.f32 v2  }
0x99: {  	v44 =	vmul.f32 $1.442695020e+00, v42;
	v41 =	vmul.f32 v39, v32;
	[tilespmem:$0x890] =	vst v0  }
0x9a: {  	v46 =	vld [tilespmem:$0x2C0];
	vm15 =	vge.f32 v5, $0.0e+00;
	[tilespmem:$0x6A0] =	vst v39;
	v4 =	vmul.f32 v39, v37  }
0x9b: {  	v48 =	vld [tilespmem:$0x3C0];
	v2 =	vsel vm15, v5, v45;
	[tilespmem:$0x7A0] =	vst v41;
	v47 =	vpop (erf);
	(erf) = vpow2.f32 v44  }
0x9c: {  	[tilespmem:$0x8A0] =	vst v4;
	v2 =	vmul.f32 $1.442695020e+00, v2;
	v49 =	vmul.f32 v47, v40  }
0x9d: {  	v50 =	vld [tilespmem:$0x2D0];
	[tilespmem:$0x6B0] =	vst v47;
	v1 =	vmul.f32 v47, v43  }
0x9e: {  	v52 =	vld [tilespmem:$0x3D0];
	v51 =	vpop (erf);
	(erf) = vpow2.f32 v2;
	[tilespmem:$0x7B0] =	vst v49  }
0x9f: {  	[tilespmem:$0x8B0] =	vst v1;
	v53 =	vmul.f32 v51, v46  }
0xa0: {  	v54 =	vld [tilespmem:$0x2E0];
	[tilespmem:$0x6C0] =	vst v51;
	v0 =	vmul.f32 v51, v48  }
0xa1: {  	v56 =	vld [tilespmem:$0x3E0];
	[tilespmem:$0x7C0] =	vst v53;
	v55 =	vpop (erf)  }
0xa2: {  	[tilespmem:$0x8C0] =	vst v0;
	v57 =	vmul.f32 v55, v50  }
0xa3: {  	v58 =	vld [tilespmem:$0x2F0];
	[tilespmem:$0x6D0] =	vst v55;
	v2 =	vmul.f32 v55, v52  }
0xa4: {  	v60 =	vld [tilespmem:$0x3F0];
	v59 =	vpop (erf);
	[tilespmem:$0x7D0] =	vst v57  }
0xa5: {  	[tilespmem:$0x8D0] =	vst v2;
	v61 =	vmul.f32 v59, v54  }
0xa6: {  	[tilespmem:$0x6E0] =	vst v59;
	v1 =	vmul.f32 v59, v56  }
0xa7: {  	v62 =	vpop (erf);
	[tilespmem:$0x7E0] =	vst v61  }
0xa8: {  	[tilespmem:$0x8E0] =	vst v1;
	v63 =	vmul.f32 v62, v58  }
0xa9: {  	[tilespmem:$0x6F0] =	vst v62;
	v0 =	vmul.f32 v62, v60  }
0xaa: {  	[tilespmem:$0x7F0] =	vst v63  }
0xab: {  	[tilespmem:$0x8F0] =	vst v0  }
0xac: {  	[spmem:s3] =	stream.indirect.scatter.add.f32 [tilespmem:s28], [sflag:$0x2], $0x1, s20, s21, $0xb8;
	[tilespmem:$0x5280] =	vst v63  }
0xad: {  	_ = 	snop  }
0xae: {  	[spmem:s4] =	stream.indirect.scatter.add.f32 [tilespmem:s29], [sflag:$0x2], $0x1, s20, s21, $0xb8;
	[tilespmem:$0x5280] =	vst v63  }
0xaf: {  	_ = 	snop  }
0xb0: {  	[spmem:s5] =	stream.indirect.scatter.add.f32 [tilespmem:s30], [sflag:$0x2], $0x1, s20, s21, $0xb8;
	[tilespmem:$0x5280] =	vst v63  }
0xb1: {  	_ = 	snop  }
0xb2: {  	[spmem:s3] =	stream.indirect.scatter.add.f32 [tilespmem:s31], [sflag:$0x2], $0x1, s24, s21, $0xb8;
	[tilespmem:$0x5280] =	vst v63  }
0xb3: {  	_ = 	snop  }
0xb4: {  	[spmem:s4] =	stream.indirect.scatter.add.f32 [tilespmem:s0], [sflag:$0x2], $0x1, s24, s21, $0xb8;
	[tilespmem:$0x5280] =	vst v63  }
0xb5: {  	_ = 	snop  }
0xb6: {  	[spmem:s5] =	stream.indirect.scatter.add.f32 [tilespmem:s6], [sflag:$0x2], $0x1, s24, s21, $0xb8;
	[tilespmem:$0x5280] =	vst v63  }
0xb7: {  	_ =	swait.ge [sflag:s12], $0x80  }
0xb8: {  	[sflag:s12] =	ssyncset.done $0x0  }
0xb9: {  	[sflag:s12] =	ssyncadd.s32 $0xFFFFFF80  }
0xba: {  	_ =	swait.ge [sflag:s12], $0x80  }
0xbb: {  	[sflag:s12] =	ssyncset.done $0x0  }
0xbc: {  	[sflag:s12] =	ssyncadd.s32 $0xFFFFFF80  }
0xbd: {  	_ =	swait.ge [sflag:s12], $0x80  }
0xbe: {  	[sflag:s12] =	ssyncset.done $0x0  }
0xbf: {  	[sflag:s12] =	ssyncadd.s32 $0xFFFFFF80  }
0xc0: {  	_ =	swait.ge [sflag:s12], $0x80  }
0xc1: {  	[sflag:s12] =	ssyncset.done $0x0  }
0xc2: {  	[sflag:s12] =	ssyncadd.s32 $0xFFFFFF80  }
0xc3: {  	p0 =	sne.s32 s14, $0xC300;
	_ =	swait.ge [sflag:s12], $0x80  }
.Ltmp0:
0xc4: {  	[sflag:s12] =	ssyncset.done $0x0;
	(pc) =	sbr.rel @p0 .LBB2_2-.Ltmp0, $4  }
0xc5: {  	[sflag:s12] =	ssyncadd.s32 $0xFFFFFF80  }
0xc6: {  	_ =	swait.ge [sflag:s12], $0x80  }
0xc7: {  	[sflag:s12] =	ssyncset.done $0x0  }
0xc8: {  	s14 =	sadd.s32 $0x100, s14;
	[sflag:s12] =	ssyncadd.s32 $0xFFFFFF80  }
0xc9: {  	[bflag:$0x0] =	sbarrier.arrive $0xFFFF  }
0xca: {  	s14 =	rddreg [dreg:$0xe]  }
0xcb: {  	[hbm:s14], [sflag:s11] =	dma.local [spmem:s19], $0x310  }
0xcc: {  	_ =	swait.ge [sflag:s17], $0x310  }
0xcd: {  	[sflag:s17] =	ssyncset.done $0x0;
	s18 =	rddreg [dreg:$0xf]  }
0xce: {  	s16 =	rddreg [dreg:$0x12];
	[sflag:s17] =	ssyncadd.s32 $0xFFFFFCF0  }
0xcf: {  	[hbm:s18], [sflag:s11] =	dma.local [spmem:s16], $0x310  }
0xd0: {  	_ =	swait.ge [sflag:s17], $0x310  }
0xd1: {  	s15 =	smov.u32 s19;
	[sflag:s17] =	ssyncset.done $0x0;
	s19 =	rddreg [dreg:$0x10]  }
0xd2: {  	s18 =	rddreg [dreg:$0x13];
	[sflag:s17] =	ssyncadd.s32 $0xFFFFFCF0  }
0xd3: {  	[hbm:s19], [sflag:s11] =	dma.local [spmem:s18], $0x310  }
0xd4: {  	_ =	swait.ge [sflag:s17], $0x310  }
0xd5: {  	s13 =	sadd.s32 $0x1, s13;
	s19 =	rddreg [dreg:$0x11]  }
0xd6: {  	p0 =	sne.s32 s13, s19  }
.Ltmp1:
0xd7: {  	_ = 	snop;
	(pc) =	sbr.rel @p0 .LBB2_1-.Ltmp1, $3  }
0xd8: {  	_ =	sdelay $0x1  }
0xd9: {  	[sflag:s17] =	ssyncset.done $0x0  }
0xda: {  	[sflag:s17] =	ssyncadd.s32 $0xFFFFFCF0  }
0xdb: {  	_ =	sfence.sel $0x180000  }
0xdc: {  	[bflag:$0x0] =	sbarrier.arrive $0xFFFF  }
0xdd: {  	_ =	strace $0x9000004A  }
0xde: {  	s0 =	stileid.u32;
	[bflag:$0x2] =	sbarrier.arrive $0xFFFF  }
0xdf: {  	p0 =	sne.s32 s0, $0x0;
	s0 =	rddreg [dreg:$0x5]  }
0xe0: {  	s0 =	sadd.s32 @!p0 $0x100000, s0  }
0xe1: {  	[sflag:s0] =	ssyncadd.tile.s32 @!p0 $0x1;
	_ =	shalt  }
.Lfunc_end2:
_tile_overlayer_lowered:
.L_overlay_start_2:
0xe2: {  	(tag) =	ssettag $0x2  }
0xe3: {  	s0 =	rddreg [dreg:$0x0];
	s2 =	stileid.u32  }
0xe4: {  	s1 =	rddreg [dreg:$0x1];
	p0 =	sne.s32 s2, $0x0  }
0xe5: {  	s3 =	rddreg [dreg:$0x2];
	[bflag:$0x3] =	sbarrier.arrive $0xFFFF;
	s2 =	simm.s32 @!p0 $0x1C03  }
0xe6: {  	[timem:s3], [sflag:s2] =	dma.local @!p0 [hbm:s0], s1  }
0xe7: {  	s0 =	simm.s32 @!p0 $0x3  }
0xe8: {  	_ =	swait.ge @!p0 [sflag:s0], s1  }
0xe9: {  	s1 =	ssub.s32 @!p0 $0x0, s1;
	[sflag:s0] =	ssyncset.done @!p0 $0x0  }
0xea: {  	[sflag:s0] =	ssyncadd.s32 @!p0 s1  }
0xeb: {  	[bflag:$0x3] =	sbarrier.arrive $0xFFFF  }
0xec: {  	_ =	shalt  }

// kernel: kernel.7.cloned.1.call-start
scs
__scs_entry_jumppad:
0x0: {  	(pc) =	sbr.rel $0x88, $3  }
0x1: {  	(tag) =	ssettag $0x0;
	lr =	simm.s32 $0x1  }
0x2: {  	[smem:$0x3F97] =	sst lr;
	_ =	strace $0xD0000000  }
0x3: {  	_ = 	snop  }
0x4: {  	_ = 	snop  }
0x5: {  	_ = 	snop  }
0x6: {  	_ = 	snop  }
0x7: {  	_ = 	snop  }
__scs_overlays_trampoline_lowered:
0x8: {  	[smem:$0x3FA6] =	sst s0  }
0x9: {  	[smem:$0x3FA7] =	sst s1  }
0xa: {  	[smem:$0x3FA8] =	sst s2  }
0xb: {  	[smem:$0x3FA9] =	sst s3  }
0xc: {  	[smem:$0x3FAA] =	sst s4  }
0xd: {  	[smem:$0x3FAB] =	sst s5  }
0xe: {  	[smem:$0x3FAC] =	sst s6  }
0xf: {  	[smem:$0x3FAD] =	sst s7  }
0x10: {  	[smem:$0x3FAE] =	sst s8  }
0x11: {  	[smem:$0x3FAF] =	sst s9;
	s0 =	simm.s32 @!p0 $0x0  }
0x12: {  	s1 =	sld [smem:$0x3F95];
	s0 =	simm.s32 @p0 $0x1  }
0x13: {  	[smem:$0x3FB0] =	sst s0;
	s0 =	simm.s32 @!p1 $0x0  }
0x14: {  	s2 =	sld [smem:$0x3F94];
	s0 =	simm.s32 @p1 $0x1  }
0x15: {  	[smem:$0x3FB1] =	sst s0;
	s0 =	simm.s32 @!p2 $0x0  }
0x16: {  	s3 =	sld [smem:$0x3FDB];
	s0 =	simm.s32 @p2 $0x1  }
0x17: {  	s4 =	simm.s32 $0x1BF5;
	[smem:$0x3FB3] =	sst s0  }
0x18: {  	s0 =	sld [smem:$0x3F96];
	_ =	swait.ge [sflag:s4], $0x0  }
0x19: {  	s7 =	sld [smem:$0x3F97]  }
0x1a: {  	s8 =	sadd.s32 $0xFFFFE003, lr  }
0x1b: {  	s9 =	sadd.s32 $0xFFFFFEF7, lr;
	s5 =	simm.s32 $0xFFFFFFFF;
	p2 =	slt.u32 s8, $0xFFFFF086  }
0x1c: {  	p1 =	slt.u32 s9, $0xF7A;
	s5 =	simm.s32 @!p2 $0x0  }
0x1d: {  	s5 =	simm.s32 @p1 $0x1;
	p0 =	seq.s32 s7, s2  }
0x1e: {  	s7 =	smul.u32 @!p0 $0xF7A, s2;
	p2 =	seq.s32 @!p0 s5, $0x0  }
0x1f: {  	s9 =	smul.u32 $0xF7A, s1;
	s8 =	simm.s32 @!p0 $0x1BF5;
	p2 =	por !p2, p0  }
0x20: {  	[sflag:s8] =	ssyncset.s32 @!p0 $0xFFFFF086;
	s6 =	sadd.s32 @!p0 s3, s7;
	s7 =	simm.s32 @!p0 $0x108  }
0x21: {  	s3 =	sadd.s32 s3, s9;
	s6 =	sadd.s32 @!p0 $0x88, s6;
	s7 =	simm.s32 @p2 $0x1082  }
0x22: {  	[simem:s7], [sflag:s8] =	dma.local @!p0 [hbm:s6], $0xF7A  }
0x23: {  	s9 =	sor.u32 $0xD0000000, s2;
	s6 =	simm.s32 $0x108;
	_ =	swait.ge @!p0 [sflag:s8], $0x0  }
0x24: {  	s3 =	sadd.s32 $0x88, s3;
	s6 =	simm.s32 @!p1 $0x1082;
	[sflag:s4] =	ssyncset.s32 $0xFFFFF086  }
0x25: {  	[simem:s6], [sflag:s4] =	dma.local [hbm:s3], $0xF7A  }
0x26: {  	[smem:$0x3F97] =	sst s1;
	(tag) =	ssettag s2;
	_ =	strace s9  }
0x27: {  	s1 =	sld [smem:$0x3FA7]  }
0x28: {  	s2 =	sld [smem:$0x3FA8]  }
0x29: {  	s4 =	sld [smem:$0x3FAA]  }
0x2a: {  	p0 =	seq.s32 s5, $0x0;
	s5 =	sld [smem:$0x3FAB]  }
0x2b: {  	s6 =	sld [smem:$0x3FAC]  }
0x2c: {  	s7 =	sld [smem:$0x3FAD]  }
0x2d: {  	s3 =	simm.s32 $0x108;
	s8 =	sld [smem:$0x3FAE]  }
0x2e: {  	s3 =	simm.s32 @!p0 $0x1082;
	s9 =	sld [smem:$0x3FAF]  }
0x2f: {  	lr =	sadd.s32 s0, s3;
	s0 =	sld [smem:$0x3FA6]  }
0x30: {  	s3 =	sld [smem:$0x3FA9]  }
0x31: {  	[smem:$0x3FB2] =	sst s10  }
0x32: {  	s10 =	sld [smem:$0x3FB0];
	_ =	sdelay $0x3  }
0x33: {  	p0 =	seq.s32 s10, $0x1;
	s10 =	sld [smem:$0x3FB2];
	_ =	sdelay $0x3  }
0x34: {  	[smem:$0x3FB2] =	sst s10  }
0x35: {  	s10 =	sld [smem:$0x3FB1];
	_ =	sdelay $0x3  }
0x36: {  	p1 =	seq.s32 s10, $0x1;
	s10 =	sld [smem:$0x3FB2];
	_ =	sdelay $0x3  }
0x37: {  	[smem:$0x3FB2] =	sst s10  }
0x38: {  	s10 =	sld [smem:$0x3FB3]  }
0x39: {  	_ = 	snop;
	(pc) =	sbr.ind lr, $3  }
0x3a: {  	_ = 	snop  }
0x3b: {  	_ = 	snop  }
0x3c: {  	p2 =	seq.s32 s10, $0x1;
	s10 =	sld [smem:$0x3FB2]  }
0x3d: {  	_ =	shalt  }
0x3e: {  	_ =	shalt  }
0x3f: {  	_ =	shalt  }
0x40: {  	_ =	shalt  }
0x41: {  	_ =	shalt  }
0x42: {  	_ =	shalt  }
0x43: {  	_ =	shalt  }
0x44: {  	_ =	shalt  }
0x45: {  	_ =	shalt  }
0x46: {  	_ =	shalt  }
0x47: {  	_ =	shalt  }
0x48: {  	_ =	shalt  }
0x49: {  	_ =	shalt  }
0x4a: {  	_ =	shalt  }
0x4b: {  	_ =	shalt  }
0x4c: {  	_ =	shalt  }
0x4d: {  	_ =	shalt  }
0x4e: {  	_ =	shalt  }
0x4f: {  	_ =	shalt  }
0x50: {  	_ =	shalt  }
0x51: {  	_ =	shalt  }
0x52: {  	_ =	shalt  }
0x53: {  	_ =	shalt  }
0x54: {  	_ =	shalt  }
0x55: {  	_ =	shalt  }
0x56: {  	_ =	shalt  }
0x57: {  	_ =	shalt  }
0x58: {  	_ =	shalt  }
0x59: {  	_ =	shalt  }
0x5a: {  	_ =	shalt  }
0x5b: {  	_ =	shalt  }
0x5c: {  	_ =	shalt  }
0x5d: {  	_ =	shalt  }
0x5e: {  	_ =	shalt  }
0x5f: {  	_ =	shalt  }
0x60: {  	_ =	shalt  }
0x61: {  	_ =	shalt  }
0x62: {  	_ =	shalt  }
0x63: {  	_ =	shalt  }
0x64: {  	_ =	shalt  }
0x65: {  	_ =	shalt  }
0x66: {  	_ =	shalt  }
0x67: {  	_ =	shalt  }
0x68: {  	_ =	shalt  }
0x69: {  	_ =	shalt  }
0x6a: {  	_ =	shalt  }
0x6b: {  	_ =	shalt  }
0x6c: {  	_ =	shalt  }
0x6d: {  	_ =	shalt  }
0x6e: {  	_ =	shalt  }
0x6f: {  	_ =	shalt  }
0x70: {  	_ =	shalt  }
0x71: {  	_ =	shalt  }
0x72: {  	_ =	shalt  }
0x73: {  	_ =	shalt  }
0x74: {  	_ =	shalt  }
0x75: {  	_ =	shalt  }
0x76: {  	_ =	shalt  }
0x77: {  	_ =	shalt  }
0x78: {  	_ =	shalt  }
0x79: {  	_ =	shalt  }
0x7a: {  	_ =	shalt  }
0x7b: {  	_ =	shalt  }
0x7c: {  	_ =	shalt  }
0x7d: {  	_ =	shalt  }
0x7e: {  	_ =	shalt  }
0x7f: {  	_ =	shalt  }
0x80: {  	_ =	shalt  }
0x81: {  	_ =	shalt  }
0x82: {  	_ =	shalt  }
0x83: {  	_ =	shalt  }
0x84: {  	_ =	shalt  }
0x85: {  	_ =	shalt  }
0x86: {  	_ =	shalt  }
0x87: {  	_ =	shalt  }
.Lfunc_end0:
.L_simem_size_0:
called_computation_lowered:
.L_overlay_start_0:
0x88: {  	s2 =	sld [smem:$0x3FD9]  }
0x89: {  	s3 =	sld [smem:$0x3FFE];
	_ =	sdelay $0x1  }
0x8a: {  	s1 =	srdreg.scid  }
0x8b: {  	s0 =	sand.u32 $0x1, s1  }
0x8c: {  	s17 =	sshll.u32 s0, $0xA;
	s2 =	sadd.s32 s3, s2  }
0x8d: {  	s2 =	sadd.s32 s2, s17  }
0x8e: {  	[smem:$0x3FBE] =	sst s2  }
0x8f: {  	_ = 	snop  }
0x90: {  	s2 =	sld [smem:$0x3FD0];
	(tm) =	ssettm $0x1  }
0x91: {  	s18 =	sld [smem:$0x3FFB];
	_ =	sdelay $0x3  }
0x92: {  	_ =	strace s18  }
0x93: {  	s3 =	sld [smem:$0x3FFC];
	_ =	sdelay $0x3  }
0x94: {  	_ =	strace s3  }
0x95: {  	s3 =	sld [smem:$0x3FFD];
	_ =	sdelay $0x3  }
0x96: {  	_ =	strace s3  }
0x97: {  	_ =	strace $0x8FFFFFFF  }
0x98: {  	s19 =	sld [smem:$0x3FDB];
	_ =	sdelay $0x1  }
0x99: {  	s4 =	simm.s32 $_scs_section_size  }
0x9a: {  	s5 =	simm.s32 $_size__tile_overlayer_lowered;
	s6 =	simm.s32 $_tile_overlayer_lowered  }
0x9b: {  	s22 =	simm.s32 $0x1BFF;
	s21 =	sshll.u32 s6, $0x1;
	s3 =	sadd.s32 s4, s19  }
0x9c: {  	s7 =	simm.s32 $0x0;
	s20 =	sshll.u32 s5, $0x1;
	s5 =	sadd.s32 s21, s3  }
0x9d: {  	[timem:s7], [sflag:s22] =	dma.local [hbm:s5], s20  }
0x9e: {  	_ =	swait.ge [sflag:s22], s20  }
0x9f: {  	s4 =	ssub.s32 $0x0, s20;
	[sflag:s22] =	ssyncset.done $0x0  }
0xa0: {  	[sflag:s22] =	ssyncadd.s32 s4;
	_ =	sdelay $0x1  }
0xa1: {  	s23 =	simm.s32 $0x1B8B  }
0xa2: {  	_ =	swait.ge [sflag:s23], $0x1  }
0xa3: {  	[sflag:s23] =	ssyncset.done $0x0  }
0xa4: {  	s25 =	simm.s32 $0x1B8E;
	s24 =	sld [smem:$0x3FFE];
	[sflag:s23] =	ssyncadd.s32 $0xFFFFFFFF  }
0xa5: {  	s26 =	simm.s32 $execute0_lowered;
	[smem:$0x3FD2] =	sst s25  }
0xa6: {  	s5 =	sshll.u32 s26, $0x1;
	_ =	strace $0x80000046;
	[dreg:$0x1] =	wrdreg $0xFFFFFFFF  }
0xa7: {  	s28 =	simm.s32 $_size_execute0_lowered;
	s3 =	sadd.s32 s3, s5;
	[dreg:$0x0] =	wrdreg $0x0  }
0xa8: {  	s5 =	sshll.u32 s28, $0x1;
	[dreg:$0x2] =	wrdreg s3  }
0xa9: {  	[dreg:$0x3] =	wrdreg s5  }
0xaa: {  	[dreg:$0x4] =	wrdreg $0xC0  }
0xab: {  	_ =	task [dreg:s7], $0x5FFFF  }
0xac: {  	[dreg:$0x1] =	wrdreg $0xFFFFFFFF  }
0xad: {  	[dreg:$0x0] =	wrdreg $0x60  }
0xae: {  	[dreg:$0x2] =	wrdreg s24  }
0xaf: {  	[dreg:$0x3] =	wrdreg s2  }
0xb0: {  	[dreg:$0x4] =	wrdreg $0x9000  }
0xb1: {  	[dreg:$0x5] =	wrdreg $0x21800  }
0xb2: {  	[dreg:$0x6] =	wrdreg $0x3A000  }
0xb3: {  	[dreg:$0x7] =	wrdreg $0x9  }
0xb4: {  	_ =	task.clear_ibuf [dreg:s7], $0x8FFFF;
	_ =	strace $0x90000046  }
0xb5: {  	s29 =	simm.s32 $0x9;
	_ =	strace $0x80000048  }
0xb6: {  	_ =	swait.ge [sflag:s29], $0x1  }
0xb7: {  	[sflag:s29] =	ssyncadd.s32 $0xFFFFFFFF  }
0xb8: {  	_ =	strace $0x90000048  }
0xb9: {  	_ =	sfence  }
0xba: {  	s30 =	sld [smem:$0x0];
	_ =	sdelay $0x2  }
0xbb: {  	s31 =	sshll.u32 s1, $0xD;
	s1 =	sshrl.u32 s1, $0x2  }
0xbc: {  	s3 =	sand.u32 $0x4000, s31;
	s1 =	sadd.s32 s1, s30  }
0xbd: {  	s0 =	sor.u32 s3, s0;
	s1 =	sshll.u32 s1, $0x11  }
0xbe: {  	s0 =	sor.u32 s1, s0  }
0xbf: {  	s0 =	sadd.s32 $0x8F2B, s0  }
0xc0: {  	[sflag:s0] =	ssyncadd.remote.s32 $0x1  }
0xc1: {  	_ =	sfence.sel $0xFFFF  }
0xc2: {  	[dreg:$0x0] =	wrdreg $0xFFFFFFFF;
	(pc) =	sbr.abs _section_cstart, $3  }
0xc3: {  	[dreg:$0x1] =	wrdreg $0xFFFFFFFF  }
0xc4: {  	_ =	task.clear_ibuf [dreg:s7], $0x2FFFF;
	_ =	strace $0x9FFFFFFF  }
0xc5: {  	(tm) =	ssettm $0x7FFFFFFF  }
tec
execute0_lowered:
.L_overlay_start_1:
0x0: {  	(tag) =	ssettag $0x1  }
0x1: {  	s1 =	rddreg [dreg:$0x0]  }
0x2: {  	s2 =	rddreg [dreg:$0x1]  }
0x3: {  	s3 =	rddreg [dreg:$0x2]  }
0x4: {  	s4 =	rddreg [dreg:$0x3]  }
0x5: {  	s5 =	rddreg [dreg:$0x4]  }
0x6: {  	s7 =	simm.s32 $0x0;
	s0 =	srdreg.scid;
	s15 =	stileid.u32  }
0x7: {  	s22 =	simm.s32 $0x200;
	s23 =	simm.s32 $0x300;
	s24 =	simm.s32 $0x400  }
0x8: {  	s25 =	simm.s32 $0x500;
	s26 =	simm.s32 $0x280;
	s28 =	simm.s32 $0x600  }
0x9: {  	s29 =	simm.s32 $0x700;
	[smem:$0x7FF] =	sst s7;
	s6 =	sadd.s32 $0x34200, s1  }
0xa: {  	s16 =	sadd.s32 $0x3200, s1;
	_ =	strace $0x80000047;
	[dreg:$0x6] =	wrdreg s6  }
0xb: {  	s30 =	simm.s32 $0x800;
	s31 =	simm.s32 $0x680;
	[dreg:$0x7] =	wrdreg s16  }
0xc: {  	s0 =	sand.u32 $0x1, s0;
	s12 =	smul.u32 $0x1880, s15;
	[dreg:$0x9] =	wrdreg s22  }
0xd: {  	s8 =	sadd.s32 $0x65200, s1;
	s10 =	sadd.s32 $0x6B600, s1;
	[dreg:$0xa] =	wrdreg s23  }
0xe: {  	s18 =	sshll.u32 s15, $0x6;
	s9 =	smul.u32 $0x49800, s0;
	[dreg:$0xb] =	wrdreg s24  }
0xf: {  	s11 =	ssub.s32 $0x2, s0;
	s16 =	smul.u32 $0x18800, s15;
	[dreg:$0xc] =	wrdreg s25  }
0x10: {  	s0 =	smul.u32 $0xC400, s0;
	[dreg:$0xd] =	wrdreg s26;
	s22 =	simm.s32 $0x380  }
0x11: {  	s23 =	simm.s32 $0x480;
	s24 =	simm.s32 $0x180;
	s25 =	simm.s32 $0x580  }
0x12: {  	s26 =	simm.s32 $0x1;
	s13 =	sshrl.u32 s11, $0x1;
	s14 =	sadd.s32 s12, s3  }
0x13: {  	s17 =	sadd.s32 s12, s9;
	s9 =	sadd.s32 $0x68400, s1;
	s13 =	ssub.s32 s11, s13  }
0x14: {  	s11 =	sor.u32 $0x1C03, s18;
	s18 =	sadd.s32 s12, s4;
	s12 =	sadd.s32 s12, s5  }
0x15: {  	s0 =	sadd.s32 s0, s16;
	s15 =	sshrl.u32 s14, $0x3;
	s6 =	sshrl.u32 s17, $0x3  }
0x16: {  	s21 =	smax.u32 s13, $0x1;
	[dreg:$0x8] =	wrdreg s0;
	s17 =	simm.s32 $0x3  }
0x17: {  	s16 =	sshrl.u32 s18, $0x3;
	s18 =	sshrl.u32 s12, $0x3;
	[dreg:$0x11] =	wrdreg s21  }
0x18: {  	s0 =	simm.s32 $0x780;
	s6 =	sadd.s32 s6, s1;
	[dreg:$0x12] =	wrdreg s16  }
0x19: {  	s12 =	simm.s32 $0x2;
	[dreg:$0x13] =	wrdreg s18;
	s19 =	sadd.s32 $0x6BA00, s6  }
0x1a: {  	s13 =	simm.s32 $0x0;
	s20 =	sadd.s32 $0x6EB00, s6;
	[dreg:$0xe] =	wrdreg s19  }
0x1b: {  	s21 =	simm.s32 $0x80;
	s6 =	sadd.s32 $0x71C00, s6;
	[dreg:$0xf] =	wrdreg s20  }
0x1c: {  	[dreg:$0x10] =	wrdreg s6;
	s20 =	simm.s32 $0x100;
	s6 =	simm.s32 $0x880  }
.LBB2_1:
0x1d: {  	[spmem:s15], [sflag:s11] =	dma.local [hbm:s10], $0x310  }
0x1e: {  	_ =	swait.ge [sflag:s17], $0x310  }
0x1f: {  	[sflag:s17] =	ssyncset.done $0x0  }
0x20: {  	[sflag:s17] =	ssyncadd.s32 $0xFFFFFCF0  }
0x21: {  	[spmem:s16], [sflag:s11] =	dma.local [hbm:s10], $0x310  }
0x22: {  	_ =	swait.ge [sflag:s17], $0x310  }
0x23: {  	[sflag:s17] =	ssyncset.done $0x0  }
0x24: {  	[sflag:s17] =	ssyncadd.s32 $0xFFFFFCF0  }
0x25: {  	[spmem:s18], [sflag:s11] =	dma.local [hbm:s10], $0x310  }
0x26: {  	_ =	swait.ge [sflag:s17], $0x310  }
0x27: {  	[sflag:s17] =	ssyncset.done $0x0  }
0x28: {  	[sflag:s17] =	ssyncadd.s32 $0xFFFFFCF0  }
0x29: {  	s19 =	smov.u32 s15;
	s14 =	simm.s32 $0x0;
	[bflag:$0x0] =	sbarrier.arrive $0xFFFF  }
.LBB2_2:
0x2a: {  	s15 =	rddreg [dreg:$0x8]  }
0x2b: {  	s15 =	sadd.s32 s14, s15  }
0x2c: {  	s16 =	sand.u32 $0x300, s14;
	s15 =	sand.u32 $0x3FFC00, s15  }
0x2d: {  	s15 =	sor.u32 s16, s15  }
0x2e: {  	s18 =	rddreg [dreg:$0x6];
	s15 =	sshrl.u32 s15, $0x3  }
0x2f: {  	s18 =	sadd.s32 s18, s15  }
0x30: {  	[tilespmem:s7], [sflag:$0x3] =	stream.linear.gather [hbm4b:s18+s7], $0x100, $0x38;
	[tilespmem:$0x5280] =	vst v63  }
0x31: {  	_ =	swait.ge [sflag:s17], $0x100  }
0x32: {  	s18 =	rddreg [dreg:$0x7];
	[sflag:s17] =	ssyncset.done $0x0  }
0x33: {  	[sflag:s17] =	ssyncadd.s32 $0xFFFFFF00;
	s15 =	sadd.s32 s18, s15  }
0x34: {  	[tilespmem:s20], [sflag:$0x3] =	stream.linear.gather [hbm4b:s15+s7], $0x100, $0x38;
	[tilespmem:$0x5280] =	vst v63  }
0x35: {  	_ =	swait.ge [sflag:s17], $0x100  }
0x36: {  	[sflag:s17] =	ssyncset.done $0x0  }
0x37: {  	s18 =	rddreg [dreg:$0x9];
	[sflag:s17] =	ssyncadd.s32 $0xFFFFFF00  }
0x38: {  	[tilespmem:s18], [sflag:$0x1] =	stream.indirect.gather [hbm4b:s2+s21], $0x1, s7, s21, $0xb8;
	[tilespmem:$0x5280] =	vst v63  }
0x39: {  	s16 =	rddreg [dreg:$0xa]  }
0x3a: {  	[tilespmem:s16], [sflag:$0x1] =	stream.indirect.gather [hbm4b:s1+s21], $0x1, s7, s21, $0xb8;
	[tilespmem:$0x5280] =	vst v63  }
0x3b: {  	s18 =	rddreg [dreg:$0xb]  }
0x3c: {  	[tilespmem:s18], [sflag:$0x1] =	stream.indirect.gather [hbm4b:s8+s21], $0x1, s7, s21, $0xb8;
	[tilespmem:$0x5280] =	vst v63  }
0x3d: {  	s16 =	rddreg [dreg:$0xc]  }
0x3e: {  	[tilespmem:s16], [sflag:$0x1] =	stream.indirect.gather [hbm4b:s9+s21], $0x1, s20, s21, $0xb8;
	[tilespmem:$0x5280] =	vst v63  }
0x3f: {  	s18 =	rddreg [dreg:$0xd]  }
0x40: {  	[tilespmem:s18], [sflag:$0x1] =	stream.indirect.gather [hbm4b:s2+s21], $0x1, s21, s21, $0xb8;
	[tilespmem:$0x5280] =	vst v63  }
0x41: {  	_ = 	snop  }
0x42: {  	[tilespmem:s22], [sflag:$0x1] =	stream.indirect.gather [hbm4b:s1+s21], $0x1, s21, s21, $0xb8;
	[tilespmem:$0x5280] =	vst v63  }
0x43: {  	_ = 	snop  }
0x44: {  	[tilespmem:s23], [sflag:$0x1] =	stream.indirect.gather [hbm4b:s8+s21], $0x1, s21, s21, $0xb8;
	[tilespmem:$0x5280] =	vst v63  }
0x45: {  	_ = 	snop  }
0x46: {  	[tilespmem:s25], [sflag:$0x1] =	stream.indirect.gather [hbm4b:s9+s21], $0x1, s24, s21, $0xb8;
	[tilespmem:$0x5280] =	vst v63  }
0x47: {  	_ =	swait.ge [sflag:s26], $0x80  }
0x48: {  	[sflag:s26] =	ssyncset.done $0x0  }
0x49: {  	[sflag:s26] =	ssyncadd.s32 $0xFFFFFF80  }
0x4a: {  	_ =	swait.ge [sflag:s26], $0x80  }
0x4b: {  	[sflag:s26] =	ssyncset.done $0x0  }
0x4c: {  	[sflag:s26] =	ssyncadd.s32 $0xFFFFFF80  }
0x4d: {  	_ =	swait.ge [sflag:s26], $0x80  }
0x4e: {  	[sflag:s26] =	ssyncset.done $0x0  }
0x4f: {  	[sflag:s26] =	ssyncadd.s32 $0xFFFFFF80  }
0x50: {  	_ =	swait.ge [sflag:s26], $0x80  }
0x51: {  	[sflag:s26] =	ssyncset.done $0x0  }
0x52: {  	[sflag:s26] =	ssyncadd.s32 $0xFFFFFF80  }
0x53: {  	_ =	swait.ge [sflag:s26], $0x80  }
0x54: {  	[sflag:s26] =	ssyncset.done $0x0  }
0x55: {  	[sflag:s26] =	ssyncadd.s32 $0xFFFFFF80  }
0x56: {  	_ =	swait.ge [sflag:s26], $0x80  }
0x57: {  	[sflag:s26] =	ssyncset.done $0x0  }
0x58: {  	[sflag:s26] =	ssyncadd.s32 $0xFFFFFF80  }
0x59: {  	_ =	swait.ge [sflag:s26], $0x80  }
0x5a: {  	[sflag:s26] =	ssyncset.done $0x0  }
0x5b: {  	[sflag:s26] =	ssyncadd.s32 $0xFFFFFF80  }
0x5c: {  	_ =	swait.ge [sflag:s26], $0x80  }
0x5d: {  	[sflag:s26] =	ssyncset.done $0x0  }
0x5e: {  	[sflag:s26] =	ssyncadd.s32 $0xFFFFFF80  }
0x5f: {  	v0 =	vld [tilespmem:$0x400]  }
0x60: {  	v1 =	vld [tilespmem:$0x500]  }
0x61: {  	v2 =	vld [tilespmem:$0x200]  }
0x62: {  	v3 =	vld [tilespmem:$0x300]  }
0x63: {  	v4 =	vld [tilespmem:$0x410]  }
0x64: {  	v5 =	vld [tilespmem:$0x510]  }
0x65: {  	v6 =	vld [tilespmem:$0x210]  }
0x66: {  	v7 =	vld [tilespmem:$0x310]  }
0x67: {  	v8 =	vld [tilespmem:$0x420]  }
0x68: {  	v9 =	vld [tilespmem:$0x520]  }
0x69: {  	v52 =	vld [tilespmem:$0x220]  }
0x6a: {  	v10 =	vld [tilespmem:$0x320];
	v0 =	vadd.f32 v1, v0  }
0x6b: {  	v12 =	vld [tilespmem:$0x430]  }
0x6c: {  	v53 =	vld [tilespmem:$0x530];
	v11 =	vmul.f32 $2.000000030e-01, v0  }
0x6d: {  	v54 =	vld [tilespmem:$0x230];
	v4 =	vadd.f32 v5, v4;
	vm0 =	vge.f32 v0, $0.0e+00  }
0x6e: {  	v14 =	vld [tilespmem:$0x330];
	v0 =	vsel vm0, v0, v11  }
0x6f: {  	v55 =	vld [tilespmem:$0x440];
	v13 =	vmul.f32 $2.000000030e-01, v4;
	v0 =	vmul.f32 $1.442695020e+00, v0  }
0x70: {  	v57 =	vld [tilespmem:$0x540];
	v8 =	vadd.f32 v9, v8;
	vm13 =	vge.f32 v4, $0.0e+00  }
0x71: {  	v15 =	vld [tilespmem:$0x240];
	v56 =	vsel vm13, v4, v13;
	(erf) = vpow2.f32 v0  }
0x72: {  	v59 =	vld [tilespmem:$0x450];
	v58 =	vmul.f32 $2.000000030e-01, v8;
	v0 =	vmul.f32 $1.442695020e+00, v56  }
0x73: {  	v61 =	vld [tilespmem:$0x550];
	v5 =	vadd.f32 v53, v12;
	vm14 =	vge.f32 v8, $0.0e+00  }
0x74: {  	v16 =	vld [tilespmem:$0x340];
	v60 =	vsel vm14, v8, v58;
	(erf) = vpow2.f32 v0  }
0x75: {  	v63 =	vld [tilespmem:$0x460];
	v62 =	vmul.f32 $2.000000030e-01, v5;
	v0 =	vmul.f32 $1.442695020e+00, v60  }
0x76: {  	v22 =	vld [tilespmem:$0x560];
	vm15 =	vge.f32 v5, $0.0e+00;
	v4 =	vadd.f32 v57, v55  }
0x77: {  	v17 =	vld [tilespmem:$0x250];
	v21 =	vsel vm15, v5, v62;
	(erf) = vpow2.f32 v0  }
0x78: {  	v24 =	vld [tilespmem:$0x470];
	v8 =	vadd.f32 v61, v59;
	v23 =	vmul.f32 $2.000000030e-01, v4;
	v0 =	vmul.f32 $1.442695020e+00, v21  }
0x79: {  	v26 =	vld [tilespmem:$0x570];
	vm4 =	vge.f32 v4, $0.0e+00  }
0x7a: {  	v19 =	vld [tilespmem:$0x350];
	v18 =	vmul.f32 $2.000000030e-01, v8;
	v25 =	vsel vm4, v4, v23;
	(erf) = vpow2.f32 v0;
	v27 =	vpop (erf)  }
0x7b: {  	v28 =	vld [tilespmem:$0x480];
	v5 =	vadd.f32 v22, v63;
	v0 =	vmul.f32 $1.442695020e+00, v25;
	v2 =	vmul.f32 v27, v2  }
0x7c: {  	v30 =	vld [tilespmem:$0x580];
	vm5 =	vge.f32 v8, $0.0e+00;
	[tilespmem:$0x600] =	vst v27;
	v3 =	vmul.f32 v27, v3  }
0x7d: {  	v33 =	vld [tilespmem:$0x260];
	v32 =	vmul.f32 $2.000000030e-01, v5;
	v29 =	vsel vm5, v8, v18;
	(erf) = vpow2.f32 v0;
	v31 =	vpop (erf);
	[tilespmem:$0x700] =	vst v2  }
0x7e: {  	v35 =	vld [tilespmem:$0x490];
	v4 =	vadd.f32 v26, v24;
	v0 =	vmul.f32 $1.442695020e+00, v29;
	[tilespmem:$0x800] =	vst v3;
	v34 =	vmul.f32 v31, v6  }
0x7f: {  	v37 =	vld [tilespmem:$0x590];
	vm6 =	vge.f32 v5, $0.0e+00;
	[tilespmem:$0x610] =	vst v31;
	v2 =	vmul.f32 v31, v7  }
0x80: {  	v40 =	vld [tilespmem:$0x4A0];
	v36 =	vsel vm6, v5, v32;
	v39 =	vmul.f32 $2.000000030e-01, v4;
	(erf) = vpow2.f32 v0;
	v38 =	vpop (erf);
	[tilespmem:$0x710] =	vst v34  }
0x81: {  	v42 =	vld [tilespmem:$0x5A0];
	v41 =	vadd.f32 v30, v28;
	v0 =	vmul.f32 $1.442695020e+00, v36;
	[tilespmem:$0x810] =	vst v2;
	v1 =	vmul.f32 v38, v52  }
0x82: {  	v43 =	vld [tilespmem:$0x360];
	vm7 =	vge.f32 v4, $0.0e+00;
	[tilespmem:$0x620] =	vst v38;
	v3 =	vmul.f32 v38, v10  }
0x83: {  	v45 =	vld [tilespmem:$0x270];
	v9 =	vmul.f32 $2.000000030e-01, v41;
	v4 =	vsel vm7, v4, v39;
	(erf) = vpow2.f32 v0;
	v44 =	vpop (erf);
	[tilespmem:$0x720] =	vst v1  }
0x84: {  	v47 =	vld [tilespmem:$0x370];
	v5 =	vadd.f32 v37, v35;
	v4 =	vmul.f32 $1.442695020e+00, v4;
	[tilespmem:$0x820] =	vst v3;
	v46 =	vmul.f32 v44, v54  }
0x85: {  	v48 =	vld [tilespmem:$0x4B0];
	vm8 =	vge.f32 v41, $0.0e+00;
	[tilespmem:$0x630] =	vst v44;
	v1 =	vmul.f32 v44, v14  }
0x86: {  	v51 =	vld [tilespmem:$0x5B0];
	v50 =	vmul.f32 $2.000000030e-01, v5;
	v2 =	vsel vm8, v41, v9;
	(erf) = vpow2.f32 v4;
	[tilespmem:$0x730] =	vst v46;
	v49 =	vpop (erf)  }
0x87: {  	v57 =	vld [tilespmem:$0x4C0];
	v8 =	vadd.f32 v42, v40;
	v2 =	vmul.f32 $1.442695020e+00, v2;
	[tilespmem:$0x830] =	vst v1;
	v52 =	vmul.f32 v49, v15  }
0x88: {  	v60 =	vld [tilespmem:$0x5C0];
	vm9 =	vge.f32 v5, $0.0e+00;
	v53 =	vmul.f32 v49, v16;
	[tilespmem:$0x640] =	vst v49  }
0x89: {  	v20 =	vld [tilespmem:$0x290];
	v56 =	vmul.f32 $2.000000030e-01, v8;
	v55 =	vsel vm9, v5, v50;
	(erf) = vpow2.f32 v2;
	v58 =	vpop (erf);
	[tilespmem:$0x740] =	vst v52  }
0x8a: {  	v23 =	vld [tilespmem:$0x4E0];
	vm10 =	vge.f32 v8, $0.0e+00;
	v59 =	vmul.f32 $1.442695020e+00, v55;
	[tilespmem:$0x840] =	vst v53;
	v61 =	vmul.f32 v58, v17  }
0x8b: {  	v3 =	vsel vm10, v8, v56;
	v16 =	vadd.f32 v51, v48;
	[tilespmem:$0x650] =	vst v58;
	v9 =	vmul.f32 v58, v19;
	v17 =	vld [tilespmem:$0x4D0]  }
0x8c: {  	v3 =	vmul.f32 $1.442695020e+00, v3;
	(erf) = vpow2.f32 v59;
	v19 =	vld [tilespmem:$0x5D0];
	v63 =	vpop (erf);
	[tilespmem:$0x750] =	vst v61  }
0x8d: {  	v25 =	vld [tilespmem:$0x5E0];
	v2 =	vadd.f32 v60, v57;
	v21 =	vmul.f32 $2.000000030e-01, v16;
	v18 =	vmul.f32 v63, v33;
	[tilespmem:$0x850] =	vst v9  }
0x8e: {  	v54 =	vld [tilespmem:$0x280];
	vm11 =	vge.f32 v16, $0.0e+00;
	v0 =	vmul.f32 v63, v43;
	[tilespmem:$0x660] =	vst v63  }
0x8f: {  	v62 =	vld [tilespmem:$0x380];
	v27 =	vmul.f32 $2.000000030e-01, v2;
	(erf) = vpow2.f32 v3;
	v1 =	vsel vm11, v16, v21;
	v22 =	vpop (erf);
	[tilespmem:$0x760] =	vst v18  }
0x90: {  	v29 =	vld [tilespmem:$0x4F0];
	vm12 =	vge.f32 v2, $0.0e+00;
	v1 =	vmul.f32 $1.442695020e+00, v1;
	v24 =	vmul.f32 v22, v45;
	[tilespmem:$0x860] =	vst v0  }
0x91: {  	v31 =	vld [tilespmem:$0x5F0];
	v2 =	vsel vm12, v2, v27;
	[tilespmem:$0x670] =	vst v22;
	v6 =	vmul.f32 v22, v47;
	v4 =	vadd.f32 v19, v17  }
0x92: {  	v26 =	vld [tilespmem:$0x390];
	v2 =	vmul.f32 $1.442695020e+00, v2;
	v28 =	vpop (erf);
	[tilespmem:$0x770] =	vst v24;
	(erf) = vpow2.f32 v1  }
0x93: {  	v3 =	vadd.f32 v25, v23;
	[tilespmem:$0x870] =	vst v6;
	v30 =	vmul.f32 v28, v54;
	v33 =	vmul.f32 $2.000000030e-01, v4  }
0x94: {  	v32 =	vld [tilespmem:$0x2A0];
	[tilespmem:$0x680] =	vst v28;
	v11 =	vmul.f32 v28, v62;
	vm13 =	vge.f32 v4, $0.0e+00  }
0x95: {  	v37 =	vld [tilespmem:$0x3A0];
	v38 =	vmul.f32 $2.000000030e-01, v3;
	v34 =	vpop (erf);
	(erf) = vpow2.f32 v2;
	[tilespmem:$0x780] =	vst v30;
	v36 =	vsel vm13, v4, v33  }
0x96: {  	v5 =	vadd.f32 v31, v29;
	v35 =	vmul.f32 v34, v20;
	[tilespmem:$0x880] =	vst v11;
	v2 =	vmul.f32 $1.442695020e+00, v36  }
0x97: {  	v40 =	vld [tilespmem:$0x2B0];
	vm14 =	vge.f32 v3, $0.0e+00;
	[tilespmem:$0x690] =	vst v34;
	v0 =	vmul.f32 v34, v26  }
0x98: {  	v43 =	vld [tilespmem:$0x3B0];
	v45 =	vmul.f32 $2.000000030e-01, v5;
	v42 =	vsel vm14, v3, v38;
	v39 =	vpop (erf);
	[tilespmem:$0x790] =	vst v35;
	(erf) = vpow2.f32 v2  }
0x99: {  	v44 =	vmul.f32 $1.442695020e+00, v42;
	v41 =	vmul.f32 v39, v32;
	[tilespmem:$0x890] =	vst v0  }
0x9a: {  	v46 =	vld [tilespmem:$0x2C0];
	vm15 =	vge.f32 v5, $0.0e+00;
	[tilespmem:$0x6A0] =	vst v39;
	v4 =	vmul.f32 v39, v37  }
0x9b: {  	v48 =	vld [tilespmem:$0x3C0];
	v2 =	vsel vm15, v5, v45;
	[tilespmem:$0x7A0] =	vst v41;
	v47 =	vpop (erf);
	(erf) = vpow2.f32 v44  }
0x9c: {  	[tilespmem:$0x8A0] =	vst v4;
	v2 =	vmul.f32 $1.442695020e+00, v2;
	v49 =	vmul.f32 v47, v40  }
0x9d: {  	v50 =	vld [tilespmem:$0x2D0];
	[tilespmem:$0x6B0] =	vst v47;
	v1 =	vmul.f32 v47, v43  }
0x9e: {  	v52 =	vld [tilespmem:$0x3D0];
	v51 =	vpop (erf);
	(erf) = vpow2.f32 v2;
	[tilespmem:$0x7B0] =	vst v49  }
0x9f: {  	[tilespmem:$0x8B0] =	vst v1;
	v53 =	vmul.f32 v51, v46  }
0xa0: {  	v54 =	vld [tilespmem:$0x2E0];
	[tilespmem:$0x6C0] =	vst v51;
	v0 =	vmul.f32 v51, v48  }
0xa1: {  	v56 =	vld [tilespmem:$0x3E0];
	[tilespmem:$0x7C0] =	vst v53;
	v55 =	vpop (erf)  }
0xa2: {  	[tilespmem:$0x8C0] =	vst v0;
	v57 =	vmul.f32 v55, v50  }
0xa3: {  	v58 =	vld [tilespmem:$0x2F0];
	[tilespmem:$0x6D0] =	vst v55;
	v2 =	vmul.f32 v55, v52  }
0xa4: {  	v60 =	vld [tilespmem:$0x3F0];
	v59 =	vpop (erf);
	[tilespmem:$0x7D0] =	vst v57  }
0xa5: {  	[tilespmem:$0x8D0] =	vst v2;
	v61 =	vmul.f32 v59, v54  }
0xa6: {  	[tilespmem:$0x6E0] =	vst v59;
	v1 =	vmul.f32 v59, v56  }
0xa7: {  	v62 =	vpop (erf);
	[tilespmem:$0x7E0] =	vst v61  }
0xa8: {  	[tilespmem:$0x8E0] =	vst v1;
	v63 =	vmul.f32 v62, v58  }
0xa9: {  	[tilespmem:$0x6F0] =	vst v62;
	v0 =	vmul.f32 v62, v60  }
0xaa: {  	[tilespmem:$0x7F0] =	vst v63  }
0xab: {  	[tilespmem:$0x8F0] =	vst v0  }
0xac: {  	[spmem:s3] =	stream.indirect.scatter.add.f32 [tilespmem:s28], [sflag:$0x2], $0x1, s20, s21, $0xb8;
	[tilespmem:$0x5280] =	vst v63  }
0xad: {  	_ = 	snop  }
0xae: {  	[spmem:s4] =	stream.indirect.scatter.add.f32 [tilespmem:s29], [sflag:$0x2], $0x1, s20, s21, $0xb8;
	[tilespmem:$0x5280] =	vst v63  }
0xaf: {  	_ = 	snop  }
0xb0: {  	[spmem:s5] =	stream.indirect.scatter.add.f32 [tilespmem:s30], [sflag:$0x2], $0x1, s20, s21, $0xb8;
	[tilespmem:$0x5280] =	vst v63  }
0xb1: {  	_ = 	snop  }
0xb2: {  	[spmem:s3] =	stream.indirect.scatter.add.f32 [tilespmem:s31], [sflag:$0x2], $0x1, s24, s21, $0xb8;
	[tilespmem:$0x5280] =	vst v63  }
0xb3: {  	_ = 	snop  }
0xb4: {  	[spmem:s4] =	stream.indirect.scatter.add.f32 [tilespmem:s0], [sflag:$0x2], $0x1, s24, s21, $0xb8;
	[tilespmem:$0x5280] =	vst v63  }
0xb5: {  	_ = 	snop  }
0xb6: {  	[spmem:s5] =	stream.indirect.scatter.add.f32 [tilespmem:s6], [sflag:$0x2], $0x1, s24, s21, $0xb8;
	[tilespmem:$0x5280] =	vst v63  }
0xb7: {  	_ =	swait.ge [sflag:s12], $0x80  }
0xb8: {  	[sflag:s12] =	ssyncset.done $0x0  }
0xb9: {  	[sflag:s12] =	ssyncadd.s32 $0xFFFFFF80  }
0xba: {  	_ =	swait.ge [sflag:s12], $0x80  }
0xbb: {  	[sflag:s12] =	ssyncset.done $0x0  }
0xbc: {  	[sflag:s12] =	ssyncadd.s32 $0xFFFFFF80  }
0xbd: {  	_ =	swait.ge [sflag:s12], $0x80  }
0xbe: {  	[sflag:s12] =	ssyncset.done $0x0  }
0xbf: {  	[sflag:s12] =	ssyncadd.s32 $0xFFFFFF80  }
0xc0: {  	_ =	swait.ge [sflag:s12], $0x80  }
0xc1: {  	[sflag:s12] =	ssyncset.done $0x0  }
0xc2: {  	[sflag:s12] =	ssyncadd.s32 $0xFFFFFF80  }
0xc3: {  	p0 =	sne.s32 s14, $0xC300;
	_ =	swait.ge [sflag:s12], $0x80  }
.Ltmp0:
0xc4: {  	[sflag:s12] =	ssyncset.done $0x0;
	(pc) =	sbr.rel @p0 .LBB2_2-.Ltmp0, $4  }
0xc5: {  	[sflag:s12] =	ssyncadd.s32 $0xFFFFFF80  }
0xc6: {  	_ =	swait.ge [sflag:s12], $0x80  }
0xc7: {  	[sflag:s12] =	ssyncset.done $0x0  }
0xc8: {  	s14 =	sadd.s32 $0x100, s14;
	[sflag:s12] =	ssyncadd.s32 $0xFFFFFF80  }
0xc9: {  	[bflag:$0x0] =	sbarrier.arrive $0xFFFF  }
0xca: {  	s14 =	rddreg [dreg:$0xe]  }
0xcb: {  	[hbm:s14], [sflag:s11] =	dma.local [spmem:s19], $0x310  }
0xcc: {  	_ =	swait.ge [sflag:s17], $0x310  }
0xcd: {  	[sflag:s17] =	ssyncset.done $0x0;
	s18 =	rddreg [dreg:$0xf]  }
0xce: {  	s16 =	rddreg [dreg:$0x12];
	[sflag:s17] =	ssyncadd.s32 $0xFFFFFCF0  }
0xcf: {  	[hbm:s18], [sflag:s11] =	dma.local [spmem:s16], $0x310  }
0xd0: {  	_ =	swait.ge [sflag:s17], $0x310  }
0xd1: {  	s15 =	smov.u32 s19;
	[sflag:s17] =	ssyncset.done $0x0;
	s19 =	rddreg [dreg:$0x10]  }
0xd2: {  	s18 =	rddreg [dreg:$0x13];
	[sflag:s17] =	ssyncadd.s32 $0xFFFFFCF0  }
0xd3: {  	[hbm:s19], [sflag:s11] =	dma.local [spmem:s18], $0x310  }
0xd4: {  	_ =	swait.ge [sflag:s17], $0x310  }
0xd5: {  	s13 =	sadd.s32 $0x1, s13;
	s19 =	rddreg [dreg:$0x11]  }
0xd6: {  	p0 =	sne.s32 s13, s19  }
.Ltmp1:
0xd7: {  	_ = 	snop;
	(pc) =	sbr.rel @p0 .LBB2_1-.Ltmp1, $3  }
0xd8: {  	_ =	sdelay $0x1  }
0xd9: {  	[sflag:s17] =	ssyncset.done $0x0  }
0xda: {  	[sflag:s17] =	ssyncadd.s32 $0xFFFFFCF0  }
0xdb: {  	_ =	sfence.sel $0x180000  }
0xdc: {  	[bflag:$0x0] =	sbarrier.arrive $0xFFFF  }
0xdd: {  	_ =	strace $0x90000047  }
0xde: {  	s0 =	stileid.u32;
	[bflag:$0x2] =	sbarrier.arrive $0xFFFF  }
0xdf: {  	p0 =	sne.s32 s0, $0x0;
	s0 =	rddreg [dreg:$0x5]  }
0xe0: {  	s0 =	sadd.s32 @!p0 $0x100000, s0  }
0xe1: {  	[sflag:s0] =	ssyncadd.tile.s32 @!p0 $0x1;
	_ =	shalt  }
.Lfunc_end2:
_tile_overlayer_lowered:
.L_overlay_start_2:
0xe2: {  	(tag) =	ssettag $0x2  }
0xe3: {  	s0 =	rddreg [dreg:$0x0];
	s2 =	stileid.u32  }
0xe4: {  	s1 =	rddreg [dreg:$0x1];
	p0 =	sne.s32 s2, $0x0  }
0xe5: {  	s3 =	rddreg [dreg:$0x2];
	[bflag:$0x3] =	sbarrier.arrive $0xFFFF;
	s2 =	simm.s32 @!p0 $0x1C03  }
0xe6: {  	[timem:s3], [sflag:s2] =	dma.local @!p0 [hbm:s0], s1  }
0xe7: {  	s0 =	simm.s32 @!p0 $0x3  }
0xe8: {  	_ =	swait.ge @!p0 [sflag:s0], s1  }
0xe9: {  	s1 =	ssub.s32 @!p0 $0x0, s1;
	[sflag:s0] =	ssyncset.done @!p0 $0x0  }
0xea: {  	[sflag:s0] =	ssyncadd.s32 @!p0 s1  }
0xeb: {  	[bflag:$0x3] =	sbarrier.arrive $0xFFFF  }
0xec: {  	_ =	shalt  }

</sc_bundles>
